<compile_context>
chip_gen: v7x
topology: tpu7x:2x2x1
jax: 0.10.2.dev20260603
libtpu: 0.0.44.dev20260713+nightly
codegen_flags: <defaults>
</compile_context>

<pallas_src>
import functools

import jax
import jax.numpy as jnp
from jax import lax
from jax.experimental import pallas as pl
from jax.experimental.pallas import tpu as pltpu
from jax.experimental.pallas import tpu_sc as plsc

_HEADS = 4
_VOCAB = 100000
_DIM = 64
_B = 4096
_T = 200
_N = _B * _T * _HEADS
_NW = 32
_HSTRIDE = 102400
_PR = (_HEADS * _HSTRIDE) // 2

_CW = 768
_NCHUNK = 130
_UNITS = _HEADS * _NCHUNK
_KPER = (_UNITS + _NW - 1) // _NW


def _wid():
    return lax.axis_index("s") * 2 + lax.axis_index("c")


def _repack_body(v_hbm, tail_hbm, pair_hbm, vc, pc, vc_x, pc_x, vc_t, pc_t):
    wid = _wid()
    iota = lax.iota(jnp.int32, 16)
    dvecs = [16 * k + iota for k in range(4)]

    def transpose_chunk(src, dst, half_rows, cw):
        @plsc.parallel_loop(0, half_rows)
        def _(p):
            for half in range(2):
                col = jnp.broadcast_to(2 * p + half, (16,))
                for k in range(4):
                    v = plsc.load_gather(src, [dvecs[k], col])
                    dst[p, pl.ds(64 * half + 16 * k, 16)] = v

    def unit(k, carry):
        u = wid + _NW * k

        @pl.when(u < _UNITS)
        def _():
            h = u // _NCHUNK
            cidx = u % _NCHUNK
            c0 = pl.multiple_of(_CW * cidx, 128)
            pltpu.sync_copy(v_hbm.at[h, :, pl.ds(c0, _CW)], vc)
            transpose_chunk(vc, pc, _CW // 2, _CW)
            rowbase = pl.multiple_of(h * (_HSTRIDE // 2) + (_CW // 2) * cidx, 8)
            pltpu.sync_copy(pc, pair_hbm.at[pl.ds(rowbase, _CW // 2)])
        return carry

    lax.fori_loop(0, _KPER, unit, 0)

    @pl.when(jnp.logical_and(wid >= _NW - 2 * _HEADS, wid < _NW - _HEADS))
    def _():
        h = wid - (_NW - 2 * _HEADS)
        c0 = pl.multiple_of(_CW * _NCHUNK, 128)
        pltpu.sync_copy(v_hbm.at[h, :, pl.ds(c0, 128)], vc_x)
        transpose_chunk(vc_x, pc_x, 64, 128)
        rowbase = pl.multiple_of(h * (_HSTRIDE // 2) + (_CW // 2) * _NCHUNK, 8)
        pltpu.sync_copy(pc_x, pair_hbm.at[pl.ds(rowbase, 64)])

    @pl.when(wid >= _NW - _HEADS)
    def _():
        h = wid - (_NW - _HEADS)
        pltpu.sync_copy(tail_hbm.at[h], vc_t)
        transpose_chunk(vc_t, pc_t, 16, 32)
        rowbase = pl.multiple_of(h * (_HSTRIDE // 2) + 49984, 8)
        pltpu.sync_copy(pc_t, pair_hbm.at[pl.ds(rowbase, 16)])


def _gather_body(x_hbm, pair_hbm, out_hbm, idx_v, pair_v, rows_v, out_v,
                 sem_g, sem_out):
    wid = _wid()
    b0 = pl.multiple_of(128 * wid, 128)
    iota = lax.iota(jnp.int32, 16)

    def block(t, carry):
        pltpu.sync_copy(x_hbm.at[t, :, pl.ds(b0, 128)], idx_v)
        for h in range(_HEADS):
            for k in range(8):
                sl = (h, pl.ds(16 * k, 16))
                pair_v[sl] = (idx_v[sl] >> 1) + (h * (_HSTRIDE // 2))
        descs = [
            pltpu.async_copy(
                pair_hbm.at[pair_v.at[h]],
                rows_v.at[pl.ds(128 * h, 128)],
                sem_g[h],
            )
            for h in range(_HEADS)
        ]
        @pl.when(t > 0)
        def _():
            pltpu.make_async_copy(
                out_v, out_hbm.at[t - 1, :, :, pl.ds(b0, 128)], sem_out
            ).wait()
        for h in range(_HEADS):
            descs[h].wait()
            rowvecs = [128 * h + 16 * k + iota for k in range(8)]
            colbase = [((idx_v[h, pl.ds(16 * k, 16)] & 1) << 6) for k in range(8)]

            @plsc.parallel_loop(0, _DIM, unroll=4)
            def _(d):
                for k in range(8):
                    v = plsc.load_gather(rows_v, [rowvecs[k], colbase[k] + d])
                    out_v[h, d, pl.ds(16 * k, 16)] = v
        pltpu.async_copy(out_v, out_hbm.at[t, :, :, pl.ds(b0, 128)], sem_out)
        return carry

    lax.fori_loop(0, _T, block, 0)
    pltpu.make_async_copy(
        out_v, out_hbm.at[_T - 1, :, :, pl.ds(b0, 128)], sem_out
    ).wait()


@jax.jit
def kernel(x, W):
    v = jnp.swapaxes(W, 1, 2)
    x_t = jnp.transpose(x, (1, 2, 0))
    mesh = plsc.VectorSubcoreMesh(core_axis_name="c", subcore_axis_name="s")
    params = pltpu.CompilerParams(
        use_tc_tiling_on_sc=True,
        needs_layout_passes=False,
    )

    tail = lax.slice_in_dim(v, 99968, 100000, axis=2)

    pair = pl.kernel(
        _repack_body,
        mesh=mesh,
        compiler_params=params,
        out_type=jax.ShapeDtypeStruct((_PR, 128), jnp.float32),
        scratch_types=[
            pltpu.VMEM((_DIM, _CW), jnp.float32),
            pltpu.VMEM((_CW // 2, 128), jnp.float32),
            pltpu.VMEM((_DIM, 128), jnp.float32),
            pltpu.VMEM((64, 128), jnp.float32),
            pltpu.VMEM((_DIM, 32), jnp.float32),
            pltpu.VMEM((16, 128), jnp.float32),
        ],
    )(v, tail)

    out_t = pl.kernel(
        _gather_body,
        mesh=mesh,
        compiler_params=params,
        out_type=jax.ShapeDtypeStruct((_T, _HEADS, _DIM, _B), jnp.float32),
        scratch_types=[
            pltpu.VMEM((_HEADS, 128), jnp.int32),
            pltpu.VMEM((_HEADS, 128), jnp.int32),
            pltpu.VMEM((512, 128), jnp.float32),
            pltpu.VMEM((_HEADS, _DIM, 128), jnp.float32),
            [pltpu.SemaphoreType.DMA] * _HEADS,
            pltpu.SemaphoreType.DMA,
        ],
    )(x_t, pair)

    return jnp.transpose(out_t, (3, 0, 1, 2))

# --- scband reference (transcript-rebuilt; emitter-appended) ---
"""Pipeline reference for scband-multi-embedding-5411658793411 (READ-ONLY COPY).

The authoritative reference and input builder live on the scoring server;
editing this copy changes nothing except your own understanding.
"""

import jax, jax.numpy as jnp
import numpy as np

NUM_HEADS = 4
VOCAB = 100000
DIM = 64
NORM_FACTOR = 1.0  # normalized=False


def setup_inputs(seed: int = 0) -> dict:
    key = jax.random.key(seed)
    k1, k2 = jax.random.split(key)
    x = jax.random.randint(k1, (4096, 200, NUM_HEADS), 0, VOCAB, dtype=jnp.int32)
    # Stacked embedding tables, one per head: [NUM_HEADS, VOCAB, DIM]
    W = jax.random.normal(k2, (NUM_HEADS, VOCAB, DIM), dtype=jnp.float32)
    return {"x": x, "W": W}


def reference(x, W):
    # For each head h: gather W[h] rows with x[..., h], add a head axis at -2,
    # concatenate along that axis, then scale by norm_factor.
    outs = [jnp.take(W[h], x[..., h], axis=0)[..., None, :] for h in range(NUM_HEADS)]
    emb = jnp.concatenate(outs, axis=-2) * NORM_FACTOR
    return emb

if __name__ == "__main__":
    import jax
    _d = setup_inputs()
    print(jax.jit(kernel)(*tuple(_d.values())))

</pallas_src>

<mosaic_0001>
#map = affine_map<(d0, d1) -> (0, 0, 0)>
#map1 = affine_map<(d0, d1) -> (0, 0)>
module attributes {stable_mosaic.version = 14 : i64} {
  func.func @_repack_body(%arg0: i32, %arg1: i32, %arg2: memref<4x64x100000xf32, #tpu.memory_space<hbm>>, %arg3: memref<4x64x32xf32, #tpu.memory_space<hbm>>, %arg4: memref<204800x128xf32, #tpu.memory_space<hbm>>, %arg5: memref<64x768xf32, #tpu.memory_space<vmem>>, %arg6: memref<384x128xf32, #tpu.memory_space<vmem>>, %arg7: memref<64x128xf32, #tpu.memory_space<vmem>>, %arg8: memref<64x128xf32, #tpu.memory_space<vmem>>, %arg9: memref<64x32xf32, #tpu.memory_space<vmem>>, %arg10: memref<16x128xf32, #tpu.memory_space<vmem>>) attributes {dimension_semantics = [#tpu.dimension_semantics<core_parallel>, #tpu.dimension_semantics<subcore_parallel>], iteration_bounds = array<i64: 2, 16>, scalar_prefetch = 0 : i64, scratch_operands = 6 : i64, tpu.core_type = #tpu.core_type<sc_vector_subcore>, window_params = [{transform_indices = #map}, {transform_indices = #map}, {transform_indices = #map1}]} {
    %mul3A = arith.constant 2 : i32
    %mul3A_0 = arith.muli %arg1, %mul3A : i32
    %add3A = arith.addi %mul3A_0, %arg0 : i32
    %iota3A = tpu.iota {dimensions = array<i32: 0>} : vector<16xi32>
    %add3A_1 = arith.constant 0 : i32
    %add3A_2 = vector.broadcast %add3A_1 : i32 to vector<16xi32>
    %add3A_3 = arith.addi %add3A_2, %iota3A : vector<16xi32>
    %add3A_4 = arith.constant 16 : i32
    %add3A_5 = vector.broadcast %add3A_4 : i32 to vector<16xi32>
    %add3A_6 = arith.addi %add3A_5, %iota3A : vector<16xi32>
    %add3A_7 = arith.constant 32 : i32
    %add3A_8 = vector.broadcast %add3A_7 : i32 to vector<16xi32>
    %add3A_9 = arith.addi %add3A_8, %iota3A : vector<16xi32>
    %add3A_10 = arith.constant 48 : i32
    %add3A_11 = vector.broadcast %add3A_10 : i32 to vector<16xi32>
    %add3A_12 = arith.addi %add3A_11, %iota3A : vector<16xi32>
    %scan3A = arith.constant 0 : i32
    %scan3A_13 = arith.constant 0 : i32
    %scan3A_14 = arith.constant 17 : i32
    %scan3A_15 = arith.addi %scan3A_13, %scan3A_14 : i32
    %scan3A_16 = arith.constant 1 : i32
    scf.for %scan3A_26 = %scan3A_13 to %scan3A_15 step %scan3A_16  : i32 {
      %mul3A_27 = arith.constant 32 : i32
      %mul3A_28 = arith.muli %mul3A_27, %scan3A_26 : i32
      %add3A_29 = arith.addi %add3A, %mul3A_28 : i32
      %lt3A_30 = arith.constant 520 : i32
      %lt3A_31 = arith.cmpi slt, %add3A_29, %lt3A_30 : i32
      %convert_element_type3A_32 = arith.extui %lt3A_31 : i1 to i32
      %cond3A_33 = arith.constant 0 : i32
      %cond3A_34 = arith.cmpi ne, %convert_element_type3A_32, %cond3A_33 : i32
      scf.if %cond3A_34 {
        %jit3A = arith.constant 130 : i32
        %div3A = arith.divsi %add3A_29, %jit3A : i32
        %sign3A = arith.constant 0 : i32
        %sign3A_35 = arith.cmpi sgt, %add3A_29, %sign3A : i32
        %sign3A_36 = arith.extui %sign3A_35 : i1 to i32
        %sign3A_37 = arith.constant 0 : i32
        %sign3A_38 = arith.cmpi slt, %add3A_29, %sign3A_37 : i32
        %sign3A_39 = arith.extui %sign3A_38 : i1 to i32
        %sign3A_40 = arith.subi %sign3A_36, %sign3A_39 : i32
        %sign3A_41 = arith.constant 0 : i32
        %sign3A_42 = arith.cmpi sgt, %jit3A, %sign3A_41 : i32
        %sign3A_43 = arith.extui %sign3A_42 : i1 to i32
        %sign3A_44 = arith.constant 0 : i32
        %sign3A_45 = arith.cmpi slt, %jit3A, %sign3A_44 : i32
        %sign3A_46 = arith.extui %sign3A_45 : i1 to i32
        %sign3A_47 = arith.subi %sign3A_43, %sign3A_46 : i32
        %ne3A = arith.cmpi ne, %sign3A_40, %sign3A_47 : i32
        %rem3A = arith.remsi %add3A_29, %jit3A : i32
        %ne3A_48 = arith.constant 0 : i32
        %ne3A_49 = arith.cmpi ne, %rem3A, %ne3A_48 : i32
        %and3A_50 = arith.andi %ne3A, %ne3A_49 : i1
        %sub3A = arith.constant 1 : i32
        %sub3A_51 = arith.subi %div3A, %sub3A : i32
        %select_n3A = arith.select %and3A_50, %sub3A_51, %div3A : i32
        %jit3A_52 = arith.constant 130 : i32
        %eq3A = arith.constant 0 : i32
        %eq3A_53 = arith.cmpi eq, %jit3A_52, %eq3A : i32
        %jit3A_54 = arith.constant 1 : i32
        %select_n3A_55 = arith.select %eq3A_53, %jit3A_54, %jit3A_52 : i32
        %rem3A_56 = arith.remsi %add3A_29, %select_n3A_55 : i32
        %ne3A_57 = arith.constant 0 : i32
        %ne3A_58 = arith.cmpi ne, %rem3A_56, %ne3A_57 : i32
        %lt3A_59 = arith.constant 0 : i32
        %lt3A_60 = arith.cmpi slt, %rem3A_56, %lt3A_59 : i32
        %lt3A_61 = arith.constant 0 : i32
        %lt3A_62 = arith.cmpi slt, %select_n3A_55, %lt3A_61 : i32
        %ne3A_63 = arith.xori %lt3A_60, %lt3A_62 : i1
        %and3A_64 = arith.andi %ne3A_63, %ne3A_58 : i1
        %add3A_65 = arith.addi %rem3A_56, %select_n3A_55 : i32
        %select_n3A_66 = arith.select %and3A_64, %add3A_65, %rem3A_56 : i32
        %mul3A_67 = arith.constant 768 : i32
        %mul3A_68 = arith.muli %mul3A_67, %select_n3A_66 : i32
        %multiple_of3A = tpu.assume_multiple %mul3A_68, 128 : i32
        "tpu.region"() ({
          %run_scoped3A = tpu.sem_alloc : memref<!tpu.dma_semaphore, #tpu.memory_space<semaphore_mem>>
          %dma_start3A = arith.constant 0 : i32
          %dma_start3A_77 = tpu.memref_slice %arg2[%select_n3A, %dma_start3A, %multiple_of3A] : memref<4x64x100000xf32, #tpu.memory_space<hbm>> -> memref<1x64x768xf32, #tpu.memory_space<hbm>>
          %dma_start3A_78 = tpu.memref_squeeze %dma_start3A_77 : memref<1x64x768xf32, #tpu.memory_space<hbm>> -> memref<64x768xf32, #tpu.memory_space<hbm>>
          %dma_start3A_79 = arith.constant 0 : i32
          %dma_start3A_80 = tpu.memref_slice %arg2[%select_n3A, %dma_start3A_79, %multiple_of3A] : memref<4x64x100000xf32, #tpu.memory_space<hbm>> -> memref<1x64x768xf32, #tpu.memory_space<hbm>>
          %dma_start3A_81 = tpu.memref_squeeze %dma_start3A_80 : memref<1x64x768xf32, #tpu.memory_space<hbm>> -> memref<64x768xf32, #tpu.memory_space<hbm>>
          tpu.enqueue_dma source(%dma_start3A_81 : memref<64x768xf32, #tpu.memory_space<hbm>>) target(%arg5 : memref<64x768xf32, #tpu.memory_space<vmem>>) target_semaphore(%run_scoped3A : memref<!tpu.dma_semaphore, #tpu.memory_space<semaphore_mem>>)
          %dma_wait3A = arith.constant 0 : i32
          %dma_wait3A_82 = tpu.memref_slice %arg2[%select_n3A, %dma_wait3A, %multiple_of3A] : memref<4x64x100000xf32, #tpu.memory_space<hbm>> -> memref<1x64x768xf32, #tpu.memory_space<hbm>>
          %dma_wait3A_83 = tpu.memref_squeeze %dma_wait3A_82 : memref<1x64x768xf32, #tpu.memory_space<hbm>> -> memref<64x768xf32, #tpu.memory_space<hbm>>
          %dma_wait3A_84 = arith.constant 0 : i32
          %dma_wait3A_85 = tpu.memref_slice %arg2[%select_n3A, %dma_wait3A_84, %multiple_of3A] : memref<4x64x100000xf32, #tpu.memory_space<hbm>> -> memref<1x64x768xf32, #tpu.memory_space<hbm>>
          %dma_wait3A_86 = tpu.memref_squeeze %dma_wait3A_85 : memref<1x64x768xf32, #tpu.memory_space<hbm>> -> memref<64x768xf32, #tpu.memory_space<hbm>>
          tpu.wait_dma2 semaphore(%run_scoped3A : memref<!tpu.dma_semaphore, #tpu.memory_space<semaphore_mem>>) src(%dma_wait3A_86 : memref<64x768xf32, #tpu.memory_space<hbm>>) dst(%arg5 : memref<64x768xf32, #tpu.memory_space<vmem>>)
          tpu.yield
        }) : () -> ()
        %parallel_loop3A = arith.constant 0 : i32
        %parallel_loop3A_69 = arith.constant 384 : i32
        %parallel_loop3A_70 = arith.constant 1 : i32
        scf.for %parallel_loop3A_77 = %parallel_loop3A to %parallel_loop3A_69 step %parallel_loop3A_70  : i32 {
          %parallel_loop3A_78 = arith.constant 2 : i32
          %parallel_loop3A_79 = arith.muli %parallel_loop3A_78, %parallel_loop3A_77 : i32
          %parallel_loop3A_80 = arith.constant 0 : i32
          %parallel_loop3A_81 = arith.addi %parallel_loop3A_79, %parallel_loop3A_80 : i32
          %parallel_loop3A_82 = vector.broadcast %parallel_loop3A_81 : i32 to vector<16xi32>
          %parallel_loop3A_83 = tpu.vector_load_idx %arg5[%add3A_3, %parallel_loop3A_82] : memref<64x768xf32, #tpu.memory_space<vmem>>[vector<16xi32>, vector<16xi32>], vector<16xf32>,
          %parallel_loop3A_84 = arith.index_cast %parallel_loop3A_77 : i32 to index
          %parallel_loop3A_85 = arith.constant 0 : index
          %parallel_loop3A_86 = tpu.vector_load %arg6[%parallel_loop3A_84, %parallel_loop3A_85] {strides = array<i32>} : memref<384x128xf32, #tpu.memory_space<vmem>>, vector<16xf32>,
          tpu.vector_store %arg6[%parallel_loop3A_84, %parallel_loop3A_85], %parallel_loop3A_83 {strides = array<i32>} : memref<384x128xf32, #tpu.memory_space<vmem>>, vector<16xf32>,
          %parallel_loop3A_87 = tpu.vector_load_idx %arg5[%add3A_6, %parallel_loop3A_82] : memref<64x768xf32, #tpu.memory_space<vmem>>[vector<16xi32>, vector<16xi32>], vector<16xf32>,
          %parallel_loop3A_88 = arith.index_cast %parallel_loop3A_77 : i32 to index
          %parallel_loop3A_89 = arith.constant 16 : index
          %parallel_loop3A_90 = tpu.vector_load %arg6[%parallel_loop3A_88, %parallel_loop3A_89] {strides = array<i32>} : memref<384x128xf32, #tpu.memory_space<vmem>>, vector<16xf32>,
          tpu.vector_store %arg6[%parallel_loop3A_88, %parallel_loop3A_89], %parallel_loop3A_87 {strides = array<i32>} : memref<384x128xf32, #tpu.memory_space<vmem>>, vector<16xf32>,
          %parallel_loop3A_91 = tpu.vector_load_idx %arg5[%add3A_9, %parallel_loop3A_82] : memref<64x768xf32, #tpu.memory_space<vmem>>[vector<16xi32>, vector<16xi32>], vector<16xf32>,
          %parallel_loop3A_92 = arith.index_cast %parallel_loop3A_77 : i32 to index
          %parallel_loop3A_93 = arith.constant 32 : index
          %parallel_loop3A_94 = tpu.vector_load %arg6[%parallel_loop3A_92, %parallel_loop3A_93] {strides = array<i32>} : memref<384x128xf32, #tpu.memory_space<vmem>>, vector<16xf32>,
          tpu.vector_store %arg6[%parallel_loop3A_92, %parallel_loop3A_93], %parallel_loop3A_91 {strides = array<i32>} : memref<384x128xf32, #tpu.memory_space<vmem>>, vector<16xf32>,
          %parallel_loop3A_95 = tpu.vector_load_idx %arg5[%add3A_12, %parallel_loop3A_82] : memref<64x768xf32, #tpu.memory_space<vmem>>[vector<16xi32>, vector<16xi32>], vector<16xf32>,
          %parallel_loop3A_96 = arith.index_cast %parallel_loop3A_77 : i32 to index
          %parallel_loop3A_97 = arith.constant 48 : index
          %parallel_loop3A_98 = tpu.vector_load %arg6[%parallel_loop3A_96, %parallel_loop3A_97] {strides = array<i32>} : memref<384x128xf32, #tpu.memory_space<vmem>>, vector<16xf32>,
          tpu.vector_store %arg6[%parallel_loop3A_96, %parallel_loop3A_97], %parallel_loop3A_95 {strides = array<i32>} : memref<384x128xf32, #tpu.memory_space<vmem>>, vector<16xf32>,
          %parallel_loop3A_99 = arith.constant 2 : i32
          %parallel_loop3A_100 = arith.muli %parallel_loop3A_99, %parallel_loop3A_77 : i32
          %parallel_loop3A_101 = arith.constant 1 : i32
          %parallel_loop3A_102 = arith.addi %parallel_loop3A_100, %parallel_loop3A_101 : i32
          %parallel_loop3A_103 = vector.broadcast %parallel_loop3A_102 : i32 to vector<16xi32>
          %parallel_loop3A_104 = tpu.vector_load_idx %arg5[%add3A_3, %parallel_loop3A_103] : memref<64x768xf32, #tpu.memory_space<vmem>>[vector<16xi32>, vector<16xi32>], vector<16xf32>,
          %parallel_loop3A_105 = arith.index_cast %parallel_loop3A_77 : i32 to index
          %parallel_loop3A_106 = arith.constant 64 : index
          %parallel_loop3A_107 = tpu.vector_load %arg6[%parallel_loop3A_105, %parallel_loop3A_106] {strides = array<i32>} : memref<384x128xf32, #tpu.memory_space<vmem>>, vector<16xf32>,
          tpu.vector_store %arg6[%parallel_loop3A_105, %parallel_loop3A_106], %parallel_loop3A_104 {strides = array<i32>} : memref<384x128xf32, #tpu.memory_space<vmem>>, vector<16xf32>,
          %parallel_loop3A_108 = tpu.vector_load_idx %arg5[%add3A_6, %parallel_loop3A_103] : memref<64x768xf32, #tpu.memory_space<vmem>>[vector<16xi32>, vector<16xi32>], vector<16xf32>,
          %parallel_loop3A_109 = arith.index_cast %parallel_loop3A_77 : i32 to index
          %parallel_loop3A_110 = arith.constant 80 : index
          %parallel_loop3A_111 = tpu.vector_load %arg6[%parallel_loop3A_109, %parallel_loop3A_110] {strides = array<i32>} : memref<384x128xf32, #tpu.memory_space<vmem>>, vector<16xf32>,
          tpu.vector_store %arg6[%parallel_loop3A_109, %parallel_loop3A_110], %parallel_loop3A_108 {strides = array<i32>} : memref<384x128xf32, #tpu.memory_space<vmem>>, vector<16xf32>,
          %parallel_loop3A_112 = tpu.vector_load_idx %arg5[%add3A_9, %parallel_loop3A_103] : memref<64x768xf32, #tpu.memory_space<vmem>>[vector<16xi32>, vector<16xi32>], vector<16xf32>,
          %parallel_loop3A_113 = arith.index_cast %parallel_loop3A_77 : i32 to index
          %parallel_loop3A_114 = arith.constant 96 : index
          %parallel_loop3A_115 = tpu.vector_load %arg6[%parallel_loop3A_113, %parallel_loop3A_114] {strides = array<i32>} : memref<384x128xf32, #tpu.memory_space<vmem>>, vector<16xf32>,
          tpu.vector_store %arg6[%parallel_loop3A_113, %parallel_loop3A_114], %parallel_loop3A_112 {strides = array<i32>} : memref<384x128xf32, #tpu.memory_space<vmem>>, vector<16xf32>,
          %parallel_loop3A_116 = tpu.vector_load_idx %arg5[%add3A_12, %parallel_loop3A_103] : memref<64x768xf32, #tpu.memory_space<vmem>>[vector<16xi32>, vector<16xi32>], vector<16xf32>,
          %parallel_loop3A_117 = arith.index_cast %parallel_loop3A_77 : i32 to index
          %parallel_loop3A_118 = arith.constant 112 : index
          %parallel_loop3A_119 = tpu.vector_load %arg6[%parallel_loop3A_117, %parallel_loop3A_118] {strides = array<i32>} : memref<384x128xf32, #tpu.memory_space<vmem>>, vector<16xf32>,
          tpu.vector_store %arg6[%parallel_loop3A_117, %parallel_loop3A_118], %parallel_loop3A_116 {strides = array<i32>} : memref<384x128xf32, #tpu.memory_space<vmem>>, vector<16xf32>,
        } {sc.loop_unroll_factor = 1 : i64, sc.parallel_access}
        %mul3A_71 = arith.constant 51200 : i32
        %mul3A_72 = arith.muli %select_n3A, %mul3A_71 : i32
        %mul3A_73 = arith.constant 384 : i32
        %mul3A_74 = arith.muli %mul3A_73, %select_n3A_66 : i32
        %add3A_75 = arith.addi %mul3A_72, %mul3A_74 : i32
        %multiple_of3A_76 = tpu.assume_multiple %add3A_75, 8 : i32
        "tpu.region"() ({
          %run_scoped3A = tpu.sem_alloc : memref<!tpu.dma_semaphore, #tpu.memory_space<semaphore_mem>>
          %dma_start3A = arith.constant 0 : i32
          %dma_start3A_77 = tpu.memref_slice %arg4[%multiple_of3A_76, %dma_start3A] : memref<204800x128xf32, #tpu.memory_space<hbm>> -> memref<384x128xf32, #tpu.memory_space<hbm>>
          %dma_start3A_78 = arith.constant 0 : i32
          %dma_start3A_79 = tpu.memref_slice %arg4[%multiple_of3A_76, %dma_start3A_78] : memref<204800x128xf32, #tpu.memory_space<hbm>> -> memref<384x128xf32, #tpu.memory_space<hbm>>
          tpu.enqueue_dma source(%arg6 : memref<384x128xf32, #tpu.memory_space<vmem>>) target(%dma_start3A_79 : memref<384x128xf32, #tpu.memory_space<hbm>>) target_semaphore(%run_scoped3A : memref<!tpu.dma_semaphore, #tpu.memory_space<semaphore_mem>>)
          %dma_wait3A = arith.constant 0 : i32
          %dma_wait3A_80 = tpu.memref_slice %arg4[%multiple_of3A_76, %dma_wait3A] : memref<204800x128xf32, #tpu.memory_space<hbm>> -> memref<384x128xf32, #tpu.memory_space<hbm>>
          %dma_wait3A_81 = arith.constant 0 : i32
          %dma_wait3A_82 = tpu.memref_slice %arg4[%multiple_of3A_76, %dma_wait3A_81] : memref<204800x128xf32, #tpu.memory_space<hbm>> -> memref<384x128xf32, #tpu.memory_space<hbm>>
          tpu.wait_dma2 semaphore(%run_scoped3A : memref<!tpu.dma_semaphore, #tpu.memory_space<semaphore_mem>>) src(%arg6 : memref<384x128xf32, #tpu.memory_space<vmem>>) dst(%dma_wait3A_82 : memref<384x128xf32, #tpu.memory_space<hbm>>)
          tpu.yield
        }) : () -> ()
      } else {
      }
    }
    %scan3A_17 = arith.constant 17 : i32
    %ge3A = arith.constant 24 : i32
    %ge3A_18 = arith.cmpi sge, %add3A, %ge3A : i32
    %lt3A = arith.constant 28 : i32
    %lt3A_19 = arith.cmpi slt, %add3A, %lt3A : i32
    %and3A = arith.andi %ge3A_18, %lt3A_19 : i1
    %convert_element_type3A = arith.extui %and3A : i1 to i32
    %cond3A = arith.constant 0 : i32
    %cond3A_20 = arith.cmpi ne, %convert_element_type3A, %cond3A : i32
    scf.if %cond3A_20 {
      %sub3A = arith.constant 24 : i32
      %sub3A_26 = arith.subi %add3A, %sub3A : i32
      %multiple_of3A = arith.constant 99840 : i32
      %multiple_of3A_27 = tpu.assume_multiple %multiple_of3A, 128 : i32
      "tpu.region"() ({
        %run_scoped3A = tpu.sem_alloc : memref<!tpu.dma_semaphore, #tpu.memory_space<semaphore_mem>>
        %dma_start3A = arith.constant 0 : i32
        %dma_start3A_35 = tpu.memref_slice %arg2[%sub3A_26, %dma_start3A, %multiple_of3A_27] : memref<4x64x100000xf32, #tpu.memory_space<hbm>> -> memref<1x64x128xf32, #tpu.memory_space<hbm>>
        %dma_start3A_36 = tpu.memref_squeeze %dma_start3A_35 : memref<1x64x128xf32, #tpu.memory_space<hbm>> -> memref<64x128xf32, #tpu.memory_space<hbm>>
        %dma_start3A_37 = arith.constant 0 : i32
        %dma_start3A_38 = tpu.memref_slice %arg2[%sub3A_26, %dma_start3A_37, %multiple_of3A_27] : memref<4x64x100000xf32, #tpu.memory_space<hbm>> -> memref<1x64x128xf32, #tpu.memory_space<hbm>>
        %dma_start3A_39 = tpu.memref_squeeze %dma_start3A_38 : memref<1x64x128xf32, #tpu.memory_space<hbm>> -> memref<64x128xf32, #tpu.memory_space<hbm>>
        tpu.enqueue_dma source(%dma_start3A_39 : memref<64x128xf32, #tpu.memory_space<hbm>>) target(%arg7 : memref<64x128xf32, #tpu.memory_space<vmem>>) target_semaphore(%run_scoped3A : memref<!tpu.dma_semaphore, #tpu.memory_space<semaphore_mem>>)
        %dma_wait3A = arith.constant 0 : i32
        %dma_wait3A_40 = tpu.memref_slice %arg2[%sub3A_26, %dma_wait3A, %multiple_of3A_27] : memref<4x64x100000xf32, #tpu.memory_space<hbm>> -> memref<1x64x128xf32, #tpu.memory_space<hbm>>
        %dma_wait3A_41 = tpu.memref_squeeze %dma_wait3A_40 : memref<1x64x128xf32, #tpu.memory_space<hbm>> -> memref<64x128xf32, #tpu.memory_space<hbm>>
        %dma_wait3A_42 = arith.constant 0 : i32
        %dma_wait3A_43 = tpu.memref_slice %arg2[%sub3A_26, %dma_wait3A_42, %multiple_of3A_27] : memref<4x64x100000xf32, #tpu.memory_space<hbm>> -> memref<1x64x128xf32, #tpu.memory_space<hbm>>
        %dma_wait3A_44 = tpu.memref_squeeze %dma_wait3A_43 : memref<1x64x128xf32, #tpu.memory_space<hbm>> -> memref<64x128xf32, #tpu.memory_space<hbm>>
        tpu.wait_dma2 semaphore(%run_scoped3A : memref<!tpu.dma_semaphore, #tpu.memory_space<semaphore_mem>>) src(%dma_wait3A_44 : memref<64x128xf32, #tpu.memory_space<hbm>>) dst(%arg7 : memref<64x128xf32, #tpu.memory_space<vmem>>)
        tpu.yield
      }) : () -> ()
      %parallel_loop3A = arith.constant 0 : i32
      %parallel_loop3A_28 = arith.constant 64 : i32
      %parallel_loop3A_29 = arith.constant 1 : i32
      scf.for %parallel_loop3A_35 = %parallel_loop3A to %parallel_loop3A_28 step %parallel_loop3A_29  : i32 {
        %parallel_loop3A_36 = arith.constant 2 : i32
        %parallel_loop3A_37 = arith.muli %parallel_loop3A_36, %parallel_loop3A_35 : i32
        %parallel_loop3A_38 = arith.constant 0 : i32
        %parallel_loop3A_39 = arith.addi %parallel_loop3A_37, %parallel_loop3A_38 : i32
        %parallel_loop3A_40 = vector.broadcast %parallel_loop3A_39 : i32 to vector<16xi32>
        %parallel_loop3A_41 = tpu.vector_load_idx %arg7[%add3A_3, %parallel_loop3A_40] : memref<64x128xf32, #tpu.memory_space<vmem>>[vector<16xi32>, vector<16xi32>], vector<16xf32>,
        %parallel_loop3A_42 = arith.index_cast %parallel_loop3A_35 : i32 to index
        %parallel_loop3A_43 = arith.constant 0 : index
        %parallel_loop3A_44 = tpu.vector_load %arg8[%parallel_loop3A_42, %parallel_loop3A_43] {strides = array<i32>} : memref<64x128xf32, #tpu.memory_space<vmem>>, vector<16xf32>,
        tpu.vector_store %arg8[%parallel_loop3A_42, %parallel_loop3A_43], %parallel_loop3A_41 {strides = array<i32>} : memref<64x128xf32, #tpu.memory_space<vmem>>, vector<16xf32>,
        %parallel_loop3A_45 = tpu.vector_load_idx %arg7[%add3A_6, %parallel_loop3A_40] : memref<64x128xf32, #tpu.memory_space<vmem>>[vector<16xi32>, vector<16xi32>], vector<16xf32>,
        %parallel_loop3A_46 = arith.index_cast %parallel_loop3A_35 : i32 to index
        %parallel_loop3A_47 = arith.constant 16 : index
        %parallel_loop3A_48 = tpu.vector_load %arg8[%parallel_loop3A_46, %parallel_loop3A_47] {strides = array<i32>} : memref<64x128xf32, #tpu.memory_space<vmem>>, vector<16xf32>,
        tpu.vector_store %arg8[%parallel_loop3A_46, %parallel_loop3A_47], %parallel_loop3A_45 {strides = array<i32>} : memref<64x128xf32, #tpu.memory_space<vmem>>, vector<16xf32>,
        %parallel_loop3A_49 = tpu.vector_load_idx %arg7[%add3A_9, %parallel_loop3A_40] : memref<64x128xf32, #tpu.memory_space<vmem>>[vector<16xi32>, vector<16xi32>], vector<16xf32>,
        %parallel_loop3A_50 = arith.index_cast %parallel_loop3A_35 : i32 to index
        %parallel_loop3A_51 = arith.constant 32 : index
        %parallel_loop3A_52 = tpu.vector_load %arg8[%parallel_loop3A_50, %parallel_loop3A_51] {strides = array<i32>} : memref<64x128xf32, #tpu.memory_space<vmem>>, vector<16xf32>,
        tpu.vector_store %arg8[%parallel_loop3A_50, %parallel_loop3A_51], %parallel_loop3A_49 {strides = array<i32>} : memref<64x128xf32, #tpu.memory_space<vmem>>, vector<16xf32>,
        %parallel_loop3A_53 = tpu.vector_load_idx %arg7[%add3A_12, %parallel_loop3A_40] : memref<64x128xf32, #tpu.memory_space<vmem>>[vector<16xi32>, vector<16xi32>], vector<16xf32>,
        %parallel_loop3A_54 = arith.index_cast %parallel_loop3A_35 : i32 to index
        %parallel_loop3A_55 = arith.constant 48 : index
        %parallel_loop3A_56 = tpu.vector_load %arg8[%parallel_loop3A_54, %parallel_loop3A_55] {strides = array<i32>} : memref<64x128xf32, #tpu.memory_space<vmem>>, vector<16xf32>,
        tpu.vector_store %arg8[%parallel_loop3A_54, %parallel_loop3A_55], %parallel_loop3A_53 {strides = array<i32>} : memref<64x128xf32, #tpu.memory_space<vmem>>, vector<16xf32>,
        %parallel_loop3A_57 = arith.constant 2 : i32
        %parallel_loop3A_58 = arith.muli %parallel_loop3A_57, %parallel_loop3A_35 : i32
        %parallel_loop3A_59 = arith.constant 1 : i32
        %parallel_loop3A_60 = arith.addi %parallel_loop3A_58, %parallel_loop3A_59 : i32
        %parallel_loop3A_61 = vector.broadcast %parallel_loop3A_60 : i32 to vector<16xi32>
        %parallel_loop3A_62 = tpu.vector_load_idx %arg7[%add3A_3, %parallel_loop3A_61] : memref<64x128xf32, #tpu.memory_space<vmem>>[vector<16xi32>, vector<16xi32>], vector<16xf32>,
        %parallel_loop3A_63 = arith.index_cast %parallel_loop3A_35 : i32 to index
        %parallel_loop3A_64 = arith.constant 64 : index
        %parallel_loop3A_65 = tpu.vector_load %arg8[%parallel_loop3A_63, %parallel_loop3A_64] {strides = array<i32>} : memref<64x128xf32, #tpu.memory_space<vmem>>, vector<16xf32>,
        tpu.vector_store %arg8[%parallel_loop3A_63, %parallel_loop3A_64], %parallel_loop3A_62 {strides = array<i32>} : memref<64x128xf32, #tpu.memory_space<vmem>>, vector<16xf32>,
        %parallel_loop3A_66 = tpu.vector_load_idx %arg7[%add3A_6, %parallel_loop3A_61] : memref<64x128xf32, #tpu.memory_space<vmem>>[vector<16xi32>, vector<16xi32>], vector<16xf32>,
        %parallel_loop3A_67 = arith.index_cast %parallel_loop3A_35 : i32 to index
        %parallel_loop3A_68 = arith.constant 80 : index
        %parallel_loop3A_69 = tpu.vector_load %arg8[%parallel_loop3A_67, %parallel_loop3A_68] {strides = array<i32>} : memref<64x128xf32, #tpu.memory_space<vmem>>, vector<16xf32>,
        tpu.vector_store %arg8[%parallel_loop3A_67, %parallel_loop3A_68], %parallel_loop3A_66 {strides = array<i32>} : memref<64x128xf32, #tpu.memory_space<vmem>>, vector<16xf32>,
        %parallel_loop3A_70 = tpu.vector_load_idx %arg7[%add3A_9, %parallel_loop3A_61] : memref<64x128xf32, #tpu.memory_space<vmem>>[vector<16xi32>, vector<16xi32>], vector<16xf32>,
        %parallel_loop3A_71 = arith.index_cast %parallel_loop3A_35 : i32 to index
        %parallel_loop3A_72 = arith.constant 96 : index
        %parallel_loop3A_73 = tpu.vector_load %arg8[%parallel_loop3A_71, %parallel_loop3A_72] {strides = array<i32>} : memref<64x128xf32, #tpu.memory_space<vmem>>, vector<16xf32>,
        tpu.vector_store %arg8[%parallel_loop3A_71, %parallel_loop3A_72], %parallel_loop3A_70 {strides = array<i32>} : memref<64x128xf32, #tpu.memory_space<vmem>>, vector<16xf32>,
        %parallel_loop3A_74 = tpu.vector_load_idx %arg7[%add3A_12, %parallel_loop3A_61] : memref<64x128xf32, #tpu.memory_space<vmem>>[vector<16xi32>, vector<16xi32>], vector<16xf32>,
        %parallel_loop3A_75 = arith.index_cast %parallel_loop3A_35 : i32 to index
        %parallel_loop3A_76 = arith.constant 112 : index
        %parallel_loop3A_77 = tpu.vector_load %arg8[%parallel_loop3A_75, %parallel_loop3A_76] {strides = array<i32>} : memref<64x128xf32, #tpu.memory_space<vmem>>, vector<16xf32>,
        tpu.vector_store %arg8[%parallel_loop3A_75, %parallel_loop3A_76], %parallel_loop3A_74 {strides = array<i32>} : memref<64x128xf32, #tpu.memory_space<vmem>>, vector<16xf32>,
      } {sc.loop_unroll_factor = 1 : i64, sc.parallel_access}
      %mul3A_30 = arith.constant 51200 : i32
      %mul3A_31 = arith.muli %sub3A_26, %mul3A_30 : i32
      %add3A_32 = arith.constant 49920 : i32
      %add3A_33 = arith.addi %mul3A_31, %add3A_32 : i32
      %multiple_of3A_34 = tpu.assume_multiple %add3A_33, 8 : i32
      "tpu.region"() ({
        %run_scoped3A = tpu.sem_alloc : memref<!tpu.dma_semaphore, #tpu.memory_space<semaphore_mem>>
        %dma_start3A = arith.constant 0 : i32
        %dma_start3A_35 = tpu.memref_slice %arg4[%multiple_of3A_34, %dma_start3A] : memref<204800x128xf32, #tpu.memory_space<hbm>> -> memref<64x128xf32, #tpu.memory_space<hbm>>
        %dma_start3A_36 = arith.constant 0 : i32
        %dma_start3A_37 = tpu.memref_slice %arg4[%multiple_of3A_34, %dma_start3A_36] : memref<204800x128xf32, #tpu.memory_space<hbm>> -> memref<64x128xf32, #tpu.memory_space<hbm>>
        tpu.enqueue_dma source(%arg8 : memref<64x128xf32, #tpu.memory_space<vmem>>) target(%dma_start3A_37 : memref<64x128xf32, #tpu.memory_space<hbm>>) target_semaphore(%run_scoped3A : memref<!tpu.dma_semaphore, #tpu.memory_space<semaphore_mem>>)
        %dma_wait3A = arith.constant 0 : i32
        %dma_wait3A_38 = tpu.memref_slice %arg4[%multiple_of3A_34, %dma_wait3A] : memref<204800x128xf32, #tpu.memory_space<hbm>> -> memref<64x128xf32, #tpu.memory_space<hbm>>
        %dma_wait3A_39 = arith.constant 0 : i32
        %dma_wait3A_40 = tpu.memref_slice %arg4[%multiple_of3A_34, %dma_wait3A_39] : memref<204800x128xf32, #tpu.memory_space<hbm>> -> memref<64x128xf32, #tpu.memory_space<hbm>>
        tpu.wait_dma2 semaphore(%run_scoped3A : memref<!tpu.dma_semaphore, #tpu.memory_space<semaphore_mem>>) src(%arg8 : memref<64x128xf32, #tpu.memory_space<vmem>>) dst(%dma_wait3A_40 : memref<64x128xf32, #tpu.memory_space<hbm>>)
        tpu.yield
      }) : () -> ()
    } else {
    }
    %ge3A_21 = arith.constant 28 : i32
    %ge3A_22 = arith.cmpi sge, %add3A, %ge3A_21 : i32
    %convert_element_type3A_23 = arith.extui %ge3A_22 : i1 to i32
    %cond3A_24 = arith.constant 0 : i32
    %cond3A_25 = arith.cmpi ne, %convert_element_type3A_23, %cond3A_24 : i32
    scf.if %cond3A_25 {
      %sub3A = arith.constant 28 : i32
      %sub3A_26 = arith.subi %add3A, %sub3A : i32
      "tpu.region"() ({
        %run_scoped3A = tpu.sem_alloc : memref<!tpu.dma_semaphore, #tpu.memory_space<semaphore_mem>>
        %dma_start3A = arith.constant 0 : i32
        %dma_start3A_33 = arith.constant 0 : i32
        %dma_start3A_34 = tpu.memref_slice %arg3[%sub3A_26, %dma_start3A, %dma_start3A_33] : memref<4x64x32xf32, #tpu.memory_space<hbm>> -> memref<1x64x32xf32, #tpu.memory_space<hbm>>
        %dma_start3A_35 = tpu.memref_squeeze %dma_start3A_34 : memref<1x64x32xf32, #tpu.memory_space<hbm>> -> memref<64x32xf32, #tpu.memory_space<hbm>>
        %dma_start3A_36 = arith.constant 0 : i32
        %dma_start3A_37 = arith.constant 0 : i32
        %dma_start3A_38 = tpu.memref_slice %arg3[%sub3A_26, %dma_start3A_36, %dma_start3A_37] : memref<4x64x32xf32, #tpu.memory_space<hbm>> -> memref<1x64x32xf32, #tpu.memory_space<hbm>>
        %dma_start3A_39 = tpu.memref_squeeze %dma_start3A_38 : memref<1x64x32xf32, #tpu.memory_space<hbm>> -> memref<64x32xf32, #tpu.memory_space<hbm>>
        tpu.enqueue_dma source(%dma_start3A_39 : memref<64x32xf32, #tpu.memory_space<hbm>>) target(%arg9 : memref<64x32xf32, #tpu.memory_space<vmem>>) target_semaphore(%run_scoped3A : memref<!tpu.dma_semaphore, #tpu.memory_space<semaphore_mem>>)
        %dma_wait3A = arith.constant 0 : i32
        %dma_wait3A_40 = arith.constant 0 : i32
        %dma_wait3A_41 = tpu.memref_slice %arg3[%sub3A_26, %dma_wait3A, %dma_wait3A_40] : memref<4x64x32xf32, #tpu.memory_space<hbm>> -> memref<1x64x32xf32, #tpu.memory_space<hbm>>
        %dma_wait3A_42 = tpu.memref_squeeze %dma_wait3A_41 : memref<1x64x32xf32, #tpu.memory_space<hbm>> -> memref<64x32xf32, #tpu.memory_space<hbm>>
        %dma_wait3A_43 = arith.constant 0 : i32
        %dma_wait3A_44 = arith.constant 0 : i32
        %dma_wait3A_45 = tpu.memref_slice %arg3[%sub3A_26, %dma_wait3A_43, %dma_wait3A_44] : memref<4x64x32xf32, #tpu.memory_space<hbm>> -> memref<1x64x32xf32, #tpu.memory_space<hbm>>
        %dma_wait3A_46 = tpu.memref_squeeze %dma_wait3A_45 : memref<1x64x32xf32, #tpu.memory_space<hbm>> -> memref<64x32xf32, #tpu.memory_space<hbm>>
        tpu.wait_dma2 semaphore(%run_scoped3A : memref<!tpu.dma_semaphore, #tpu.memory_space<semaphore_mem>>) src(%dma_wait3A_46 : memref<64x32xf32, #tpu.memory_space<hbm>>) dst(%arg9 : memref<64x32xf32, #tpu.memory_space<vmem>>)
        tpu.yield
      }) : () -> ()
      %parallel_loop3A = arith.constant 0 : i32
      %parallel_loop3A_27 = arith.constant 16 : i32
      %parallel_loop3A_28 = arith.constant 1 : i32
      scf.for %parallel_loop3A_33 = %parallel_loop3A to %parallel_loop3A_27 step %parallel_loop3A_28  : i32 {
        %parallel_loop3A_34 = arith.constant 2 : i32
        %parallel_loop3A_35 = arith.muli %parallel_loop3A_34, %parallel_loop3A_33 : i32
        %parallel_loop3A_36 = arith.constant 0 : i32
        %parallel_loop3A_37 = arith.addi %parallel_loop3A_35, %parallel_loop3A_36 : i32
        %parallel_loop3A_38 = vector.broadcast %parallel_loop3A_37 : i32 to vector<16xi32>
        %parallel_loop3A_39 = tpu.vector_load_idx %arg9[%add3A_3, %parallel_loop3A_38] : memref<64x32xf32, #tpu.memory_space<vmem>>[vector<16xi32>, vector<16xi32>], vector<16xf32>,
        %parallel_loop3A_40 = arith.index_cast %parallel_loop3A_33 : i32 to index
        %parallel_loop3A_41 = arith.constant 0 : index
        %parallel_loop3A_42 = tpu.vector_load %arg10[%parallel_loop3A_40, %parallel_loop3A_41] {strides = array<i32>} : memref<16x128xf32, #tpu.memory_space<vmem>>, vector<16xf32>,
        tpu.vector_store %arg10[%parallel_loop3A_40, %parallel_loop3A_41], %parallel_loop3A_39 {strides = array<i32>} : memref<16x128xf32, #tpu.memory_space<vmem>>, vector<16xf32>,
        %parallel_loop3A_43 = tpu.vector_load_idx %arg9[%add3A_6, %parallel_loop3A_38] : memref<64x32xf32, #tpu.memory_space<vmem>>[vector<16xi32>, vector<16xi32>], vector<16xf32>,
        %parallel_loop3A_44 = arith.index_cast %parallel_loop3A_33 : i32 to index
        %parallel_loop3A_45 = arith.constant 16 : index
        %parallel_loop3A_46 = tpu.vector_load %arg10[%parallel_loop3A_44, %parallel_loop3A_45] {strides = array<i32>} : memref<16x128xf32, #tpu.memory_space<vmem>>, vector<16xf32>,
        tpu.vector_store %arg10[%parallel_loop3A_44, %parallel_loop3A_45], %parallel_loop3A_43 {strides = array<i32>} : memref<16x128xf32, #tpu.memory_space<vmem>>, vector<16xf32>,
        %parallel_loop3A_47 = tpu.vector_load_idx %arg9[%add3A_9, %parallel_loop3A_38] : memref<64x32xf32, #tpu.memory_space<vmem>>[vector<16xi32>, vector<16xi32>], vector<16xf32>,
        %parallel_loop3A_48 = arith.index_cast %parallel_loop3A_33 : i32 to index
        %parallel_loop3A_49 = arith.constant 32 : index
        %parallel_loop3A_50 = tpu.vector_load %arg10[%parallel_loop3A_48, %parallel_loop3A_49] {strides = array<i32>} : memref<16x128xf32, #tpu.memory_space<vmem>>, vector<16xf32>,
        tpu.vector_store %arg10[%parallel_loop3A_48, %parallel_loop3A_49], %parallel_loop3A_47 {strides = array<i32>} : memref<16x128xf32, #tpu.memory_space<vmem>>, vector<16xf32>,
        %parallel_loop3A_51 = tpu.vector_load_idx %arg9[%add3A_12, %parallel_loop3A_38] : memref<64x32xf32, #tpu.memory_space<vmem>>[vector<16xi32>, vector<16xi32>], vector<16xf32>,
        %parallel_loop3A_52 = arith.index_cast %parallel_loop3A_33 : i32 to index
        %parallel_loop3A_53 = arith.constant 48 : index
        %parallel_loop3A_54 = tpu.vector_load %arg10[%parallel_loop3A_52, %parallel_loop3A_53] {strides = array<i32>} : memref<16x128xf32, #tpu.memory_space<vmem>>, vector<16xf32>,
        tpu.vector_store %arg10[%parallel_loop3A_52, %parallel_loop3A_53], %parallel_loop3A_51 {strides = array<i32>} : memref<16x128xf32, #tpu.memory_space<vmem>>, vector<16xf32>,
        %parallel_loop3A_55 = arith.constant 2 : i32
        %parallel_loop3A_56 = arith.muli %parallel_loop3A_55, %parallel_loop3A_33 : i32
        %parallel_loop3A_57 = arith.constant 1 : i32
        %parallel_loop3A_58 = arith.addi %parallel_loop3A_56, %parallel_loop3A_57 : i32
        %parallel_loop3A_59 = vector.broadcast %parallel_loop3A_58 : i32 to vector<16xi32>
        %parallel_loop3A_60 = tpu.vector_load_idx %arg9[%add3A_3, %parallel_loop3A_59] : memref<64x32xf32, #tpu.memory_space<vmem>>[vector<16xi32>, vector<16xi32>], vector<16xf32>,
        %parallel_loop3A_61 = arith.index_cast %parallel_loop3A_33 : i32 to index
        %parallel_loop3A_62 = arith.constant 64 : index
        %parallel_loop3A_63 = tpu.vector_load %arg10[%parallel_loop3A_61, %parallel_loop3A_62] {strides = array<i32>} : memref<16x128xf32, #tpu.memory_space<vmem>>, vector<16xf32>,
        tpu.vector_store %arg10[%parallel_loop3A_61, %parallel_loop3A_62], %parallel_loop3A_60 {strides = array<i32>} : memref<16x128xf32, #tpu.memory_space<vmem>>, vector<16xf32>,
        %parallel_loop3A_64 = tpu.vector_load_idx %arg9[%add3A_6, %parallel_loop3A_59] : memref<64x32xf32, #tpu.memory_space<vmem>>[vector<16xi32>, vector<16xi32>], vector<16xf32>,
        %parallel_loop3A_65 = arith.index_cast %parallel_loop3A_33 : i32 to index
        %parallel_loop3A_66 = arith.constant 80 : index
        %parallel_loop3A_67 = tpu.vector_load %arg10[%parallel_loop3A_65, %parallel_loop3A_66] {strides = array<i32>} : memref<16x128xf32, #tpu.memory_space<vmem>>, vector<16xf32>,
        tpu.vector_store %arg10[%parallel_loop3A_65, %parallel_loop3A_66], %parallel_loop3A_64 {strides = array<i32>} : memref<16x128xf32, #tpu.memory_space<vmem>>, vector<16xf32>,
        %parallel_loop3A_68 = tpu.vector_load_idx %arg9[%add3A_9, %parallel_loop3A_59] : memref<64x32xf32, #tpu.memory_space<vmem>>[vector<16xi32>, vector<16xi32>], vector<16xf32>,
        %parallel_loop3A_69 = arith.index_cast %parallel_loop3A_33 : i32 to index
        %parallel_loop3A_70 = arith.constant 96 : index
        %parallel_loop3A_71 = tpu.vector_load %arg10[%parallel_loop3A_69, %parallel_loop3A_70] {strides = array<i32>} : memref<16x128xf32, #tpu.memory_space<vmem>>, vector<16xf32>,
        tpu.vector_store %arg10[%parallel_loop3A_69, %parallel_loop3A_70], %parallel_loop3A_68 {strides = array<i32>} : memref<16x128xf32, #tpu.memory_space<vmem>>, vector<16xf32>,
        %parallel_loop3A_72 = tpu.vector_load_idx %arg9[%add3A_12, %parallel_loop3A_59] : memref<64x32xf32, #tpu.memory_space<vmem>>[vector<16xi32>, vector<16xi32>], vector<16xf32>,
        %parallel_loop3A_73 = arith.index_cast %parallel_loop3A_33 : i32 to index
        %parallel_loop3A_74 = arith.constant 112 : index
        %parallel_loop3A_75 = tpu.vector_load %arg10[%parallel_loop3A_73, %parallel_loop3A_74] {strides = array<i32>} : memref<16x128xf32, #tpu.memory_space<vmem>>, vector<16xf32>,
        tpu.vector_store %arg10[%parallel_loop3A_73, %parallel_loop3A_74], %parallel_loop3A_72 {strides = array<i32>} : memref<16x128xf32, #tpu.memory_space<vmem>>, vector<16xf32>,
      } {sc.loop_unroll_factor = 1 : i64, sc.parallel_access}
      %mul3A_29 = arith.constant 51200 : i32
      %mul3A_30 = arith.muli %sub3A_26, %mul3A_29 : i32
      %add3A_31 = arith.constant 49984 : i32
      %add3A_32 = arith.addi %mul3A_30, %add3A_31 : i32
      %multiple_of3A = tpu.assume_multiple %add3A_32, 8 : i32
      "tpu.region"() ({
        %run_scoped3A = tpu.sem_alloc : memref<!tpu.dma_semaphore, #tpu.memory_space<semaphore_mem>>
        %dma_start3A = arith.constant 0 : i32
        %dma_start3A_33 = tpu.memref_slice %arg4[%multiple_of3A, %dma_start3A] : memref<204800x128xf32, #tpu.memory_space<hbm>> -> memref<16x128xf32, #tpu.memory_space<hbm>>
        %dma_start3A_34 = arith.constant 0 : i32
        %dma_start3A_35 = tpu.memref_slice %arg4[%multiple_of3A, %dma_start3A_34] : memref<204800x128xf32, #tpu.memory_space<hbm>> -> memref<16x128xf32, #tpu.memory_space<hbm>>
        tpu.enqueue_dma source(%arg10 : memref<16x128xf32, #tpu.memory_space<vmem>>) target(%dma_start3A_35 : memref<16x128xf32, #tpu.memory_space<hbm>>) target_semaphore(%run_scoped3A : memref<!tpu.dma_semaphore, #tpu.memory_space<semaphore_mem>>)
        %dma_wait3A = arith.constant 0 : i32
        %dma_wait3A_36 = tpu.memref_slice %arg4[%multiple_of3A, %dma_wait3A] : memref<204800x128xf32, #tpu.memory_space<hbm>> -> memref<16x128xf32, #tpu.memory_space<hbm>>
        %dma_wait3A_37 = arith.constant 0 : i32
        %dma_wait3A_38 = tpu.memref_slice %arg4[%multiple_of3A, %dma_wait3A_37] : memref<204800x128xf32, #tpu.memory_space<hbm>> -> memref<16x128xf32, #tpu.memory_space<hbm>>
        tpu.wait_dma2 semaphore(%run_scoped3A : memref<!tpu.dma_semaphore, #tpu.memory_space<semaphore_mem>>) src(%arg10 : memref<16x128xf32, #tpu.memory_space<vmem>>) dst(%dma_wait3A_38 : memref<16x128xf32, #tpu.memory_space<hbm>>)
        tpu.yield
      }) : () -> ()
    } else {
    }
    return
  }
}

#map = affine_map<(d0, d1) -> (0, 0, 0)>
#map1 = affine_map<(d0, d1) -> (0, 0)>
#map2 = affine_map<(d0, d1) -> (0, 0, 0, 0)>
module attributes {stable_mosaic.version = 14 : i64} {
  func.func @_gather_body(%arg0: i32, %arg1: i32, %arg2: memref<200x4x4096xi32, #tpu.memory_space<hbm>>, %arg3: memref<204800x128xf32, #tpu.memory_space<hbm>>, %arg4: memref<200x4x64x4096xf32, #tpu.memory_space<hbm>>, %arg5: memref<4x128xi32, #tpu.memory_space<vmem>>, %arg6: memref<4x128xi32, #tpu.memory_space<vmem>>, %arg7: memref<512x128xf32, #tpu.memory_space<vmem>>, %arg8: memref<4x64x128xf32, #tpu.memory_space<vmem>>, %arg9: memref<!tpu.dma_semaphore, #tpu.memory_space<semaphore_mem>>, %arg10: memref<!tpu.dma_semaphore, #tpu.memory_space<semaphore_mem>>, %arg11: memref<!tpu.dma_semaphore, #tpu.memory_space<semaphore_mem>>, %arg12: memref<!tpu.dma_semaphore, #tpu.memory_space<semaphore_mem>>, %arg13: memref<!tpu.dma_semaphore, #tpu.memory_space<semaphore_mem>>) attributes {dimension_semantics = [#tpu.dimension_semantics<core_parallel>, #tpu.dimension_semantics<subcore_parallel>], iteration_bounds = array<i64: 2, 16>, scalar_prefetch = 0 : i64, scratch_operands = 9 : i64, tpu.core_type = #tpu.core_type<sc_vector_subcore>, window_params = [{transform_indices = #map}, {transform_indices = #map1}, {transform_indices = #map2}]} {
    %mul3A = arith.constant 2 : i32
    %mul3A_0 = arith.muli %arg1, %mul3A : i32
    %add3A = arith.addi %mul3A_0, %arg0 : i32
    %mul3A_1 = arith.constant 128 : i32
    %mul3A_2 = arith.muli %mul3A_1, %add3A : i32
    %multiple_of3A = tpu.assume_multiple %mul3A_2, 128 : i32
    %iota3A = tpu.iota {dimensions = array<i32: 0>} : vector<16xi32>
    %scan3A = arith.constant 0 : i32
    %scan3A_3 = arith.constant 0 : i32
    %scan3A_4 = arith.constant 200 : i32
    %scan3A_5 = arith.addi %scan3A_3, %scan3A_4 : i32
    %scan3A_6 = arith.constant 1 : i32
    scf.for %scan3A_16 = %scan3A_3 to %scan3A_5 step %scan3A_6  : i32 {
      "tpu.region"() ({
        %run_scoped3A = tpu.sem_alloc : memref<!tpu.dma_semaphore, #tpu.memory_space<semaphore_mem>>
        %dma_start3A_976 = arith.constant 0 : i32
        %dma_start3A_977 = tpu.memref_slice %arg2[%scan3A_16, %dma_start3A_976, %multiple_of3A] : memref<200x4x4096xi32, #tpu.memory_space<hbm>> -> memref<1x4x128xi32, #tpu.memory_space<hbm>>
        %dma_start3A_978 = tpu.memref_squeeze %dma_start3A_977 : memref<1x4x128xi32, #tpu.memory_space<hbm>> -> memref<4x128xi32, #tpu.memory_space<hbm>>
        %dma_start3A_979 = arith.constant 0 : i32
        %dma_start3A_980 = tpu.memref_slice %arg2[%scan3A_16, %dma_start3A_979, %multiple_of3A] : memref<200x4x4096xi32, #tpu.memory_space<hbm>> -> memref<1x4x128xi32, #tpu.memory_space<hbm>>
        %dma_start3A_981 = tpu.memref_squeeze %dma_start3A_980 : memref<1x4x128xi32, #tpu.memory_space<hbm>> -> memref<4x128xi32, #tpu.memory_space<hbm>>
        tpu.enqueue_dma source(%dma_start3A_981 : memref<4x128xi32, #tpu.memory_space<hbm>>) target(%arg5 : memref<4x128xi32, #tpu.memory_space<vmem>>) target_semaphore(%run_scoped3A : memref<!tpu.dma_semaphore, #tpu.memory_space<semaphore_mem>>)
        %dma_wait3A_982 = arith.constant 0 : i32
        %dma_wait3A_983 = tpu.memref_slice %arg2[%scan3A_16, %dma_wait3A_982, %multiple_of3A] : memref<200x4x4096xi32, #tpu.memory_space<hbm>> -> memref<1x4x128xi32, #tpu.memory_space<hbm>>
        %dma_wait3A_984 = tpu.memref_squeeze %dma_wait3A_983 : memref<1x4x128xi32, #tpu.memory_space<hbm>> -> memref<4x128xi32, #tpu.memory_space<hbm>>
        %dma_wait3A_985 = arith.constant 0 : i32
        %dma_wait3A_986 = tpu.memref_slice %arg2[%scan3A_16, %dma_wait3A_985, %multiple_of3A] : memref<200x4x4096xi32, #tpu.memory_space<hbm>> -> memref<1x4x128xi32, #tpu.memory_space<hbm>>
        %dma_wait3A_987 = tpu.memref_squeeze %dma_wait3A_986 : memref<1x4x128xi32, #tpu.memory_space<hbm>> -> memref<4x128xi32, #tpu.memory_space<hbm>>
        tpu.wait_dma2 semaphore(%run_scoped3A : memref<!tpu.dma_semaphore, #tpu.memory_space<semaphore_mem>>) src(%dma_wait3A_987 : memref<4x128xi32, #tpu.memory_space<hbm>>) dst(%arg5 : memref<4x128xi32, #tpu.memory_space<vmem>>)
        tpu.yield
      }) : () -> ()
      %get3A = arith.constant 0 : i32
      %get3A_17 = arith.index_cast %get3A : i32 to index
      %get3A_18 = arith.constant 0 : index
      %get3A_19 = tpu.vector_load %arg5[%get3A_17, %get3A_18] {strides = array<i32>} : memref<4x128xi32, #tpu.memory_space<vmem>>, vector<16xi32>,
      %shift_right_arithmetic3A = arith.constant 1 : i32
      %shift_right_arithmetic3A_20 = vector.broadcast %shift_right_arithmetic3A : i32 to vector<16xi32>
      %shift_right_arithmetic3A_21 = arith.shrsi %get3A_19, %shift_right_arithmetic3A_20 : vector<16xi32>
      %add3A_22 = arith.constant 0 : i32
      %add3A_23 = vector.broadcast %add3A_22 : i32 to vector<16xi32>
      %add3A_24 = arith.addi %shift_right_arithmetic3A_21, %add3A_23 : vector<16xi32>
      %swap3A = arith.constant 0 : i32
      %swap3A_25 = arith.index_cast %swap3A : i32 to index
      %swap3A_26 = arith.constant 0 : index
      %swap3A_27 = tpu.vector_load %arg6[%swap3A_25, %swap3A_26] {strides = array<i32>} : memref<4x128xi32, #tpu.memory_space<vmem>>, vector<16xi32>,
      tpu.vector_store %arg6[%swap3A_25, %swap3A_26], %add3A_24 {strides = array<i32>} : memref<4x128xi32, #tpu.memory_space<vmem>>, vector<16xi32>,
      %get3A_28 = arith.constant 0 : i32
      %get3A_29 = arith.index_cast %get3A_28 : i32 to index
      %get3A_30 = arith.constant 16 : index
      %get3A_31 = tpu.vector_load %arg5[%get3A_29, %get3A_30] {strides = array<i32>} : memref<4x128xi32, #tpu.memory_space<vmem>>, vector<16xi32>,
      %shift_right_arithmetic3A_32 = arith.constant 1 : i32
      %shift_right_arithmetic3A_33 = vector.broadcast %shift_right_arithmetic3A_32 : i32 to vector<16xi32>
      %shift_right_arithmetic3A_34 = arith.shrsi %get3A_31, %shift_right_arithmetic3A_33 : vector<16xi32>
      %add3A_35 = arith.constant 0 : i32
      %add3A_36 = vector.broadcast %add3A_35 : i32 to vector<16xi32>
      %add3A_37 = arith.addi %shift_right_arithmetic3A_34, %add3A_36 : vector<16xi32>
      %swap3A_38 = arith.constant 0 : i32
      %swap3A_39 = arith.index_cast %swap3A_38 : i32 to index
      %swap3A_40 = arith.constant 16 : index
      %swap3A_41 = tpu.vector_load %arg6[%swap3A_39, %swap3A_40] {strides = array<i32>} : memref<4x128xi32, #tpu.memory_space<vmem>>, vector<16xi32>,
      tpu.vector_store %arg6[%swap3A_39, %swap3A_40], %add3A_37 {strides = array<i32>} : memref<4x128xi32, #tpu.memory_space<vmem>>, vector<16xi32>,
      %get3A_42 = arith.constant 0 : i32
      %get3A_43 = arith.index_cast %get3A_42 : i32 to index
      %get3A_44 = arith.constant 32 : index
      %get3A_45 = tpu.vector_load %arg5[%get3A_43, %get3A_44] {strides = array<i32>} : memref<4x128xi32, #tpu.memory_space<vmem>>, vector<16xi32>,
      %shift_right_arithmetic3A_46 = arith.constant 1 : i32
      %shift_right_arithmetic3A_47 = vector.broadcast %shift_right_arithmetic3A_46 : i32 to vector<16xi32>
      %shift_right_arithmetic3A_48 = arith.shrsi %get3A_45, %shift_right_arithmetic3A_47 : vector<16xi32>
      %add3A_49 = arith.constant 0 : i32
      %add3A_50 = vector.broadcast %add3A_49 : i32 to vector<16xi32>
      %add3A_51 = arith.addi %shift_right_arithmetic3A_48, %add3A_50 : vector<16xi32>
      %swap3A_52 = arith.constant 0 : i32
      %swap3A_53 = arith.index_cast %swap3A_52 : i32 to index
      %swap3A_54 = arith.constant 32 : index
      %swap3A_55 = tpu.vector_load %arg6[%swap3A_53, %swap3A_54] {strides = array<i32>} : memref<4x128xi32, #tpu.memory_space<vmem>>, vector<16xi32>,
      tpu.vector_store %arg6[%swap3A_53, %swap3A_54], %add3A_51 {strides = array<i32>} : memref<4x128xi32, #tpu.memory_space<vmem>>, vector<16xi32>,
      %get3A_56 = arith.constant 0 : i32
      %get3A_57 = arith.index_cast %get3A_56 : i32 to index
      %get3A_58 = arith.constant 48 : index
      %get3A_59 = tpu.vector_load %arg5[%get3A_57, %get3A_58] {strides = array<i32>} : memref<4x128xi32, #tpu.memory_space<vmem>>, vector<16xi32>,
      %shift_right_arithmetic3A_60 = arith.constant 1 : i32
      %shift_right_arithmetic3A_61 = vector.broadcast %shift_right_arithmetic3A_60 : i32 to vector<16xi32>
      %shift_right_arithmetic3A_62 = arith.shrsi %get3A_59, %shift_right_arithmetic3A_61 : vector<16xi32>
      %add3A_63 = arith.constant 0 : i32
      %add3A_64 = vector.broadcast %add3A_63 : i32 to vector<16xi32>
      %add3A_65 = arith.addi %shift_right_arithmetic3A_62, %add3A_64 : vector<16xi32>
      %swap3A_66 = arith.constant 0 : i32
      %swap3A_67 = arith.index_cast %swap3A_66 : i32 to index
      %swap3A_68 = arith.constant 48 : index
      %swap3A_69 = tpu.vector_load %arg6[%swap3A_67, %swap3A_68] {strides = array<i32>} : memref<4x128xi32, #tpu.memory_space<vmem>>, vector<16xi32>,
      tpu.vector_store %arg6[%swap3A_67, %swap3A_68], %add3A_65 {strides = array<i32>} : memref<4x128xi32, #tpu.memory_space<vmem>>, vector<16xi32>,
      %get3A_70 = arith.constant 0 : i32
      %get3A_71 = arith.index_cast %get3A_70 : i32 to index
      %get3A_72 = arith.constant 64 : index
      %get3A_73 = tpu.vector_load %arg5[%get3A_71, %get3A_72] {strides = array<i32>} : memref<4x128xi32, #tpu.memory_space<vmem>>, vector<16xi32>,
      %shift_right_arithmetic3A_74 = arith.constant 1 : i32
      %shift_right_arithmetic3A_75 = vector.broadcast %shift_right_arithmetic3A_74 : i32 to vector<16xi32>
      %shift_right_arithmetic3A_76 = arith.shrsi %get3A_73, %shift_right_arithmetic3A_75 : vector<16xi32>
      %add3A_77 = arith.constant 0 : i32
      %add3A_78 = vector.broadcast %add3A_77 : i32 to vector<16xi32>
      %add3A_79 = arith.addi %shift_right_arithmetic3A_76, %add3A_78 : vector<16xi32>
      %swap3A_80 = arith.constant 0 : i32
      %swap3A_81 = arith.index_cast %swap3A_80 : i32 to index
      %swap3A_82 = arith.constant 64 : index
      %swap3A_83 = tpu.vector_load %arg6[%swap3A_81, %swap3A_82] {strides = array<i32>} : memref<4x128xi32, #tpu.memory_space<vmem>>, vector<16xi32>,
      tpu.vector_store %arg6[%swap3A_81, %swap3A_82], %add3A_79 {strides = array<i32>} : memref<4x128xi32, #tpu.memory_space<vmem>>, vector<16xi32>,
      %get3A_84 = arith.constant 0 : i32
      %get3A_85 = arith.index_cast %get3A_84 : i32 to index
      %get3A_86 = arith.constant 80 : index
      %get3A_87 = tpu.vector_load %arg5[%get3A_85, %get3A_86] {strides = array<i32>} : memref<4x128xi32, #tpu.memory_space<vmem>>, vector<16xi32>,
      %shift_right_arithmetic3A_88 = arith.constant 1 : i32
      %shift_right_arithmetic3A_89 = vector.broadcast %shift_right_arithmetic3A_88 : i32 to vector<16xi32>
      %shift_right_arithmetic3A_90 = arith.shrsi %get3A_87, %shift_right_arithmetic3A_89 : vector<16xi32>
      %add3A_91 = arith.constant 0 : i32
      %add3A_92 = vector.broadcast %add3A_91 : i32 to vector<16xi32>
      %add3A_93 = arith.addi %shift_right_arithmetic3A_90, %add3A_92 : vector<16xi32>
      %swap3A_94 = arith.constant 0 : i32
      %swap3A_95 = arith.index_cast %swap3A_94 : i32 to index
      %swap3A_96 = arith.constant 80 : index
      %swap3A_97 = tpu.vector_load %arg6[%swap3A_95, %swap3A_96] {strides = array<i32>} : memref<4x128xi32, #tpu.memory_space<vmem>>, vector<16xi32>,
      tpu.vector_store %arg6[%swap3A_95, %swap3A_96], %add3A_93 {strides = array<i32>} : memref<4x128xi32, #tpu.memory_space<vmem>>, vector<16xi32>,
      %get3A_98 = arith.constant 0 : i32
      %get3A_99 = arith.index_cast %get3A_98 : i32 to index
      %get3A_100 = arith.constant 96 : index
      %get3A_101 = tpu.vector_load %arg5[%get3A_99, %get3A_100] {strides = array<i32>} : memref<4x128xi32, #tpu.memory_space<vmem>>, vector<16xi32>,
      %shift_right_arithmetic3A_102 = arith.constant 1 : i32
      %shift_right_arithmetic3A_103 = vector.broadcast %shift_right_arithmetic3A_102 : i32 to vector<16xi32>
      %shift_right_arithmetic3A_104 = arith.shrsi %get3A_101, %shift_right_arithmetic3A_103 : vector<16xi32>
      %add3A_105 = arith.constant 0 : i32
      %add3A_106 = vector.broadcast %add3A_105 : i32 to vector<16xi32>
      %add3A_107 = arith.addi %shift_right_arithmetic3A_104, %add3A_106 : vector<16xi32>
      %swap3A_108 = arith.constant 0 : i32
      %swap3A_109 = arith.index_cast %swap3A_108 : i32 to index
      %swap3A_110 = arith.constant 96 : index
      %swap3A_111 = tpu.vector_load %arg6[%swap3A_109, %swap3A_110] {strides = array<i32>} : memref<4x128xi32, #tpu.memory_space<vmem>>, vector<16xi32>,
      tpu.vector_store %arg6[%swap3A_109, %swap3A_110], %add3A_107 {strides = array<i32>} : memref<4x128xi32, #tpu.memory_space<vmem>>, vector<16xi32>,
      %get3A_112 = arith.constant 0 : i32
      %get3A_113 = arith.index_cast %get3A_112 : i32 to index
      %get3A_114 = arith.constant 112 : index
      %get3A_115 = tpu.vector_load %arg5[%get3A_113, %get3A_114] {strides = array<i32>} : memref<4x128xi32, #tpu.memory_space<vmem>>, vector<16xi32>,
      %shift_right_arithmetic3A_116 = arith.constant 1 : i32
      %shift_right_arithmetic3A_117 = vector.broadcast %shift_right_arithmetic3A_116 : i32 to vector<16xi32>
      %shift_right_arithmetic3A_118 = arith.shrsi %get3A_115, %shift_right_arithmetic3A_117 : vector<16xi32>
      %add3A_119 = arith.constant 0 : i32
      %add3A_120 = vector.broadcast %add3A_119 : i32 to vector<16xi32>
      %add3A_121 = arith.addi %shift_right_arithmetic3A_118, %add3A_120 : vector<16xi32>
      %swap3A_122 = arith.constant 0 : i32
      %swap3A_123 = arith.index_cast %swap3A_122 : i32 to index
      %swap3A_124 = arith.constant 112 : index
      %swap3A_125 = tpu.vector_load %arg6[%swap3A_123, %swap3A_124] {strides = array<i32>} : memref<4x128xi32, #tpu.memory_space<vmem>>, vector<16xi32>,
      tpu.vector_store %arg6[%swap3A_123, %swap3A_124], %add3A_121 {strides = array<i32>} : memref<4x128xi32, #tpu.memory_space<vmem>>, vector<16xi32>,
      %get3A_126 = arith.constant 1 : i32
      %get3A_127 = arith.index_cast %get3A_126 : i32 to index
      %get3A_128 = arith.constant 0 : index
      %get3A_129 = tpu.vector_load %arg5[%get3A_127, %get3A_128] {strides = array<i32>} : memref<4x128xi32, #tpu.memory_space<vmem>>, vector<16xi32>,
      %shift_right_arithmetic3A_130 = arith.constant 1 : i32
      %shift_right_arithmetic3A_131 = vector.broadcast %shift_right_arithmetic3A_130 : i32 to vector<16xi32>
      %shift_right_arithmetic3A_132 = arith.shrsi %get3A_129, %shift_right_arithmetic3A_131 : vector<16xi32>
      %add3A_133 = arith.constant 51200 : i32
      %add3A_134 = vector.broadcast %add3A_133 : i32 to vector<16xi32>
      %add3A_135 = arith.addi %shift_right_arithmetic3A_132, %add3A_134 : vector<16xi32>
      %swap3A_136 = arith.constant 1 : i32
      %swap3A_137 = arith.index_cast %swap3A_136 : i32 to index
      %swap3A_138 = arith.constant 0 : index
      %swap3A_139 = tpu.vector_load %arg6[%swap3A_137, %swap3A_138] {strides = array<i32>} : memref<4x128xi32, #tpu.memory_space<vmem>>, vector<16xi32>,
      tpu.vector_store %arg6[%swap3A_137, %swap3A_138], %add3A_135 {strides = array<i32>} : memref<4x128xi32, #tpu.memory_space<vmem>>, vector<16xi32>,
      %get3A_140 = arith.constant 1 : i32
      %get3A_141 = arith.index_cast %get3A_140 : i32 to index
      %get3A_142 = arith.constant 16 : index
      %get3A_143 = tpu.vector_load %arg5[%get3A_141, %get3A_142] {strides = array<i32>} : memref<4x128xi32, #tpu.memory_space<vmem>>, vector<16xi32>,
      %shift_right_arithmetic3A_144 = arith.constant 1 : i32
      %shift_right_arithmetic3A_145 = vector.broadcast %shift_right_arithmetic3A_144 : i32 to vector<16xi32>
      %shift_right_arithmetic3A_146 = arith.shrsi %get3A_143, %shift_right_arithmetic3A_145 : vector<16xi32>
      %add3A_147 = arith.constant 51200 : i32
      %add3A_148 = vector.broadcast %add3A_147 : i32 to vector<16xi32>
      %add3A_149 = arith.addi %shift_right_arithmetic3A_146, %add3A_148 : vector<16xi32>
      %swap3A_150 = arith.constant 1 : i32
      %swap3A_151 = arith.index_cast %swap3A_150 : i32 to index
      %swap3A_152 = arith.constant 16 : index
      %swap3A_153 = tpu.vector_load %arg6[%swap3A_151, %swap3A_152] {strides = array<i32>} : memref<4x128xi32, #tpu.memory_space<vmem>>, vector<16xi32>,
      tpu.vector_store %arg6[%swap3A_151, %swap3A_152], %add3A_149 {strides = array<i32>} : memref<4x128xi32, #tpu.memory_space<vmem>>, vector<16xi32>,
      %get3A_154 = arith.constant 1 : i32
      %get3A_155 = arith.index_cast %get3A_154 : i32 to index
      %get3A_156 = arith.constant 32 : index
      %get3A_157 = tpu.vector_load %arg5[%get3A_155, %get3A_156] {strides = array<i32>} : memref<4x128xi32, #tpu.memory_space<vmem>>, vector<16xi32>,
      %shift_right_arithmetic3A_158 = arith.constant 1 : i32
      %shift_right_arithmetic3A_159 = vector.broadcast %shift_right_arithmetic3A_158 : i32 to vector<16xi32>
      %shift_right_arithmetic3A_160 = arith.shrsi %get3A_157, %shift_right_arithmetic3A_159 : vector<16xi32>
      %add3A_161 = arith.constant 51200 : i32
      %add3A_162 = vector.broadcast %add3A_161 : i32 to vector<16xi32>
      %add3A_163 = arith.addi %shift_right_arithmetic3A_160, %add3A_162 : vector<16xi32>
      %swap3A_164 = arith.constant 1 : i32
      %swap3A_165 = arith.index_cast %swap3A_164 : i32 to index
      %swap3A_166 = arith.constant 32 : index
      %swap3A_167 = tpu.vector_load %arg6[%swap3A_165, %swap3A_166] {strides = array<i32>} : memref<4x128xi32, #tpu.memory_space<vmem>>, vector<16xi32>,
      tpu.vector_store %arg6[%swap3A_165, %swap3A_166], %add3A_163 {strides = array<i32>} : memref<4x128xi32, #tpu.memory_space<vmem>>, vector<16xi32>,
      %get3A_168 = arith.constant 1 : i32
      %get3A_169 = arith.index_cast %get3A_168 : i32 to index
      %get3A_170 = arith.constant 48 : index
      %get3A_171 = tpu.vector_load %arg5[%get3A_169, %get3A_170] {strides = array<i32>} : memref<4x128xi32, #tpu.memory_space<vmem>>, vector<16xi32>,
      %shift_right_arithmetic3A_172 = arith.constant 1 : i32
      %shift_right_arithmetic3A_173 = vector.broadcast %shift_right_arithmetic3A_172 : i32 to vector<16xi32>
      %shift_right_arithmetic3A_174 = arith.shrsi %get3A_171, %shift_right_arithmetic3A_173 : vector<16xi32>
      %add3A_175 = arith.constant 51200 : i32
      %add3A_176 = vector.broadcast %add3A_175 : i32 to vector<16xi32>
      %add3A_177 = arith.addi %shift_right_arithmetic3A_174, %add3A_176 : vector<16xi32>
      %swap3A_178 = arith.constant 1 : i32
      %swap3A_179 = arith.index_cast %swap3A_178 : i32 to index
      %swap3A_180 = arith.constant 48 : index
      %swap3A_181 = tpu.vector_load %arg6[%swap3A_179, %swap3A_180] {strides = array<i32>} : memref<4x128xi32, #tpu.memory_space<vmem>>, vector<16xi32>,
      tpu.vector_store %arg6[%swap3A_179, %swap3A_180], %add3A_177 {strides = array<i32>} : memref<4x128xi32, #tpu.memory_space<vmem>>, vector<16xi32>,
      %get3A_182 = arith.constant 1 : i32
      %get3A_183 = arith.index_cast %get3A_182 : i32 to index
      %get3A_184 = arith.constant 64 : index
      %get3A_185 = tpu.vector_load %arg5[%get3A_183, %get3A_184] {strides = array<i32>} : memref<4x128xi32, #tpu.memory_space<vmem>>, vector<16xi32>,
      %shift_right_arithmetic3A_186 = arith.constant 1 : i32
      %shift_right_arithmetic3A_187 = vector.broadcast %shift_right_arithmetic3A_186 : i32 to vector<16xi32>
      %shift_right_arithmetic3A_188 = arith.shrsi %get3A_185, %shift_right_arithmetic3A_187 : vector<16xi32>
      %add3A_189 = arith.constant 51200 : i32
      %add3A_190 = vector.broadcast %add3A_189 : i32 to vector<16xi32>
      %add3A_191 = arith.addi %shift_right_arithmetic3A_188, %add3A_190 : vector<16xi32>
      %swap3A_192 = arith.constant 1 : i32
      %swap3A_193 = arith.index_cast %swap3A_192 : i32 to index
      %swap3A_194 = arith.constant 64 : index
      %swap3A_195 = tpu.vector_load %arg6[%swap3A_193, %swap3A_194] {strides = array<i32>} : memref<4x128xi32, #tpu.memory_space<vmem>>, vector<16xi32>,
      tpu.vector_store %arg6[%swap3A_193, %swap3A_194], %add3A_191 {strides = array<i32>} : memref<4x128xi32, #tpu.memory_space<vmem>>, vector<16xi32>,
      %get3A_196 = arith.constant 1 : i32
      %get3A_197 = arith.index_cast %get3A_196 : i32 to index
      %get3A_198 = arith.constant 80 : index
      %get3A_199 = tpu.vector_load %arg5[%get3A_197, %get3A_198] {strides = array<i32>} : memref<4x128xi32, #tpu.memory_space<vmem>>, vector<16xi32>,
      %shift_right_arithmetic3A_200 = arith.constant 1 : i32
      %shift_right_arithmetic3A_201 = vector.broadcast %shift_right_arithmetic3A_200 : i32 to vector<16xi32>
      %shift_right_arithmetic3A_202 = arith.shrsi %get3A_199, %shift_right_arithmetic3A_201 : vector<16xi32>
      %add3A_203 = arith.constant 51200 : i32
      %add3A_204 = vector.broadcast %add3A_203 : i32 to vector<16xi32>
      %add3A_205 = arith.addi %shift_right_arithmetic3A_202, %add3A_204 : vector<16xi32>
      %swap3A_206 = arith.constant 1 : i32
      %swap3A_207 = arith.index_cast %swap3A_206 : i32 to index
      %swap3A_208 = arith.constant 80 : index
      %swap3A_209 = tpu.vector_load %arg6[%swap3A_207, %swap3A_208] {strides = array<i32>} : memref<4x128xi32, #tpu.memory_space<vmem>>, vector<16xi32>,
      tpu.vector_store %arg6[%swap3A_207, %swap3A_208], %add3A_205 {strides = array<i32>} : memref<4x128xi32, #tpu.memory_space<vmem>>, vector<16xi32>,
      %get3A_210 = arith.constant 1 : i32
      %get3A_211 = arith.index_cast %get3A_210 : i32 to index
      %get3A_212 = arith.constant 96 : index
      %get3A_213 = tpu.vector_load %arg5[%get3A_211, %get3A_212] {strides = array<i32>} : memref<4x128xi32, #tpu.memory_space<vmem>>, vector<16xi32>,
      %shift_right_arithmetic3A_214 = arith.constant 1 : i32
      %shift_right_arithmetic3A_215 = vector.broadcast %shift_right_arithmetic3A_214 : i32 to vector<16xi32>
      %shift_right_arithmetic3A_216 = arith.shrsi %get3A_213, %shift_right_arithmetic3A_215 : vector<16xi32>
      %add3A_217 = arith.constant 51200 : i32
      %add3A_218 = vector.broadcast %add3A_217 : i32 to vector<16xi32>
      %add3A_219 = arith.addi %shift_right_arithmetic3A_216, %add3A_218 : vector<16xi32>
      %swap3A_220 = arith.constant 1 : i32
      %swap3A_221 = arith.index_cast %swap3A_220 : i32 to index
      %swap3A_222 = arith.constant 96 : index
      %swap3A_223 = tpu.vector_load %arg6[%swap3A_221, %swap3A_222] {strides = array<i32>} : memref<4x128xi32, #tpu.memory_space<vmem>>, vector<16xi32>,
      tpu.vector_store %arg6[%swap3A_221, %swap3A_222], %add3A_219 {strides = array<i32>} : memref<4x128xi32, #tpu.memory_space<vmem>>, vector<16xi32>,
      %get3A_224 = arith.constant 1 : i32
      %get3A_225 = arith.index_cast %get3A_224 : i32 to index
      %get3A_226 = arith.constant 112 : index
      %get3A_227 = tpu.vector_load %arg5[%get3A_225, %get3A_226] {strides = array<i32>} : memref<4x128xi32, #tpu.memory_space<vmem>>, vector<16xi32>,
      %shift_right_arithmetic3A_228 = arith.constant 1 : i32
      %shift_right_arithmetic3A_229 = vector.broadcast %shift_right_arithmetic3A_228 : i32 to vector<16xi32>
      %shift_right_arithmetic3A_230 = arith.shrsi %get3A_227, %shift_right_arithmetic3A_229 : vector<16xi32>
      %add3A_231 = arith.constant 51200 : i32
      %add3A_232 = vector.broadcast %add3A_231 : i32 to vector<16xi32>
      %add3A_233 = arith.addi %shift_right_arithmetic3A_230, %add3A_232 : vector<16xi32>
      %swap3A_234 = arith.constant 1 : i32
      %swap3A_235 = arith.index_cast %swap3A_234 : i32 to index
      %swap3A_236 = arith.constant 112 : index
      %swap3A_237 = tpu.vector_load %arg6[%swap3A_235, %swap3A_236] {strides = array<i32>} : memref<4x128xi32, #tpu.memory_space<vmem>>, vector<16xi32>,
      tpu.vector_store %arg6[%swap3A_235, %swap3A_236], %add3A_233 {strides = array<i32>} : memref<4x128xi32, #tpu.memory_space<vmem>>, vector<16xi32>,
      %get3A_238 = arith.constant 2 : i32
      %get3A_239 = arith.index_cast %get3A_238 : i32 to index
      %get3A_240 = arith.constant 0 : index
      %get3A_241 = tpu.vector_load %arg5[%get3A_239, %get3A_240] {strides = array<i32>} : memref<4x128xi32, #tpu.memory_space<vmem>>, vector<16xi32>,
      %shift_right_arithmetic3A_242 = arith.constant 1 : i32
      %shift_right_arithmetic3A_243 = vector.broadcast %shift_right_arithmetic3A_242 : i32 to vector<16xi32>
      %shift_right_arithmetic3A_244 = arith.shrsi %get3A_241, %shift_right_arithmetic3A_243 : vector<16xi32>
      %add3A_245 = arith.constant 102400 : i32
      %add3A_246 = vector.broadcast %add3A_245 : i32 to vector<16xi32>
      %add3A_247 = arith.addi %shift_right_arithmetic3A_244, %add3A_246 : vector<16xi32>
      %swap3A_248 = arith.constant 2 : i32
      %swap3A_249 = arith.index_cast %swap3A_248 : i32 to index
      %swap3A_250 = arith.constant 0 : index
      %swap3A_251 = tpu.vector_load %arg6[%swap3A_249, %swap3A_250] {strides = array<i32>} : memref<4x128xi32, #tpu.memory_space<vmem>>, vector<16xi32>,
      tpu.vector_store %arg6[%swap3A_249, %swap3A_250], %add3A_247 {strides = array<i32>} : memref<4x128xi32, #tpu.memory_space<vmem>>, vector<16xi32>,
      %get3A_252 = arith.constant 2 : i32
      %get3A_253 = arith.index_cast %get3A_252 : i32 to index
      %get3A_254 = arith.constant 16 : index
      %get3A_255 = tpu.vector_load %arg5[%get3A_253, %get3A_254] {strides = array<i32>} : memref<4x128xi32, #tpu.memory_space<vmem>>, vector<16xi32>,
      %shift_right_arithmetic3A_256 = arith.constant 1 : i32
      %shift_right_arithmetic3A_257 = vector.broadcast %shift_right_arithmetic3A_256 : i32 to vector<16xi32>
      %shift_right_arithmetic3A_258 = arith.shrsi %get3A_255, %shift_right_arithmetic3A_257 : vector<16xi32>
      %add3A_259 = arith.constant 102400 : i32
      %add3A_260 = vector.broadcast %add3A_259 : i32 to vector<16xi32>
      %add3A_261 = arith.addi %shift_right_arithmetic3A_258, %add3A_260 : vector<16xi32>
      %swap3A_262 = arith.constant 2 : i32
      %swap3A_263 = arith.index_cast %swap3A_262 : i32 to index
      %swap3A_264 = arith.constant 16 : index
      %swap3A_265 = tpu.vector_load %arg6[%swap3A_263, %swap3A_264] {strides = array<i32>} : memref<4x128xi32, #tpu.memory_space<vmem>>, vector<16xi32>,
      tpu.vector_store %arg6[%swap3A_263, %swap3A_264], %add3A_261 {strides = array<i32>} : memref<4x128xi32, #tpu.memory_space<vmem>>, vector<16xi32>,
      %get3A_266 = arith.constant 2 : i32
      %get3A_267 = arith.index_cast %get3A_266 : i32 to index
      %get3A_268 = arith.constant 32 : index
      %get3A_269 = tpu.vector_load %arg5[%get3A_267, %get3A_268] {strides = array<i32>} : memref<4x128xi32, #tpu.memory_space<vmem>>, vector<16xi32>,
      %shift_right_arithmetic3A_270 = arith.constant 1 : i32
      %shift_right_arithmetic3A_271 = vector.broadcast %shift_right_arithmetic3A_270 : i32 to vector<16xi32>
      %shift_right_arithmetic3A_272 = arith.shrsi %get3A_269, %shift_right_arithmetic3A_271 : vector<16xi32>
      %add3A_273 = arith.constant 102400 : i32
      %add3A_274 = vector.broadcast %add3A_273 : i32 to vector<16xi32>
      %add3A_275 = arith.addi %shift_right_arithmetic3A_272, %add3A_274 : vector<16xi32>
      %swap3A_276 = arith.constant 2 : i32
      %swap3A_277 = arith.index_cast %swap3A_276 : i32 to index
      %swap3A_278 = arith.constant 32 : index
      %swap3A_279 = tpu.vector_load %arg6[%swap3A_277, %swap3A_278] {strides = array<i32>} : memref<4x128xi32, #tpu.memory_space<vmem>>, vector<16xi32>,
      tpu.vector_store %arg6[%swap3A_277, %swap3A_278], %add3A_275 {strides = array<i32>} : memref<4x128xi32, #tpu.memory_space<vmem>>, vector<16xi32>,
      %get3A_280 = arith.constant 2 : i32
      %get3A_281 = arith.index_cast %get3A_280 : i32 to index
      %get3A_282 = arith.constant 48 : index
      %get3A_283 = tpu.vector_load %arg5[%get3A_281, %get3A_282] {strides = array<i32>} : memref<4x128xi32, #tpu.memory_space<vmem>>, vector<16xi32>,
      %shift_right_arithmetic3A_284 = arith.constant 1 : i32
      %shift_right_arithmetic3A_285 = vector.broadcast %shift_right_arithmetic3A_284 : i32 to vector<16xi32>
      %shift_right_arithmetic3A_286 = arith.shrsi %get3A_283, %shift_right_arithmetic3A_285 : vector<16xi32>
      %add3A_287 = arith.constant 102400 : i32
      %add3A_288 = vector.broadcast %add3A_287 : i32 to vector<16xi32>
      %add3A_289 = arith.addi %shift_right_arithmetic3A_286, %add3A_288 : vector<16xi32>
      %swap3A_290 = arith.constant 2 : i32
      %swap3A_291 = arith.index_cast %swap3A_290 : i32 to index
      %swap3A_292 = arith.constant 48 : index
      %swap3A_293 = tpu.vector_load %arg6[%swap3A_291, %swap3A_292] {strides = array<i32>} : memref<4x128xi32, #tpu.memory_space<vmem>>, vector<16xi32>,
      tpu.vector_store %arg6[%swap3A_291, %swap3A_292], %add3A_289 {strides = array<i32>} : memref<4x128xi32, #tpu.memory_space<vmem>>, vector<16xi32>,
      %get3A_294 = arith.constant 2 : i32
      %get3A_295 = arith.index_cast %get3A_294 : i32 to index
      %get3A_296 = arith.constant 64 : index
      %get3A_297 = tpu.vector_load %arg5[%get3A_295, %get3A_296] {strides = array<i32>} : memref<4x128xi32, #tpu.memory_space<vmem>>, vector<16xi32>,
      %shift_right_arithmetic3A_298 = arith.constant 1 : i32
      %shift_right_arithmetic3A_299 = vector.broadcast %shift_right_arithmetic3A_298 : i32 to vector<16xi32>
      %shift_right_arithmetic3A_300 = arith.shrsi %get3A_297, %shift_right_arithmetic3A_299 : vector<16xi32>
      %add3A_301 = arith.constant 102400 : i32
      %add3A_302 = vector.broadcast %add3A_301 : i32 to vector<16xi32>
      %add3A_303 = arith.addi %shift_right_arithmetic3A_300, %add3A_302 : vector<16xi32>
      %swap3A_304 = arith.constant 2 : i32
      %swap3A_305 = arith.index_cast %swap3A_304 : i32 to index
      %swap3A_306 = arith.constant 64 : index
      %swap3A_307 = tpu.vector_load %arg6[%swap3A_305, %swap3A_306] {strides = array<i32>} : memref<4x128xi32, #tpu.memory_space<vmem>>, vector<16xi32>,
      tpu.vector_store %arg6[%swap3A_305, %swap3A_306], %add3A_303 {strides = array<i32>} : memref<4x128xi32, #tpu.memory_space<vmem>>, vector<16xi32>,
      %get3A_308 = arith.constant 2 : i32
      %get3A_309 = arith.index_cast %get3A_308 : i32 to index
      %get3A_310 = arith.constant 80 : index
      %get3A_311 = tpu.vector_load %arg5[%get3A_309, %get3A_310] {strides = array<i32>} : memref<4x128xi32, #tpu.memory_space<vmem>>, vector<16xi32>,
      %shift_right_arithmetic3A_312 = arith.constant 1 : i32
      %shift_right_arithmetic3A_313 = vector.broadcast %shift_right_arithmetic3A_312 : i32 to vector<16xi32>
      %shift_right_arithmetic3A_314 = arith.shrsi %get3A_311, %shift_right_arithmetic3A_313 : vector<16xi32>
      %add3A_315 = arith.constant 102400 : i32
      %add3A_316 = vector.broadcast %add3A_315 : i32 to vector<16xi32>
      %add3A_317 = arith.addi %shift_right_arithmetic3A_314, %add3A_316 : vector<16xi32>
      %swap3A_318 = arith.constant 2 : i32
      %swap3A_319 = arith.index_cast %swap3A_318 : i32 to index
      %swap3A_320 = arith.constant 80 : index
      %swap3A_321 = tpu.vector_load %arg6[%swap3A_319, %swap3A_320] {strides = array<i32>} : memref<4x128xi32, #tpu.memory_space<vmem>>, vector<16xi32>,
      tpu.vector_store %arg6[%swap3A_319, %swap3A_320], %add3A_317 {strides = array<i32>} : memref<4x128xi32, #tpu.memory_space<vmem>>, vector<16xi32>,
      %get3A_322 = arith.constant 2 : i32
      %get3A_323 = arith.index_cast %get3A_322 : i32 to index
      %get3A_324 = arith.constant 96 : index
      %get3A_325 = tpu.vector_load %arg5[%get3A_323, %get3A_324] {strides = array<i32>} : memref<4x128xi32, #tpu.memory_space<vmem>>, vector<16xi32>,
      %shift_right_arithmetic3A_326 = arith.constant 1 : i32
      %shift_right_arithmetic3A_327 = vector.broadcast %shift_right_arithmetic3A_326 : i32 to vector<16xi32>
      %shift_right_arithmetic3A_328 = arith.shrsi %get3A_325, %shift_right_arithmetic3A_327 : vector<16xi32>
      %add3A_329 = arith.constant 102400 : i32
      %add3A_330 = vector.broadcast %add3A_329 : i32 to vector<16xi32>
      %add3A_331 = arith.addi %shift_right_arithmetic3A_328, %add3A_330 : vector<16xi32>
      %swap3A_332 = arith.constant 2 : i32
      %swap3A_333 = arith.index_cast %swap3A_332 : i32 to index
      %swap3A_334 = arith.constant 96 : index
      %swap3A_335 = tpu.vector_load %arg6[%swap3A_333, %swap3A_334] {strides = array<i32>} : memref<4x128xi32, #tpu.memory_space<vmem>>, vector<16xi32>,
      tpu.vector_store %arg6[%swap3A_333, %swap3A_334], %add3A_331 {strides = array<i32>} : memref<4x128xi32, #tpu.memory_space<vmem>>, vector<16xi32>,
      %get3A_336 = arith.constant 2 : i32
      %get3A_337 = arith.index_cast %get3A_336 : i32 to index
      %get3A_338 = arith.constant 112 : index
      %get3A_339 = tpu.vector_load %arg5[%get3A_337, %get3A_338] {strides = array<i32>} : memref<4x128xi32, #tpu.memory_space<vmem>>, vector<16xi32>,
      %shift_right_arithmetic3A_340 = arith.constant 1 : i32
      %shift_right_arithmetic3A_341 = vector.broadcast %shift_right_arithmetic3A_340 : i32 to vector<16xi32>
      %shift_right_arithmetic3A_342 = arith.shrsi %get3A_339, %shift_right_arithmetic3A_341 : vector<16xi32>
      %add3A_343 = arith.constant 102400 : i32
      %add3A_344 = vector.broadcast %add3A_343 : i32 to vector<16xi32>
      %add3A_345 = arith.addi %shift_right_arithmetic3A_342, %add3A_344 : vector<16xi32>
      %swap3A_346 = arith.constant 2 : i32
      %swap3A_347 = arith.index_cast %swap3A_346 : i32 to index
      %swap3A_348 = arith.constant 112 : index
      %swap3A_349 = tpu.vector_load %arg6[%swap3A_347, %swap3A_348] {strides = array<i32>} : memref<4x128xi32, #tpu.memory_space<vmem>>, vector<16xi32>,
      tpu.vector_store %arg6[%swap3A_347, %swap3A_348], %add3A_345 {strides = array<i32>} : memref<4x128xi32, #tpu.memory_space<vmem>>, vector<16xi32>,
      %get3A_350 = arith.constant 3 : i32
      %get3A_351 = arith.index_cast %get3A_350 : i32 to index
      %get3A_352 = arith.constant 0 : index
      %get3A_353 = tpu.vector_load %arg5[%get3A_351, %get3A_352] {strides = array<i32>} : memref<4x128xi32, #tpu.memory_space<vmem>>, vector<16xi32>,
      %shift_right_arithmetic3A_354 = arith.constant 1 : i32
      %shift_right_arithmetic3A_355 = vector.broadcast %shift_right_arithmetic3A_354 : i32 to vector<16xi32>
      %shift_right_arithmetic3A_356 = arith.shrsi %get3A_353, %shift_right_arithmetic3A_355 : vector<16xi32>
      %add3A_357 = arith.constant 153600 : i32
      %add3A_358 = vector.broadcast %add3A_357 : i32 to vector<16xi32>
      %add3A_359 = arith.addi %shift_right_arithmetic3A_356, %add3A_358 : vector<16xi32>
      %swap3A_360 = arith.constant 3 : i32
      %swap3A_361 = arith.index_cast %swap3A_360 : i32 to index
      %swap3A_362 = arith.constant 0 : index
      %swap3A_363 = tpu.vector_load %arg6[%swap3A_361, %swap3A_362] {strides = array<i32>} : memref<4x128xi32, #tpu.memory_space<vmem>>, vector<16xi32>,
      tpu.vector_store %arg6[%swap3A_361, %swap3A_362], %add3A_359 {strides = array<i32>} : memref<4x128xi32, #tpu.memory_space<vmem>>, vector<16xi32>,
      %get3A_364 = arith.constant 3 : i32
      %get3A_365 = arith.index_cast %get3A_364 : i32 to index
      %get3A_366 = arith.constant 16 : index
      %get3A_367 = tpu.vector_load %arg5[%get3A_365, %get3A_366] {strides = array<i32>} : memref<4x128xi32, #tpu.memory_space<vmem>>, vector<16xi32>,
      %shift_right_arithmetic3A_368 = arith.constant 1 : i32
      %shift_right_arithmetic3A_369 = vector.broadcast %shift_right_arithmetic3A_368 : i32 to vector<16xi32>
      %shift_right_arithmetic3A_370 = arith.shrsi %get3A_367, %shift_right_arithmetic3A_369 : vector<16xi32>
      %add3A_371 = arith.constant 153600 : i32
      %add3A_372 = vector.broadcast %add3A_371 : i32 to vector<16xi32>
      %add3A_373 = arith.addi %shift_right_arithmetic3A_370, %add3A_372 : vector<16xi32>
      %swap3A_374 = arith.constant 3 : i32
      %swap3A_375 = arith.index_cast %swap3A_374 : i32 to index
      %swap3A_376 = arith.constant 16 : index
      %swap3A_377 = tpu.vector_load %arg6[%swap3A_375, %swap3A_376] {strides = array<i32>} : memref<4x128xi32, #tpu.memory_space<vmem>>, vector<16xi32>,
      tpu.vector_store %arg6[%swap3A_375, %swap3A_376], %add3A_373 {strides = array<i32>} : memref<4x128xi32, #tpu.memory_space<vmem>>, vector<16xi32>,
      %get3A_378 = arith.constant 3 : i32
      %get3A_379 = arith.index_cast %get3A_378 : i32 to index
      %get3A_380 = arith.constant 32 : index
      %get3A_381 = tpu.vector_load %arg5[%get3A_379, %get3A_380] {strides = array<i32>} : memref<4x128xi32, #tpu.memory_space<vmem>>, vector<16xi32>,
      %shift_right_arithmetic3A_382 = arith.constant 1 : i32
      %shift_right_arithmetic3A_383 = vector.broadcast %shift_right_arithmetic3A_382 : i32 to vector<16xi32>
      %shift_right_arithmetic3A_384 = arith.shrsi %get3A_381, %shift_right_arithmetic3A_383 : vector<16xi32>
      %add3A_385 = arith.constant 153600 : i32
      %add3A_386 = vector.broadcast %add3A_385 : i32 to vector<16xi32>
      %add3A_387 = arith.addi %shift_right_arithmetic3A_384, %add3A_386 : vector<16xi32>
      %swap3A_388 = arith.constant 3 : i32
      %swap3A_389 = arith.index_cast %swap3A_388 : i32 to index
      %swap3A_390 = arith.constant 32 : index
      %swap3A_391 = tpu.vector_load %arg6[%swap3A_389, %swap3A_390] {strides = array<i32>} : memref<4x128xi32, #tpu.memory_space<vmem>>, vector<16xi32>,
      tpu.vector_store %arg6[%swap3A_389, %swap3A_390], %add3A_387 {strides = array<i32>} : memref<4x128xi32, #tpu.memory_space<vmem>>, vector<16xi32>,
      %get3A_392 = arith.constant 3 : i32
      %get3A_393 = arith.index_cast %get3A_392 : i32 to index
      %get3A_394 = arith.constant 48 : index
      %get3A_395 = tpu.vector_load %arg5[%get3A_393, %get3A_394] {strides = array<i32>} : memref<4x128xi32, #tpu.memory_space<vmem>>, vector<16xi32>,
      %shift_right_arithmetic3A_396 = arith.constant 1 : i32
      %shift_right_arithmetic3A_397 = vector.broadcast %shift_right_arithmetic3A_396 : i32 to vector<16xi32>
      %shift_right_arithmetic3A_398 = arith.shrsi %get3A_395, %shift_right_arithmetic3A_397 : vector<16xi32>
      %add3A_399 = arith.constant 153600 : i32
      %add3A_400 = vector.broadcast %add3A_399 : i32 to vector<16xi32>
      %add3A_401 = arith.addi %shift_right_arithmetic3A_398, %add3A_400 : vector<16xi32>
      %swap3A_402 = arith.constant 3 : i32
      %swap3A_403 = arith.index_cast %swap3A_402 : i32 to index
      %swap3A_404 = arith.constant 48 : index
      %swap3A_405 = tpu.vector_load %arg6[%swap3A_403, %swap3A_404] {strides = array<i32>} : memref<4x128xi32, #tpu.memory_space<vmem>>, vector<16xi32>,
      tpu.vector_store %arg6[%swap3A_403, %swap3A_404], %add3A_401 {strides = array<i32>} : memref<4x128xi32, #tpu.memory_space<vmem>>, vector<16xi32>,
      %get3A_406 = arith.constant 3 : i32
      %get3A_407 = arith.index_cast %get3A_406 : i32 to index
      %get3A_408 = arith.constant 64 : index
      %get3A_409 = tpu.vector_load %arg5[%get3A_407, %get3A_408] {strides = array<i32>} : memref<4x128xi32, #tpu.memory_space<vmem>>, vector<16xi32>,
      %shift_right_arithmetic3A_410 = arith.constant 1 : i32
      %shift_right_arithmetic3A_411 = vector.broadcast %shift_right_arithmetic3A_410 : i32 to vector<16xi32>
      %shift_right_arithmetic3A_412 = arith.shrsi %get3A_409, %shift_right_arithmetic3A_411 : vector<16xi32>
      %add3A_413 = arith.constant 153600 : i32
      %add3A_414 = vector.broadcast %add3A_413 : i32 to vector<16xi32>
      %add3A_415 = arith.addi %shift_right_arithmetic3A_412, %add3A_414 : vector<16xi32>
      %swap3A_416 = arith.constant 3 : i32
      %swap3A_417 = arith.index_cast %swap3A_416 : i32 to index
      %swap3A_418 = arith.constant 64 : index
      %swap3A_419 = tpu.vector_load %arg6[%swap3A_417, %swap3A_418] {strides = array<i32>} : memref<4x128xi32, #tpu.memory_space<vmem>>, vector<16xi32>,
      tpu.vector_store %arg6[%swap3A_417, %swap3A_418], %add3A_415 {strides = array<i32>} : memref<4x128xi32, #tpu.memory_space<vmem>>, vector<16xi32>,
      %get3A_420 = arith.constant 3 : i32
      %get3A_421 = arith.index_cast %get3A_420 : i32 to index
      %get3A_422 = arith.constant 80 : index
      %get3A_423 = tpu.vector_load %arg5[%get3A_421, %get3A_422] {strides = array<i32>} : memref<4x128xi32, #tpu.memory_space<vmem>>, vector<16xi32>,
      %shift_right_arithmetic3A_424 = arith.constant 1 : i32
      %shift_right_arithmetic3A_425 = vector.broadcast %shift_right_arithmetic3A_424 : i32 to vector<16xi32>
      %shift_right_arithmetic3A_426 = arith.shrsi %get3A_423, %shift_right_arithmetic3A_425 : vector<16xi32>
      %add3A_427 = arith.constant 153600 : i32
      %add3A_428 = vector.broadcast %add3A_427 : i32 to vector<16xi32>
      %add3A_429 = arith.addi %shift_right_arithmetic3A_426, %add3A_428 : vector<16xi32>
      %swap3A_430 = arith.constant 3 : i32
      %swap3A_431 = arith.index_cast %swap3A_430 : i32 to index
      %swap3A_432 = arith.constant 80 : index
      %swap3A_433 = tpu.vector_load %arg6[%swap3A_431, %swap3A_432] {strides = array<i32>} : memref<4x128xi32, #tpu.memory_space<vmem>>, vector<16xi32>,
      tpu.vector_store %arg6[%swap3A_431, %swap3A_432], %add3A_429 {strides = array<i32>} : memref<4x128xi32, #tpu.memory_space<vmem>>, vector<16xi32>,
      %get3A_434 = arith.constant 3 : i32
      %get3A_435 = arith.index_cast %get3A_434 : i32 to index
      %get3A_436 = arith.constant 96 : index
      %get3A_437 = tpu.vector_load %arg5[%get3A_435, %get3A_436] {strides = array<i32>} : memref<4x128xi32, #tpu.memory_space<vmem>>, vector<16xi32>,
      %shift_right_arithmetic3A_438 = arith.constant 1 : i32
      %shift_right_arithmetic3A_439 = vector.broadcast %shift_right_arithmetic3A_438 : i32 to vector<16xi32>
      %shift_right_arithmetic3A_440 = arith.shrsi %get3A_437, %shift_right_arithmetic3A_439 : vector<16xi32>
      %add3A_441 = arith.constant 153600 : i32
      %add3A_442 = vector.broadcast %add3A_441 : i32 to vector<16xi32>
      %add3A_443 = arith.addi %shift_right_arithmetic3A_440, %add3A_442 : vector<16xi32>
      %swap3A_444 = arith.constant 3 : i32
      %swap3A_445 = arith.index_cast %swap3A_444 : i32 to index
      %swap3A_446 = arith.constant 96 : index
      %swap3A_447 = tpu.vector_load %arg6[%swap3A_445, %swap3A_446] {strides = array<i32>} : memref<4x128xi32, #tpu.memory_space<vmem>>, vector<16xi32>,
      tpu.vector_store %arg6[%swap3A_445, %swap3A_446], %add3A_443 {strides = array<i32>} : memref<4x128xi32, #tpu.memory_space<vmem>>, vector<16xi32>,
      %get3A_448 = arith.constant 3 : i32
      %get3A_449 = arith.index_cast %get3A_448 : i32 to index
      %get3A_450 = arith.constant 112 : index
      %get3A_451 = tpu.vector_load %arg5[%get3A_449, %get3A_450] {strides = array<i32>} : memref<4x128xi32, #tpu.memory_space<vmem>>, vector<16xi32>,
      %shift_right_arithmetic3A_452 = arith.constant 1 : i32
      %shift_right_arithmetic3A_453 = vector.broadcast %shift_right_arithmetic3A_452 : i32 to vector<16xi32>
      %shift_right_arithmetic3A_454 = arith.shrsi %get3A_451, %shift_right_arithmetic3A_453 : vector<16xi32>
      %add3A_455 = arith.constant 153600 : i32
      %add3A_456 = vector.broadcast %add3A_455 : i32 to vector<16xi32>
      %add3A_457 = arith.addi %shift_right_arithmetic3A_454, %add3A_456 : vector<16xi32>
      %swap3A_458 = arith.constant 3 : i32
      %swap3A_459 = arith.index_cast %swap3A_458 : i32 to index
      %swap3A_460 = arith.constant 112 : index
      %swap3A_461 = tpu.vector_load %arg6[%swap3A_459, %swap3A_460] {strides = array<i32>} : memref<4x128xi32, #tpu.memory_space<vmem>>, vector<16xi32>,
      tpu.vector_store %arg6[%swap3A_459, %swap3A_460], %add3A_457 {strides = array<i32>} : memref<4x128xi32, #tpu.memory_space<vmem>>, vector<16xi32>,
      %dma_start3A = arith.constant 0 : i32
      %dma_start3A_462 = arith.constant 0 : i32
      %dma_start3A_463 = arith.constant 0 : i32
      %dma_start3A_464 = tpu.memref_slice %arg7[%dma_start3A_462, %dma_start3A_463] : memref<512x128xf32, #tpu.memory_space<vmem>> -> memref<128x128xf32, #tpu.memory_space<vmem>>
      %dma_start3A_465 = arith.constant 0 : i32
      %dma_start3A_466 = tpu.memref_slice %arg6[%dma_start3A, %dma_start3A_465] : memref<4x128xi32, #tpu.memory_space<vmem>> -> memref<1x128xi32, #tpu.memory_space<vmem>>
      %dma_start3A_467 = tpu.memref_squeeze %dma_start3A_466 : memref<1x128xi32, #tpu.memory_space<vmem>> -> memref<128xi32, #tpu.memory_space<vmem>>
      %dma_start3A_468 = arith.constant 0 : i32
      %dma_start3A_469 = arith.constant 0 : i32
      %dma_start3A_470 = tpu.memref_slice %arg3[%dma_start3A_468, %dma_start3A_469] : memref<204800x128xf32, #tpu.memory_space<hbm>> -> memref<204800x128xf32, #tpu.memory_space<hbm>>
      tpu.enqueue_indirect_dma source(%dma_start3A_470 : memref<204800x128xf32, #tpu.memory_space<hbm>>) target(%dma_start3A_464 : memref<128x128xf32, #tpu.memory_space<vmem>>) offsets(%dma_start3A_467 : memref<128xi32, #tpu.memory_space<vmem>>) semaphore(%arg9 : memref<!tpu.dma_semaphore, #tpu.memory_space<semaphore_mem>>)
      %dma_start3A_471 = arith.constant 1 : i32
      %dma_start3A_472 = arith.constant 128 : i32
      %dma_start3A_473 = arith.constant 0 : i32
      %dma_start3A_474 = tpu.memref_slice %arg7[%dma_start3A_472, %dma_start3A_473] : memref<512x128xf32, #tpu.memory_space<vmem>> -> memref<128x128xf32, #tpu.memory_space<vmem>>
      %dma_start3A_475 = arith.constant 0 : i32
      %dma_start3A_476 = tpu.memref_slice %arg6[%dma_start3A_471, %dma_start3A_475] : memref<4x128xi32, #tpu.memory_space<vmem>> -> memref<1x128xi32, #tpu.memory_space<vmem>>
      %dma_start3A_477 = tpu.memref_squeeze %dma_start3A_476 : memref<1x128xi32, #tpu.memory_space<vmem>> -> memref<128xi32, #tpu.memory_space<vmem>>
      %dma_start3A_478 = arith.constant 0 : i32
      %dma_start3A_479 = arith.constant 0 : i32
      %dma_start3A_480 = tpu.memref_slice %arg3[%dma_start3A_478, %dma_start3A_479] : memref<204800x128xf32, #tpu.memory_space<hbm>> -> memref<204800x128xf32, #tpu.memory_space<hbm>>
      tpu.enqueue_indirect_dma source(%dma_start3A_480 : memref<204800x128xf32, #tpu.memory_space<hbm>>) target(%dma_start3A_474 : memref<128x128xf32, #tpu.memory_space<vmem>>) offsets(%dma_start3A_477 : memref<128xi32, #tpu.memory_space<vmem>>) semaphore(%arg10 : memref<!tpu.dma_semaphore, #tpu.memory_space<semaphore_mem>>)
      %dma_start3A_481 = arith.constant 2 : i32
      %dma_start3A_482 = arith.constant 256 : i32
      %dma_start3A_483 = arith.constant 0 : i32
      %dma_start3A_484 = tpu.memref_slice %arg7[%dma_start3A_482, %dma_start3A_483] : memref<512x128xf32, #tpu.memory_space<vmem>> -> memref<128x128xf32, #tpu.memory_space<vmem>>
      %dma_start3A_485 = arith.constant 0 : i32
      %dma_start3A_486 = tpu.memref_slice %arg6[%dma_start3A_481, %dma_start3A_485] : memref<4x128xi32, #tpu.memory_space<vmem>> -> memref<1x128xi32, #tpu.memory_space<vmem>>
      %dma_start3A_487 = tpu.memref_squeeze %dma_start3A_486 : memref<1x128xi32, #tpu.memory_space<vmem>> -> memref<128xi32, #tpu.memory_space<vmem>>
      %dma_start3A_488 = arith.constant 0 : i32
      %dma_start3A_489 = arith.constant 0 : i32
      %dma_start3A_490 = tpu.memref_slice %arg3[%dma_start3A_488, %dma_start3A_489] : memref<204800x128xf32, #tpu.memory_space<hbm>> -> memref<204800x128xf32, #tpu.memory_space<hbm>>
      tpu.enqueue_indirect_dma source(%dma_start3A_490 : memref<204800x128xf32, #tpu.memory_space<hbm>>) target(%dma_start3A_484 : memref<128x128xf32, #tpu.memory_space<vmem>>) offsets(%dma_start3A_487 : memref<128xi32, #tpu.memory_space<vmem>>) semaphore(%arg11 : memref<!tpu.dma_semaphore, #tpu.memory_space<semaphore_mem>>)
      %dma_start3A_491 = arith.constant 3 : i32
      %dma_start3A_492 = arith.constant 384 : i32
      %dma_start3A_493 = arith.constant 0 : i32
      %dma_start3A_494 = tpu.memref_slice %arg7[%dma_start3A_492, %dma_start3A_493] : memref<512x128xf32, #tpu.memory_space<vmem>> -> memref<128x128xf32, #tpu.memory_space<vmem>>
      %dma_start3A_495 = arith.constant 0 : i32
      %dma_start3A_496 = tpu.memref_slice %arg6[%dma_start3A_491, %dma_start3A_495] : memref<4x128xi32, #tpu.memory_space<vmem>> -> memref<1x128xi32, #tpu.memory_space<vmem>>
      %dma_start3A_497 = tpu.memref_squeeze %dma_start3A_496 : memref<1x128xi32, #tpu.memory_space<vmem>> -> memref<128xi32, #tpu.memory_space<vmem>>
      %dma_start3A_498 = arith.constant 0 : i32
      %dma_start3A_499 = arith.constant 0 : i32
      %dma_start3A_500 = tpu.memref_slice %arg3[%dma_start3A_498, %dma_start3A_499] : memref<204800x128xf32, #tpu.memory_space<hbm>> -> memref<204800x128xf32, #tpu.memory_space<hbm>>
      tpu.enqueue_indirect_dma source(%dma_start3A_500 : memref<204800x128xf32, #tpu.memory_space<hbm>>) target(%dma_start3A_494 : memref<128x128xf32, #tpu.memory_space<vmem>>) offsets(%dma_start3A_497 : memref<128xi32, #tpu.memory_space<vmem>>) semaphore(%arg12 : memref<!tpu.dma_semaphore, #tpu.memory_space<semaphore_mem>>)
      %gt3A = arith.constant 0 : i32
      %gt3A_501 = arith.cmpi sgt, %scan3A_16, %gt3A : i32
      %convert_element_type3A = arith.extui %gt3A_501 : i1 to i32
      %cond3A = arith.constant 0 : i32
      %cond3A_502 = arith.cmpi ne, %convert_element_type3A, %cond3A : i32
      scf.if %cond3A_502 {
        %sub3A = arith.constant 1 : i32
        %sub3A_976 = arith.subi %scan3A_16, %sub3A : i32
        %dma_wait3A_977 = arith.constant 0 : i32
        %dma_wait3A_978 = arith.constant 0 : i32
        %dma_wait3A_979 = tpu.memref_slice %arg4[%sub3A_976, %dma_wait3A_977, %dma_wait3A_978, %multiple_of3A] : memref<200x4x64x4096xf32, #tpu.memory_space<hbm>> -> memref<1x4x64x128xf32, #tpu.memory_space<hbm>>
        %dma_wait3A_980 = tpu.memref_squeeze %dma_wait3A_979 : memref<1x4x64x128xf32, #tpu.memory_space<hbm>> -> memref<4x64x128xf32, #tpu.memory_space<hbm>>
        %dma_wait3A_981 = arith.constant 0 : i32
        %dma_wait3A_982 = arith.constant 0 : i32
        %dma_wait3A_983 = tpu.memref_slice %arg4[%sub3A_976, %dma_wait3A_981, %dma_wait3A_982, %multiple_of3A] : memref<200x4x64x4096xf32, #tpu.memory_space<hbm>> -> memref<1x4x64x128xf32, #tpu.memory_space<hbm>>
        %dma_wait3A_984 = tpu.memref_squeeze %dma_wait3A_983 : memref<1x4x64x128xf32, #tpu.memory_space<hbm>> -> memref<4x64x128xf32, #tpu.memory_space<hbm>>
        tpu.wait_dma2 semaphore(%arg13 : memref<!tpu.dma_semaphore, #tpu.memory_space<semaphore_mem>>) src(%arg8 : memref<4x64x128xf32, #tpu.memory_space<vmem>>) dst(%dma_wait3A_984 : memref<4x64x128xf32, #tpu.memory_space<hbm>>)
      } else {
      }
      %dma_wait3A_503 = arith.constant 0 : i32
      %dma_wait3A_504 = arith.constant 0 : i32
      %dma_wait3A_505 = arith.constant 0 : i32
      %dma_wait3A_506 = tpu.memref_slice %arg7[%dma_wait3A_504, %dma_wait3A_505] : memref<512x128xf32, #tpu.memory_space<vmem>> -> memref<128x128xf32, #tpu.memory_space<vmem>>
      %dma_wait3A_507 = arith.constant 0 : i32
      %dma_wait3A_508 = tpu.memref_slice %arg6[%dma_wait3A_503, %dma_wait3A_507] : memref<4x128xi32, #tpu.memory_space<vmem>> -> memref<1x128xi32, #tpu.memory_space<vmem>>
      %dma_wait3A_509 = tpu.memref_squeeze %dma_wait3A_508 : memref<1x128xi32, #tpu.memory_space<vmem>> -> memref<128xi32, #tpu.memory_space<vmem>>
      %dma_wait3A_510 = arith.constant 0 : i32
      %dma_wait3A_511 = arith.constant 0 : i32
      %dma_wait3A_512 = tpu.memref_slice %arg3[%dma_wait3A_510, %dma_wait3A_511] : memref<204800x128xf32, #tpu.memory_space<hbm>> -> memref<204800x128xf32, #tpu.memory_space<hbm>>
      tpu.wait_indirect_dma semaphore(%arg9 : memref<!tpu.dma_semaphore, #tpu.memory_space<semaphore_mem>>) src(%dma_wait3A_512 : memref<204800x128xf32, #tpu.memory_space<hbm>>) dst(%dma_wait3A_506 : memref<128x128xf32, #tpu.memory_space<vmem>>)
      %add3A_513 = arith.constant 0 : i32
      %add3A_514 = vector.broadcast %add3A_513 : i32 to vector<16xi32>
      %add3A_515 = arith.addi %add3A_514, %iota3A : vector<16xi32>
      %add3A_516 = arith.constant 16 : i32
      %add3A_517 = vector.broadcast %add3A_516 : i32 to vector<16xi32>
      %add3A_518 = arith.addi %add3A_517, %iota3A : vector<16xi32>
      %add3A_519 = arith.constant 32 : i32
      %add3A_520 = vector.broadcast %add3A_519 : i32 to vector<16xi32>
      %add3A_521 = arith.addi %add3A_520, %iota3A : vector<16xi32>
      %add3A_522 = arith.constant 48 : i32
      %add3A_523 = vector.broadcast %add3A_522 : i32 to vector<16xi32>
      %add3A_524 = arith.addi %add3A_523, %iota3A : vector<16xi32>
      %add3A_525 = arith.constant 64 : i32
      %add3A_526 = vector.broadcast %add3A_525 : i32 to vector<16xi32>
      %add3A_527 = arith.addi %add3A_526, %iota3A : vector<16xi32>
      %add3A_528 = arith.constant 80 : i32
      %add3A_529 = vector.broadcast %add3A_528 : i32 to vector<16xi32>
      %add3A_530 = arith.addi %add3A_529, %iota3A : vector<16xi32>
      %add3A_531 = arith.constant 96 : i32
      %add3A_532 = vector.broadcast %add3A_531 : i32 to vector<16xi32>
      %add3A_533 = arith.addi %add3A_532, %iota3A : vector<16xi32>
      %add3A_534 = arith.constant 112 : i32
      %add3A_535 = vector.broadcast %add3A_534 : i32 to vector<16xi32>
      %add3A_536 = arith.addi %add3A_535, %iota3A : vector<16xi32>
      %get3A_537 = arith.constant 0 : i32
      %get3A_538 = arith.index_cast %get3A_537 : i32 to index
      %get3A_539 = arith.constant 0 : index
      %get3A_540 = tpu.vector_load %arg5[%get3A_538, %get3A_539] {strides = array<i32>} : memref<4x128xi32, #tpu.memory_space<vmem>>, vector<16xi32>,
      %and3A = arith.constant 1 : i32
      %and3A_541 = vector.broadcast %and3A : i32 to vector<16xi32>
      %and3A_542 = arith.andi %get3A_540, %and3A_541 : vector<16xi32>
      %shift_left3A = arith.constant 6 : i32
      %shift_left3A_543 = vector.broadcast %shift_left3A : i32 to vector<16xi32>
      %shift_left3A_544 = arith.shli %and3A_542, %shift_left3A_543 : vector<16xi32>
      %get3A_545 = arith.constant 0 : i32
      %get3A_546 = arith.index_cast %get3A_545 : i32 to index
      %get3A_547 = arith.constant 16 : index
      %get3A_548 = tpu.vector_load %arg5[%get3A_546, %get3A_547] {strides = array<i32>} : memref<4x128xi32, #tpu.memory_space<vmem>>, vector<16xi32>,
      %and3A_549 = arith.constant 1 : i32
      %and3A_550 = vector.broadcast %and3A_549 : i32 to vector<16xi32>
      %and3A_551 = arith.andi %get3A_548, %and3A_550 : vector<16xi32>
      %shift_left3A_552 = arith.constant 6 : i32
      %shift_left3A_553 = vector.broadcast %shift_left3A_552 : i32 to vector<16xi32>
      %shift_left3A_554 = arith.shli %and3A_551, %shift_left3A_553 : vector<16xi32>
      %get3A_555 = arith.constant 0 : i32
      %get3A_556 = arith.index_cast %get3A_555 : i32 to index
      %get3A_557 = arith.constant 32 : index
      %get3A_558 = tpu.vector_load %arg5[%get3A_556, %get3A_557] {strides = array<i32>} : memref<4x128xi32, #tpu.memory_space<vmem>>, vector<16xi32>,
      %and3A_559 = arith.constant 1 : i32
      %and3A_560 = vector.broadcast %and3A_559 : i32 to vector<16xi32>
      %and3A_561 = arith.andi %get3A_558, %and3A_560 : vector<16xi32>
      %shift_left3A_562 = arith.constant 6 : i32
      %shift_left3A_563 = vector.broadcast %shift_left3A_562 : i32 to vector<16xi32>
      %shift_left3A_564 = arith.shli %and3A_561, %shift_left3A_563 : vector<16xi32>
      %get3A_565 = arith.constant 0 : i32
      %get3A_566 = arith.index_cast %get3A_565 : i32 to index
      %get3A_567 = arith.constant 48 : index
      %get3A_568 = tpu.vector_load %arg5[%get3A_566, %get3A_567] {strides = array<i32>} : memref<4x128xi32, #tpu.memory_space<vmem>>, vector<16xi32>,
      %and3A_569 = arith.constant 1 : i32
      %and3A_570 = vector.broadcast %and3A_569 : i32 to vector<16xi32>
      %and3A_571 = arith.andi %get3A_568, %and3A_570 : vector<16xi32>
      %shift_left3A_572 = arith.constant 6 : i32
      %shift_left3A_573 = vector.broadcast %shift_left3A_572 : i32 to vector<16xi32>
      %shift_left3A_574 = arith.shli %and3A_571, %shift_left3A_573 : vector<16xi32>
      %get3A_575 = arith.constant 0 : i32
      %get3A_576 = arith.index_cast %get3A_575 : i32 to index
      %get3A_577 = arith.constant 64 : index
      %get3A_578 = tpu.vector_load %arg5[%get3A_576, %get3A_577] {strides = array<i32>} : memref<4x128xi32, #tpu.memory_space<vmem>>, vector<16xi32>,
      %and3A_579 = arith.constant 1 : i32
      %and3A_580 = vector.broadcast %and3A_579 : i32 to vector<16xi32>
      %and3A_581 = arith.andi %get3A_578, %and3A_580 : vector<16xi32>
      %shift_left3A_582 = arith.constant 6 : i32
      %shift_left3A_583 = vector.broadcast %shift_left3A_582 : i32 to vector<16xi32>
      %shift_left3A_584 = arith.shli %and3A_581, %shift_left3A_583 : vector<16xi32>
      %get3A_585 = arith.constant 0 : i32
      %get3A_586 = arith.index_cast %get3A_585 : i32 to index
      %get3A_587 = arith.constant 80 : index
      %get3A_588 = tpu.vector_load %arg5[%get3A_586, %get3A_587] {strides = array<i32>} : memref<4x128xi32, #tpu.memory_space<vmem>>, vector<16xi32>,
      %and3A_589 = arith.constant 1 : i32
      %and3A_590 = vector.broadcast %and3A_589 : i32 to vector<16xi32>
      %and3A_591 = arith.andi %get3A_588, %and3A_590 : vector<16xi32>
      %shift_left3A_592 = arith.constant 6 : i32
      %shift_left3A_593 = vector.broadcast %shift_left3A_592 : i32 to vector<16xi32>
      %shift_left3A_594 = arith.shli %and3A_591, %shift_left3A_593 : vector<16xi32>
      %get3A_595 = arith.constant 0 : i32
      %get3A_596 = arith.index_cast %get3A_595 : i32 to index
      %get3A_597 = arith.constant 96 : index
      %get3A_598 = tpu.vector_load %arg5[%get3A_596, %get3A_597] {strides = array<i32>} : memref<4x128xi32, #tpu.memory_space<vmem>>, vector<16xi32>,
      %and3A_599 = arith.constant 1 : i32
      %and3A_600 = vector.broadcast %and3A_599 : i32 to vector<16xi32>
      %and3A_601 = arith.andi %get3A_598, %and3A_600 : vector<16xi32>
      %shift_left3A_602 = arith.constant 6 : i32
      %shift_left3A_603 = vector.broadcast %shift_left3A_602 : i32 to vector<16xi32>
      %shift_left3A_604 = arith.shli %and3A_601, %shift_left3A_603 : vector<16xi32>
      %get3A_605 = arith.constant 0 : i32
      %get3A_606 = arith.index_cast %get3A_605 : i32 to index
      %get3A_607 = arith.constant 112 : index
      %get3A_608 = tpu.vector_load %arg5[%get3A_606, %get3A_607] {strides = array<i32>} : memref<4x128xi32, #tpu.memory_space<vmem>>, vector<16xi32>,
      %and3A_609 = arith.constant 1 : i32
      %and3A_610 = vector.broadcast %and3A_609 : i32 to vector<16xi32>
      %and3A_611 = arith.andi %get3A_608, %and3A_610 : vector<16xi32>
      %shift_left3A_612 = arith.constant 6 : i32
      %shift_left3A_613 = vector.broadcast %shift_left3A_612 : i32 to vector<16xi32>
      %shift_left3A_614 = arith.shli %and3A_611, %shift_left3A_613 : vector<16xi32>
      %parallel_loop3A = arith.constant 0 : i32
      %parallel_loop3A_615 = arith.constant 64 : i32
      %parallel_loop3A_616 = arith.constant 1 : i32
      scf.for %parallel_loop3A_976 = %parallel_loop3A to %parallel_loop3A_615 step %parallel_loop3A_616  : i32 {
        %parallel_loop3A_977 = vector.broadcast %parallel_loop3A_976 : i32 to vector<16xi32>
        %parallel_loop3A_978 = arith.addi %shift_left3A_544, %parallel_loop3A_977 : vector<16xi32>
        %parallel_loop3A_979 = tpu.vector_load_idx %arg7[%add3A_515, %parallel_loop3A_978] : memref<512x128xf32, #tpu.memory_space<vmem>>[vector<16xi32>, vector<16xi32>], vector<16xf32>,
        %parallel_loop3A_980 = arith.constant 0 : i32
        %parallel_loop3A_981 = arith.index_cast %parallel_loop3A_980 : i32 to index
        %parallel_loop3A_982 = arith.index_cast %parallel_loop3A_976 : i32 to index
        %parallel_loop3A_983 = arith.constant 0 : index
        %parallel_loop3A_984 = tpu.vector_load %arg8[%parallel_loop3A_981, %parallel_loop3A_982, %parallel_loop3A_983] {strides = array<i32>} : memref<4x64x128xf32, #tpu.memory_space<vmem>>, vector<16xf32>,
        tpu.vector_store %arg8[%parallel_loop3A_981, %parallel_loop3A_982, %parallel_loop3A_983], %parallel_loop3A_979 {strides = array<i32>} : memref<4x64x128xf32, #tpu.memory_space<vmem>>, vector<16xf32>,
        %parallel_loop3A_985 = vector.broadcast %parallel_loop3A_976 : i32 to vector<16xi32>
        %parallel_loop3A_986 = arith.addi %shift_left3A_554, %parallel_loop3A_985 : vector<16xi32>
        %parallel_loop3A_987 = tpu.vector_load_idx %arg7[%add3A_518, %parallel_loop3A_986] : memref<512x128xf32, #tpu.memory_space<vmem>>[vector<16xi32>, vector<16xi32>], vector<16xf32>,
        %parallel_loop3A_988 = arith.constant 0 : i32
        %parallel_loop3A_989 = arith.index_cast %parallel_loop3A_988 : i32 to index
        %parallel_loop3A_990 = arith.index_cast %parallel_loop3A_976 : i32 to index
        %parallel_loop3A_991 = arith.constant 16 : index
        %parallel_loop3A_992 = tpu.vector_load %arg8[%parallel_loop3A_989, %parallel_loop3A_990, %parallel_loop3A_991] {strides = array<i32>} : memref<4x64x128xf32, #tpu.memory_space<vmem>>, vector<16xf32>,
        tpu.vector_store %arg8[%parallel_loop3A_989, %parallel_loop3A_990, %parallel_loop3A_991], %parallel_loop3A_987 {strides = array<i32>} : memref<4x64x128xf32, #tpu.memory_space<vmem>>, vector<16xf32>,
        %parallel_loop3A_993 = vector.broadcast %parallel_loop3A_976 : i32 to vector<16xi32>
        %parallel_loop3A_994 = arith.addi %shift_left3A_564, %parallel_loop3A_993 : vector<16xi32>
        %parallel_loop3A_995 = tpu.vector_load_idx %arg7[%add3A_521, %parallel_loop3A_994] : memref<512x128xf32, #tpu.memory_space<vmem>>[vector<16xi32>, vector<16xi32>], vector<16xf32>,
        %parallel_loop3A_996 = arith.constant 0 : i32
        %parallel_loop3A_997 = arith.index_cast %parallel_loop3A_996 : i32 to index
        %parallel_loop3A_998 = arith.index_cast %parallel_loop3A_976 : i32 to index
        %parallel_loop3A_999 = arith.constant 32 : index
        %parallel_loop3A_1000 = tpu.vector_load %arg8[%parallel_loop3A_997, %parallel_loop3A_998, %parallel_loop3A_999] {strides = array<i32>} : memref<4x64x128xf32, #tpu.memory_space<vmem>>, vector<16xf32>,
        tpu.vector_store %arg8[%parallel_loop3A_997, %parallel_loop3A_998, %parallel_loop3A_999], %parallel_loop3A_995 {strides = array<i32>} : memref<4x64x128xf32, #tpu.memory_space<vmem>>, vector<16xf32>,
        %parallel_loop3A_1001 = vector.broadcast %parallel_loop3A_976 : i32 to vector<16xi32>
        %parallel_loop3A_1002 = arith.addi %shift_left3A_574, %parallel_loop3A_1001 : vector<16xi32>
        %parallel_loop3A_1003 = tpu.vector_load_idx %arg7[%add3A_524, %parallel_loop3A_1002] : memref<512x128xf32, #tpu.memory_space<vmem>>[vector<16xi32>, vector<16xi32>], vector<16xf32>,
        %parallel_loop3A_1004 = arith.constant 0 : i32
        %parallel_loop3A_1005 = arith.index_cast %parallel_loop3A_1004 : i32 to index
        %parallel_loop3A_1006 = arith.index_cast %parallel_loop3A_976 : i32 to index
        %parallel_loop3A_1007 = arith.constant 48 : index
        %parallel_loop3A_1008 = tpu.vector_load %arg8[%parallel_loop3A_1005, %parallel_loop3A_1006, %parallel_loop3A_1007] {strides = array<i32>} : memref<4x64x128xf32, #tpu.memory_space<vmem>>, vector<16xf32>,
        tpu.vector_store %arg8[%parallel_loop3A_1005, %parallel_loop3A_1006, %parallel_loop3A_1007], %parallel_loop3A_1003 {strides = array<i32>} : memref<4x64x128xf32, #tpu.memory_space<vmem>>, vector<16xf32>,
        %parallel_loop3A_1009 = vector.broadcast %parallel_loop3A_976 : i32 to vector<16xi32>
        %parallel_loop3A_1010 = arith.addi %shift_left3A_584, %parallel_loop3A_1009 : vector<16xi32>
        %parallel_loop3A_1011 = tpu.vector_load_idx %arg7[%add3A_527, %parallel_loop3A_1010] : memref<512x128xf32, #tpu.memory_space<vmem>>[vector<16xi32>, vector<16xi32>], vector<16xf32>,
        %parallel_loop3A_1012 = arith.constant 0 : i32
        %parallel_loop3A_1013 = arith.index_cast %parallel_loop3A_1012 : i32 to index
        %parallel_loop3A_1014 = arith.index_cast %parallel_loop3A_976 : i32 to index
        %parallel_loop3A_1015 = arith.constant 64 : index
        %parallel_loop3A_1016 = tpu.vector_load %arg8[%parallel_loop3A_1013, %parallel_loop3A_1014, %parallel_loop3A_1015] {strides = array<i32>} : memref<4x64x128xf32, #tpu.memory_space<vmem>>, vector<16xf32>,
        tpu.vector_store %arg8[%parallel_loop3A_1013, %parallel_loop3A_1014, %parallel_loop3A_1015], %parallel_loop3A_1011 {strides = array<i32>} : memref<4x64x128xf32, #tpu.memory_space<vmem>>, vector<16xf32>,
        %parallel_loop3A_1017 = vector.broadcast %parallel_loop3A_976 : i32 to vector<16xi32>
        %parallel_loop3A_1018 = arith.addi %shift_left3A_594, %parallel_loop3A_1017 : vector<16xi32>
        %parallel_loop3A_1019 = tpu.vector_load_idx %arg7[%add3A_530, %parallel_loop3A_1018] : memref<512x128xf32, #tpu.memory_space<vmem>>[vector<16xi32>, vector<16xi32>], vector<16xf32>,
        %parallel_loop3A_1020 = arith.constant 0 : i32
        %parallel_loop3A_1021 = arith.index_cast %parallel_loop3A_1020 : i32 to index
        %parallel_loop3A_1022 = arith.index_cast %parallel_loop3A_976 : i32 to index
        %parallel_loop3A_1023 = arith.constant 80 : index
        %parallel_loop3A_1024 = tpu.vector_load %arg8[%parallel_loop3A_1021, %parallel_loop3A_1022, %parallel_loop3A_1023] {strides = array<i32>} : memref<4x64x128xf32, #tpu.memory_space<vmem>>, vector<16xf32>,
        tpu.vector_store %arg8[%parallel_loop3A_1021, %parallel_loop3A_1022, %parallel_loop3A_1023], %parallel_loop3A_1019 {strides = array<i32>} : memref<4x64x128xf32, #tpu.memory_space<vmem>>, vector<16xf32>,
        %parallel_loop3A_1025 = vector.broadcast %parallel_loop3A_976 : i32 to vector<16xi32>
        %parallel_loop3A_1026 = arith.addi %shift_left3A_604, %parallel_loop3A_1025 : vector<16xi32>
        %parallel_loop3A_1027 = tpu.vector_load_idx %arg7[%add3A_533, %parallel_loop3A_1026] : memref<512x128xf32, #tpu.memory_space<vmem>>[vector<16xi32>, vector<16xi32>], vector<16xf32>,
        %parallel_loop3A_1028 = arith.constant 0 : i32
        %parallel_loop3A_1029 = arith.index_cast %parallel_loop3A_1028 : i32 to index
        %parallel_loop3A_1030 = arith.index_cast %parallel_loop3A_976 : i32 to index
        %parallel_loop3A_1031 = arith.constant 96 : index
        %parallel_loop3A_1032 = tpu.vector_load %arg8[%parallel_loop3A_1029, %parallel_loop3A_1030, %parallel_loop3A_1031] {strides = array<i32>} : memref<4x64x128xf32, #tpu.memory_space<vmem>>, vector<16xf32>,
        tpu.vector_store %arg8[%parallel_loop3A_1029, %parallel_loop3A_1030, %parallel_loop3A_1031], %parallel_loop3A_1027 {strides = array<i32>} : memref<4x64x128xf32, #tpu.memory_space<vmem>>, vector<16xf32>,
        %parallel_loop3A_1033 = vector.broadcast %parallel_loop3A_976 : i32 to vector<16xi32>
        %parallel_loop3A_1034 = arith.addi %shift_left3A_614, %parallel_loop3A_1033 : vector<16xi32>
        %parallel_loop3A_1035 = tpu.vector_load_idx %arg7[%add3A_536, %parallel_loop3A_1034] : memref<512x128xf32, #tpu.memory_space<vmem>>[vector<16xi32>, vector<16xi32>], vector<16xf32>,
        %parallel_loop3A_1036 = arith.constant 0 : i32
        %parallel_loop3A_1037 = arith.index_cast %parallel_loop3A_1036 : i32 to index
        %parallel_loop3A_1038 = arith.index_cast %parallel_loop3A_976 : i32 to index
        %parallel_loop3A_1039 = arith.constant 112 : index
        %parallel_loop3A_1040 = tpu.vector_load %arg8[%parallel_loop3A_1037, %parallel_loop3A_1038, %parallel_loop3A_1039] {strides = array<i32>} : memref<4x64x128xf32, #tpu.memory_space<vmem>>, vector<16xf32>,
        tpu.vector_store %arg8[%parallel_loop3A_1037, %parallel_loop3A_1038, %parallel_loop3A_1039], %parallel_loop3A_1035 {strides = array<i32>} : memref<4x64x128xf32, #tpu.memory_space<vmem>>, vector<16xf32>,
      } {sc.loop_unroll_factor = 4 : i64, sc.parallel_access}
      %dma_wait3A_617 = arith.constant 1 : i32
      %dma_wait3A_618 = arith.constant 128 : i32
      %dma_wait3A_619 = arith.constant 0 : i32
      %dma_wait3A_620 = tpu.memref_slice %arg7[%dma_wait3A_618, %dma_wait3A_619] : memref<512x128xf32, #tpu.memory_space<vmem>> -> memref<128x128xf32, #tpu.memory_space<vmem>>
      %dma_wait3A_621 = arith.constant 0 : i32
      %dma_wait3A_622 = tpu.memref_slice %arg6[%dma_wait3A_617, %dma_wait3A_621] : memref<4x128xi32, #tpu.memory_space<vmem>> -> memref<1x128xi32, #tpu.memory_space<vmem>>
      %dma_wait3A_623 = tpu.memref_squeeze %dma_wait3A_622 : memref<1x128xi32, #tpu.memory_space<vmem>> -> memref<128xi32, #tpu.memory_space<vmem>>
      %dma_wait3A_624 = arith.constant 0 : i32
      %dma_wait3A_625 = arith.constant 0 : i32
      %dma_wait3A_626 = tpu.memref_slice %arg3[%dma_wait3A_624, %dma_wait3A_625] : memref<204800x128xf32, #tpu.memory_space<hbm>> -> memref<204800x128xf32, #tpu.memory_space<hbm>>
      tpu.wait_indirect_dma semaphore(%arg10 : memref<!tpu.dma_semaphore, #tpu.memory_space<semaphore_mem>>) src(%dma_wait3A_626 : memref<204800x128xf32, #tpu.memory_space<hbm>>) dst(%dma_wait3A_620 : memref<128x128xf32, #tpu.memory_space<vmem>>)
      %add3A_627 = arith.constant 128 : i32
      %add3A_628 = vector.broadcast %add3A_627 : i32 to vector<16xi32>
      %add3A_629 = arith.addi %add3A_628, %iota3A : vector<16xi32>
      %add3A_630 = arith.constant 144 : i32
      %add3A_631 = vector.broadcast %add3A_630 : i32 to vector<16xi32>
      %add3A_632 = arith.addi %add3A_631, %iota3A : vector<16xi32>
      %add3A_633 = arith.constant 160 : i32
      %add3A_634 = vector.broadcast %add3A_633 : i32 to vector<16xi32>
      %add3A_635 = arith.addi %add3A_634, %iota3A : vector<16xi32>
      %add3A_636 = arith.constant 176 : i32
      %add3A_637 = vector.broadcast %add3A_636 : i32 to vector<16xi32>
      %add3A_638 = arith.addi %add3A_637, %iota3A : vector<16xi32>
      %add3A_639 = arith.constant 192 : i32
      %add3A_640 = vector.broadcast %add3A_639 : i32 to vector<16xi32>
      %add3A_641 = arith.addi %add3A_640, %iota3A : vector<16xi32>
      %add3A_642 = arith.constant 208 : i32
      %add3A_643 = vector.broadcast %add3A_642 : i32 to vector<16xi32>
      %add3A_644 = arith.addi %add3A_643, %iota3A : vector<16xi32>
      %add3A_645 = arith.constant 224 : i32
      %add3A_646 = vector.broadcast %add3A_645 : i32 to vector<16xi32>
      %add3A_647 = arith.addi %add3A_646, %iota3A : vector<16xi32>
      %add3A_648 = arith.constant 240 : i32
      %add3A_649 = vector.broadcast %add3A_648 : i32 to vector<16xi32>
      %add3A_650 = arith.addi %add3A_649, %iota3A : vector<16xi32>
      %get3A_651 = arith.constant 1 : i32
      %get3A_652 = arith.index_cast %get3A_651 : i32 to index
      %get3A_653 = arith.constant 0 : index
      %get3A_654 = tpu.vector_load %arg5[%get3A_652, %get3A_653] {strides = array<i32>} : memref<4x128xi32, #tpu.memory_space<vmem>>, vector<16xi32>,
      %and3A_655 = arith.constant 1 : i32
      %and3A_656 = vector.broadcast %and3A_655 : i32 to vector<16xi32>
      %and3A_657 = arith.andi %get3A_654, %and3A_656 : vector<16xi32>
      %shift_left3A_658 = arith.constant 6 : i32
      %shift_left3A_659 = vector.broadcast %shift_left3A_658 : i32 to vector<16xi32>
      %shift_left3A_660 = arith.shli %and3A_657, %shift_left3A_659 : vector<16xi32>
      %get3A_661 = arith.constant 1 : i32
      %get3A_662 = arith.index_cast %get3A_661 : i32 to index
      %get3A_663 = arith.constant 16 : index
      %get3A_664 = tpu.vector_load %arg5[%get3A_662, %get3A_663] {strides = array<i32>} : memref<4x128xi32, #tpu.memory_space<vmem>>, vector<16xi32>,
      %and3A_665 = arith.constant 1 : i32
      %and3A_666 = vector.broadcast %and3A_665 : i32 to vector<16xi32>
      %and3A_667 = arith.andi %get3A_664, %and3A_666 : vector<16xi32>
      %shift_left3A_668 = arith.constant 6 : i32
      %shift_left3A_669 = vector.broadcast %shift_left3A_668 : i32 to vector<16xi32>
      %shift_left3A_670 = arith.shli %and3A_667, %shift_left3A_669 : vector<16xi32>
      %get3A_671 = arith.constant 1 : i32
      %get3A_672 = arith.index_cast %get3A_671 : i32 to index
      %get3A_673 = arith.constant 32 : index
      %get3A_674 = tpu.vector_load %arg5[%get3A_672, %get3A_673] {strides = array<i32>} : memref<4x128xi32, #tpu.memory_space<vmem>>, vector<16xi32>,
      %and3A_675 = arith.constant 1 : i32
      %and3A_676 = vector.broadcast %and3A_675 : i32 to vector<16xi32>
      %and3A_677 = arith.andi %get3A_674, %and3A_676 : vector<16xi32>
      %shift_left3A_678 = arith.constant 6 : i32
      %shift_left3A_679 = vector.broadcast %shift_left3A_678 : i32 to vector<16xi32>
      %shift_left3A_680 = arith.shli %and3A_677, %shift_left3A_679 : vector<16xi32>
      %get3A_681 = arith.constant 1 : i32
      %get3A_682 = arith.index_cast %get3A_681 : i32 to index
      %get3A_683 = arith.constant 48 : index
      %get3A_684 = tpu.vector_load %arg5[%get3A_682, %get3A_683] {strides = array<i32>} : memref<4x128xi32, #tpu.memory_space<vmem>>, vector<16xi32>,
      %and3A_685 = arith.constant 1 : i32
      %and3A_686 = vector.broadcast %and3A_685 : i32 to vector<16xi32>
      %and3A_687 = arith.andi %get3A_684, %and3A_686 : vector<16xi32>
      %shift_left3A_688 = arith.constant 6 : i32
      %shift_left3A_689 = vector.broadcast %shift_left3A_688 : i32 to vector<16xi32>
      %shift_left3A_690 = arith.shli %and3A_687, %shift_left3A_689 : vector<16xi32>
      %get3A_691 = arith.constant 1 : i32
      %get3A_692 = arith.index_cast %get3A_691 : i32 to index
      %get3A_693 = arith.constant 64 : index
      %get3A_694 = tpu.vector_load %arg5[%get3A_692, %get3A_693] {strides = array<i32>} : memref<4x128xi32, #tpu.memory_space<vmem>>, vector<16xi32>,
      %and3A_695 = arith.constant 1 : i32
      %and3A_696 = vector.broadcast %and3A_695 : i32 to vector<16xi32>
      %and3A_697 = arith.andi %get3A_694, %and3A_696 : vector<16xi32>
      %shift_left3A_698 = arith.constant 6 : i32
      %shift_left3A_699 = vector.broadcast %shift_left3A_698 : i32 to vector<16xi32>
      %shift_left3A_700 = arith.shli %and3A_697, %shift_left3A_699 : vector<16xi32>
      %get3A_701 = arith.constant 1 : i32
      %get3A_702 = arith.index_cast %get3A_701 : i32 to index
      %get3A_703 = arith.constant 80 : index
      %get3A_704 = tpu.vector_load %arg5[%get3A_702, %get3A_703] {strides = array<i32>} : memref<4x128xi32, #tpu.memory_space<vmem>>, vector<16xi32>,
      %and3A_705 = arith.constant 1 : i32
      %and3A_706 = vector.broadcast %and3A_705 : i32 to vector<16xi32>
      %and3A_707 = arith.andi %get3A_704, %and3A_706 : vector<16xi32>
      %shift_left3A_708 = arith.constant 6 : i32
      %shift_left3A_709 = vector.broadcast %shift_left3A_708 : i32 to vector<16xi32>
      %shift_left3A_710 = arith.shli %and3A_707, %shift_left3A_709 : vector<16xi32>
      %get3A_711 = arith.constant 1 : i32
      %get3A_712 = arith.index_cast %get3A_711 : i32 to index
      %get3A_713 = arith.constant 96 : index
      %get3A_714 = tpu.vector_load %arg5[%get3A_712, %get3A_713] {strides = array<i32>} : memref<4x128xi32, #tpu.memory_space<vmem>>, vector<16xi32>,
      %and3A_715 = arith.constant 1 : i32
      %and3A_716 = vector.broadcast %and3A_715 : i32 to vector<16xi32>
      %and3A_717 = arith.andi %get3A_714, %and3A_716 : vector<16xi32>
      %shift_left3A_718 = arith.constant 6 : i32
      %shift_left3A_719 = vector.broadcast %shift_left3A_718 : i32 to vector<16xi32>
      %shift_left3A_720 = arith.shli %and3A_717, %shift_left3A_719 : vector<16xi32>
      %get3A_721 = arith.constant 1 : i32
      %get3A_722 = arith.index_cast %get3A_721 : i32 to index
      %get3A_723 = arith.constant 112 : index
      %get3A_724 = tpu.vector_load %arg5[%get3A_722, %get3A_723] {strides = array<i32>} : memref<4x128xi32, #tpu.memory_space<vmem>>, vector<16xi32>,
      %and3A_725 = arith.constant 1 : i32
      %and3A_726 = vector.broadcast %and3A_725 : i32 to vector<16xi32>
      %and3A_727 = arith.andi %get3A_724, %and3A_726 : vector<16xi32>
      %shift_left3A_728 = arith.constant 6 : i32
      %shift_left3A_729 = vector.broadcast %shift_left3A_728 : i32 to vector<16xi32>
      %shift_left3A_730 = arith.shli %and3A_727, %shift_left3A_729 : vector<16xi32>
      %parallel_loop3A_731 = arith.constant 0 : i32
      %parallel_loop3A_732 = arith.constant 64 : i32
      %parallel_loop3A_733 = arith.constant 1 : i32
      scf.for %parallel_loop3A_976 = %parallel_loop3A_731 to %parallel_loop3A_732 step %parallel_loop3A_733  : i32 {
        %parallel_loop3A_977 = vector.broadcast %parallel_loop3A_976 : i32 to vector<16xi32>
        %parallel_loop3A_978 = arith.addi %shift_left3A_660, %parallel_loop3A_977 : vector<16xi32>
        %parallel_loop3A_979 = tpu.vector_load_idx %arg7[%add3A_629, %parallel_loop3A_978] : memref<512x128xf32, #tpu.memory_space<vmem>>[vector<16xi32>, vector<16xi32>], vector<16xf32>,
        %parallel_loop3A_980 = arith.constant 1 : i32
        %parallel_loop3A_981 = arith.index_cast %parallel_loop3A_980 : i32 to index
        %parallel_loop3A_982 = arith.index_cast %parallel_loop3A_976 : i32 to index
        %parallel_loop3A_983 = arith.constant 0 : index
        %parallel_loop3A_984 = tpu.vector_load %arg8[%parallel_loop3A_981, %parallel_loop3A_982, %parallel_loop3A_983] {strides = array<i32>} : memref<4x64x128xf32, #tpu.memory_space<vmem>>, vector<16xf32>,
        tpu.vector_store %arg8[%parallel_loop3A_981, %parallel_loop3A_982, %parallel_loop3A_983], %parallel_loop3A_979 {strides = array<i32>} : memref<4x64x128xf32, #tpu.memory_space<vmem>>, vector<16xf32>,
        %parallel_loop3A_985 = vector.broadcast %parallel_loop3A_976 : i32 to vector<16xi32>
        %parallel_loop3A_986 = arith.addi %shift_left3A_670, %parallel_loop3A_985 : vector<16xi32>
        %parallel_loop3A_987 = tpu.vector_load_idx %arg7[%add3A_632, %parallel_loop3A_986] : memref<512x128xf32, #tpu.memory_space<vmem>>[vector<16xi32>, vector<16xi32>], vector<16xf32>,
        %parallel_loop3A_988 = arith.constant 1 : i32
        %parallel_loop3A_989 = arith.index_cast %parallel_loop3A_988 : i32 to index
        %parallel_loop3A_990 = arith.index_cast %parallel_loop3A_976 : i32 to index
        %parallel_loop3A_991 = arith.constant 16 : index
        %parallel_loop3A_992 = tpu.vector_load %arg8[%parallel_loop3A_989, %parallel_loop3A_990, %parallel_loop3A_991] {strides = array<i32>} : memref<4x64x128xf32, #tpu.memory_space<vmem>>, vector<16xf32>,
        tpu.vector_store %arg8[%parallel_loop3A_989, %parallel_loop3A_990, %parallel_loop3A_991], %parallel_loop3A_987 {strides = array<i32>} : memref<4x64x128xf32, #tpu.memory_space<vmem>>, vector<16xf32>,
        %parallel_loop3A_993 = vector.broadcast %parallel_loop3A_976 : i32 to vector<16xi32>
        %parallel_loop3A_994 = arith.addi %shift_left3A_680, %parallel_loop3A_993 : vector<16xi32>
        %parallel_loop3A_995 = tpu.vector_load_idx %arg7[%add3A_635, %parallel_loop3A_994] : memref<512x128xf32, #tpu.memory_space<vmem>>[vector<16xi32>, vector<16xi32>], vector<16xf32>,
        %parallel_loop3A_996 = arith.constant 1 : i32
        %parallel_loop3A_997 = arith.index_cast %parallel_loop3A_996 : i32 to index
        %parallel_loop3A_998 = arith.index_cast %parallel_loop3A_976 : i32 to index
        %parallel_loop3A_999 = arith.constant 32 : index
        %parallel_loop3A_1000 = tpu.vector_load %arg8[%parallel_loop3A_997, %parallel_loop3A_998, %parallel_loop3A_999] {strides = array<i32>} : memref<4x64x128xf32, #tpu.memory_space<vmem>>, vector<16xf32>,
        tpu.vector_store %arg8[%parallel_loop3A_997, %parallel_loop3A_998, %parallel_loop3A_999], %parallel_loop3A_995 {strides = array<i32>} : memref<4x64x128xf32, #tpu.memory_space<vmem>>, vector<16xf32>,
        %parallel_loop3A_1001 = vector.broadcast %parallel_loop3A_976 : i32 to vector<16xi32>
        %parallel_loop3A_1002 = arith.addi %shift_left3A_690, %parallel_loop3A_1001 : vector<16xi32>
        %parallel_loop3A_1003 = tpu.vector_load_idx %arg7[%add3A_638, %parallel_loop3A_1002] : memref<512x128xf32, #tpu.memory_space<vmem>>[vector<16xi32>, vector<16xi32>], vector<16xf32>,
        %parallel_loop3A_1004 = arith.constant 1 : i32
        %parallel_loop3A_1005 = arith.index_cast %parallel_loop3A_1004 : i32 to index
        %parallel_loop3A_1006 = arith.index_cast %parallel_loop3A_976 : i32 to index
        %parallel_loop3A_1007 = arith.constant 48 : index
        %parallel_loop3A_1008 = tpu.vector_load %arg8[%parallel_loop3A_1005, %parallel_loop3A_1006, %parallel_loop3A_1007] {strides = array<i32>} : memref<4x64x128xf32, #tpu.memory_space<vmem>>, vector<16xf32>,
        tpu.vector_store %arg8[%parallel_loop3A_1005, %parallel_loop3A_1006, %parallel_loop3A_1007], %parallel_loop3A_1003 {strides = array<i32>} : memref<4x64x128xf32, #tpu.memory_space<vmem>>, vector<16xf32>,
        %parallel_loop3A_1009 = vector.broadcast %parallel_loop3A_976 : i32 to vector<16xi32>
        %parallel_loop3A_1010 = arith.addi %shift_left3A_700, %parallel_loop3A_1009 : vector<16xi32>
        %parallel_loop3A_1011 = tpu.vector_load_idx %arg7[%add3A_641, %parallel_loop3A_1010] : memref<512x128xf32, #tpu.memory_space<vmem>>[vector<16xi32>, vector<16xi32>], vector<16xf32>,
        %parallel_loop3A_1012 = arith.constant 1 : i32
        %parallel_loop3A_1013 = arith.index_cast %parallel_loop3A_1012 : i32 to index
        %parallel_loop3A_1014 = arith.index_cast %parallel_loop3A_976 : i32 to index
        %parallel_loop3A_1015 = arith.constant 64 : index
        %parallel_loop3A_1016 = tpu.vector_load %arg8[%parallel_loop3A_1013, %parallel_loop3A_1014, %parallel_loop3A_1015] {strides = array<i32>} : memref<4x64x128xf32, #tpu.memory_space<vmem>>, vector<16xf32>,
        tpu.vector_store %arg8[%parallel_loop3A_1013, %parallel_loop3A_1014, %parallel_loop3A_1015], %parallel_loop3A_1011 {strides = array<i32>} : memref<4x64x128xf32, #tpu.memory_space<vmem>>, vector<16xf32>,
        %parallel_loop3A_1017 = vector.broadcast %parallel_loop3A_976 : i32 to vector<16xi32>
        %parallel_loop3A_1018 = arith.addi %shift_left3A_710, %parallel_loop3A_1017 : vector<16xi32>
        %parallel_loop3A_1019 = tpu.vector_load_idx %arg7[%add3A_644, %parallel_loop3A_1018] : memref<512x128xf32, #tpu.memory_space<vmem>>[vector<16xi32>, vector<16xi32>], vector<16xf32>,
        %parallel_loop3A_1020 = arith.constant 1 : i32
        %parallel_loop3A_1021 = arith.index_cast %parallel_loop3A_1020 : i32 to index
        %parallel_loop3A_1022 = arith.index_cast %parallel_loop3A_976 : i32 to index
        %parallel_loop3A_1023 = arith.constant 80 : index
        %parallel_loop3A_1024 = tpu.vector_load %arg8[%parallel_loop3A_1021, %parallel_loop3A_1022, %parallel_loop3A_1023] {strides = array<i32>} : memref<4x64x128xf32, #tpu.memory_space<vmem>>, vector<16xf32>,
        tpu.vector_store %arg8[%parallel_loop3A_1021, %parallel_loop3A_1022, %parallel_loop3A_1023], %parallel_loop3A_1019 {strides = array<i32>} : memref<4x64x128xf32, #tpu.memory_space<vmem>>, vector<16xf32>,
        %parallel_loop3A_1025 = vector.broadcast %parallel_loop3A_976 : i32 to vector<16xi32>
        %parallel_loop3A_1026 = arith.addi %shift_left3A_720, %parallel_loop3A_1025 : vector<16xi32>
        %parallel_loop3A_1027 = tpu.vector_load_idx %arg7[%add3A_647, %parallel_loop3A_1026] : memref<512x128xf32, #tpu.memory_space<vmem>>[vector<16xi32>, vector<16xi32>], vector<16xf32>,
        %parallel_loop3A_1028 = arith.constant 1 : i32
        %parallel_loop3A_1029 = arith.index_cast %parallel_loop3A_1028 : i32 to index
        %parallel_loop3A_1030 = arith.index_cast %parallel_loop3A_976 : i32 to index
        %parallel_loop3A_1031 = arith.constant 96 : index
        %parallel_loop3A_1032 = tpu.vector_load %arg8[%parallel_loop3A_1029, %parallel_loop3A_1030, %parallel_loop3A_1031] {strides = array<i32>} : memref<4x64x128xf32, #tpu.memory_space<vmem>>, vector<16xf32>,
        tpu.vector_store %arg8[%parallel_loop3A_1029, %parallel_loop3A_1030, %parallel_loop3A_1031], %parallel_loop3A_1027 {strides = array<i32>} : memref<4x64x128xf32, #tpu.memory_space<vmem>>, vector<16xf32>,
        %parallel_loop3A_1033 = vector.broadcast %parallel_loop3A_976 : i32 to vector<16xi32>
        %parallel_loop3A_1034 = arith.addi %shift_left3A_730, %parallel_loop3A_1033 : vector<16xi32>
        %parallel_loop3A_1035 = tpu.vector_load_idx %arg7[%add3A_650, %parallel_loop3A_1034] : memref<512x128xf32, #tpu.memory_space<vmem>>[vector<16xi32>, vector<16xi32>], vector<16xf32>,
        %parallel_loop3A_1036 = arith.constant 1 : i32
        %parallel_loop3A_1037 = arith.index_cast %parallel_loop3A_1036 : i32 to index
        %parallel_loop3A_1038 = arith.index_cast %parallel_loop3A_976 : i32 to index
        %parallel_loop3A_1039 = arith.constant 112 : index
        %parallel_loop3A_1040 = tpu.vector_load %arg8[%parallel_loop3A_1037, %parallel_loop3A_1038, %parallel_loop3A_1039] {strides = array<i32>} : memref<4x64x128xf32, #tpu.memory_space<vmem>>, vector<16xf32>,
        tpu.vector_store %arg8[%parallel_loop3A_1037, %parallel_loop3A_1038, %parallel_loop3A_1039], %parallel_loop3A_1035 {strides = array<i32>} : memref<4x64x128xf32, #tpu.memory_space<vmem>>, vector<16xf32>,
      } {sc.loop_unroll_factor = 4 : i64, sc.parallel_access}
      %dma_wait3A_734 = arith.constant 2 : i32
      %dma_wait3A_735 = arith.constant 256 : i32
      %dma_wait3A_736 = arith.constant 0 : i32
      %dma_wait3A_737 = tpu.memref_slice %arg7[%dma_wait3A_735, %dma_wait3A_736] : memref<512x128xf32, #tpu.memory_space<vmem>> -> memref<128x128xf32, #tpu.memory_space<vmem>>
      %dma_wait3A_738 = arith.constant 0 : i32
      %dma_wait3A_739 = tpu.memref_slice %arg6[%dma_wait3A_734, %dma_wait3A_738] : memref<4x128xi32, #tpu.memory_space<vmem>> -> memref<1x128xi32, #tpu.memory_space<vmem>>
      %dma_wait3A_740 = tpu.memref_squeeze %dma_wait3A_739 : memref<1x128xi32, #tpu.memory_space<vmem>> -> memref<128xi32, #tpu.memory_space<vmem>>
      %dma_wait3A_741 = arith.constant 0 : i32
      %dma_wait3A_742 = arith.constant 0 : i32
      %dma_wait3A_743 = tpu.memref_slice %arg3[%dma_wait3A_741, %dma_wait3A_742] : memref<204800x128xf32, #tpu.memory_space<hbm>> -> memref<204800x128xf32, #tpu.memory_space<hbm>>
      tpu.wait_indirect_dma semaphore(%arg11 : memref<!tpu.dma_semaphore, #tpu.memory_space<semaphore_mem>>) src(%dma_wait3A_743 : memref<204800x128xf32, #tpu.memory_space<hbm>>) dst(%dma_wait3A_737 : memref<128x128xf32, #tpu.memory_space<vmem>>)
      %add3A_744 = arith.constant 256 : i32
      %add3A_745 = vector.broadcast %add3A_744 : i32 to vector<16xi32>
      %add3A_746 = arith.addi %add3A_745, %iota3A : vector<16xi32>
      %add3A_747 = arith.constant 272 : i32
      %add3A_748 = vector.broadcast %add3A_747 : i32 to vector<16xi32>
      %add3A_749 = arith.addi %add3A_748, %iota3A : vector<16xi32>
      %add3A_750 = arith.constant 288 : i32
      %add3A_751 = vector.broadcast %add3A_750 : i32 to vector<16xi32>
      %add3A_752 = arith.addi %add3A_751, %iota3A : vector<16xi32>
      %add3A_753 = arith.constant 304 : i32
      %add3A_754 = vector.broadcast %add3A_753 : i32 to vector<16xi32>
      %add3A_755 = arith.addi %add3A_754, %iota3A : vector<16xi32>
      %add3A_756 = arith.constant 320 : i32
      %add3A_757 = vector.broadcast %add3A_756 : i32 to vector<16xi32>
      %add3A_758 = arith.addi %add3A_757, %iota3A : vector<16xi32>
      %add3A_759 = arith.constant 336 : i32
      %add3A_760 = vector.broadcast %add3A_759 : i32 to vector<16xi32>
      %add3A_761 = arith.addi %add3A_760, %iota3A : vector<16xi32>
      %add3A_762 = arith.constant 352 : i32
      %add3A_763 = vector.broadcast %add3A_762 : i32 to vector<16xi32>
      %add3A_764 = arith.addi %add3A_763, %iota3A : vector<16xi32>
      %add3A_765 = arith.constant 368 : i32
      %add3A_766 = vector.broadcast %add3A_765 : i32 to vector<16xi32>
      %add3A_767 = arith.addi %add3A_766, %iota3A : vector<16xi32>
      %get3A_768 = arith.constant 2 : i32
      %get3A_769 = arith.index_cast %get3A_768 : i32 to index
      %get3A_770 = arith.constant 0 : index
      %get3A_771 = tpu.vector_load %arg5[%get3A_769, %get3A_770] {strides = array<i32>} : memref<4x128xi32, #tpu.memory_space<vmem>>, vector<16xi32>,
      %and3A_772 = arith.constant 1 : i32
      %and3A_773 = vector.broadcast %and3A_772 : i32 to vector<16xi32>
      %and3A_774 = arith.andi %get3A_771, %and3A_773 : vector<16xi32>
      %shift_left3A_775 = arith.constant 6 : i32
      %shift_left3A_776 = vector.broadcast %shift_left3A_775 : i32 to vector<16xi32>
      %shift_left3A_777 = arith.shli %and3A_774, %shift_left3A_776 : vector<16xi32>
      %get3A_778 = arith.constant 2 : i32
      %get3A_779 = arith.index_cast %get3A_778 : i32 to index
      %get3A_780 = arith.constant 16 : index
      %get3A_781 = tpu.vector_load %arg5[%get3A_779, %get3A_780] {strides = array<i32>} : memref<4x128xi32, #tpu.memory_space<vmem>>, vector<16xi32>,
      %and3A_782 = arith.constant 1 : i32
      %and3A_783 = vector.broadcast %and3A_782 : i32 to vector<16xi32>
      %and3A_784 = arith.andi %get3A_781, %and3A_783 : vector<16xi32>
      %shift_left3A_785 = arith.constant 6 : i32
      %shift_left3A_786 = vector.broadcast %shift_left3A_785 : i32 to vector<16xi32>
      %shift_left3A_787 = arith.shli %and3A_784, %shift_left3A_786 : vector<16xi32>
      %get3A_788 = arith.constant 2 : i32
      %get3A_789 = arith.index_cast %get3A_788 : i32 to index
      %get3A_790 = arith.constant 32 : index
      %get3A_791 = tpu.vector_load %arg5[%get3A_789, %get3A_790] {strides = array<i32>} : memref<4x128xi32, #tpu.memory_space<vmem>>, vector<16xi32>,
      %and3A_792 = arith.constant 1 : i32
      %and3A_793 = vector.broadcast %and3A_792 : i32 to vector<16xi32>
      %and3A_794 = arith.andi %get3A_791, %and3A_793 : vector<16xi32>
      %shift_left3A_795 = arith.constant 6 : i32
      %shift_left3A_796 = vector.broadcast %shift_left3A_795 : i32 to vector<16xi32>
      %shift_left3A_797 = arith.shli %and3A_794, %shift_left3A_796 : vector<16xi32>
      %get3A_798 = arith.constant 2 : i32
      %get3A_799 = arith.index_cast %get3A_798 : i32 to index
      %get3A_800 = arith.constant 48 : index
      %get3A_801 = tpu.vector_load %arg5[%get3A_799, %get3A_800] {strides = array<i32>} : memref<4x128xi32, #tpu.memory_space<vmem>>, vector<16xi32>,
      %and3A_802 = arith.constant 1 : i32
      %and3A_803 = vector.broadcast %and3A_802 : i32 to vector<16xi32>
      %and3A_804 = arith.andi %get3A_801, %and3A_803 : vector<16xi32>
      %shift_left3A_805 = arith.constant 6 : i32
      %shift_left3A_806 = vector.broadcast %shift_left3A_805 : i32 to vector<16xi32>
      %shift_left3A_807 = arith.shli %and3A_804, %shift_left3A_806 : vector<16xi32>
      %get3A_808 = arith.constant 2 : i32
      %get3A_809 = arith.index_cast %get3A_808 : i32 to index
      %get3A_810 = arith.constant 64 : index
      %get3A_811 = tpu.vector_load %arg5[%get3A_809, %get3A_810] {strides = array<i32>} : memref<4x128xi32, #tpu.memory_space<vmem>>, vector<16xi32>,
      %and3A_812 = arith.constant 1 : i32
      %and3A_813 = vector.broadcast %and3A_812 : i32 to vector<16xi32>
      %and3A_814 = arith.andi %get3A_811, %and3A_813 : vector<16xi32>
      %shift_left3A_815 = arith.constant 6 : i32
      %shift_left3A_816 = vector.broadcast %shift_left3A_815 : i32 to vector<16xi32>
      %shift_left3A_817 = arith.shli %and3A_814, %shift_left3A_816 : vector<16xi32>
      %get3A_818 = arith.constant 2 : i32
      %get3A_819 = arith.index_cast %get3A_818 : i32 to index
      %get3A_820 = arith.constant 80 : index
      %get3A_821 = tpu.vector_load %arg5[%get3A_819, %get3A_820] {strides = array<i32>} : memref<4x128xi32, #tpu.memory_space<vmem>>, vector<16xi32>,
      %and3A_822 = arith.constant 1 : i32
      %and3A_823 = vector.broadcast %and3A_822 : i32 to vector<16xi32>
      %and3A_824 = arith.andi %get3A_821, %and3A_823 : vector<16xi32>
      %shift_left3A_825 = arith.constant 6 : i32
      %shift_left3A_826 = vector.broadcast %shift_left3A_825 : i32 to vector<16xi32>
      %shift_left3A_827 = arith.shli %and3A_824, %shift_left3A_826 : vector<16xi32>
      %get3A_828 = arith.constant 2 : i32
      %get3A_829 = arith.index_cast %get3A_828 : i32 to index
      %get3A_830 = arith.constant 96 : index
      %get3A_831 = tpu.vector_load %arg5[%get3A_829, %get3A_830] {strides = array<i32>} : memref<4x128xi32, #tpu.memory_space<vmem>>, vector<16xi32>,
      %and3A_832 = arith.constant 1 : i32
      %and3A_833 = vector.broadcast %and3A_832 : i32 to vector<16xi32>
      %and3A_834 = arith.andi %get3A_831, %and3A_833 : vector<16xi32>
      %shift_left3A_835 = arith.constant 6 : i32
      %shift_left3A_836 = vector.broadcast %shift_left3A_835 : i32 to vector<16xi32>
      %shift_left3A_837 = arith.shli %and3A_834, %shift_left3A_836 : vector<16xi32>
      %get3A_838 = arith.constant 2 : i32
      %get3A_839 = arith.index_cast %get3A_838 : i32 to index
      %get3A_840 = arith.constant 112 : index
      %get3A_841 = tpu.vector_load %arg5[%get3A_839, %get3A_840] {strides = array<i32>} : memref<4x128xi32, #tpu.memory_space<vmem>>, vector<16xi32>,
      %and3A_842 = arith.constant 1 : i32
      %and3A_843 = vector.broadcast %and3A_842 : i32 to vector<16xi32>
      %and3A_844 = arith.andi %get3A_841, %and3A_843 : vector<16xi32>
      %shift_left3A_845 = arith.constant 6 : i32
      %shift_left3A_846 = vector.broadcast %shift_left3A_845 : i32 to vector<16xi32>
      %shift_left3A_847 = arith.shli %and3A_844, %shift_left3A_846 : vector<16xi32>
      %parallel_loop3A_848 = arith.constant 0 : i32
      %parallel_loop3A_849 = arith.constant 64 : i32
      %parallel_loop3A_850 = arith.constant 1 : i32
      scf.for %parallel_loop3A_976 = %parallel_loop3A_848 to %parallel_loop3A_849 step %parallel_loop3A_850  : i32 {
        %parallel_loop3A_977 = vector.broadcast %parallel_loop3A_976 : i32 to vector<16xi32>
        %parallel_loop3A_978 = arith.addi %shift_left3A_777, %parallel_loop3A_977 : vector<16xi32>
        %parallel_loop3A_979 = tpu.vector_load_idx %arg7[%add3A_746, %parallel_loop3A_978] : memref<512x128xf32, #tpu.memory_space<vmem>>[vector<16xi32>, vector<16xi32>], vector<16xf32>,
        %parallel_loop3A_980 = arith.constant 2 : i32
        %parallel_loop3A_981 = arith.index_cast %parallel_loop3A_980 : i32 to index
        %parallel_loop3A_982 = arith.index_cast %parallel_loop3A_976 : i32 to index
        %parallel_loop3A_983 = arith.constant 0 : index
        %parallel_loop3A_984 = tpu.vector_load %arg8[%parallel_loop3A_981, %parallel_loop3A_982, %parallel_loop3A_983] {strides = array<i32>} : memref<4x64x128xf32, #tpu.memory_space<vmem>>, vector<16xf32>,
        tpu.vector_store %arg8[%parallel_loop3A_981, %parallel_loop3A_982, %parallel_loop3A_983], %parallel_loop3A_979 {strides = array<i32>} : memref<4x64x128xf32, #tpu.memory_space<vmem>>, vector<16xf32>,
        %parallel_loop3A_985 = vector.broadcast %parallel_loop3A_976 : i32 to vector<16xi32>
        %parallel_loop3A_986 = arith.addi %shift_left3A_787, %parallel_loop3A_985 : vector<16xi32>
        %parallel_loop3A_987 = tpu.vector_load_idx %arg7[%add3A_749, %parallel_loop3A_986] : memref<512x128xf32, #tpu.memory_space<vmem>>[vector<16xi32>, vector<16xi32>], vector<16xf32>,
        %parallel_loop3A_988 = arith.constant 2 : i32
        %parallel_loop3A_989 = arith.index_cast %parallel_loop3A_988 : i32 to index
        %parallel_loop3A_990 = arith.index_cast %parallel_loop3A_976 : i32 to index
        %parallel_loop3A_991 = arith.constant 16 : index
        %parallel_loop3A_992 = tpu.vector_load %arg8[%parallel_loop3A_989, %parallel_loop3A_990, %parallel_loop3A_991] {strides = array<i32>} : memref<4x64x128xf32, #tpu.memory_space<vmem>>, vector<16xf32>,
        tpu.vector_store %arg8[%parallel_loop3A_989, %parallel_loop3A_990, %parallel_loop3A_991], %parallel_loop3A_987 {strides = array<i32>} : memref<4x64x128xf32, #tpu.memory_space<vmem>>, vector<16xf32>,
        %parallel_loop3A_993 = vector.broadcast %parallel_loop3A_976 : i32 to vector<16xi32>
        %parallel_loop3A_994 = arith.addi %shift_left3A_797, %parallel_loop3A_993 : vector<16xi32>
        %parallel_loop3A_995 = tpu.vector_load_idx %arg7[%add3A_752, %parallel_loop3A_994] : memref<512x128xf32, #tpu.memory_space<vmem>>[vector<16xi32>, vector<16xi32>], vector<16xf32>,
        %parallel_loop3A_996 = arith.constant 2 : i32
        %parallel_loop3A_997 = arith.index_cast %parallel_loop3A_996 : i32 to index
        %parallel_loop3A_998 = arith.index_cast %parallel_loop3A_976 : i32 to index
        %parallel_loop3A_999 = arith.constant 32 : index
        %parallel_loop3A_1000 = tpu.vector_load %arg8[%parallel_loop3A_997, %parallel_loop3A_998, %parallel_loop3A_999] {strides = array<i32>} : memref<4x64x128xf32, #tpu.memory_space<vmem>>, vector<16xf32>,
        tpu.vector_store %arg8[%parallel_loop3A_997, %parallel_loop3A_998, %parallel_loop3A_999], %parallel_loop3A_995 {strides = array<i32>} : memref<4x64x128xf32, #tpu.memory_space<vmem>>, vector<16xf32>,
        %parallel_loop3A_1001 = vector.broadcast %parallel_loop3A_976 : i32 to vector<16xi32>
        %parallel_loop3A_1002 = arith.addi %shift_left3A_807, %parallel_loop3A_1001 : vector<16xi32>
        %parallel_loop3A_1003 = tpu.vector_load_idx %arg7[%add3A_755, %parallel_loop3A_1002] : memref<512x128xf32, #tpu.memory_space<vmem>>[vector<16xi32>, vector<16xi32>], vector<16xf32>,
        %parallel_loop3A_1004 = arith.constant 2 : i32
        %parallel_loop3A_1005 = arith.index_cast %parallel_loop3A_1004 : i32 to index
        %parallel_loop3A_1006 = arith.index_cast %parallel_loop3A_976 : i32 to index
        %parallel_loop3A_1007 = arith.constant 48 : index
        %parallel_loop3A_1008 = tpu.vector_load %arg8[%parallel_loop3A_1005, %parallel_loop3A_1006, %parallel_loop3A_1007] {strides = array<i32>} : memref<4x64x128xf32, #tpu.memory_space<vmem>>, vector<16xf32>,
        tpu.vector_store %arg8[%parallel_loop3A_1005, %parallel_loop3A_1006, %parallel_loop3A_1007], %parallel_loop3A_1003 {strides = array<i32>} : memref<4x64x128xf32, #tpu.memory_space<vmem>>, vector<16xf32>,
        %parallel_loop3A_1009 = vector.broadcast %parallel_loop3A_976 : i32 to vector<16xi32>
        %parallel_loop3A_1010 = arith.addi %shift_left3A_817, %parallel_loop3A_1009 : vector<16xi32>
        %parallel_loop3A_1011 = tpu.vector_load_idx %arg7[%add3A_758, %parallel_loop3A_1010] : memref<512x128xf32, #tpu.memory_space<vmem>>[vector<16xi32>, vector<16xi32>], vector<16xf32>,
        %parallel_loop3A_1012 = arith.constant 2 : i32
        %parallel_loop3A_1013 = arith.index_cast %parallel_loop3A_1012 : i32 to index
        %parallel_loop3A_1014 = arith.index_cast %parallel_loop3A_976 : i32 to index
        %parallel_loop3A_1015 = arith.constant 64 : index
        %parallel_loop3A_1016 = tpu.vector_load %arg8[%parallel_loop3A_1013, %parallel_loop3A_1014, %parallel_loop3A_1015] {strides = array<i32>} : memref<4x64x128xf32, #tpu.memory_space<vmem>>, vector<16xf32>,
        tpu.vector_store %arg8[%parallel_loop3A_1013, %parallel_loop3A_1014, %parallel_loop3A_1015], %parallel_loop3A_1011 {strides = array<i32>} : memref<4x64x128xf32, #tpu.memory_space<vmem>>, vector<16xf32>,
        %parallel_loop3A_1017 = vector.broadcast %parallel_loop3A_976 : i32 to vector<16xi32>
        %parallel_loop3A_1018 = arith.addi %shift_left3A_827, %parallel_loop3A_1017 : vector<16xi32>
        %parallel_loop3A_1019 = tpu.vector_load_idx %arg7[%add3A_761, %parallel_loop3A_1018] : memref<512x128xf32, #tpu.memory_space<vmem>>[vector<16xi32>, vector<16xi32>], vector<16xf32>,
        %parallel_loop3A_1020 = arith.constant 2 : i32
        %parallel_loop3A_1021 = arith.index_cast %parallel_loop3A_1020 : i32 to index
        %parallel_loop3A_1022 = arith.index_cast %parallel_loop3A_976 : i32 to index
        %parallel_loop3A_1023 = arith.constant 80 : index
        %parallel_loop3A_1024 = tpu.vector_load %arg8[%parallel_loop3A_1021, %parallel_loop3A_1022, %parallel_loop3A_1023] {strides = array<i32>} : memref<4x64x128xf32, #tpu.memory_space<vmem>>, vector<16xf32>,
        tpu.vector_store %arg8[%parallel_loop3A_1021, %parallel_loop3A_1022, %parallel_loop3A_1023], %parallel_loop3A_1019 {strides = array<i32>} : memref<4x64x128xf32, #tpu.memory_space<vmem>>, vector<16xf32>,
        %parallel_loop3A_1025 = vector.broadcast %parallel_loop3A_976 : i32 to vector<16xi32>
        %parallel_loop3A_1026 = arith.addi %shift_left3A_837, %parallel_loop3A_1025 : vector<16xi32>
        %parallel_loop3A_1027 = tpu.vector_load_idx %arg7[%add3A_764, %parallel_loop3A_1026] : memref<512x128xf32, #tpu.memory_space<vmem>>[vector<16xi32>, vector<16xi32>], vector<16xf32>,
        %parallel_loop3A_1028 = arith.constant 2 : i32
        %parallel_loop3A_1029 = arith.index_cast %parallel_loop3A_1028 : i32 to index
        %parallel_loop3A_1030 = arith.index_cast %parallel_loop3A_976 : i32 to index
        %parallel_loop3A_1031 = arith.constant 96 : index
        %parallel_loop3A_1032 = tpu.vector_load %arg8[%parallel_loop3A_1029, %parallel_loop3A_1030, %parallel_loop3A_1031] {strides = array<i32>} : memref<4x64x128xf32, #tpu.memory_space<vmem>>, vector<16xf32>,
        tpu.vector_store %arg8[%parallel_loop3A_1029, %parallel_loop3A_1030, %parallel_loop3A_1031], %parallel_loop3A_1027 {strides = array<i32>} : memref<4x64x128xf32, #tpu.memory_space<vmem>>, vector<16xf32>,
        %parallel_loop3A_1033 = vector.broadcast %parallel_loop3A_976 : i32 to vector<16xi32>
        %parallel_loop3A_1034 = arith.addi %shift_left3A_847, %parallel_loop3A_1033 : vector<16xi32>
        %parallel_loop3A_1035 = tpu.vector_load_idx %arg7[%add3A_767, %parallel_loop3A_1034] : memref<512x128xf32, #tpu.memory_space<vmem>>[vector<16xi32>, vector<16xi32>], vector<16xf32>,
        %parallel_loop3A_1036 = arith.constant 2 : i32
        %parallel_loop3A_1037 = arith.index_cast %parallel_loop3A_1036 : i32 to index
        %parallel_loop3A_1038 = arith.index_cast %parallel_loop3A_976 : i32 to index
        %parallel_loop3A_1039 = arith.constant 112 : index
        %parallel_loop3A_1040 = tpu.vector_load %arg8[%parallel_loop3A_1037, %parallel_loop3A_1038, %parallel_loop3A_1039] {strides = array<i32>} : memref<4x64x128xf32, #tpu.memory_space<vmem>>, vector<16xf32>,
        tpu.vector_store %arg8[%parallel_loop3A_1037, %parallel_loop3A_1038, %parallel_loop3A_1039], %parallel_loop3A_1035 {strides = array<i32>} : memref<4x64x128xf32, #tpu.memory_space<vmem>>, vector<16xf32>,
      } {sc.loop_unroll_factor = 4 : i64, sc.parallel_access}
      %dma_wait3A_851 = arith.constant 3 : i32
      %dma_wait3A_852 = arith.constant 384 : i32
      %dma_wait3A_853 = arith.constant 0 : i32
      %dma_wait3A_854 = tpu.memref_slice %arg7[%dma_wait3A_852, %dma_wait3A_853] : memref<512x128xf32, #tpu.memory_space<vmem>> -> memref<128x128xf32, #tpu.memory_space<vmem>>
      %dma_wait3A_855 = arith.constant 0 : i32
      %dma_wait3A_856 = tpu.memref_slice %arg6[%dma_wait3A_851, %dma_wait3A_855] : memref<4x128xi32, #tpu.memory_space<vmem>> -> memref<1x128xi32, #tpu.memory_space<vmem>>
      %dma_wait3A_857 = tpu.memref_squeeze %dma_wait3A_856 : memref<1x128xi32, #tpu.memory_space<vmem>> -> memref<128xi32, #tpu.memory_space<vmem>>
      %dma_wait3A_858 = arith.constant 0 : i32
      %dma_wait3A_859 = arith.constant 0 : i32
      %dma_wait3A_860 = tpu.memref_slice %arg3[%dma_wait3A_858, %dma_wait3A_859] : memref<204800x128xf32, #tpu.memory_space<hbm>> -> memref<204800x128xf32, #tpu.memory_space<hbm>>
      tpu.wait_indirect_dma semaphore(%arg12 : memref<!tpu.dma_semaphore, #tpu.memory_space<semaphore_mem>>) src(%dma_wait3A_860 : memref<204800x128xf32, #tpu.memory_space<hbm>>) dst(%dma_wait3A_854 : memref<128x128xf32, #tpu.memory_space<vmem>>)
      %add3A_861 = arith.constant 384 : i32
      %add3A_862 = vector.broadcast %add3A_861 : i32 to vector<16xi32>
      %add3A_863 = arith.addi %add3A_862, %iota3A : vector<16xi32>
      %add3A_864 = arith.constant 400 : i32
      %add3A_865 = vector.broadcast %add3A_864 : i32 to vector<16xi32>
      %add3A_866 = arith.addi %add3A_865, %iota3A : vector<16xi32>
      %add3A_867 = arith.constant 416 : i32
      %add3A_868 = vector.broadcast %add3A_867 : i32 to vector<16xi32>
      %add3A_869 = arith.addi %add3A_868, %iota3A : vector<16xi32>
      %add3A_870 = arith.constant 432 : i32
      %add3A_871 = vector.broadcast %add3A_870 : i32 to vector<16xi32>
      %add3A_872 = arith.addi %add3A_871, %iota3A : vector<16xi32>
      %add3A_873 = arith.constant 448 : i32
      %add3A_874 = vector.broadcast %add3A_873 : i32 to vector<16xi32>
      %add3A_875 = arith.addi %add3A_874, %iota3A : vector<16xi32>
      %add3A_876 = arith.constant 464 : i32
      %add3A_877 = vector.broadcast %add3A_876 : i32 to vector<16xi32>
      %add3A_878 = arith.addi %add3A_877, %iota3A : vector<16xi32>
      %add3A_879 = arith.constant 480 : i32
      %add3A_880 = vector.broadcast %add3A_879 : i32 to vector<16xi32>
      %add3A_881 = arith.addi %add3A_880, %iota3A : vector<16xi32>
      %add3A_882 = arith.constant 496 : i32
      %add3A_883 = vector.broadcast %add3A_882 : i32 to vector<16xi32>
      %add3A_884 = arith.addi %add3A_883, %iota3A : vector<16xi32>
      %get3A_885 = arith.constant 3 : i32
      %get3A_886 = arith.index_cast %get3A_885 : i32 to index
      %get3A_887 = arith.constant 0 : index
      %get3A_888 = tpu.vector_load %arg5[%get3A_886, %get3A_887] {strides = array<i32>} : memref<4x128xi32, #tpu.memory_space<vmem>>, vector<16xi32>,
      %and3A_889 = arith.constant 1 : i32
      %and3A_890 = vector.broadcast %and3A_889 : i32 to vector<16xi32>
      %and3A_891 = arith.andi %get3A_888, %and3A_890 : vector<16xi32>
      %shift_left3A_892 = arith.constant 6 : i32
      %shift_left3A_893 = vector.broadcast %shift_left3A_892 : i32 to vector<16xi32>
      %shift_left3A_894 = arith.shli %and3A_891, %shift_left3A_893 : vector<16xi32>
      %get3A_895 = arith.constant 3 : i32
      %get3A_896 = arith.index_cast %get3A_895 : i32 to index
      %get3A_897 = arith.constant 16 : index
      %get3A_898 = tpu.vector_load %arg5[%get3A_896, %get3A_897] {strides = array<i32>} : memref<4x128xi32, #tpu.memory_space<vmem>>, vector<16xi32>,
      %and3A_899 = arith.constant 1 : i32
      %and3A_900 = vector.broadcast %and3A_899 : i32 to vector<16xi32>
      %and3A_901 = arith.andi %get3A_898, %and3A_900 : vector<16xi32>
      %shift_left3A_902 = arith.constant 6 : i32
      %shift_left3A_903 = vector.broadcast %shift_left3A_902 : i32 to vector<16xi32>
      %shift_left3A_904 = arith.shli %and3A_901, %shift_left3A_903 : vector<16xi32>
      %get3A_905 = arith.constant 3 : i32
      %get3A_906 = arith.index_cast %get3A_905 : i32 to index
      %get3A_907 = arith.constant 32 : index
      %get3A_908 = tpu.vector_load %arg5[%get3A_906, %get3A_907] {strides = array<i32>} : memref<4x128xi32, #tpu.memory_space<vmem>>, vector<16xi32>,
      %and3A_909 = arith.constant 1 : i32
      %and3A_910 = vector.broadcast %and3A_909 : i32 to vector<16xi32>
      %and3A_911 = arith.andi %get3A_908, %and3A_910 : vector<16xi32>
      %shift_left3A_912 = arith.constant 6 : i32
      %shift_left3A_913 = vector.broadcast %shift_left3A_912 : i32 to vector<16xi32>
      %shift_left3A_914 = arith.shli %and3A_911, %shift_left3A_913 : vector<16xi32>
      %get3A_915 = arith.constant 3 : i32
      %get3A_916 = arith.index_cast %get3A_915 : i32 to index
      %get3A_917 = arith.constant 48 : index
      %get3A_918 = tpu.vector_load %arg5[%get3A_916, %get3A_917] {strides = array<i32>} : memref<4x128xi32, #tpu.memory_space<vmem>>, vector<16xi32>,
      %and3A_919 = arith.constant 1 : i32
      %and3A_920 = vector.broadcast %and3A_919 : i32 to vector<16xi32>
      %and3A_921 = arith.andi %get3A_918, %and3A_920 : vector<16xi32>
      %shift_left3A_922 = arith.constant 6 : i32
      %shift_left3A_923 = vector.broadcast %shift_left3A_922 : i32 to vector<16xi32>
      %shift_left3A_924 = arith.shli %and3A_921, %shift_left3A_923 : vector<16xi32>
      %get3A_925 = arith.constant 3 : i32
      %get3A_926 = arith.index_cast %get3A_925 : i32 to index
      %get3A_927 = arith.constant 64 : index
      %get3A_928 = tpu.vector_load %arg5[%get3A_926, %get3A_927] {strides = array<i32>} : memref<4x128xi32, #tpu.memory_space<vmem>>, vector<16xi32>,
      %and3A_929 = arith.constant 1 : i32
      %and3A_930 = vector.broadcast %and3A_929 : i32 to vector<16xi32>
      %and3A_931 = arith.andi %get3A_928, %and3A_930 : vector<16xi32>
      %shift_left3A_932 = arith.constant 6 : i32
      %shift_left3A_933 = vector.broadcast %shift_left3A_932 : i32 to vector<16xi32>
      %shift_left3A_934 = arith.shli %and3A_931, %shift_left3A_933 : vector<16xi32>
      %get3A_935 = arith.constant 3 : i32
      %get3A_936 = arith.index_cast %get3A_935 : i32 to index
      %get3A_937 = arith.constant 80 : index
      %get3A_938 = tpu.vector_load %arg5[%get3A_936, %get3A_937] {strides = array<i32>} : memref<4x128xi32, #tpu.memory_space<vmem>>, vector<16xi32>,
      %and3A_939 = arith.constant 1 : i32
      %and3A_940 = vector.broadcast %and3A_939 : i32 to vector<16xi32>
      %and3A_941 = arith.andi %get3A_938, %and3A_940 : vector<16xi32>
      %shift_left3A_942 = arith.constant 6 : i32
      %shift_left3A_943 = vector.broadcast %shift_left3A_942 : i32 to vector<16xi32>
      %shift_left3A_944 = arith.shli %and3A_941, %shift_left3A_943 : vector<16xi32>
      %get3A_945 = arith.constant 3 : i32
      %get3A_946 = arith.index_cast %get3A_945 : i32 to index
      %get3A_947 = arith.constant 96 : index
      %get3A_948 = tpu.vector_load %arg5[%get3A_946, %get3A_947] {strides = array<i32>} : memref<4x128xi32, #tpu.memory_space<vmem>>, vector<16xi32>,
      %and3A_949 = arith.constant 1 : i32
      %and3A_950 = vector.broadcast %and3A_949 : i32 to vector<16xi32>
      %and3A_951 = arith.andi %get3A_948, %and3A_950 : vector<16xi32>
      %shift_left3A_952 = arith.constant 6 : i32
      %shift_left3A_953 = vector.broadcast %shift_left3A_952 : i32 to vector<16xi32>
      %shift_left3A_954 = arith.shli %and3A_951, %shift_left3A_953 : vector<16xi32>
      %get3A_955 = arith.constant 3 : i32
      %get3A_956 = arith.index_cast %get3A_955 : i32 to index
      %get3A_957 = arith.constant 112 : index
      %get3A_958 = tpu.vector_load %arg5[%get3A_956, %get3A_957] {strides = array<i32>} : memref<4x128xi32, #tpu.memory_space<vmem>>, vector<16xi32>,
      %and3A_959 = arith.constant 1 : i32
      %and3A_960 = vector.broadcast %and3A_959 : i32 to vector<16xi32>
      %and3A_961 = arith.andi %get3A_958, %and3A_960 : vector<16xi32>
      %shift_left3A_962 = arith.constant 6 : i32
      %shift_left3A_963 = vector.broadcast %shift_left3A_962 : i32 to vector<16xi32>
      %shift_left3A_964 = arith.shli %and3A_961, %shift_left3A_963 : vector<16xi32>
      %parallel_loop3A_965 = arith.constant 0 : i32
      %parallel_loop3A_966 = arith.constant 64 : i32
      %parallel_loop3A_967 = arith.constant 1 : i32
      scf.for %parallel_loop3A_976 = %parallel_loop3A_965 to %parallel_loop3A_966 step %parallel_loop3A_967  : i32 {
        %parallel_loop3A_977 = vector.broadcast %parallel_loop3A_976 : i32 to vector<16xi32>
        %parallel_loop3A_978 = arith.addi %shift_left3A_894, %parallel_loop3A_977 : vector<16xi32>
        %parallel_loop3A_979 = tpu.vector_load_idx %arg7[%add3A_863, %parallel_loop3A_978] : memref<512x128xf32, #tpu.memory_space<vmem>>[vector<16xi32>, vector<16xi32>], vector<16xf32>,
        %parallel_loop3A_980 = arith.constant 3 : i32
        %parallel_loop3A_981 = arith.index_cast %parallel_loop3A_980 : i32 to index
        %parallel_loop3A_982 = arith.index_cast %parallel_loop3A_976 : i32 to index
        %parallel_loop3A_983 = arith.constant 0 : index
        %parallel_loop3A_984 = tpu.vector_load %arg8[%parallel_loop3A_981, %parallel_loop3A_982, %parallel_loop3A_983] {strides = array<i32>} : memref<4x64x128xf32, #tpu.memory_space<vmem>>, vector<16xf32>,
        tpu.vector_store %arg8[%parallel_loop3A_981, %parallel_loop3A_982, %parallel_loop3A_983], %parallel_loop3A_979 {strides = array<i32>} : memref<4x64x128xf32, #tpu.memory_space<vmem>>, vector<16xf32>,
        %parallel_loop3A_985 = vector.broadcast %parallel_loop3A_976 : i32 to vector<16xi32>
        %parallel_loop3A_986 = arith.addi %shift_left3A_904, %parallel_loop3A_985 : vector<16xi32>
        %parallel_loop3A_987 = tpu.vector_load_idx %arg7[%add3A_866, %parallel_loop3A_986] : memref<512x128xf32, #tpu.memory_space<vmem>>[vector<16xi32>, vector<16xi32>], vector<16xf32>,
        %parallel_loop3A_988 = arith.constant 3 : i32
        %parallel_loop3A_989 = arith.index_cast %parallel_loop3A_988 : i32 to index
        %parallel_loop3A_990 = arith.index_cast %parallel_loop3A_976 : i32 to index
        %parallel_loop3A_991 = arith.constant 16 : index
        %parallel_loop3A_992 = tpu.vector_load %arg8[%parallel_loop3A_989, %parallel_loop3A_990, %parallel_loop3A_991] {strides = array<i32>} : memref<4x64x128xf32, #tpu.memory_space<vmem>>, vector<16xf32>,
        tpu.vector_store %arg8[%parallel_loop3A_989, %parallel_loop3A_990, %parallel_loop3A_991], %parallel_loop3A_987 {strides = array<i32>} : memref<4x64x128xf32, #tpu.memory_space<vmem>>, vector<16xf32>,
        %parallel_loop3A_993 = vector.broadcast %parallel_loop3A_976 : i32 to vector<16xi32>
        %parallel_loop3A_994 = arith.addi %shift_left3A_914, %parallel_loop3A_993 : vector<16xi32>
        %parallel_loop3A_995 = tpu.vector_load_idx %arg7[%add3A_869, %parallel_loop3A_994] : memref<512x128xf32, #tpu.memory_space<vmem>>[vector<16xi32>, vector<16xi32>], vector<16xf32>,
        %parallel_loop3A_996 = arith.constant 3 : i32
        %parallel_loop3A_997 = arith.index_cast %parallel_loop3A_996 : i32 to index
        %parallel_loop3A_998 = arith.index_cast %parallel_loop3A_976 : i32 to index
        %parallel_loop3A_999 = arith.constant 32 : index
        %parallel_loop3A_1000 = tpu.vector_load %arg8[%parallel_loop3A_997, %parallel_loop3A_998, %parallel_loop3A_999] {strides = array<i32>} : memref<4x64x128xf32, #tpu.memory_space<vmem>>, vector<16xf32>,
        tpu.vector_store %arg8[%parallel_loop3A_997, %parallel_loop3A_998, %parallel_loop3A_999], %parallel_loop3A_995 {strides = array<i32>} : memref<4x64x128xf32, #tpu.memory_space<vmem>>, vector<16xf32>,
        %parallel_loop3A_1001 = vector.broadcast %parallel_loop3A_976 : i32 to vector<16xi32>
        %parallel_loop3A_1002 = arith.addi %shift_left3A_924, %parallel_loop3A_1001 : vector<16xi32>
        %parallel_loop3A_1003 = tpu.vector_load_idx %arg7[%add3A_872, %parallel_loop3A_1002] : memref<512x128xf32, #tpu.memory_space<vmem>>[vector<16xi32>, vector<16xi32>], vector<16xf32>,
        %parallel_loop3A_1004 = arith.constant 3 : i32
        %parallel_loop3A_1005 = arith.index_cast %parallel_loop3A_1004 : i32 to index
        %parallel_loop3A_1006 = arith.index_cast %parallel_loop3A_976 : i32 to index
        %parallel_loop3A_1007 = arith.constant 48 : index
        %parallel_loop3A_1008 = tpu.vector_load %arg8[%parallel_loop3A_1005, %parallel_loop3A_1006, %parallel_loop3A_1007] {strides = array<i32>} : memref<4x64x128xf32, #tpu.memory_space<vmem>>, vector<16xf32>,
        tpu.vector_store %arg8[%parallel_loop3A_1005, %parallel_loop3A_1006, %parallel_loop3A_1007], %parallel_loop3A_1003 {strides = array<i32>} : memref<4x64x128xf32, #tpu.memory_space<vmem>>, vector<16xf32>,
        %parallel_loop3A_1009 = vector.broadcast %parallel_loop3A_976 : i32 to vector<16xi32>
        %parallel_loop3A_1010 = arith.addi %shift_left3A_934, %parallel_loop3A_1009 : vector<16xi32>
        %parallel_loop3A_1011 = tpu.vector_load_idx %arg7[%add3A_875, %parallel_loop3A_1010] : memref<512x128xf32, #tpu.memory_space<vmem>>[vector<16xi32>, vector<16xi32>], vector<16xf32>,
        %parallel_loop3A_1012 = arith.constant 3 : i32
        %parallel_loop3A_1013 = arith.index_cast %parallel_loop3A_1012 : i32 to index
        %parallel_loop3A_1014 = arith.index_cast %parallel_loop3A_976 : i32 to index
        %parallel_loop3A_1015 = arith.constant 64 : index
        %parallel_loop3A_1016 = tpu.vector_load %arg8[%parallel_loop3A_1013, %parallel_loop3A_1014, %parallel_loop3A_1015] {strides = array<i32>} : memref<4x64x128xf32, #tpu.memory_space<vmem>>, vector<16xf32>,
        tpu.vector_store %arg8[%parallel_loop3A_1013, %parallel_loop3A_1014, %parallel_loop3A_1015], %parallel_loop3A_1011 {strides = array<i32>} : memref<4x64x128xf32, #tpu.memory_space<vmem>>, vector<16xf32>,
        %parallel_loop3A_1017 = vector.broadcast %parallel_loop3A_976 : i32 to vector<16xi32>
        %parallel_loop3A_1018 = arith.addi %shift_left3A_944, %parallel_loop3A_1017 : vector<16xi32>
        %parallel_loop3A_1019 = tpu.vector_load_idx %arg7[%add3A_878, %parallel_loop3A_1018] : memref<512x128xf32, #tpu.memory_space<vmem>>[vector<16xi32>, vector<16xi32>], vector<16xf32>,
        %parallel_loop3A_1020 = arith.constant 3 : i32
        %parallel_loop3A_1021 = arith.index_cast %parallel_loop3A_1020 : i32 to index
        %parallel_loop3A_1022 = arith.index_cast %parallel_loop3A_976 : i32 to index
        %parallel_loop3A_1023 = arith.constant 80 : index
        %parallel_loop3A_1024 = tpu.vector_load %arg8[%parallel_loop3A_1021, %parallel_loop3A_1022, %parallel_loop3A_1023] {strides = array<i32>} : memref<4x64x128xf32, #tpu.memory_space<vmem>>, vector<16xf32>,
        tpu.vector_store %arg8[%parallel_loop3A_1021, %parallel_loop3A_1022, %parallel_loop3A_1023], %parallel_loop3A_1019 {strides = array<i32>} : memref<4x64x128xf32, #tpu.memory_space<vmem>>, vector<16xf32>,
        %parallel_loop3A_1025 = vector.broadcast %parallel_loop3A_976 : i32 to vector<16xi32>
        %parallel_loop3A_1026 = arith.addi %shift_left3A_954, %parallel_loop3A_1025 : vector<16xi32>
        %parallel_loop3A_1027 = tpu.vector_load_idx %arg7[%add3A_881, %parallel_loop3A_1026] : memref<512x128xf32, #tpu.memory_space<vmem>>[vector<16xi32>, vector<16xi32>], vector<16xf32>,
        %parallel_loop3A_1028 = arith.constant 3 : i32
        %parallel_loop3A_1029 = arith.index_cast %parallel_loop3A_1028 : i32 to index
        %parallel_loop3A_1030 = arith.index_cast %parallel_loop3A_976 : i32 to index
        %parallel_loop3A_1031 = arith.constant 96 : index
        %parallel_loop3A_1032 = tpu.vector_load %arg8[%parallel_loop3A_1029, %parallel_loop3A_1030, %parallel_loop3A_1031] {strides = array<i32>} : memref<4x64x128xf32, #tpu.memory_space<vmem>>, vector<16xf32>,
        tpu.vector_store %arg8[%parallel_loop3A_1029, %parallel_loop3A_1030, %parallel_loop3A_1031], %parallel_loop3A_1027 {strides = array<i32>} : memref<4x64x128xf32, #tpu.memory_space<vmem>>, vector<16xf32>,
        %parallel_loop3A_1033 = vector.broadcast %parallel_loop3A_976 : i32 to vector<16xi32>
        %parallel_loop3A_1034 = arith.addi %shift_left3A_964, %parallel_loop3A_1033 : vector<16xi32>
        %parallel_loop3A_1035 = tpu.vector_load_idx %arg7[%add3A_884, %parallel_loop3A_1034] : memref<512x128xf32, #tpu.memory_space<vmem>>[vector<16xi32>, vector<16xi32>], vector<16xf32>,
        %parallel_loop3A_1036 = arith.constant 3 : i32
        %parallel_loop3A_1037 = arith.index_cast %parallel_loop3A_1036 : i32 to index
        %parallel_loop3A_1038 = arith.index_cast %parallel_loop3A_976 : i32 to index
        %parallel_loop3A_1039 = arith.constant 112 : index
        %parallel_loop3A_1040 = tpu.vector_load %arg8[%parallel_loop3A_1037, %parallel_loop3A_1038, %parallel_loop3A_1039] {strides = array<i32>} : memref<4x64x128xf32, #tpu.memory_space<vmem>>, vector<16xf32>,
        tpu.vector_store %arg8[%parallel_loop3A_1037, %parallel_loop3A_1038, %parallel_loop3A_1039], %parallel_loop3A_1035 {strides = array<i32>} : memref<4x64x128xf32, #tpu.memory_space<vmem>>, vector<16xf32>,
      } {sc.loop_unroll_factor = 4 : i64, sc.parallel_access}
      %dma_start3A_968 = arith.constant 0 : i32
      %dma_start3A_969 = arith.constant 0 : i32
      %dma_start3A_970 = tpu.memref_slice %arg4[%scan3A_16, %dma_start3A_968, %dma_start3A_969, %multiple_of3A] : memref<200x4x64x4096xf32, #tpu.memory_space<hbm>> -> memref<1x4x64x128xf32, #tpu.memory_space<hbm>>
      %dma_start3A_971 = tpu.memref_squeeze %dma_start3A_970 : memref<1x4x64x128xf32, #tpu.memory_space<hbm>> -> memref<4x64x128xf32, #tpu.memory_space<hbm>>
      %dma_start3A_972 = arith.constant 0 : i32
      %dma_start3A_973 = arith.constant 0 : i32
      %dma_start3A_974 = tpu.memref_slice %arg4[%scan3A_16, %dma_start3A_972, %dma_start3A_973, %multiple_of3A] : memref<200x4x64x4096xf32, #tpu.memory_space<hbm>> -> memref<1x4x64x128xf32, #tpu.memory_space<hbm>>
      %dma_start3A_975 = tpu.memref_squeeze %dma_start3A_974 : memref<1x4x64x128xf32, #tpu.memory_space<hbm>> -> memref<4x64x128xf32, #tpu.memory_space<hbm>>
      tpu.enqueue_dma source(%arg8 : memref<4x64x128xf32, #tpu.memory_space<vmem>>) target(%dma_start3A_975 : memref<4x64x128xf32, #tpu.memory_space<hbm>>) target_semaphore(%arg13 : memref<!tpu.dma_semaphore, #tpu.memory_space<semaphore_mem>>)
    }
    %scan3A_7 = arith.constant 200 : i32
    %dma_wait3A = arith.constant 199 : i32
    %dma_wait3A_8 = arith.constant 0 : i32
    %dma_wait3A_9 = arith.constant 0 : i32
    %dma_wait3A_10 = tpu.memref_slice %arg4[%dma_wait3A, %dma_wait3A_8, %dma_wait3A_9, %multiple_of3A] : memref<200x4x64x4096xf32, #tpu.memory_space<hbm>> -> memref<1x4x64x128xf32, #tpu.memory_space<hbm>>
    %dma_wait3A_11 = tpu.memref_squeeze %dma_wait3A_10 : memref<1x4x64x128xf32, #tpu.memory_space<hbm>> -> memref<4x64x128xf32, #tpu.memory_space<hbm>>
    %dma_wait3A_12 = arith.constant 0 : i32
    %dma_wait3A_13 = arith.constant 0 : i32
    %dma_wait3A_14 = tpu.memref_slice %arg4[%dma_wait3A, %dma_wait3A_12, %dma_wait3A_13, %multiple_of3A] : memref<200x4x64x4096xf32, #tpu.memory_space<hbm>> -> memref<1x4x64x128xf32, #tpu.memory_space<hbm>>
    %dma_wait3A_15 = tpu.memref_squeeze %dma_wait3A_14 : memref<1x4x64x128xf32, #tpu.memory_space<hbm>> -> memref<4x64x128xf32, #tpu.memory_space<hbm>>
    tpu.wait_dma2 semaphore(%arg13 : memref<!tpu.dma_semaphore, #tpu.memory_space<semaphore_mem>>) src(%arg8 : memref<4x64x128xf32, #tpu.memory_space<vmem>>) dst(%dma_wait3A_15 : memref<4x64x128xf32, #tpu.memory_space<hbm>>)
    return
  }
}

</mosaic_0001>

<sc_bundles>
// kernel: kernel.4.cloned.1.call-start
scs
__scs_entry_jumppad:
0x0: {  	(pc) =	sbr.rel $0x88, $3  }
0x1: {  	(tag) =	ssettag $0x0;
	lr =	simm.s32 $0x1  }
0x2: {  	[smem:$0x3F9F] =	sst lr;
	_ =	strace $0xD0000000  }
0x3: {  	_ = 	snop  }
0x4: {  	_ = 	snop  }
0x5: {  	_ = 	snop  }
0x6: {  	_ = 	snop  }
0x7: {  	_ = 	snop  }
__scs_overlays_trampoline_lowered:
0x8: {  	[smem:$0x3FAE] =	sst s0  }
0x9: {  	[smem:$0x3FAF] =	sst s1  }
0xa: {  	[smem:$0x3FB0] =	sst s2  }
0xb: {  	[smem:$0x3FB1] =	sst s3  }
0xc: {  	[smem:$0x3FB2] =	sst s4  }
0xd: {  	[smem:$0x3FB3] =	sst s5  }
0xe: {  	[smem:$0x3FB4] =	sst s6  }
0xf: {  	[smem:$0x3FB5] =	sst s7  }
0x10: {  	[smem:$0x3FB6] =	sst s8  }
0x11: {  	[smem:$0x3FB7] =	sst s9;
	s0 =	simm.s32 @!p0 $0x0  }
0x12: {  	s1 =	sld [smem:$0x3F9D];
	s0 =	simm.s32 @p0 $0x1  }
0x13: {  	[smem:$0x3FB8] =	sst s0;
	s0 =	simm.s32 @!p1 $0x0  }
0x14: {  	s2 =	sld [smem:$0x3F9C];
	s0 =	simm.s32 @p1 $0x1  }
0x15: {  	[smem:$0x3FB9] =	sst s0;
	s0 =	simm.s32 @!p2 $0x0  }
0x16: {  	s3 =	sld [smem:$0x3FDB];
	s0 =	simm.s32 @p2 $0x1  }
0x17: {  	s4 =	simm.s32 $0x1BF5;
	[smem:$0x3FBB] =	sst s0  }
0x18: {  	s0 =	sld [smem:$0x3F9E];
	_ =	swait.ge [sflag:s4], $0x0  }
0x19: {  	s7 =	sld [smem:$0x3F9F]  }
0x1a: {  	s8 =	sadd.s32 $0xFFFFE003, lr  }
0x1b: {  	s9 =	sadd.s32 $0xFFFFFEF7, lr;
	s5 =	simm.s32 $0xFFFFFFFF;
	p2 =	slt.u32 s8, $0xFFFFF086  }
0x1c: {  	p1 =	slt.u32 s9, $0xF7A;
	s5 =	simm.s32 @!p2 $0x0  }
0x1d: {  	s5 =	simm.s32 @p1 $0x1;
	p0 =	seq.s32 s7, s2  }
0x1e: {  	s7 =	smul.u32 @!p0 $0xF7A, s2;
	p2 =	seq.s32 @!p0 s5, $0x0  }
0x1f: {  	s9 =	smul.u32 $0xF7A, s1;
	s8 =	simm.s32 @!p0 $0x1BF5;
	p2 =	por !p2, p0  }
0x20: {  	[sflag:s8] =	ssyncset.s32 @!p0 $0xFFFFF086;
	s6 =	sadd.s32 @!p0 s3, s7;
	s7 =	simm.s32 @!p0 $0x108  }
0x21: {  	s3 =	sadd.s32 s3, s9;
	s6 =	sadd.s32 @!p0 $0x88, s6;
	s7 =	simm.s32 @p2 $0x1082  }
0x22: {  	[simem:s7], [sflag:s8] =	dma.local @!p0 [hbm:s6], $0xF7A  }
0x23: {  	s9 =	sor.u32 $0xD0000000, s2;
	s6 =	simm.s32 $0x108;
	_ =	swait.ge @!p0 [sflag:s8], $0x0  }
0x24: {  	s3 =	sadd.s32 $0x88, s3;
	s6 =	simm.s32 @!p1 $0x1082;
	[sflag:s4] =	ssyncset.s32 $0xFFFFF086  }
0x25: {  	[simem:s6], [sflag:s4] =	dma.local [hbm:s3], $0xF7A  }
0x26: {  	[smem:$0x3F9F] =	sst s1;
	(tag) =	ssettag s2;
	_ =	strace s9  }
0x27: {  	s1 =	sld [smem:$0x3FAF]  }
0x28: {  	s2 =	sld [smem:$0x3FB0]  }
0x29: {  	s4 =	sld [smem:$0x3FB2]  }
0x2a: {  	p0 =	seq.s32 s5, $0x0;
	s5 =	sld [smem:$0x3FB3]  }
0x2b: {  	s6 =	sld [smem:$0x3FB4]  }
0x2c: {  	s7 =	sld [smem:$0x3FB5]  }
0x2d: {  	s3 =	simm.s32 $0x108;
	s8 =	sld [smem:$0x3FB6]  }
0x2e: {  	s3 =	simm.s32 @!p0 $0x1082;
	s9 =	sld [smem:$0x3FB7]  }
0x2f: {  	lr =	sadd.s32 s0, s3;
	s0 =	sld [smem:$0x3FAE]  }
0x30: {  	s3 =	sld [smem:$0x3FB1]  }
0x31: {  	[smem:$0x3FBA] =	sst s10  }
0x32: {  	s10 =	sld [smem:$0x3FB8];
	_ =	sdelay $0x3  }
0x33: {  	p0 =	seq.s32 s10, $0x1;
	s10 =	sld [smem:$0x3FBA];
	_ =	sdelay $0x3  }
0x34: {  	[smem:$0x3FBA] =	sst s10  }
0x35: {  	s10 =	sld [smem:$0x3FB9];
	_ =	sdelay $0x3  }
0x36: {  	p1 =	seq.s32 s10, $0x1;
	s10 =	sld [smem:$0x3FBA];
	_ =	sdelay $0x3  }
0x37: {  	[smem:$0x3FBA] =	sst s10  }
0x38: {  	s10 =	sld [smem:$0x3FBB]  }
0x39: {  	_ = 	snop;
	(pc) =	sbr.ind lr, $3  }
0x3a: {  	_ = 	snop  }
0x3b: {  	_ = 	snop  }
0x3c: {  	p2 =	seq.s32 s10, $0x1;
	s10 =	sld [smem:$0x3FBA]  }
0x3d: {  	_ =	shalt  }
0x3e: {  	_ =	shalt  }
0x3f: {  	_ =	shalt  }
0x40: {  	_ =	shalt  }
0x41: {  	_ =	shalt  }
0x42: {  	_ =	shalt  }
0x43: {  	_ =	shalt  }
0x44: {  	_ =	shalt  }
0x45: {  	_ =	shalt  }
0x46: {  	_ =	shalt  }
0x47: {  	_ =	shalt  }
0x48: {  	_ =	shalt  }
0x49: {  	_ =	shalt  }
0x4a: {  	_ =	shalt  }
0x4b: {  	_ =	shalt  }
0x4c: {  	_ =	shalt  }
0x4d: {  	_ =	shalt  }
0x4e: {  	_ =	shalt  }
0x4f: {  	_ =	shalt  }
0x50: {  	_ =	shalt  }
0x51: {  	_ =	shalt  }
0x52: {  	_ =	shalt  }
0x53: {  	_ =	shalt  }
0x54: {  	_ =	shalt  }
0x55: {  	_ =	shalt  }
0x56: {  	_ =	shalt  }
0x57: {  	_ =	shalt  }
0x58: {  	_ =	shalt  }
0x59: {  	_ =	shalt  }
0x5a: {  	_ =	shalt  }
0x5b: {  	_ =	shalt  }
0x5c: {  	_ =	shalt  }
0x5d: {  	_ =	shalt  }
0x5e: {  	_ =	shalt  }
0x5f: {  	_ =	shalt  }
0x60: {  	_ =	shalt  }
0x61: {  	_ =	shalt  }
0x62: {  	_ =	shalt  }
0x63: {  	_ =	shalt  }
0x64: {  	_ =	shalt  }
0x65: {  	_ =	shalt  }
0x66: {  	_ =	shalt  }
0x67: {  	_ =	shalt  }
0x68: {  	_ =	shalt  }
0x69: {  	_ =	shalt  }
0x6a: {  	_ =	shalt  }
0x6b: {  	_ =	shalt  }
0x6c: {  	_ =	shalt  }
0x6d: {  	_ =	shalt  }
0x6e: {  	_ =	shalt  }
0x6f: {  	_ =	shalt  }
0x70: {  	_ =	shalt  }
0x71: {  	_ =	shalt  }
0x72: {  	_ =	shalt  }
0x73: {  	_ =	shalt  }
0x74: {  	_ =	shalt  }
0x75: {  	_ =	shalt  }
0x76: {  	_ =	shalt  }
0x77: {  	_ =	shalt  }
0x78: {  	_ =	shalt  }
0x79: {  	_ =	shalt  }
0x7a: {  	_ =	shalt  }
0x7b: {  	_ =	shalt  }
0x7c: {  	_ =	shalt  }
0x7d: {  	_ =	shalt  }
0x7e: {  	_ =	shalt  }
0x7f: {  	_ =	shalt  }
0x80: {  	_ =	shalt  }
0x81: {  	_ =	shalt  }
0x82: {  	_ =	shalt  }
0x83: {  	_ =	shalt  }
0x84: {  	_ =	shalt  }
0x85: {  	_ =	shalt  }
0x86: {  	_ =	shalt  }
0x87: {  	_ =	shalt  }
.Lfunc_end0:
.L_simem_size_0:
called_computation_lowered:
.L_overlay_start_0:
0x88: {  	s2 =	sld [smem:$0x3FD9]  }
0x89: {  	s3 =	sld [smem:$0x3FFE];
	_ =	sdelay $0x1  }
0x8a: {  	s1 =	srdreg.scid  }
0x8b: {  	s0 =	sand.u32 $0x1, s1  }
0x8c: {  	s17 =	sshll.u32 s0, $0xA;
	s2 =	sadd.s32 s3, s2  }
0x8d: {  	s2 =	sadd.s32 s2, s17  }
0x8e: {  	[smem:$0x3FC6] =	sst s2  }
0x8f: {  	_ = 	snop  }
0x90: {  	s2 =	sld [smem:$0x3FC8]  }
0x91: {  	s18 =	sld [smem:$0x3FD0];
	(tm) =	ssettm $0x1  }
0x92: {  	s4 =	sld [smem:$0x3FFB];
	_ =	sdelay $0x3  }
0x93: {  	_ =	strace s4  }
0x94: {  	s4 =	sld [smem:$0x3FFC];
	_ =	sdelay $0x3  }
0x95: {  	_ =	strace s4  }
0x96: {  	s4 =	sld [smem:$0x3FFD];
	_ =	sdelay $0x3  }
0x97: {  	_ =	strace s4  }
0x98: {  	_ =	strace $0x8FFFFFFF  }
0x99: {  	s19 =	sld [smem:$0x3FDB];
	_ =	sdelay $0x1  }
0x9a: {  	s5 =	simm.s32 $_scs_section_size  }
0x9b: {  	s6 =	simm.s32 $_size__tile_overlayer_lowered;
	s7 =	simm.s32 $_tile_overlayer_lowered  }
0x9c: {  	s22 =	simm.s32 $0x1BFF;
	s21 =	sshll.u32 s7, $0x1;
	s4 =	sadd.s32 s5, s19  }
0x9d: {  	s8 =	simm.s32 $0x0;
	s20 =	sshll.u32 s6, $0x1;
	s6 =	sadd.s32 s21, s4  }
0x9e: {  	[timem:s8], [sflag:s22] =	dma.local [hbm:s6], s20  }
0x9f: {  	_ =	swait.ge [sflag:s22], s20  }
0xa0: {  	s5 =	ssub.s32 $0x0, s20;
	[sflag:s22] =	ssyncset.done $0x0  }
0xa1: {  	[sflag:s22] =	ssyncadd.s32 s5;
	_ =	sdelay $0x1  }
0xa2: {  	s23 =	simm.s32 $0x1B8B  }
0xa3: {  	_ =	swait.ge [sflag:s23], $0x1  }
0xa4: {  	[sflag:s23] =	ssyncset.done $0x0  }
0xa5: {  	s25 =	simm.s32 $0x1B8E;
	s24 =	sld [smem:$0x3FFE];
	[sflag:s23] =	ssyncadd.s32 $0xFFFFFFFF  }
0xa6: {  	s26 =	simm.s32 $execute0_lowered;
	[smem:$0x3FD2] =	sst s25  }
0xa7: {  	s6 =	sshll.u32 s26, $0x1;
	_ =	strace $0x80000046;
	[dreg:$0x1] =	wrdreg $0xFFFFFFFF  }
0xa8: {  	s28 =	simm.s32 $_size_execute0_lowered;
	s4 =	sadd.s32 s4, s6;
	[dreg:$0x0] =	wrdreg $0x0  }
0xa9: {  	s6 =	sshll.u32 s28, $0x1;
	[dreg:$0x2] =	wrdreg s4  }
0xaa: {  	[dreg:$0x3] =	wrdreg s6  }
0xab: {  	[dreg:$0x4] =	wrdreg $0xC0  }
0xac: {  	_ =	task [dreg:s8], $0x5FFFF  }
0xad: {  	[dreg:$0x1] =	wrdreg $0xFFFFFFFF  }
0xae: {  	[dreg:$0x0] =	wrdreg $0x60  }
0xaf: {  	[dreg:$0x2] =	wrdreg s2  }
0xb0: {  	[dreg:$0x3] =	wrdreg s18  }
0xb1: {  	[dreg:$0x4] =	wrdreg s24  }
0xb2: {  	[dreg:$0x5] =	wrdreg $0x9  }
0xb3: {  	_ =	task.clear_ibuf [dreg:s8], $0x6FFFF;
	_ =	strace $0x90000046  }
0xb4: {  	s29 =	simm.s32 $0x9;
	_ =	strace $0x80000048  }
0xb5: {  	_ =	swait.ge [sflag:s29], $0x1  }
0xb6: {  	[sflag:s29] =	ssyncadd.s32 $0xFFFFFFFF  }
0xb7: {  	_ =	strace $0x90000048  }
0xb8: {  	_ =	sfence  }
0xb9: {  	s30 =	sld [smem:$0x0];
	_ =	sdelay $0x2  }
0xba: {  	s31 =	sshll.u32 s1, $0xD;
	s1 =	sshrl.u32 s1, $0x2  }
0xbb: {  	s3 =	sand.u32 $0x4000, s31;
	s1 =	sadd.s32 s1, s30  }
0xbc: {  	s0 =	sor.u32 s3, s0;
	s1 =	sshll.u32 s1, $0x11  }
0xbd: {  	s0 =	sor.u32 s1, s0  }
0xbe: {  	s0 =	sadd.s32 $0x8F2B, s0  }
0xbf: {  	[sflag:s0] =	ssyncadd.remote.s32 $0x1  }
0xc0: {  	_ =	sfence.sel $0xFFFF  }
0xc1: {  	[dreg:$0x0] =	wrdreg $0xFFFFFFFF;
	(pc) =	sbr.abs _section_cstart, $3  }
0xc2: {  	[dreg:$0x1] =	wrdreg $0xFFFFFFFF  }
0xc3: {  	_ =	task.clear_ibuf [dreg:s8], $0x2FFFF;
	_ =	strace $0x9FFFFFFF  }
0xc4: {  	(tm) =	ssettm $0x7FFFFFFF  }
0xc5: {  	_ =	shalt  }
tec
execute0_lowered:
.L_overlay_start_1:
0x0: {  	(tag) =	ssettag $0x1  }
0x1: {  	v0 =	vimm.s32 $0x1B80;
	vm14 =	vcmask $0x300;
	vm13 =	vcmask $0x704  }
0x2: {  	vm12 =	vcmask $0xB08;
	vm11 =	vcmask $0xF0C;
	vm10 =	vcmask $0x1310  }
0x3: {  	vm9 =	vcmask $0x1714;
	vm8 =	vcmask $0x1B18;
	vm7 =	vcmask $0x1F1C  }
0x4: {  	vm6 =	vcmask $0x2320;
	vm5 =	vcmask $0x2724;
	vm4 =	vcmask $0x2B28  }
0x5: {  	vm3 =	vcmask $0x2F2C;
	vm2 =	vcmask $0x3330;
	vm1 =	vcmask $0x3734  }
0x6: {  	vm0 =	vcmask $0x3B38;
	v1 =	vimm.s32 $0x4B80;
	v2 =	vimm.s32 $0x7B80  }
0x7: {  	v3 =	vimm.s32 $0xAB80;
	v0 =	vsel vm14, $0x0, v0;
	v1 =	vsel vm14, $0x3000, v1  }
0x8: {  	v2 =	vsel vm14, $0x6000, v2;
	v3 =	vsel vm14, $0x9000, v3;
	v0 =	vsel vm13, $0x80, v0  }
0x9: {  	v1 =	vsel vm13, $0x3080, v1;
	v2 =	vsel vm13, $0x6080, v2;
	v3 =	vsel vm13, $0x9080, v3  }
0xa: {  	v0 =	vsel vm12, $0x100, v0;
	v1 =	vsel vm12, $0x3100, v1;
	v2 =	vsel vm12, $0x6100, v2  }
0xb: {  	v3 =	vsel vm12, $0x9100, v3;
	v0 =	vsel vm11, $0x180, v0;
	v1 =	vsel vm11, $0x3180, v1  }
0xc: {  	s0 =	rddreg [dreg:$0x0];
	v2 =	vsel vm11, $0x6180, v2;
	v3 =	vsel vm11, $0x9180, v3;
	v0 =	vsel vm10, $0x200, v0  }
0xd: {  	s1 =	rddreg [dreg:$0x1];
	s2 =	srdreg.scid;
	v1 =	vsel vm10, $0x3200, v1;
	v2 =	vsel vm10, $0x6200, v2;
	v3 =	vsel vm10, $0x9200, v3  }
0xe: {  	s16 =	stileid.u32;
	s5 =	rddreg [dreg:$0x2];
	s3 =	simm.s32 $0x0;
	v0 =	vsel vm9, $0x280, v0;
	v1 =	vsel vm9, $0x3280, v1;
	v2 =	vsel vm9, $0x6280, v2  }
0xf: {  	s11 =	simm.s32 $0x1800;
	s12 =	simm.s32 $0xC3800;
	s13 =	simm.s32 $0x2;
	v3 =	vsel vm9, $0x9280, v3;
	v0 =	vsel vm8, $0x300, v0;
	v1 =	vsel vm8, $0x3300, v1  }
0x10: {  	s14 =	simm.s32 $0xC000;
	s15 =	simm.s32 $0x1;
	s17 =	simm.s32 $0x18000;
	v2 =	vsel vm8, $0x6300, v2;
	v3 =	vsel vm8, $0x9300, v3;
	v0 =	vsel vm7, $0x380, v0  }
0x11: {  	s19 =	simm.s32 $0x1C000;
	s2 =	sand.u32 $0x1, s2;
	s4 =	sshll.u32 s16, $0x1;
	v1 =	vsel vm7, $0x3380, v1;
	v2 =	vsel vm7, $0x6380, v2;
	v3 =	vsel vm7, $0x9380, v3  }
0x12: {  	s21 =	simm.s32 $0x0;
	[smem:$0x7FF] =	sst s3;
	s4 =	sor.u32 s2, s4;
	v0 =	vsel vm6, $0x1800, v0;
	v1 =	vsel vm6, $0x4800, v1;
	v2 =	vsel vm6, $0x7800, v2  }
0x13: {  	s5 =	sadd.s32 $0x800, s5;
	s29 =	sand.u32 $0xE, s16;
	s6 =	smul.u32 $0x61C000, s4;
	v3 =	vsel vm6, $0xA800, v3;
	v0 =	vsel vm5, $0x1880, v0;
	v1 =	vsel vm5, $0x4880, v1  }
0x14: {  	p1 =	slt.u32 s16, $0xE;
	_ =	strace $0x80000047;
	s2 =	ssub.s32 $0x2, s2;
	v2 =	vsel vm5, $0x7880, v2;
	v0 =	vsel vm4, $0x1900, v0;
	v1 =	vsel vm4, $0x4900, v1  }
0x15: {  	p0 =	sne.s32 s29, $0xC;
	s7 =	sshrl.u32 s2, $0x1;
	s6 =	sadd.s32 $0xF6D60000, s6;
	v3 =	vsel vm5, $0xA880, v3;
	v0 =	vsel vm3, $0x1980, v0;
	v1 =	vsel vm3, $0x4980, v1  }
0x16: {  	s8 =	smul.u32 $0x640000, s4;
	s9 =	sshll.u32 s4, $0xA;
	s6 =	sshrl.u32 s6, $0x3;
	v2 =	vsel vm4, $0x7900, v2;
	v0 =	vsel vm2, $0x1A00, v0;
	v1 =	vsel vm2, $0x4A00, v1  }
0x17: {  	s2 =	ssub.s32 s2, s7;
	s9 =	sadd.s32 $0xFFFF9000, s9;
	s6 =	sadd.s32 s0, s6;
	v3 =	vsel vm4, $0xA900, v3;
	v0 =	vsel vm1, $0x1A80, v0;
	v4 =	vsel vm1, $0x4A80, v1  }
.Ltmp0:
0x18: {  	s30 =	sadd.s32 $0xF6A00000, s8;
	s6 =	sadd.s32 $0x18600, s6;
	v1 =	vsel vm3, $0x7980, v2;
	v2 =	vsel vm3, $0xA980, v3;
	v3 =	vlaneseq.u32;
	(pc) =	sbr.rel .LBB2_1-.Ltmp0, $4  }
0x19: {  	s8 =	sadd.s32 $0xF5100000, s8;
	[dreg:$0x4] =	wrdreg s6;
	s6 =	sshrl.u32 s30, $0x3;
	v0 =	vsel vm0, $0x1B00, v0;
	v1 =	vsel vm2, $0x7A00, v1;
	v2 =	vsel vm2, $0xAA00, v2  }
0x1a: {  	s9 =	sand.u32 $0x1FFFFC00, s9;
	s10 =	sshrl.u32 s8, $0x3;
	s6 =	sadd.s32 s5, s6;
	v5 =	vsel vm1, $0x7A80, v1;
	v6 =	vsel vm1, $0xAA80, v2;
	v1 =	vmul.u32 $0x80, v3  }
0x1b: {  	s8 =	sadd.s32 s1, s9;
	s31 =	sadd.s32 s5, s10;
	s6 =	sadd.s32 $0xC3000, s6;
	v2 =	vsel vm0, $0x4B00, v4;
	v3 =	vsel vm0, $0x7B00, v5;
	v4 =	vsel vm0, $0xAB00, v6  }
0x1c: {  	s10 =	smax.u32 s2, $0x1;
	s9 =	sadd.s32 $0xC3400, s31;
	[dreg:$0x5] =	wrdreg s6;
	v5 =	vor.u32 $0x800, v1;
	v6 =	vor.u32 $0x1000, v1;
	v7 =	vor.u32 $0x1800, v1  }
.LBB2_15:
0x1d: {  	s21 =	sadd.s32 $0x1, s21  }
0x1e: {  	p2 =	sne.s32 s21, s10  }
.Ltmp1:
0x1f: {  	_ = 	snop;
	(pc) =	sbr.rel @!p2 .LBB2_16-.Ltmp1, $1  }
0x20: {  	_ =	sdelay $0x3  }
.LBB2_1:
.Ltmp2:
0x21: {  	(pc) =	sbr.rel .LBB2_2-.Ltmp2, $2  }
0x22: {  	_ =	sdelay $0x2  }
0x23: {  	s22 =	simm.s32 $0x0  }
.LBB2_6:
0x24: {  	s22 =	sadd.s32 $0x1, s22  }
0x25: {  	p2 =	sne.s32 s22, $0x11  }
.Ltmp3:
0x26: {  	_ = 	snop;
	(pc) =	sbr.rel @!p2 .LBB2_7-.Ltmp3, $1  }
0x27: {  	_ =	sdelay $0x3  }
.LBB2_2:
0x28: {  	s1 =	sshll.u32 s22, $0x5  }
0x29: {  	s1 =	sor.u32 s4, s1  }
0x2a: {  	p2 =	sgt.u32 s1, $0x207  }
.Ltmp4:
0x2b: {  	_ = 	snop;
	(pc) =	sbr.rel @p2 .LBB2_6-.Ltmp4, $1  }
0x2c: {  	_ =	sdelay $0x3  }
0x2d: {  	s2 =	smul.u32 $0xFC1, s1;
	_ =	sdelay $0x1  }
0x2e: {  	s23 =	sshrl.u32 s2, $0x13  }
0x2f: {  	s2 =	smul.u32 $0x82, s23;
	_ =	sdelay $0x1  }
0x30: {  	s25 =	ssub.s32 s1, s2  }
0x31: {  	s6 =	simm.s32 $0x0;
	s26 =	smul.u32 $0x61C000, s23;
	s1 =	sand.u32 $0xFFFF, s25  }
0x32: {  	v8 =	vmov s6;
	s24 =	smul.u32 $0x1800, s1  }
0x33: {  	v9 =	vshll.u32 v8, $0x3  }
0x34: {  	v8 =	vand.u32 $0x7E, v8;
	v9 =	vand.u32 $0x1C00, v9;
	s1 =	sadd.s32 s24, s26  }
0x35: {  	v8 =	vor.u32 v8, v9;
	s1 =	sshrl.u32 s1, $0x3  }
0x36: {  	v9 =	vadd.s32 v0, v8;
	s1 =	sadd.s32 s0, s1  }
0x37: {  	[tilespmem:s3], [sflag:$0x2] =	stream.strided.gather [hbm4b:s1+s11], $0xC000, s12, s11, $0x38;
	[tilespmem:$0x1E800] =	vst v63  }
0x38: {  	s6 =	simm.s32 $0x2;
	_ =	swait.ge [sflag:s13], $0xC000  }
0x39: {  	v10 =	vmov s6;
	[sflag:s13] =	ssyncset.done $0x0  }
0x3a: {  	v11 =	vshll.u32 v10, $0x3;
	[sflag:s13] =	ssyncadd.s32 $0xFFFF4000  }
0x3b: {  	v10 =	vand.u32 $0x7E, v10;
	v11 =	vand.u32 $0x1C00, v11;
	v9 =	vld.idx.msk [tilespmem:v9+s3+$0x0], $0xffff  }
0x3c: {  	v10 =	vor.u32 v10, v11;
	v11 =	vadd.s32 v2, v8  }
0x3d: {  	v12 =	vadd.s32 v0, v10;
	_ =	sdelay $0x1  }
0x3e: {  	s30 =	simm.s32 $0xC040;
	s7 =	simm.s32 $0x4  }
0x3f: {  	[tilespmem:s30+$0xFFFFFFC0] =	vst v9;
	v9 =	vmov s7  }
0x40: {  	v11 =	vld.idx.msk [tilespmem:v11+s3+$0x0], $0xffff;
	v13 =	vshll.u32 v9, $0x3  }
0x41: {  	v14 =	vadd.s32 v3, v8;
	v12 =	vld.idx.msk [tilespmem:v12+s3+$0x0], $0xffff;
	v9 =	vand.u32 $0x7E, v9;
	v13 =	vand.u32 $0x1C00, v13  }
0x42: {  	v9 =	vor.u32 v9, v13;
	v13 =	vadd.s32 v2, v10  }
0x43: {  	v15 =	vadd.s32 v0, v9;
	_ =	sdelay $0x1  }
0x44: {  	s28 =	simm.s32 $0xC0C0;
	s16 =	simm.s32 $0x6;
	[tilespmem:s30+$0xFFFFFFD0] =	vst v11  }
0x45: {  	[tilespmem:s28+$0xFFFFFFC0] =	vst v12;
	v12 =	vmov s16;
	v11 =	vld.idx.msk [tilespmem:v14+s3+$0x0], $0xffff  }
0x46: {  	v8 =	vadd.s32 v4, v8;
	v14 =	vshll.u32 v12, $0x3;
	v13 =	vld.idx.msk [tilespmem:v13+s3+$0x0], $0xffff  }
0x47: {  	s18 =	simm.s32 $0x1;
	v16 =	vadd.s32 v3, v10;
	v12 =	vand.u32 $0x7E, v12;
	v14 =	vand.u32 $0x1C00, v14;
	v15 =	vld.idx.msk [tilespmem:v15+s3+$0x0], $0xffff  }
0x48: {  	v17 =	vmov s18;
	v12 =	vor.u32 v12, v14;
	v14 =	vadd.s32 v2, v9  }
0x49: {  	v19 =	vshll.u32 v17, $0x3;
	v18 =	vadd.s32 v0, v12  }
0x4a: {  	[tilespmem:s30+$0xFFFFFFE0] =	vst v11;
	v11 =	vand.u32 $0x7F, v17;
	v17 =	vand.u32 $0x1C00, v19  }
0x4b: {  	s20 =	simm.s32 $0x8;
	s26 =	simm.s32 $0xC140;
	[tilespmem:s28+$0xFFFFFFD0] =	vst v13;
	v8 =	vld.idx.msk [tilespmem:v8+s3+$0x0], $0xffff;
	v11 =	vor.u32 v11, v17  }
0x4c: {  	[tilespmem:s26+$0xFFFFFFC0] =	vst v15;
	v13 =	vld.idx.msk [tilespmem:v16+s3+$0x0], $0xffff;
	v15 =	vmov s20;
	v16 =	vadd.s32 v0, v11  }
0x4d: {  	v10 =	vadd.s32 v4, v10;
	v14 =	vld.idx.msk [tilespmem:v14+s3+$0x0], $0xffff;
	v17 =	vshll.u32 v15, $0x3  }
0x4e: {  	s25 =	simm.s32 $0x3;
	v19 =	vadd.s32 v3, v9;
	v18 =	vld.idx.msk [tilespmem:v18+s3+$0x0], $0xffff;
	v15 =	vand.u32 $0x7E, v15;
	v17 =	vand.u32 $0x1C00, v17  }
0x4f: {  	v20 =	vmov s25;
	v15 =	vor.u32 v15, v17;
	v17 =	vadd.s32 v2, v12  }
0x50: {  	v21 =	vadd.s32 v0, v15;
	[tilespmem:s30+$0xFFFFFFF0] =	vst v8;
	v8 =	vshll.u32 v20, $0x3  }
0x51: {  	[tilespmem:s28+$0xFFFFFFE0] =	vst v13;
	v13 =	vld.idx.msk [tilespmem:v16+s3+$0x0], $0xffff;
	v16 =	vand.u32 $0x7F, v20;
	v8 =	vand.u32 $0x1C00, v8  }
0x52: {  	s2 =	simm.s32 $0xA;
	s25 =	simm.s32 $0xC1C0;
	[tilespmem:s26+$0xFFFFFFD0] =	vst v14;
	v14 =	vld.idx.msk [tilespmem:v10+s3+$0x0], $0xffff;
	v16 =	vor.u32 v16, v8;
	v8 =	vadd.s32 v2, v11  }
0x53: {  	[tilespmem:s25+$0xFFFFFFC0] =	vst v18;
	v10 =	vmov s2;
	v18 =	vld.idx.msk [tilespmem:v19+s3+$0x0], $0xffff;
	v19 =	vadd.s32 v0, v16  }
0x54: {  	v9 =	vadd.s32 v4, v9;
	v20 =	vshll.u32 v10, $0x3;
	v17 =	vld.idx.msk [tilespmem:v17+s3+$0x0], $0xffff  }
0x55: {  	s6 =	simm.s32 $0x5;
	v22 =	vadd.s32 v3, v12;
	v10 =	vand.u32 $0x7E, v10;
	v20 =	vand.u32 $0x1C00, v20;
	v21 =	vld.idx.msk [tilespmem:v21+s3+$0x0], $0xffff  }
0x56: {  	v10 =	vor.u32 v10, v20;
	v20 =	vadd.s32 v2, v15;
	[tilespmem:s30+$0x0] =	vst v13;
	v13 =	vmov s6  }
0x57: {  	v23 =	vadd.s32 v0, v10;
	[tilespmem:s28+$0xFFFFFFF0] =	vst v14;
	v14 =	vld.idx.msk [tilespmem:v8+s3+$0x0], $0xffff;
	v8 =	vshll.u32 v13, $0x3  }
0x58: {  	v13 =	vand.u32 $0x7F, v13;
	[tilespmem:s26+$0xFFFFFFE0] =	vst v18;
	v18 =	vld.idx.msk [tilespmem:v19+s3+$0x0], $0xffff;
	v8 =	vand.u32 $0x1C00, v8;
	v19 =	vadd.s32 v3, v11  }
0x59: {  	s29 =	simm.s32 $0xC240;
	s7 =	simm.s32 $0xC;
	[tilespmem:s25+$0xFFFFFFD0] =	vst v17;
	v9 =	vld.idx.msk [tilespmem:v9+s3+$0x0], $0xffff;
	v8 =	vor.u32 v13, v8;
	v13 =	vadd.s32 v2, v16  }
0x5a: {  	[tilespmem:s29+$0xFFFFFFC0] =	vst v21;
	v17 =	vld.idx.msk [tilespmem:v22+s3+$0x0], $0xffff;
	v21 =	vmov s7;
	v22 =	vadd.s32 v0, v8  }
0x5b: {  	v25 =	vadd.s32 v4, v12;
	v20 =	vld.idx.msk [tilespmem:v20+s3+$0x0], $0xffff;
	v24 =	vshll.u32 v21, $0x3  }
0x5c: {  	v23 =	vld.idx.msk [tilespmem:v23+s3+$0x0], $0xffff;
	v12 =	vand.u32 $0x7E, v21;
	v21 =	vand.u32 $0x1C00, v24;
	v24 =	vadd.s32 v3, v15;
	[tilespmem:s30+$0x10] =	vst v14  }
0x5d: {  	s16 =	simm.s32 $0x7;
	v14 =	vadd.s32 v2, v10;
	v12 =	vor.u32 v12, v21;
	[tilespmem:s28+$0x0] =	vst v18;
	v18 =	vld.idx.msk [tilespmem:v19+s3+$0x0], $0xffff  }
0x5e: {  	v21 =	vmov s16;
	v19 =	vadd.s32 v0, v12;
	[tilespmem:s26+$0xFFFFFFF0] =	vst v9;
	v13 =	vld.idx.msk [tilespmem:v13+s3+$0x0], $0xffff  }
0x5f: {  	v11 =	vadd.s32 v4, v11;
	v9 =	vshll.u32 v21, $0x3;
	[tilespmem:s25+$0xFFFFFFE0] =	vst v17;
	v17 =	vld.idx.msk [tilespmem:v22+s3+$0x0], $0xffff  }
0x60: {  	s31 =	simm.s32 $0xC2C0;
	v9 =	vand.u32 $0x1C00, v9;
	[tilespmem:s29+$0xFFFFFFD0] =	vst v20;
	v25 =	vld.idx.msk [tilespmem:v25+s3+$0x0], $0xffff;
	v20 =	vand.u32 $0x7F, v21;
	v21 =	vadd.s32 v3, v16  }
0x61: {  	s18 =	simm.s32 $0xE;
	[tilespmem:s31+$0xFFFFFFC0] =	vst v23;
	v26 =	vld.idx.msk [tilespmem:v24+s3+$0x0], $0xffff;
	v9 =	vor.u32 v20, v9;
	v24 =	vadd.s32 v2, v8  }
0x62: {  	v22 =	vmov s18;
	v14 =	vld.idx.msk [tilespmem:v14+s3+$0x0], $0xffff;
	v27 =	vadd.s32 v0, v9  }
0x63: {  	[tilespmem:s30+$0x20] =	vst v18;
	v28 =	vld.idx.msk [tilespmem:v19+s3+$0x0], $0xffff;
	v19 =	vadd.s32 v4, v15;
	v15 =	vshll.u32 v22, $0x3  }
0x64: {  	v29 =	vadd.s32 v3, v10;
	[tilespmem:s28+$0x10] =	vst v13;
	v20 =	vld.idx.msk [tilespmem:v11+s3+$0x0], $0xffff;
	v11 =	vand.u32 $0x7E, v22;
	v13 =	vand.u32 $0x1C00, v15  }
0x65: {  	s20 =	simm.s32 $0x9;
	v23 =	vadd.s32 v2, v12;
	[tilespmem:s26+$0x0] =	vst v17;
	v22 =	vld.idx.msk [tilespmem:v21+s3+$0x0], $0xffff;
	v13 =	vor.u32 v11, v13  }
0x66: {  	v11 =	vmov s20;
	[tilespmem:s25+$0xFFFFFFF0] =	vst v25;
	v18 =	vld.idx.msk [tilespmem:v24+s3+$0x0], $0xffff;
	v24 =	vadd.s32 v0, v13  }
0x67: {  	s1 =	simm.s32 $0x13;
	v16 =	vadd.s32 v4, v16;
	[tilespmem:s29+$0xFFFFFFE0] =	vst v26;
	v21 =	vshll.u32 v11, $0x3;
	v15 =	vld.idx.msk [tilespmem:v27+s3+$0x0], $0xffff  }
0x68: {  	s2 =	simm.s32 $0xC340;
	s6 =	simm.s32 $0xD;
	s7 =	simm.s32 $0xB;
	[tilespmem:s31+$0xFFFFFFD0] =	vst v14;
	v11 =	vand.u32 $0x7F, v11;
	v14 =	vand.u32 $0x1C00, v21;
	v17 =	vld.idx.msk [tilespmem:v19+s3+$0x0], $0xffff;
	v19 =	vadd.s32 v3, v8  }
0x69: {  	s16 =	simm.s32 $0x10;
	s18 =	simm.s32 $0xF;
	s20 =	simm.s32 $0x11;
	v21 =	vld.idx.msk [tilespmem:v29+s3+$0x0], $0xffff;
	[tilespmem:s2+$0xFFFFFFC0] =	vst v28;
	v11 =	vor.u32 v11, v14;
	v14 =	vadd.s32 v2, v9  }
.LBB2_4:
0x6a: {  	p2 =	sne.s32 s1, $0x2FF;
	v25 =	vmov s16;
	v26 =	vld.idx.msk [tilespmem:v23+s3+$0x0], $0xffff;
	v27 =	vadd.s32 v0, v11;
	[tilespmem:s30+$0x30] =	vst v20;
	s30 =	smov.u32 s28;
	s28 =	smov.u32 s26  }
0x6b: {  	v29 =	vadd.s32 v4, v10;
	v10 =	vmovc v12;
	v12 =	vmov v13;
	s26 =	smov.u32 s25;
	s25 =	smov.u32 s29;
	s29 =	smov.u32 s31;
	v20 =	vshll.u32 v25, $0x3;
	v28 =	vld.idx.msk [tilespmem:v24+s3+$0x0], $0xffff;
	[tilespmem:s30+$0x20] =	vst v22  }
0x6c: {  	s31 =	smov.u32 s2;
	v13 =	vand.u32 $0x7E, v25;
	v25 =	vadd.s32 v3, v10;
	v22 =	vand.u32 $0x1C00, v20;
	[tilespmem:s28+$0x10] =	vst v18;
	v20 =	vld.idx.msk [tilespmem:v16+s3+$0x0], $0xffff  }
.Ltmp5:
0x6d: {  	v23 =	vadd.s32 v2, v12;
	v13 =	vor.u32 v13, v22;
	[tilespmem:s26+$0x0] =	vst v15;
	v22 =	vld.idx.msk [tilespmem:v19+s3+$0x0], $0xffff;
	(pc) =	sbr.rel @p2 .LBB2_4-.Ltmp5, $4  }
0x6e: {  	v19 =	vmov s7;
	s7 =	smov.u32 s6;
	s6 =	smov.u32 s18;
	s18 =	smov.u32 s20;
	v24 =	vadd.s32 v0, v13;
	[tilespmem:s25+$0xFFFFFFF0] =	vst v17;
	v18 =	vld.idx.msk [tilespmem:v14+s3+$0x0], $0xffff  }
0x6f: {  	v16 =	vadd.s32 v4, v8;
	v8 =	vmovc v9;
	v9 =	vmov v11;
	s20 =	smov.u32 s1;
	v14 =	vshll.u32 v19, $0x3;
	[tilespmem:s29+$0xFFFFFFE0] =	vst v21;
	v15 =	vld.idx.msk [tilespmem:v27+s3+$0x0], $0xffff  }
0x70: {  	s2 =	sadd.s32 $0x80, s2;
	v11 =	vand.u32 $0x7F, v19;
	v19 =	vadd.s32 v3, v8;
	v14 =	vand.u32 $0x1C00, v14;
	[tilespmem:s31+$0xFFFFFFD0] =	vst v26;
	v17 =	vld.idx.msk [tilespmem:v29+s3+$0x0], $0xffff  }
0x71: {  	s1 =	sadd.s32 $0x2, s1;
	s16 =	sadd.s32 $0xFFFFFFFF, s20;
	v11 =	vor.u32 v11, v14;
	v14 =	vadd.s32 v2, v9;
	[tilespmem:s2+$0xFFFFFFC0] =	vst v28;
	v21 =	vld.idx.msk [tilespmem:v25+s3+$0x0], $0xffff  }
0x72: {  	v25 =	vmov s16  }
0x73: {  	v26 =	vshll.u32 v25, $0x3  }
0x74: {  	v25 =	vand.u32 $0x7E, v25;
	v26 =	vand.u32 $0x1C00, v26  }
0x75: {  	v25 =	vor.u32 v25, v26  }
0x76: {  	v26 =	vadd.s32 v0, v25;
	_ =	sdelay $0x3  }
0x77: {  	v24 =	vld.idx.msk [tilespmem:v24+s3+$0x0], $0xffff  }
0x78: {  	v27 =	vadd.s32 v2, v13;
	v26 =	vld.idx.msk [tilespmem:v26+s3+$0x0], $0xffff  }
0x79: {  	v28 =	vadd.s32 v2, v25;
	_ =	sdelay $0x1  }
0x7a: {  	s1 =	sadd.s32 $0x80, s2;
	v23 =	vld.idx.msk [tilespmem:v23+s3+$0x0], $0xffff  }
0x7b: {  	v58 =	vadd.s32 v3, v12;
	s16 =	sadd.s32 $0x80, s1;
	[tilespmem:s1+$0xFFFFFFC0] =	vst v24  }
0x7c: {  	v59 =	vld.idx.msk [tilespmem:v27+s3+$0x0], $0xffff;
	[tilespmem:s16+$0xFFFFFFC0] =	vst v26  }
0x7d: {  	[tilespmem:s30+$0x30] =	vst v20;
	v60 =	vadd.s32 v3, v13;
	v61 =	vld.idx.msk [tilespmem:v28+s3+$0x0], $0xffff  }
0x7e: {  	[tilespmem:s28+$0x20] =	vst v22;
	v62 =	vadd.s32 v3, v25  }
0x7f: {  	[tilespmem:s2+$0xFFFFFFD0] =	vst v23  }
0x80: {  	v63 =	vadd.s32 v0, v11;
	v10 =	vadd.s32 v4, v10;
	[tilespmem:s26+$0x10] =	vst v18;
	v24 =	vld.idx.msk [tilespmem:v58+s3+$0x0], $0xffff  }
0x81: {  	v30 =	vadd.s32 v4, v12;
	v31 =	vmov s6;
	v33 =	vadd.s32 v4, v13;
	[tilespmem:s1+$0xFFFFFFD0] =	vst v59  }
0x82: {  	v34 =	vmov s18;
	v37 =	vmov s20;
	v32 =	vshll.u32 v31, $0x3;
	v20 =	vld.idx.msk [tilespmem:v60+s3+$0x0], $0xffff;
	[tilespmem:s16+$0xFFFFFFD0] =	vst v61  }
0x83: {  	v36 =	vshll.u32 v34, $0x3;
	v38 =	vshll.u32 v37, $0x3;
	v40 =	vand.u32 $0x7F, v37;
	[tilespmem:s25+$0x0] =	vst v15;
	v22 =	vld.idx.msk [tilespmem:v62+s3+$0x0], $0xffff  }
0x84: {  	v16 =	vld.idx.msk [tilespmem:v16+s3+$0x0], $0xffff;
	v15 =	vand.u32 $0x1C00, v32;
	[tilespmem:s29+$0xFFFFFFF0] =	vst v17;
	v25 =	vadd.s32 v4, v25;
	v28 =	vmov s7  }
0x85: {  	v19 =	vld.idx.msk [tilespmem:v19+s3+$0x0], $0xffff;
	v17 =	vand.u32 $0x7F, v34;
	v27 =	vand.u32 $0x7F, v31;
	[tilespmem:s2+$0xFFFFFFE0] =	vst v24;
	v29 =	vshll.u32 v28, $0x3  }
0x86: {  	[tilespmem:s31+$0xFFFFFFE0] =	vst v21;
	v15 =	vor.u32 v27, v15;
	v12 =	vld.idx.msk [tilespmem:v30+s3+$0x0], $0xffff;
	v23 =	vand.u32 $0x7F, v28;
	v26 =	vand.u32 $0x1C00, v29  }
0x87: {  	v10 =	vld.idx.msk [tilespmem:v10+s3+$0x0], $0xffff;
	v39 =	vadd.s32 v0, v15;
	[tilespmem:s1+$0xFFFFFFE0] =	vst v20;
	v35 =	vor.u32 v23, v26;
	v23 =	vand.u32 $0x1C00, v36  }
0x88: {  	v20 =	vand.u32 $0x1C00, v38;
	v13 =	vld.idx.msk [tilespmem:v33+s3+$0x0], $0xffff;
	v26 =	vadd.s32 v0, v35;
	v17 =	vor.u32 v17, v23;
	[tilespmem:s16+$0xFFFFFFE0] =	vst v22  }
0x89: {  	[tilespmem:s28+$0x30] =	vst v16;
	v20 =	vor.u32 v40, v20;
	v41 =	vadd.s32 v0, v17;
	v42 =	vld.idx.msk [tilespmem:v25+s3+$0x0], $0xffff  }
0x8a: {  	v14 =	vld.idx.msk [tilespmem:v14+s3+$0x0], $0xffff;
	[tilespmem:s26+$0x20] =	vst v19;
	v43 =	vadd.s32 v0, v20  }
0x8b: {  	v8 =	vadd.s32 v4, v8;
	v18 =	vld.idx.msk [tilespmem:v63+s3+$0x0], $0xffff;
	[tilespmem:s2+$0xFFFFFFF0] =	vst v12  }
0x8c: {  	v44 =	vadd.s32 v2, v11;
	[tilespmem:s31+$0xFFFFFFF0] =	vst v10;
	v23 =	vld.idx.msk [tilespmem:v39+s3+$0x0], $0xffff  }
0x8d: {  	v47 =	vadd.s32 v2, v15;
	[tilespmem:s1+$0xFFFFFFF0] =	vst v13;
	v45 =	vld.idx.msk [tilespmem:v26+s3+$0x0], $0xffff  }
0x8e: {  	v46 =	vadd.s32 v2, v35;
	v16 =	vld.idx.msk [tilespmem:v41+s3+$0x0], $0xffff;
	[tilespmem:s16+$0xFFFFFFF0] =	vst v42  }
0x8f: {  	[tilespmem:s25+$0x10] =	vst v14;
	v48 =	vadd.s32 v2, v17;
	v19 =	vld.idx.msk [tilespmem:v43+s3+$0x0], $0xffff  }
0x90: {  	v8 =	vld.idx.msk [tilespmem:v8+s3+$0x0], $0xffff;
	[tilespmem:s29+$0x0] =	vst v18;
	v49 =	vadd.s32 v2, v20  }
0x91: {  	v50 =	vadd.s32 v3, v9;
	v10 =	vld.idx.msk [tilespmem:v44+s3+$0x0], $0xffff;
	[tilespmem:s2+$0x0] =	vst v23  }
0x92: {  	v51 =	vadd.s32 v3, v11;
	v13 =	vld.idx.msk [tilespmem:v47+s3+$0x0], $0xffff;
	[tilespmem:s31+$0x0] =	vst v45  }
0x93: {  	v53 =	vadd.s32 v3, v15;
	v12 =	vld.idx.msk [tilespmem:v46+s3+$0x0], $0xffff;
	[tilespmem:s1+$0x0] =	vst v16  }
0x94: {  	v52 =	vadd.s32 v3, v35;
	v14 =	vld.idx.msk [tilespmem:v48+s3+$0x0], $0xffff;
	[tilespmem:s16+$0x0] =	vst v19  }
0x95: {  	[tilespmem:s26+$0x30] =	vst v8;
	v8 =	vadd.s32 v3, v17;
	v18 =	vld.idx.msk [tilespmem:v49+s3+$0x0], $0xffff  }
0x96: {  	v54 =	vld.idx.msk [tilespmem:v50+s3+$0x0], $0xffff;
	[tilespmem:s29+$0x10] =	vst v10;
	v55 =	vadd.s32 v3, v20  }
0x97: {  	v56 =	vadd.s32 v4, v9;
	v22 =	vld.idx.msk [tilespmem:v51+s3+$0x0], $0xffff;
	[tilespmem:s2+$0x10] =	vst v13  }
0x98: {  	v57 =	vadd.s32 v4, v11;
	v16 =	vld.idx.msk [tilespmem:v53+s3+$0x0], $0xffff;
	[tilespmem:s31+$0x10] =	vst v12  }
0x99: {  	v59 =	vadd.s32 v4, v15;
	v12 =	vld.idx.msk [tilespmem:v52+s3+$0x0], $0xffff;
	[tilespmem:s1+$0x10] =	vst v14  }
0x9a: {  	v58 =	vadd.s32 v4, v35;
	v8 =	vld.idx.msk [tilespmem:v8+s3+$0x0], $0xffff;
	[tilespmem:s16+$0x10] =	vst v18  }
0x9b: {  	[tilespmem:s25+$0x20] =	vst v54;
	v60 =	vadd.s32 v4, v17;
	v10 =	vld.idx.msk [tilespmem:v55+s3+$0x0], $0xffff  }
0x9c: {  	v9 =	vld.idx.msk [tilespmem:v56+s3+$0x0], $0xffff;
	v61 =	vadd.s32 v4, v20;
	[tilespmem:s29+$0x20] =	vst v22  }
0x9d: {  	v11 =	vld.idx.msk [tilespmem:v57+s3+$0x0], $0xffff;
	[tilespmem:s2+$0x20] =	vst v16  }
0x9e: {  	v62 =	vld.idx.msk [tilespmem:v59+s3+$0x0], $0xffff;
	[tilespmem:s31+$0x20] =	vst v12  }
0x9f: {  	v12 =	vld.idx.msk [tilespmem:v58+s3+$0x0], $0xffff;
	[tilespmem:s1+$0x20] =	vst v8  }
0xa0: {  	v8 =	vld.idx.msk [tilespmem:v60+s3+$0x0], $0xffff;
	[tilespmem:s16+$0x20] =	vst v10  }
0xa1: {  	[tilespmem:s25+$0x30] =	vst v9;
	v63 =	vld.idx.msk [tilespmem:v61+s3+$0x0], $0xffff  }
0xa2: {  	[tilespmem:s29+$0x30] =	vst v11  }
0xa3: {  	s30 =	smul.u32 $0xC8000, s23;
	[tilespmem:s2+$0x30] =	vst v62  }
0xa4: {  	[tilespmem:s31+$0x30] =	vst v12  }
0xa5: {  	s31 =	sadd.s32 s24, s30;
	[tilespmem:s1+$0x30] =	vst v8  }
.Ltmp6:
0xa6: {  	s1 =	sadd.s32 s5, s31;
	[tilespmem:s16+$0x30] =	vst v63;
	(pc) =	sbr.rel .LBB2_6-.Ltmp6, $4  }
0xa7: {  	[hbm4b:s1+s3] =	stream.linear.scatter [tilespmem:s14], [sflag:$0x1], $0xC000, $0x38;
	[tilespmem:$0x1E800] =	vst v63  }
0xa8: {  	_ =	swait.ge [sflag:s15], $0xC000  }
0xa9: {  	[sflag:s15] =	ssyncset.done $0x0  }
0xaa: {  	[sflag:s15] =	ssyncadd.s32 $0xFFFF4000  }
.LBB2_7:
.Ltmp7:
0xab: {  	(pc) =	sbr.rel @p0 .LBB2_11-.Ltmp7, $1  }
0xac: {  	_ =	sdelay $0x3  }
0xad: {  	s1 =	simm.s32 $0x0  }
0xae: {  	v8 =	vmov s1  }
0xaf: {  	v8 =	vand.u32 $0x7E, v8  }
0xb0: {  	v8 =	vbroadcast v8, $0x0;
	_ =	sdelay $0x1  }
0xb1: {  	s16 =	rddreg [dreg:$0x4];
	s2 =	simm.s32 $0x400;
	v9 =	vor.u32 v1, v8  }
0xb2: {  	[tilespmem:s17], [sflag:$0x1] =	stream.strided.gather [hbm4b:s16+s2], $0x2000, s12, s2, $0x38;
	[tilespmem:$0x1E800] =	vst v63  }
0xb3: {  	s18 =	simm.s32 $0x2;
	_ =	swait.ge [sflag:s15], $0x2000  }
0xb4: {  	v10 =	vmov s18;
	[sflag:s15] =	ssyncset.done $0x0  }
0xb5: {  	v10 =	vand.u32 $0x7E, v10;
	[sflag:s15] =	ssyncadd.s32 $0xFFFFE000  }
0xb6: {  	v10 =	vbroadcast v10, $0x0;
	v9 =	vld.idx.msk [tilespmem:v9+s17+$0x0], $0xffff  }
0xb7: {  	v11 =	vor.u32 v5, v8  }
0xb8: {  	v12 =	vor.u32 v1, v10;
	_ =	sdelay $0x1  }
0xb9: {  	s25 =	simm.s32 $0x1A040;
	s20 =	simm.s32 $0x4  }
0xba: {  	[tilespmem:s25+$0xFFFFFFC0] =	vst v9;
	v9 =	vmov s20  }
0xbb: {  	v11 =	vld.idx.msk [tilespmem:v11+s17+$0x0], $0xffff;
	v9 =	vand.u32 $0x7E, v9  }
0xbc: {  	v12 =	vld.idx.msk [tilespmem:v12+s17+$0x0], $0xffff;
	v13 =	vbroadcast v9, $0x0;
	v9 =	vor.u32 v6, v8  }
0xbd: {  	v14 =	vor.u32 v5, v10  }
0xbe: {  	v15 =	vor.u32 v1, v13;
	_ =	sdelay $0x1  }
0xbf: {  	s22 =	simm.s32 $0x6;
	s23 =	simm.s32 $0x1A0C0;
	[tilespmem:s25+$0xFFFFFFD0] =	vst v11  }
0xc0: {  	[tilespmem:s23+$0xFFFFFFC0] =	vst v12;
	v11 =	vmov s22;
	v9 =	vld.idx.msk [tilespmem:v9+s17+$0x0], $0xffff  }
0xc1: {  	v12 =	vld.idx.msk [tilespmem:v14+s17+$0x0], $0xffff;
	v8 =	vor.u32 v7, v8;
	v11 =	vand.u32 $0x7E, v11  }
0xc2: {  	s24 =	simm.s32 $0x1;
	v14 =	vld.idx.msk [tilespmem:v15+s17+$0x0], $0xffff;
	v15 =	vbroadcast v11, $0x0;
	v11 =	vor.u32 v6, v10  }
0xc3: {  	v17 =	vmov s24;
	v16 =	vor.u32 v5, v13  }
0xc4: {  	v17 =	vand.u32 $0x7F, v17;
	v18 =	vor.u32 v1, v15  }
0xc5: {  	v17 =	vbroadcast v17, $0x0;
	[tilespmem:s25+$0xFFFFFFE0] =	vst v9  }
0xc6: {  	s28 =	simm.s32 $0x8;
	[tilespmem:s23+$0xFFFFFFD0] =	vst v12;
	s22 =	simm.s32 $0x1A140;
	v8 =	vld.idx.msk [tilespmem:v8+s17+$0x0], $0xffff  }
0xc7: {  	v12 =	vor.u32 v1, v17;
	[tilespmem:s22+$0xFFFFFFC0] =	vst v14;
	v9 =	vld.idx.msk [tilespmem:v11+s17+$0x0], $0xffff;
	v11 =	vmov s28  }
0xc8: {  	v10 =	vor.u32 v7, v10;
	v14 =	vld.idx.msk [tilespmem:v16+s17+$0x0], $0xffff;
	v11 =	vand.u32 $0x7E, v11  }
0xc9: {  	s26 =	simm.s32 $0x3;
	v16 =	vld.idx.msk [tilespmem:v18+s17+$0x0], $0xffff;
	v11 =	vbroadcast v11, $0x0;
	v18 =	vor.u32 v6, v13  }
0xca: {  	v20 =	vmov s26;
	v19 =	vor.u32 v5, v15  }
0xcb: {  	v21 =	vor.u32 v1, v11;
	[tilespmem:s25+$0xFFFFFFF0] =	vst v8;
	v8 =	vand.u32 $0x7F, v20  }
0xcc: {  	[tilespmem:s23+$0xFFFFFFE0] =	vst v9;
	v20 =	vld.idx.msk [tilespmem:v12+s17+$0x0], $0xffff;
	v9 =	vbroadcast v8, $0x0  }
0xcd: {  	s29 =	simm.s32 $0xA;
	s24 =	simm.s32 $0x1A1C0;
	[tilespmem:s22+$0xFFFFFFD0] =	vst v14;
	v8 =	vld.idx.msk [tilespmem:v10+s17+$0x0], $0xffff;
	v10 =	vor.u32 v5, v17  }
0xce: {  	v12 =	vmov s29;
	[tilespmem:s24+$0xFFFFFFC0] =	vst v16;
	v14 =	vld.idx.msk [tilespmem:v18+s17+$0x0], $0xffff;
	v16 =	vor.u32 v1, v9  }
0xcf: {  	v13 =	vor.u32 v7, v13;
	v12 =	vand.u32 $0x7E, v12;
	v18 =	vld.idx.msk [tilespmem:v19+s17+$0x0], $0xffff  }
0xd0: {  	v12 =	vbroadcast v12, $0x0;
	v19 =	vld.idx.msk [tilespmem:v21+s17+$0x0], $0xffff;
	v21 =	vor.u32 v6, v15  }
0xd1: {  	s30 =	simm.s32 $0x5;
	v22 =	vor.u32 v5, v11;
	[tilespmem:s25+$0x0] =	vst v20  }
0xd2: {  	v23 =	vor.u32 v1, v12;
	v20 =	vmov s30;
	[tilespmem:s23+$0xFFFFFFF0] =	vst v8;
	v10 =	vld.idx.msk [tilespmem:v10+s17+$0x0], $0xffff  }
0xd3: {  	v8 =	vand.u32 $0x7F, v20;
	[tilespmem:s22+$0xFFFFFFE0] =	vst v14;
	v14 =	vld.idx.msk [tilespmem:v16+s17+$0x0], $0xffff  }
0xd4: {  	s26 =	simm.s32 $0x1A240;
	v8 =	vbroadcast v8, $0x0;
	v16 =	vor.u32 v6, v17;
	[tilespmem:s24+$0xFFFFFFD0] =	vst v18;
	v18 =	vld.idx.msk [tilespmem:v13+s17+$0x0], $0xffff  }
0xd5: {  	s1 =	simm.s32 $0xC;
	v24 =	vor.u32 v5, v9;
	[tilespmem:s26+$0xFFFFFFC0] =	vst v19;
	v19 =	vld.idx.msk [tilespmem:v21+s17+$0x0], $0xffff  }
0xd6: {  	v13 =	vmov s1;
	v25 =	vor.u32 v1, v8;
	v22 =	vld.idx.msk [tilespmem:v22+s17+$0x0], $0xffff  }
0xd7: {  	v15 =	vor.u32 v7, v15;
	v23 =	vld.idx.msk [tilespmem:v23+s17+$0x0], $0xffff;
	[tilespmem:s25+$0x10] =	vst v10;
	v10 =	vand.u32 $0x7E, v13  }
0xd8: {  	v27 =	vor.u32 v5, v12;
	[tilespmem:s23+$0x0] =	vst v14;
	v13 =	vbroadcast v10, $0x0  }
0xd9: {  	s31 =	simm.s32 $0x7;
	v26 =	vor.u32 v6, v11;
	v20 =	vld.idx.msk [tilespmem:v16+s17+$0x0], $0xffff;
	[tilespmem:s22+$0xFFFFFFF0] =	vst v18  }
0xda: {  	v10 =	vmov s31;
	v21 =	vld.idx.msk [tilespmem:v24+s17+$0x0], $0xffff;
	[tilespmem:s24+$0xFFFFFFE0] =	vst v19;
	v24 =	vor.u32 v1, v13  }
0xdb: {  	s2 =	simm.s32 $0x1A2C0;
	v10 =	vand.u32 $0x7F, v10;
	v18 =	vld.idx.msk [tilespmem:v25+s17+$0x0], $0xffff;
	[tilespmem:s26+$0xFFFFFFD0] =	vst v22;
	v22 =	vor.u32 v7, v17  }
0xdc: {  	v10 =	vbroadcast v10, $0x0;
	v19 =	vor.u32 v6, v9;
	[tilespmem:s2+$0xFFFFFFC0] =	vst v23;
	v16 =	vld.idx.msk [tilespmem:v15+s17+$0x0], $0xffff  }
0xdd: {  	s6 =	simm.s32 $0xE;
	v14 =	vor.u32 v5, v8;
	v23 =	vld.idx.msk [tilespmem:v27+s17+$0x0], $0xffff  }
0xde: {  	s7 =	simm.s32 $0x10;
	v25 =	vmov s6;
	v17 =	vld.idx.msk [tilespmem:v26+s17+$0x0], $0xffff;
	v15 =	vor.u32 v1, v10  }
.LBB2_9:
0xdf: {  	p2 =	sne.s32 s7, $0x7E;
	v25 =	vand.u32 $0x7E, v25;
	v26 =	vld.idx.msk [tilespmem:v24+s17+$0x0], $0xffff;
	v27 =	vor.u32 v7, v11;
	[tilespmem:s25+$0x20] =	vst v20;
	v11 =	vmovc v12;
	v12 =	vmov v13;
	s16 =	smov.u32 s22;
	s22 =	smov.u32 s24  }
0xe0: {  	s24 =	smov.u32 s26;
	s26 =	smov.u32 s2;
	v13 =	vbroadcast v25, $0x0;
	v25 =	vor.u32 v6, v11;
	[tilespmem:s23+$0x10] =	vst v21;
	v28 =	vld.idx.msk [tilespmem:v22+s17+$0x0], $0xffff  }
0xe1: {  	s18 =	sadd.s32 $0x1, s28;
	s28 =	smov.u32 s29;
	s29 =	smov.u32 s1;
	v29 =	vor.u32 v5, v12;
	[tilespmem:s16+$0x0] =	vst v18;
	v20 =	vld.idx.msk [tilespmem:v19+s17+$0x0], $0xffff  }
.Ltmp8:
0xe2: {  	s1 =	smov.u32 s6;
	s6 =	smov.u32 s7;
	v18 =	vmov s18;
	v24 =	vor.u32 v1, v13;
	[tilespmem:s22+$0xFFFFFFF0] =	vst v16;
	v21 =	vld.idx.msk [tilespmem:v14+s17+$0x0], $0xffff;
	(pc) =	sbr.rel @p2 .LBB2_9-.Ltmp8, $4  }
0xe3: {  	v22 =	vor.u32 v7, v9;
	v9 =	vmovc v8;
	v8 =	vmov v10;
	v14 =	vand.u32 $0x7F, v18;
	[tilespmem:s24+$0xFFFFFFE0] =	vst v17;
	v18 =	vld.idx.msk [tilespmem:v15+s17+$0x0], $0xffff  }
0xe4: {  	s2 =	sadd.s32 $0x80, s2;
	v19 =	vor.u32 v6, v9;
	v10 =	vbroadcast v14, $0x0;
	[tilespmem:s26+$0xFFFFFFD0] =	vst v23;
	v16 =	vld.idx.msk [tilespmem:v27+s17+$0x0], $0xffff  }
0xe5: {  	v14 =	vor.u32 v5, v8;
	[tilespmem:s2+$0xFFFFFFC0] =	vst v26;
	v17 =	vld.idx.msk [tilespmem:v25+s17+$0x0], $0xffff  }
0xe6: {  	s7 =	sadd.s32 $0x2, s7;
	v25 =	vmov s6;
	v15 =	vor.u32 v1, v10;
	v23 =	vld.idx.msk [tilespmem:v29+s17+$0x0], $0xffff;
	[tilespmem:s25+$0x30] =	vst v28;
	s25 =	smov.u32 s23;
	s23 =	smov.u32 s16  }
0xe7: {  	v25 =	vand.u32 $0x7E, v25  }
0xe8: {  	v25 =	vbroadcast v25, $0x0;
	_ =	sdelay $0x1  }
0xe9: {  	v26 =	vor.u32 v1, v25;
	_ =	sdelay $0x2  }
0xea: {  	v24 =	vld.idx.msk [tilespmem:v24+s17+$0x0], $0xffff  }
0xeb: {  	v27 =	vor.u32 v5, v13  }
0xec: {  	v26 =	vld.idx.msk [tilespmem:v26+s17+$0x0], $0xffff  }
0xed: {  	v28 =	vor.u32 v5, v25  }
0xee: {  	s16 =	sadd.s32 $0x80, s2  }
0xef: {  	[tilespmem:s16+$0xFFFFFFC0] =	vst v24  }
0xf0: {  	v58 =	vor.u32 v6, v12;
	s30 =	sadd.s32 $0x80, s16;
	v27 =	vld.idx.msk [tilespmem:v27+s17+$0x0], $0xffff  }
0xf1: {  	v59 =	vor.u32 v6, v13;
	[tilespmem:s30+$0xFFFFFFC0] =	vst v26  }
0xf2: {  	v28 =	vld.idx.msk [tilespmem:v28+s17+$0x0], $0xffff  }
0xf3: {  	[tilespmem:s25+$0x20] =	vst v20;
	v60 =	vor.u32 v6, v25  }
0xf4: {  	[tilespmem:s2+$0xFFFFFFD0] =	vst v23  }
0xf5: {  	v61 =	vld.idx.msk [tilespmem:v58+s17+$0x0], $0xffff;
	[tilespmem:s16+$0xFFFFFFD0] =	vst v27  }
0xf6: {  	[tilespmem:s23+$0x10] =	vst v21;
	v62 =	vor.u32 v7, v12;
	v63 =	vld.idx.msk [tilespmem:v59+s17+$0x0], $0xffff  }
0xf7: {  	s7 =	sadd.s32 $0x1, s28;
	s28 =	sadd.s32 $0x1, s29;
	v29 =	vor.u32 v7, v13;
	[tilespmem:s30+$0xFFFFFFD0] =	vst v28  }
0xf8: {  	v11 =	vor.u32 v7, v11;
	s1 =	sadd.s32 $0x1, s1;
	[tilespmem:s22+$0x0] =	vst v18;
	v31 =	vmov s28;
	v30 =	vld.idx.msk [tilespmem:v60+s17+$0x0], $0xffff  }
0xf9: {  	v22 =	vld.idx.msk [tilespmem:v22+s17+$0x0], $0xffff;
	v35 =	vmov s1;
	v34 =	vand.u32 $0x7F, v31;
	v33 =	vor.u32 v7, v25;
	[tilespmem:s26+$0xFFFFFFE0] =	vst v17  }
0xfa: {  	s29 =	sadd.s32 $0x1, s6;
	v19 =	vld.idx.msk [tilespmem:v19+s17+$0x0], $0xffff;
	v20 =	vand.u32 $0x7F, v35;
	v17 =	vbroadcast v34, $0x0;
	[tilespmem:s2+$0xFFFFFFE0] =	vst v61;
	v28 =	vmov s7  }
0xfb: {  	v36 =	vmov s29;
	v20 =	vbroadcast v20, $0x0;
	v12 =	vld.idx.msk [tilespmem:v62+s17+$0x0], $0xffff;
	[tilespmem:s16+$0xFFFFFFE0] =	vst v63;
	v32 =	vand.u32 $0x7F, v28  }
0xfc: {  	[tilespmem:s24+$0xFFFFFFF0] =	vst v16;
	v21 =	vand.u32 $0x7F, v36;
	v38 =	vor.u32 v1, v17;
	v13 =	vld.idx.msk [tilespmem:v29+s17+$0x0], $0xffff;
	v16 =	vbroadcast v32, $0x0  }
0xfd: {  	v39 =	vbroadcast v21, $0x0;
	v11 =	vld.idx.msk [tilespmem:v11+s17+$0x0], $0xffff;
	v40 =	vor.u32 v1, v20;
	[tilespmem:s30+$0xFFFFFFE0] =	vst v30  }
0xfe: {  	[tilespmem:s25+$0x30] =	vst v22;
	v37 =	vor.u32 v1, v16;
	v41 =	vld.idx.msk [tilespmem:v33+s17+$0x0], $0xffff  }
0xff: {  	v14 =	vld.idx.msk [tilespmem:v14+s17+$0x0], $0xffff;
	v42 =	vor.u32 v1, v39;
	[tilespmem:s23+$0x20] =	vst v19  }
0x100: {  	v9 =	vor.u32 v7, v9;
	v15 =	vld.idx.msk [tilespmem:v15+s17+$0x0], $0xffff;
	[tilespmem:s2+$0xFFFFFFF0] =	vst v12  }
0x101: {  	v43 =	vor.u32 v5, v10;
	v23 =	vld.idx.msk [tilespmem:v38+s17+$0x0], $0xffff;
	[tilespmem:s16+$0xFFFFFFF0] =	vst v13  }
0x102: {  	v46 =	vor.u32 v5, v17;
	[tilespmem:s26+$0xFFFFFFF0] =	vst v11;
	v21 =	vld.idx.msk [tilespmem:v40+s17+$0x0], $0xffff  }
0x103: {  	v47 =	vor.u32 v5, v20;
	v44 =	vld.idx.msk [tilespmem:v37+s17+$0x0], $0xffff;
	[tilespmem:s30+$0xFFFFFFF0] =	vst v41  }
0x104: {  	[tilespmem:s22+$0x10] =	vst v14;
	v45 =	vor.u32 v5, v16;
	v19 =	vld.idx.msk [tilespmem:v42+s17+$0x0], $0xffff  }
0x105: {  	v48 =	vor.u32 v5, v39;
	v9 =	vld.idx.msk [tilespmem:v9+s17+$0x0], $0xffff;
	[tilespmem:s24+$0x0] =	vst v15  }
0x106: {  	v49 =	vor.u32 v6, v8;
	v11 =	vld.idx.msk [tilespmem:v43+s17+$0x0], $0xffff;
	[tilespmem:s2+$0x0] =	vst v23  }
0x107: {  	v50 =	vor.u32 v6, v10;
	v13 =	vld.idx.msk [tilespmem:v46+s17+$0x0], $0xffff;
	[tilespmem:s16+$0x0] =	vst v21  }
0x108: {  	v52 =	vor.u32 v6, v17;
	v14 =	vld.idx.msk [tilespmem:v47+s17+$0x0], $0xffff;
	[tilespmem:s26+$0x0] =	vst v44  }
0x109: {  	v53 =	vor.u32 v6, v20;
	v12 =	vld.idx.msk [tilespmem:v45+s17+$0x0], $0xffff;
	[tilespmem:s30+$0x0] =	vst v19  }
0x10a: {  	[tilespmem:s23+$0x30] =	vst v9;
	v51 =	vor.u32 v6, v16;
	v15 =	vld.idx.msk [tilespmem:v48+s17+$0x0], $0xffff  }
0x10b: {  	v55 =	vor.u32 v6, v39;
	v54 =	vld.idx.msk [tilespmem:v49+s17+$0x0], $0xffff;
	[tilespmem:s24+$0x10] =	vst v11  }
0x10c: {  	v8 =	vor.u32 v7, v8;
	v56 =	vld.idx.msk [tilespmem:v50+s17+$0x0], $0xffff;
	[tilespmem:s2+$0x10] =	vst v13  }
0x10d: {  	v57 =	vor.u32 v7, v10;
	v59 =	vld.idx.msk [tilespmem:v52+s17+$0x0], $0xffff;
	[tilespmem:s16+$0x10] =	vst v14  }
0x10e: {  	v60 =	vor.u32 v7, v17;
	v9 =	vld.idx.msk [tilespmem:v53+s17+$0x0], $0xffff;
	[tilespmem:s26+$0x10] =	vst v12  }
0x10f: {  	v61 =	vor.u32 v7, v20;
	v12 =	vld.idx.msk [tilespmem:v51+s17+$0x0], $0xffff;
	[tilespmem:s30+$0x10] =	vst v15  }
0x110: {  	[tilespmem:s22+$0x20] =	vst v54;
	v58 =	vor.u32 v7, v16;
	v11 =	vld.idx.msk [tilespmem:v55+s17+$0x0], $0xffff  }
0x111: {  	v62 =	vor.u32 v7, v39;
	v8 =	vld.idx.msk [tilespmem:v8+s17+$0x0], $0xffff;
	[tilespmem:s24+$0x20] =	vst v56  }
0x112: {  	v10 =	vld.idx.msk [tilespmem:v57+s17+$0x0], $0xffff;
	[tilespmem:s2+$0x20] =	vst v59  }
0x113: {  	v63 =	vld.idx.msk [tilespmem:v60+s17+$0x0], $0xffff;
	[tilespmem:s16+$0x20] =	vst v9  }
0x114: {  	v9 =	vld.idx.msk [tilespmem:v61+s17+$0x0], $0xffff;
	[tilespmem:s26+$0x20] =	vst v12  }
0x115: {  	v12 =	vld.idx.msk [tilespmem:v58+s17+$0x0], $0xffff;
	[tilespmem:s30+$0x20] =	vst v11  }
0x116: {  	[tilespmem:s22+$0x30] =	vst v8;
	v8 =	vld.idx.msk [tilespmem:v62+s17+$0x0], $0xffff  }
0x117: {  	[tilespmem:s24+$0x30] =	vst v10  }
0x118: {  	[tilespmem:s2+$0x30] =	vst v63  }
0x119: {  	[tilespmem:s16+$0x30] =	vst v9  }
0x11a: {  	[tilespmem:s26+$0x30] =	vst v12  }
0x11b: {  	[tilespmem:s30+$0x30] =	vst v8  }
0x11c: {  	s31 =	simm.s32 $0x1A000;
	s30 =	rddreg [dreg:$0x5]  }
0x11d: {  	[hbm4b:s30+s3] =	stream.linear.scatter [tilespmem:s31], [sflag:$0x1], $0x2000, $0x38;
	[tilespmem:$0x1E800] =	vst v63  }
0x11e: {  	_ =	swait.ge [sflag:s15], $0x2000  }
0x11f: {  	[sflag:s15] =	ssyncset.done $0x0  }
0x120: {  	[sflag:s15] =	ssyncadd.s32 $0xFFFFE000  }
.LBB2_11:
.Ltmp9:
0x121: {  	(pc) =	sbr.rel @p1 .LBB2_15-.Ltmp9, $1  }
0x122: {  	_ =	sdelay $0x3  }
0x123: {  	s1 =	simm.s32 $0x0  }
0x124: {  	v8 =	vmov s1  }
0x125: {  	v8 =	vand.u32 $0x7E, v8  }
0x126: {  	v8 =	vbroadcast v8, $0x0;
	_ =	sdelay $0x1  }
0x127: {  	v9 =	vor.u32 v1, v8  }
0x128: {  	[tilespmem:s19], [sflag:$0x1] =	stream.linear.gather [hbm4b:s8+s1], $0x2000, $0x38;
	[tilespmem:$0x1E800] =	vst v63  }
0x129: {  	s22 =	simm.s32 $0x2;
	_ =	swait.ge [sflag:s15], $0x2000  }
0x12a: {  	v10 =	vmov s22;
	[sflag:s15] =	ssyncset.done $0x0  }
0x12b: {  	v10 =	vand.u32 $0x7E, v10;
	[sflag:s15] =	ssyncadd.s32 $0xFFFFE000  }
0x12c: {  	v10 =	vbroadcast v10, $0x0;
	v9 =	vld.idx.msk [tilespmem:v9+s19+$0x0], $0xffff  }
0x12d: {  	v11 =	vor.u32 v5, v8  }
0x12e: {  	v12 =	vor.u32 v1, v10;
	_ =	sdelay $0x1  }
0x12f: {  	s25 =	simm.s32 $0x1E040;
	s23 =	simm.s32 $0x4  }
0x130: {  	[tilespmem:s25+$0xFFFFFFC0] =	vst v9;
	v9 =	vmov s23  }
0x131: {  	v11 =	vld.idx.msk [tilespmem:v11+s19+$0x0], $0xffff;
	v9 =	vand.u32 $0x7E, v9  }
0x132: {  	v12 =	vld.idx.msk [tilespmem:v12+s19+$0x0], $0xffff;
	v13 =	vbroadcast v9, $0x0;
	v9 =	vor.u32 v6, v8  }
0x133: {  	v14 =	vor.u32 v5, v10  }
0x134: {  	v15 =	vor.u32 v1, v13;
	_ =	sdelay $0x1  }
0x135: {  	s24 =	simm.s32 $0x6;
	s23 =	simm.s32 $0x1E0C0;
	[tilespmem:s25+$0xFFFFFFD0] =	vst v11  }
0x136: {  	[tilespmem:s23+$0xFFFFFFC0] =	vst v12;
	v11 =	vmov s24;
	v9 =	vld.idx.msk [tilespmem:v9+s19+$0x0], $0xffff  }
0x137: {  	v12 =	vld.idx.msk [tilespmem:v14+s19+$0x0], $0xffff;
	v8 =	vor.u32 v7, v8;
	v11 =	vand.u32 $0x7E, v11  }
0x138: {  	s26 =	simm.s32 $0x1;
	v14 =	vld.idx.msk [tilespmem:v15+s19+$0x0], $0xffff;
	v15 =	vbroadcast v11, $0x0;
	v11 =	vor.u32 v6, v10  }
0x139: {  	v17 =	vmov s26;
	v16 =	vor.u32 v5, v13  }
0x13a: {  	v17 =	vand.u32 $0x7F, v17;
	v18 =	vor.u32 v1, v15  }
0x13b: {  	v17 =	vbroadcast v17, $0x0;
	[tilespmem:s25+$0xFFFFFFE0] =	vst v9  }
0x13c: {  	s28 =	simm.s32 $0x8;
	s22 =	simm.s32 $0x1E140;
	[tilespmem:s23+$0xFFFFFFD0] =	vst v12;
	v8 =	vld.idx.msk [tilespmem:v8+s19+$0x0], $0xffff  }
0x13d: {  	v12 =	vor.u32 v1, v17;
	[tilespmem:s22+$0xFFFFFFC0] =	vst v14;
	v9 =	vld.idx.msk [tilespmem:v11+s19+$0x0], $0xffff;
	v11 =	vmov s28  }
0x13e: {  	v10 =	vor.u32 v7, v10;
	v14 =	vld.idx.msk [tilespmem:v16+s19+$0x0], $0xffff;
	v11 =	vand.u32 $0x7E, v11  }
0x13f: {  	s30 =	simm.s32 $0x3;
	v16 =	vld.idx.msk [tilespmem:v18+s19+$0x0], $0xffff;
	v11 =	vbroadcast v11, $0x0;
	v18 =	vor.u32 v6, v13  }
0x140: {  	v20 =	vmov s30;
	v19 =	vor.u32 v5, v15  }
0x141: {  	v21 =	vor.u32 v1, v11;
	[tilespmem:s25+$0xFFFFFFF0] =	vst v8;
	v8 =	vand.u32 $0x7F, v20  }
0x142: {  	[tilespmem:s23+$0xFFFFFFE0] =	vst v9;
	v20 =	vld.idx.msk [tilespmem:v12+s19+$0x0], $0xffff;
	v9 =	vbroadcast v8, $0x0  }
0x143: {  	s29 =	simm.s32 $0xA;
	s24 =	simm.s32 $0x1E1C0;
	[tilespmem:s22+$0xFFFFFFD0] =	vst v14;
	v8 =	vld.idx.msk [tilespmem:v10+s19+$0x0], $0xffff;
	v10 =	vor.u32 v5, v17  }
0x144: {  	v12 =	vmov s29;
	[tilespmem:s24+$0xFFFFFFC0] =	vst v16;
	v14 =	vld.idx.msk [tilespmem:v18+s19+$0x0], $0xffff;
	v16 =	vor.u32 v1, v9  }
0x145: {  	v13 =	vor.u32 v7, v13;
	v12 =	vand.u32 $0x7E, v12;
	v18 =	vld.idx.msk [tilespmem:v19+s19+$0x0], $0xffff  }
0x146: {  	v12 =	vbroadcast v12, $0x0;
	v19 =	vld.idx.msk [tilespmem:v21+s19+$0x0], $0xffff;
	v21 =	vor.u32 v6, v15  }
0x147: {  	s31 =	simm.s32 $0x5;
	v22 =	vor.u32 v5, v11;
	[tilespmem:s25+$0x0] =	vst v20  }
0x148: {  	v23 =	vor.u32 v1, v12;
	v20 =	vmov s31;
	[tilespmem:s23+$0xFFFFFFF0] =	vst v8;
	v10 =	vld.idx.msk [tilespmem:v10+s19+$0x0], $0xffff  }
0x149: {  	v8 =	vand.u32 $0x7F, v20;
	[tilespmem:s22+$0xFFFFFFE0] =	vst v14;
	v14 =	vld.idx.msk [tilespmem:v16+s19+$0x0], $0xffff  }
0x14a: {  	s26 =	simm.s32 $0x1E240;
	v8 =	vbroadcast v8, $0x0;
	v16 =	vor.u32 v6, v17;
	[tilespmem:s24+$0xFFFFFFD0] =	vst v18;
	v18 =	vld.idx.msk [tilespmem:v13+s19+$0x0], $0xffff  }
0x14b: {  	s1 =	simm.s32 $0xC;
	v24 =	vor.u32 v5, v9;
	[tilespmem:s26+$0xFFFFFFC0] =	vst v19;
	v19 =	vld.idx.msk [tilespmem:v21+s19+$0x0], $0xffff  }
0x14c: {  	v13 =	vmov s1;
	v25 =	vor.u32 v1, v8;
	v22 =	vld.idx.msk [tilespmem:v22+s19+$0x0], $0xffff  }
0x14d: {  	v15 =	vor.u32 v7, v15;
	v23 =	vld.idx.msk [tilespmem:v23+s19+$0x0], $0xffff;
	[tilespmem:s25+$0x10] =	vst v10;
	v10 =	vand.u32 $0x7E, v13  }
0x14e: {  	v27 =	vor.u32 v5, v12;
	[tilespmem:s23+$0x0] =	vst v14;
	v13 =	vbroadcast v10, $0x0  }
0x14f: {  	s2 =	simm.s32 $0x7;
	v26 =	vor.u32 v6, v11;
	v20 =	vld.idx.msk [tilespmem:v16+s19+$0x0], $0xffff;
	[tilespmem:s22+$0xFFFFFFF0] =	vst v18  }
0x150: {  	v10 =	vmov s2;
	v21 =	vld.idx.msk [tilespmem:v24+s19+$0x0], $0xffff;
	[tilespmem:s24+$0xFFFFFFE0] =	vst v19;
	v24 =	vor.u32 v1, v13  }
0x151: {  	s2 =	simm.s32 $0x1E2C0;
	v10 =	vand.u32 $0x7F, v10;
	v18 =	vld.idx.msk [tilespmem:v25+s19+$0x0], $0xffff;
	[tilespmem:s26+$0xFFFFFFD0] =	vst v22;
	v22 =	vor.u32 v7, v17  }
0x152: {  	v10 =	vbroadcast v10, $0x0;
	v19 =	vor.u32 v6, v9;
	[tilespmem:s2+$0xFFFFFFC0] =	vst v23;
	v16 =	vld.idx.msk [tilespmem:v15+s19+$0x0], $0xffff  }
0x153: {  	s6 =	simm.s32 $0xE;
	v14 =	vor.u32 v5, v8;
	v23 =	vld.idx.msk [tilespmem:v27+s19+$0x0], $0xffff  }
0x154: {  	s7 =	simm.s32 $0x10;
	v25 =	vmov s6;
	v17 =	vld.idx.msk [tilespmem:v26+s19+$0x0], $0xffff;
	v15 =	vor.u32 v1, v10  }
.LBB2_13:
0x155: {  	p2 =	sne.s32 s7, $0x1E;
	v25 =	vand.u32 $0x7E, v25;
	v26 =	vld.idx.msk [tilespmem:v24+s19+$0x0], $0xffff;
	v27 =	vor.u32 v7, v11;
	[tilespmem:s25+$0x20] =	vst v20;
	v11 =	vmovc v12;
	v12 =	vmov v13;
	s16 =	smov.u32 s22;
	s22 =	smov.u32 s24  }
0x156: {  	s24 =	smov.u32 s26;
	s26 =	smov.u32 s2;
	v13 =	vbroadcast v25, $0x0;
	v25 =	vor.u32 v6, v11;
	[tilespmem:s23+$0x10] =	vst v21;
	v28 =	vld.idx.msk [tilespmem:v22+s19+$0x0], $0xffff  }
0x157: {  	s18 =	sadd.s32 $0x1, s28;
	s28 =	smov.u32 s29;
	s29 =	smov.u32 s1;
	v29 =	vor.u32 v5, v12;
	[tilespmem:s16+$0x0] =	vst v18;
	v20 =	vld.idx.msk [tilespmem:v19+s19+$0x0], $0xffff  }
.Ltmp10:
0x158: {  	s1 =	smov.u32 s6;
	s6 =	smov.u32 s7;
	v18 =	vmov s18;
	v24 =	vor.u32 v1, v13;
	[tilespmem:s22+$0xFFFFFFF0] =	vst v16;
	v21 =	vld.idx.msk [tilespmem:v14+s19+$0x0], $0xffff;
	(pc) =	sbr.rel @p2 .LBB2_13-.Ltmp10, $4  }
0x159: {  	v22 =	vor.u32 v7, v9;
	v9 =	vmovc v8;
	v8 =	vmov v10;
	v14 =	vand.u32 $0x7F, v18;
	[tilespmem:s24+$0xFFFFFFE0] =	vst v17;
	v18 =	vld.idx.msk [tilespmem:v15+s19+$0x0], $0xffff  }
0x15a: {  	s2 =	sadd.s32 $0x80, s2;
	v19 =	vor.u32 v6, v9;
	v10 =	vbroadcast v14, $0x0;
	[tilespmem:s26+$0xFFFFFFD0] =	vst v23;
	v16 =	vld.idx.msk [tilespmem:v27+s19+$0x0], $0xffff  }
0x15b: {  	v14 =	vor.u32 v5, v8;
	[tilespmem:s2+$0xFFFFFFC0] =	vst v26;
	v17 =	vld.idx.msk [tilespmem:v25+s19+$0x0], $0xffff  }
0x15c: {  	s7 =	sadd.s32 $0x2, s7;
	v25 =	vmov s6;
	v15 =	vor.u32 v1, v10;
	v23 =	vld.idx.msk [tilespmem:v29+s19+$0x0], $0xffff;
	[tilespmem:s25+$0x30] =	vst v28;
	s25 =	smov.u32 s23;
	s23 =	smov.u32 s16  }
0x15d: {  	v25 =	vand.u32 $0x7E, v25  }
0x15e: {  	v25 =	vbroadcast v25, $0x0;
	_ =	sdelay $0x1  }
0x15f: {  	v26 =	vor.u32 v1, v25;
	_ =	sdelay $0x2  }
0x160: {  	v24 =	vld.idx.msk [tilespmem:v24+s19+$0x0], $0xffff  }
0x161: {  	v27 =	vor.u32 v5, v13  }
0x162: {  	v26 =	vld.idx.msk [tilespmem:v26+s19+$0x0], $0xffff  }
0x163: {  	v28 =	vor.u32 v5, v25  }
0x164: {  	s16 =	sadd.s32 $0x80, s2  }
0x165: {  	[tilespmem:s16+$0xFFFFFFC0] =	vst v24  }
0x166: {  	v58 =	vor.u32 v6, v12;
	s30 =	sadd.s32 $0x80, s16;
	v27 =	vld.idx.msk [tilespmem:v27+s19+$0x0], $0xffff  }
0x167: {  	v59 =	vor.u32 v6, v13;
	[tilespmem:s30+$0xFFFFFFC0] =	vst v26  }
0x168: {  	v28 =	vld.idx.msk [tilespmem:v28+s19+$0x0], $0xffff  }
0x169: {  	[tilespmem:s25+$0x20] =	vst v20;
	v60 =	vor.u32 v6, v25  }
0x16a: {  	[tilespmem:s2+$0xFFFFFFD0] =	vst v23  }
0x16b: {  	v61 =	vld.idx.msk [tilespmem:v58+s19+$0x0], $0xffff;
	[tilespmem:s16+$0xFFFFFFD0] =	vst v27  }
0x16c: {  	[tilespmem:s23+$0x10] =	vst v21;
	v62 =	vor.u32 v7, v12;
	v63 =	vld.idx.msk [tilespmem:v59+s19+$0x0], $0xffff  }
0x16d: {  	s7 =	sadd.s32 $0x1, s28;
	s28 =	sadd.s32 $0x1, s29;
	v29 =	vor.u32 v7, v13;
	[tilespmem:s30+$0xFFFFFFD0] =	vst v28  }
0x16e: {  	v11 =	vor.u32 v7, v11;
	s1 =	sadd.s32 $0x1, s1;
	[tilespmem:s22+$0x0] =	vst v18;
	v31 =	vmov s28;
	v30 =	vld.idx.msk [tilespmem:v60+s19+$0x0], $0xffff  }
0x16f: {  	v22 =	vld.idx.msk [tilespmem:v22+s19+$0x0], $0xffff;
	v35 =	vmov s1;
	v34 =	vand.u32 $0x7F, v31;
	v33 =	vor.u32 v7, v25;
	[tilespmem:s26+$0xFFFFFFE0] =	vst v17  }
0x170: {  	s29 =	sadd.s32 $0x1, s6;
	v19 =	vld.idx.msk [tilespmem:v19+s19+$0x0], $0xffff;
	v20 =	vand.u32 $0x7F, v35;
	v17 =	vbroadcast v34, $0x0;
	[tilespmem:s2+$0xFFFFFFE0] =	vst v61;
	v28 =	vmov s7  }
0x171: {  	v36 =	vmov s29;
	v20 =	vbroadcast v20, $0x0;
	v12 =	vld.idx.msk [tilespmem:v62+s19+$0x0], $0xffff;
	[tilespmem:s16+$0xFFFFFFE0] =	vst v63;
	v32 =	vand.u32 $0x7F, v28  }
0x172: {  	[tilespmem:s24+$0xFFFFFFF0] =	vst v16;
	v21 =	vand.u32 $0x7F, v36;
	v38 =	vor.u32 v1, v17;
	v13 =	vld.idx.msk [tilespmem:v29+s19+$0x0], $0xffff;
	v16 =	vbroadcast v32, $0x0  }
0x173: {  	v39 =	vbroadcast v21, $0x0;
	v11 =	vld.idx.msk [tilespmem:v11+s19+$0x0], $0xffff;
	v40 =	vor.u32 v1, v20;
	[tilespmem:s30+$0xFFFFFFE0] =	vst v30  }
0x174: {  	[tilespmem:s25+$0x30] =	vst v22;
	v37 =	vor.u32 v1, v16;
	v41 =	vld.idx.msk [tilespmem:v33+s19+$0x0], $0xffff  }
0x175: {  	v14 =	vld.idx.msk [tilespmem:v14+s19+$0x0], $0xffff;
	v42 =	vor.u32 v1, v39;
	[tilespmem:s23+$0x20] =	vst v19  }
0x176: {  	v9 =	vor.u32 v7, v9;
	v15 =	vld.idx.msk [tilespmem:v15+s19+$0x0], $0xffff;
	[tilespmem:s2+$0xFFFFFFF0] =	vst v12  }
0x177: {  	v43 =	vor.u32 v5, v10;
	v23 =	vld.idx.msk [tilespmem:v38+s19+$0x0], $0xffff;
	[tilespmem:s16+$0xFFFFFFF0] =	vst v13  }
0x178: {  	v46 =	vor.u32 v5, v17;
	[tilespmem:s26+$0xFFFFFFF0] =	vst v11;
	v21 =	vld.idx.msk [tilespmem:v40+s19+$0x0], $0xffff  }
0x179: {  	v47 =	vor.u32 v5, v20;
	v44 =	vld.idx.msk [tilespmem:v37+s19+$0x0], $0xffff;
	[tilespmem:s30+$0xFFFFFFF0] =	vst v41  }
0x17a: {  	[tilespmem:s22+$0x10] =	vst v14;
	v45 =	vor.u32 v5, v16;
	v19 =	vld.idx.msk [tilespmem:v42+s19+$0x0], $0xffff  }
0x17b: {  	v48 =	vor.u32 v5, v39;
	v9 =	vld.idx.msk [tilespmem:v9+s19+$0x0], $0xffff;
	[tilespmem:s24+$0x0] =	vst v15  }
0x17c: {  	v49 =	vor.u32 v6, v8;
	v11 =	vld.idx.msk [tilespmem:v43+s19+$0x0], $0xffff;
	[tilespmem:s2+$0x0] =	vst v23  }
0x17d: {  	v50 =	vor.u32 v6, v10;
	v13 =	vld.idx.msk [tilespmem:v46+s19+$0x0], $0xffff;
	[tilespmem:s16+$0x0] =	vst v21  }
0x17e: {  	v52 =	vor.u32 v6, v17;
	v14 =	vld.idx.msk [tilespmem:v47+s19+$0x0], $0xffff;
	[tilespmem:s26+$0x0] =	vst v44  }
0x17f: {  	v53 =	vor.u32 v6, v20;
	v12 =	vld.idx.msk [tilespmem:v45+s19+$0x0], $0xffff;
	[tilespmem:s30+$0x0] =	vst v19  }
0x180: {  	[tilespmem:s23+$0x30] =	vst v9;
	v51 =	vor.u32 v6, v16;
	v15 =	vld.idx.msk [tilespmem:v48+s19+$0x0], $0xffff  }
0x181: {  	v55 =	vor.u32 v6, v39;
	v54 =	vld.idx.msk [tilespmem:v49+s19+$0x0], $0xffff;
	[tilespmem:s24+$0x10] =	vst v11  }
0x182: {  	v8 =	vor.u32 v7, v8;
	v56 =	vld.idx.msk [tilespmem:v50+s19+$0x0], $0xffff;
	[tilespmem:s2+$0x10] =	vst v13  }
0x183: {  	v57 =	vor.u32 v7, v10;
	v59 =	vld.idx.msk [tilespmem:v52+s19+$0x0], $0xffff;
	[tilespmem:s16+$0x10] =	vst v14  }
0x184: {  	v60 =	vor.u32 v7, v17;
	v9 =	vld.idx.msk [tilespmem:v53+s19+$0x0], $0xffff;
	[tilespmem:s26+$0x10] =	vst v12  }
0x185: {  	v61 =	vor.u32 v7, v20;
	v12 =	vld.idx.msk [tilespmem:v51+s19+$0x0], $0xffff;
	[tilespmem:s30+$0x10] =	vst v15  }
0x186: {  	[tilespmem:s22+$0x20] =	vst v54;
	v58 =	vor.u32 v7, v16;
	v11 =	vld.idx.msk [tilespmem:v55+s19+$0x0], $0xffff  }
0x187: {  	v62 =	vor.u32 v7, v39;
	v8 =	vld.idx.msk [tilespmem:v8+s19+$0x0], $0xffff;
	[tilespmem:s24+$0x20] =	vst v56  }
0x188: {  	v10 =	vld.idx.msk [tilespmem:v57+s19+$0x0], $0xffff;
	[tilespmem:s2+$0x20] =	vst v59  }
0x189: {  	v63 =	vld.idx.msk [tilespmem:v60+s19+$0x0], $0xffff;
	[tilespmem:s16+$0x20] =	vst v9  }
0x18a: {  	v9 =	vld.idx.msk [tilespmem:v61+s19+$0x0], $0xffff;
	[tilespmem:s26+$0x20] =	vst v12  }
0x18b: {  	v12 =	vld.idx.msk [tilespmem:v58+s19+$0x0], $0xffff;
	[tilespmem:s30+$0x20] =	vst v11  }
0x18c: {  	[tilespmem:s22+$0x30] =	vst v8;
	v8 =	vld.idx.msk [tilespmem:v62+s19+$0x0], $0xffff  }
0x18d: {  	[tilespmem:s24+$0x30] =	vst v10  }
0x18e: {  	[tilespmem:s2+$0x30] =	vst v63  }
0x18f: {  	[tilespmem:s16+$0x30] =	vst v9  }
0x190: {  	[tilespmem:s26+$0x30] =	vst v12  }
.Ltmp11:
0x191: {  	s31 =	simm.s32 $0x1E000;
	[tilespmem:s30+$0x30] =	vst v8;
	(pc) =	sbr.rel .LBB2_15-.Ltmp11, $4  }
0x192: {  	[hbm4b:s9+s3] =	stream.linear.scatter [tilespmem:s31], [sflag:$0x1], $0x800, $0x38;
	[tilespmem:$0x1E800] =	vst v63  }
0x193: {  	_ =	swait.ge [sflag:s15], $0x800  }
0x194: {  	[sflag:s15] =	ssyncset.done $0x0  }
0x195: {  	[sflag:s15] =	ssyncadd.s32 $0xFFFFF800  }
.LBB2_16:
0x196: {  	_ =	sfence.sel $0x180000  }
0x197: {  	[bflag:$0x0] =	sbarrier.arrive $0xFFFF  }
0x198: {  	_ =	strace $0x90000047  }
0x199: {  	s0 =	stileid.u32;
	[bflag:$0x2] =	sbarrier.arrive $0xFFFF  }
0x19a: {  	p0 =	sne.s32 s0, $0x0;
	s0 =	rddreg [dreg:$0x3]  }
0x19b: {  	s0 =	sadd.s32 @!p0 $0x100000, s0  }
0x19c: {  	[sflag:s0] =	ssyncadd.tile.s32 @!p0 $0x1;
	_ =	shalt  }
.Lfunc_end2:
_tile_overlayer_lowered:
.L_overlay_start_2:
0x19d: {  	(tag) =	ssettag $0x2  }
0x19e: {  	s0 =	rddreg [dreg:$0x0];
	s2 =	stileid.u32  }
0x19f: {  	s1 =	rddreg [dreg:$0x1];
	p0 =	sne.s32 s2, $0x0  }
0x1a0: {  	s3 =	rddreg [dreg:$0x2];
	[bflag:$0x3] =	sbarrier.arrive $0xFFFF;
	s2 =	simm.s32 @!p0 $0x1C01  }
0x1a1: {  	[timem:s3], [sflag:s2] =	dma.local @!p0 [hbm:s0], s1  }
0x1a2: {  	s0 =	simm.s32 @!p0 $0x1  }
0x1a3: {  	_ =	swait.ge @!p0 [sflag:s0], s1  }
0x1a4: {  	s1 =	ssub.s32 @!p0 $0x0, s1;
	[sflag:s0] =	ssyncset.done @!p0 $0x0  }
0x1a5: {  	[sflag:s0] =	ssyncadd.s32 @!p0 s1  }
0x1a6: {  	[bflag:$0x3] =	sbarrier.arrive $0xFFFF  }
0x1a7: {  	_ =	shalt  }

// kernel: kernel.7.cloned.1.call-start
scs
__scs_entry_jumppad:
0x0: {  	(pc) =	sbr.rel $0x88, $3  }
0x1: {  	(tag) =	ssettag $0x0;
	lr =	simm.s32 $0x1  }
0x2: {  	[smem:$0x3F9F] =	sst lr;
	_ =	strace $0xD0000000  }
0x3: {  	_ = 	snop  }
0x4: {  	_ = 	snop  }
0x5: {  	_ = 	snop  }
0x6: {  	_ = 	snop  }
0x7: {  	_ = 	snop  }
__scs_overlays_trampoline_lowered:
0x8: {  	[smem:$0x3FAE] =	sst s0  }
0x9: {  	[smem:$0x3FAF] =	sst s1  }
0xa: {  	[smem:$0x3FB0] =	sst s2  }
0xb: {  	[smem:$0x3FB1] =	sst s3  }
0xc: {  	[smem:$0x3FB2] =	sst s4  }
0xd: {  	[smem:$0x3FB3] =	sst s5  }
0xe: {  	[smem:$0x3FB4] =	sst s6  }
0xf: {  	[smem:$0x3FB5] =	sst s7  }
0x10: {  	[smem:$0x3FB6] =	sst s8  }
0x11: {  	[smem:$0x3FB7] =	sst s9;
	s0 =	simm.s32 @!p0 $0x0  }
0x12: {  	s1 =	sld [smem:$0x3F9D];
	s0 =	simm.s32 @p0 $0x1  }
0x13: {  	[smem:$0x3FB8] =	sst s0;
	s0 =	simm.s32 @!p1 $0x0  }
0x14: {  	s2 =	sld [smem:$0x3F9C];
	s0 =	simm.s32 @p1 $0x1  }
0x15: {  	[smem:$0x3FB9] =	sst s0;
	s0 =	simm.s32 @!p2 $0x0  }
0x16: {  	s3 =	sld [smem:$0x3FDB];
	s0 =	simm.s32 @p2 $0x1  }
0x17: {  	s4 =	simm.s32 $0x1BF5;
	[smem:$0x3FBB] =	sst s0  }
0x18: {  	s0 =	sld [smem:$0x3F9E];
	_ =	swait.ge [sflag:s4], $0x0  }
0x19: {  	s7 =	sld [smem:$0x3F9F]  }
0x1a: {  	s8 =	sadd.s32 $0xFFFFE003, lr  }
0x1b: {  	s9 =	sadd.s32 $0xFFFFFEF7, lr;
	s5 =	simm.s32 $0xFFFFFFFF;
	p2 =	slt.u32 s8, $0xFFFFF086  }
0x1c: {  	p1 =	slt.u32 s9, $0xF7A;
	s5 =	simm.s32 @!p2 $0x0  }
0x1d: {  	s5 =	simm.s32 @p1 $0x1;
	p0 =	seq.s32 s7, s2  }
0x1e: {  	s7 =	smul.u32 @!p0 $0xF7A, s2;
	p2 =	seq.s32 @!p0 s5, $0x0  }
0x1f: {  	s9 =	smul.u32 $0xF7A, s1;
	s8 =	simm.s32 @!p0 $0x1BF5;
	p2 =	por !p2, p0  }
0x20: {  	[sflag:s8] =	ssyncset.s32 @!p0 $0xFFFFF086;
	s6 =	sadd.s32 @!p0 s3, s7;
	s7 =	simm.s32 @!p0 $0x108  }
0x21: {  	s3 =	sadd.s32 s3, s9;
	s6 =	sadd.s32 @!p0 $0x88, s6;
	s7 =	simm.s32 @p2 $0x1082  }
0x22: {  	[simem:s7], [sflag:s8] =	dma.local @!p0 [hbm:s6], $0xF7A  }
0x23: {  	s9 =	sor.u32 $0xD0000000, s2;
	s6 =	simm.s32 $0x108;
	_ =	swait.ge @!p0 [sflag:s8], $0x0  }
0x24: {  	s3 =	sadd.s32 $0x88, s3;
	s6 =	simm.s32 @!p1 $0x1082;
	[sflag:s4] =	ssyncset.s32 $0xFFFFF086  }
0x25: {  	[simem:s6], [sflag:s4] =	dma.local [hbm:s3], $0xF7A  }
0x26: {  	[smem:$0x3F9F] =	sst s1;
	(tag) =	ssettag s2;
	_ =	strace s9  }
0x27: {  	s1 =	sld [smem:$0x3FAF]  }
0x28: {  	s2 =	sld [smem:$0x3FB0]  }
0x29: {  	s4 =	sld [smem:$0x3FB2]  }
0x2a: {  	p0 =	seq.s32 s5, $0x0;
	s5 =	sld [smem:$0x3FB3]  }
0x2b: {  	s6 =	sld [smem:$0x3FB4]  }
0x2c: {  	s7 =	sld [smem:$0x3FB5]  }
0x2d: {  	s3 =	simm.s32 $0x108;
	s8 =	sld [smem:$0x3FB6]  }
0x2e: {  	s3 =	simm.s32 @!p0 $0x1082;
	s9 =	sld [smem:$0x3FB7]  }
0x2f: {  	lr =	sadd.s32 s0, s3;
	s0 =	sld [smem:$0x3FAE]  }
0x30: {  	s3 =	sld [smem:$0x3FB1]  }
0x31: {  	[smem:$0x3FBA] =	sst s10  }
0x32: {  	s10 =	sld [smem:$0x3FB8];
	_ =	sdelay $0x3  }
0x33: {  	p0 =	seq.s32 s10, $0x1;
	s10 =	sld [smem:$0x3FBA];
	_ =	sdelay $0x3  }
0x34: {  	[smem:$0x3FBA] =	sst s10  }
0x35: {  	s10 =	sld [smem:$0x3FB9];
	_ =	sdelay $0x3  }
0x36: {  	p1 =	seq.s32 s10, $0x1;
	s10 =	sld [smem:$0x3FBA];
	_ =	sdelay $0x3  }
0x37: {  	[smem:$0x3FBA] =	sst s10  }
0x38: {  	s10 =	sld [smem:$0x3FBB]  }
0x39: {  	_ = 	snop;
	(pc) =	sbr.ind lr, $3  }
0x3a: {  	_ = 	snop  }
0x3b: {  	_ = 	snop  }
0x3c: {  	p2 =	seq.s32 s10, $0x1;
	s10 =	sld [smem:$0x3FBA]  }
0x3d: {  	_ =	shalt  }
0x3e: {  	_ =	shalt  }
0x3f: {  	_ =	shalt  }
0x40: {  	_ =	shalt  }
0x41: {  	_ =	shalt  }
0x42: {  	_ =	shalt  }
0x43: {  	_ =	shalt  }
0x44: {  	_ =	shalt  }
0x45: {  	_ =	shalt  }
0x46: {  	_ =	shalt  }
0x47: {  	_ =	shalt  }
0x48: {  	_ =	shalt  }
0x49: {  	_ =	shalt  }
0x4a: {  	_ =	shalt  }
0x4b: {  	_ =	shalt  }
0x4c: {  	_ =	shalt  }
0x4d: {  	_ =	shalt  }
0x4e: {  	_ =	shalt  }
0x4f: {  	_ =	shalt  }
0x50: {  	_ =	shalt  }
0x51: {  	_ =	shalt  }
0x52: {  	_ =	shalt  }
0x53: {  	_ =	shalt  }
0x54: {  	_ =	shalt  }
0x55: {  	_ =	shalt  }
0x56: {  	_ =	shalt  }
0x57: {  	_ =	shalt  }
0x58: {  	_ =	shalt  }
0x59: {  	_ =	shalt  }
0x5a: {  	_ =	shalt  }
0x5b: {  	_ =	shalt  }
0x5c: {  	_ =	shalt  }
0x5d: {  	_ =	shalt  }
0x5e: {  	_ =	shalt  }
0x5f: {  	_ =	shalt  }
0x60: {  	_ =	shalt  }
0x61: {  	_ =	shalt  }
0x62: {  	_ =	shalt  }
0x63: {  	_ =	shalt  }
0x64: {  	_ =	shalt  }
0x65: {  	_ =	shalt  }
0x66: {  	_ =	shalt  }
0x67: {  	_ =	shalt  }
0x68: {  	_ =	shalt  }
0x69: {  	_ =	shalt  }
0x6a: {  	_ =	shalt  }
0x6b: {  	_ =	shalt  }
0x6c: {  	_ =	shalt  }
0x6d: {  	_ =	shalt  }
0x6e: {  	_ =	shalt  }
0x6f: {  	_ =	shalt  }
0x70: {  	_ =	shalt  }
0x71: {  	_ =	shalt  }
0x72: {  	_ =	shalt  }
0x73: {  	_ =	shalt  }
0x74: {  	_ =	shalt  }
0x75: {  	_ =	shalt  }
0x76: {  	_ =	shalt  }
0x77: {  	_ =	shalt  }
0x78: {  	_ =	shalt  }
0x79: {  	_ =	shalt  }
0x7a: {  	_ =	shalt  }
0x7b: {  	_ =	shalt  }
0x7c: {  	_ =	shalt  }
0x7d: {  	_ =	shalt  }
0x7e: {  	_ =	shalt  }
0x7f: {  	_ =	shalt  }
0x80: {  	_ =	shalt  }
0x81: {  	_ =	shalt  }
0x82: {  	_ =	shalt  }
0x83: {  	_ =	shalt  }
0x84: {  	_ =	shalt  }
0x85: {  	_ =	shalt  }
0x86: {  	_ =	shalt  }
0x87: {  	_ =	shalt  }
.Lfunc_end0:
.L_simem_size_0:
called_computation.1_lowered:
.L_overlay_start_0:
0x88: {  	s2 =	sld [smem:$0x3FD9]  }
0x89: {  	s3 =	sld [smem:$0x3FFE];
	_ =	sdelay $0x1  }
0x8a: {  	s1 =	srdreg.scid  }
0x8b: {  	s0 =	sand.u32 $0x1, s1  }
0x8c: {  	s17 =	sshll.u32 s0, $0xA;
	s2 =	sadd.s32 s3, s2  }
0x8d: {  	s2 =	sadd.s32 s2, s17  }
0x8e: {  	[smem:$0x3FC6] =	sst s2  }
0x8f: {  	_ = 	snop  }
0x90: {  	s2 =	sld [smem:$0x3FC9]  }
0x91: {  	s18 =	sld [smem:$0x3FD0];
	(tm) =	ssettm $0x1  }
0x92: {  	s4 =	sld [smem:$0x3FFB];
	_ =	sdelay $0x3  }
0x93: {  	_ =	strace s4  }
0x94: {  	s4 =	sld [smem:$0x3FFC];
	_ =	sdelay $0x3  }
0x95: {  	_ =	strace s4  }
0x96: {  	s4 =	sld [smem:$0x3FFD];
	_ =	sdelay $0x3  }
0x97: {  	_ =	strace s4  }
0x98: {  	_ =	strace $0x8FFFFFFF  }
0x99: {  	s19 =	sld [smem:$0x3FDB];
	_ =	sdelay $0x1  }
0x9a: {  	s5 =	simm.s32 $_scs_section_size  }
0x9b: {  	s6 =	simm.s32 $_size__tile_overlayer_lowered;
	s7 =	simm.s32 $_tile_overlayer_lowered  }
0x9c: {  	s22 =	simm.s32 $0x1BFF;
	s21 =	sshll.u32 s7, $0x1;
	s4 =	sadd.s32 s5, s19  }
0x9d: {  	s8 =	simm.s32 $0x0;
	s20 =	sshll.u32 s6, $0x1;
	s6 =	sadd.s32 s21, s4  }
0x9e: {  	[timem:s8], [sflag:s22] =	dma.local [hbm:s6], s20  }
0x9f: {  	_ =	swait.ge [sflag:s22], s20  }
0xa0: {  	s5 =	ssub.s32 $0x0, s20;
	[sflag:s22] =	ssyncset.done $0x0  }
0xa1: {  	[sflag:s22] =	ssyncadd.s32 s5;
	_ =	sdelay $0x1  }
0xa2: {  	s23 =	simm.s32 $0x1B8B  }
0xa3: {  	_ =	swait.ge [sflag:s23], $0x1  }
0xa4: {  	[sflag:s23] =	ssyncset.done $0x0  }
0xa5: {  	s25 =	simm.s32 $0x1B8E;
	s24 =	sld [smem:$0x3FFE];
	[sflag:s23] =	ssyncadd.s32 $0xFFFFFFFF  }
0xa6: {  	s26 =	simm.s32 $execute0_lowered;
	[smem:$0x3FD2] =	sst s25  }
0xa7: {  	s6 =	sshll.u32 s26, $0x1;
	_ =	strace $0x80000049;
	[dreg:$0x1] =	wrdreg $0xFFFFFFFF  }
0xa8: {  	s28 =	simm.s32 $_size_execute0_lowered;
	s4 =	sadd.s32 s4, s6;
	[dreg:$0x0] =	wrdreg $0x0  }
0xa9: {  	s6 =	sshll.u32 s28, $0x1;
	[dreg:$0x2] =	wrdreg s4  }
0xaa: {  	[dreg:$0x3] =	wrdreg s6  }
0xab: {  	[dreg:$0x4] =	wrdreg $0xC0  }
0xac: {  	_ =	task [dreg:s8], $0x5FFFF  }
0xad: {  	[dreg:$0x1] =	wrdreg $0xFFFFFFFF  }
0xae: {  	[dreg:$0x0] =	wrdreg $0x60  }
0xaf: {  	[dreg:$0x2] =	wrdreg s2  }
0xb0: {  	[dreg:$0x3] =	wrdreg s24  }
0xb1: {  	[dreg:$0x4] =	wrdreg s18  }
0xb2: {  	[dreg:$0x5] =	wrdreg $0x9  }
0xb3: {  	_ =	task.clear_ibuf [dreg:s8], $0x6FFFF;
	_ =	strace $0x90000049  }
0xb4: {  	s29 =	simm.s32 $0x9;
	_ =	strace $0x8000004B  }
0xb5: {  	_ =	swait.ge [sflag:s29], $0x1  }
0xb6: {  	[sflag:s29] =	ssyncadd.s32 $0xFFFFFFFF  }
0xb7: {  	_ =	strace $0x9000004B  }
0xb8: {  	_ =	sfence  }
0xb9: {  	s30 =	sld [smem:$0x0];
	_ =	sdelay $0x2  }
0xba: {  	s31 =	sshll.u32 s1, $0xD;
	s1 =	sshrl.u32 s1, $0x2  }
0xbb: {  	s3 =	sand.u32 $0x4000, s31;
	s1 =	sadd.s32 s1, s30  }
0xbc: {  	s0 =	sor.u32 s3, s0;
	s1 =	sshll.u32 s1, $0x11  }
0xbd: {  	s0 =	sor.u32 s1, s0  }
0xbe: {  	s0 =	sadd.s32 $0x8F2B, s0  }
0xbf: {  	[sflag:s0] =	ssyncadd.remote.s32 $0x1  }
0xc0: {  	_ =	sfence.sel $0xFFFF  }
0xc1: {  	[dreg:$0x0] =	wrdreg $0xFFFFFFFF;
	(pc) =	sbr.abs _section_cstart, $3  }
0xc2: {  	[dreg:$0x1] =	wrdreg $0xFFFFFFFF  }
0xc3: {  	_ =	task.clear_ibuf [dreg:s8], $0x2FFFF;
	_ =	strace $0x9FFFFFFF  }
0xc4: {  	(tm) =	ssettm $0x7FFFFFFF  }
0xc5: {  	_ =	shalt  }
tec
execute0_lowered:
.L_overlay_start_1:
0x0: {  	(tag) =	ssettag $0x1  }
0x1: {  	s0 =	rddreg [dreg:$0x0];
	v0 =	vlaneseq.u32  }
0x2: {  	s1 =	rddreg [dreg:$0x1];
	v0 =	vmul.u32 $0x80, v0  }
0x3: {  	s2 =	rddreg [dreg:$0x2];
	s4 =	simm.s32 $0x0  }
0x4: {  	s3 =	srdreg.scid;
	s6 =	stileid.u32;
	s7 =	simm.s32 $0x6;
	v1 =	vor.u32 $0x800, v0  }
0x5: {  	s8 =	simm.s32 $0x80;
	s10 =	simm.s32 $0x400;
	s11 =	simm.s32 $0x280;
	v2 =	vor.u32 $0x1000, v0;
	v3 =	vor.u32 $0x1800, v0;
	v4 =	vor.u32 $0x2000, v0  }
0x6: {  	s12 =	simm.s32 $0x4400;
	s13 =	simm.s32 $0x300;
	s14 =	simm.s32 $0x8400;
	v5 =	vor.u32 $0x2800, v0;
	v6 =	vor.u32 $0x3000, v0;
	v7 =	vor.u32 $0x3800, v0  }
0x7: {  	s15 =	simm.s32 $0x380;
	s16 =	simm.s32 $0xC400;
	s17 =	simm.s32 $0x1;
	v8 =	vor.u32 $0x4000, v0;
	v9 =	vor.u32 $0x4800, v0;
	v10 =	vor.u32 $0x5000, v0  }
0x8: {  	s18 =	simm.s32 $0x2;
	s19 =	simm.s32 $0x3;
	s20 =	simm.s32 $0x4;
	v11 =	vor.u32 $0x5800, v0;
	v12 =	vor.u32 $0x6000, v0;
	v13 =	vor.u32 $0x6800, v0  }
0x9: {  	s21 =	simm.s32 $0x8000;
	s22 =	simm.s32 $0x10400;
	s28 =	sand.u32 $0x1, s3;
	v14 =	vor.u32 $0x7000, v0;
	v15 =	vor.u32 $0x7800, v0;
	v16 =	vor.u32 $0x8000, v0  }
0xa: {  	[smem:$0x7FF] =	sst s4;
	s6 =	sshll.u32 s6, $0x1;
	s5 =	ssub.s32 $0x2, s28;
	v17 =	vor.u32 $0x8800, v0;
	v18 =	vor.u32 $0x9000, v0;
	v19 =	vor.u32 $0x9800, v0  }
0xb: {  	s3 =	sadd.s32 $0x800, s1;
	s4 =	sor.u32 s28, s6;
	s29 =	sshrl.u32 s5, $0x1;
	v20 =	vor.u32 $0xA000, v0;
	v21 =	vor.u32 $0xA800, v0;
	v22 =	vor.u32 $0xB000, v0  }
0xc: {  	_ =	strace $0x8000004A;
	s30 =	sshll.u32 s4, $0x6;
	v23 =	vor.u32 $0xB800, v0;
	v24 =	vor.u32 $0xC000, v0;
	v25 =	vor.u32 $0xC800, v0;
	s1 =	ssub.s32 s5, s29  }
0xd: {  	s6 =	sshll.u32 s4, $0x7;
	v26 =	vor.u32 $0xD000, v0;
	v27 =	vor.u32 $0xD800, v0;
	v28 =	vor.u32 $0xE000, v0;
	s4 =	sadd.s32 s0, s30;
	s31 =	smax.u32 s1, $0x1  }
0xe: {  	v29 =	vor.u32 $0xE800, v0;
	v30 =	vor.u32 $0xF000, v0;
	v31 =	vor.u32 $0xF800, v0;
	s5 =	sadd.s32 s2, s6;
	s2 =	simm.s32 $0x0;
	[dreg:$0x4] =	wrdreg s31  }
.LBB2_1:
0xf: {  	[dreg:$0x5] =	wrdreg s2;
	s25 =	simm.s32 $0x0  }
.LBB2_2:
0x10: {  	s0 =	sshll.u32 s25, $0xB  }
0x11: {  	s1 =	simm.s32 $0x0;
	s0 =	sadd.s32 s0, s4  }
0x12: {  	[tilespmem:s1], [sflag:$0x6] =	stream.linear.gather [hbm4b:s0+s1], $0x200, $0x38;
	[tilespmem:$0x18400] =	vst v63  }
0x13: {  	_ =	swait.ge [sflag:s7], $0x200  }
0x14: {  	[sflag:s7] =	ssyncset.done $0x0  }
0x15: {  	[sflag:s7] =	ssyncadd.s32 $0xFFFFFE00  }
0x16: {  	v32 =	vld [tilespmem:$0x0]  }
0x17: {  	v33 =	vld [tilespmem:$0x10]  }
0x18: {  	v34 =	vld [tilespmem:$0x20]  }
0x19: {  	v35 =	vld [tilespmem:$0x30]  }
0x1a: {  	v36 =	vld [tilespmem:$0x40]  }
0x1b: {  	v37 =	vld [tilespmem:$0x50]  }
0x1c: {  	v38 =	vld [tilespmem:$0x60];
	v32 =	vshra.s32 v32, $0x1  }
0x1d: {  	v50 =	vld [tilespmem:$0x70];
	v49 =	vshra.s32 v33, $0x1;
	[tilespmem:$0x200] =	vst v32  }
0x1e: {  	v52 =	vld [tilespmem:$0x80];
	v51 =	vshra.s32 v34, $0x1;
	[tilespmem:$0x210] =	vst v49  }
0x1f: {  	v54 =	vld [tilespmem:$0x90];
	v53 =	vshra.s32 v35, $0x1;
	[tilespmem:$0x220] =	vst v51  }
0x20: {  	v56 =	vld [tilespmem:$0xA0];
	v55 =	vshra.s32 v36, $0x1;
	[tilespmem:$0x230] =	vst v53  }
0x21: {  	v58 =	vld [tilespmem:$0xB0];
	v57 =	vshra.s32 v37, $0x1;
	[tilespmem:$0x240] =	vst v55  }
0x22: {  	v60 =	vld [tilespmem:$0xC0];
	v59 =	vshra.s32 v38, $0x1;
	[tilespmem:$0x250] =	vst v57  }
0x23: {  	v42 =	vld [tilespmem:$0xE0];
	v61 =	vshra.s32 v50, $0x1;
	v62 =	vshra.s32 v52, $0x1;
	[tilespmem:$0x260] =	vst v59  }
0x24: {  	v63 =	vld [tilespmem:$0xD0];
	v41 =	vshra.s32 v54, $0x1;
	[tilespmem:$0x270] =	vst v61;
	v40 =	vadd.s32 $0xC800, v62  }
0x25: {  	v45 =	vld [tilespmem:$0xF0];
	v44 =	vshra.s32 v56, $0x1;
	v43 =	vadd.s32 $0xC800, v41;
	[tilespmem:$0x280] =	vst v40  }
0x26: {  	v48 =	vld [tilespmem:$0x100];
	v47 =	vshra.s32 v58, $0x1;
	v46 =	vadd.s32 $0xC800, v44;
	[tilespmem:$0x290] =	vst v43  }
0x27: {  	v50 =	vshra.s32 v60, $0x1;
	v54 =	vld [tilespmem:$0x120];
	v49 =	vadd.s32 $0xC800, v47;
	[tilespmem:$0x2A0] =	vst v46  }
0x28: {  	v56 =	vshra.s32 v42, $0x1;
	v60 =	vld [tilespmem:$0x140];
	v52 =	vadd.s32 $0xC800, v50;
	[tilespmem:$0x2B0] =	vst v49  }
0x29: {  	v42 =	vld [tilespmem:$0x160];
	v53 =	vshra.s32 v63, $0x1;
	v58 =	vadd.s32 $0xC800, v56;
	[tilespmem:$0x2C0] =	vst v52  }
0x2a: {  	v51 =	vld [tilespmem:$0x110];
	v59 =	vshra.s32 v45, $0x1;
	v55 =	vadd.s32 $0xC800, v53;
	[tilespmem:$0x2E0] =	vst v58  }
0x2b: {  	v57 =	vld [tilespmem:$0x130];
	v62 =	vshra.s32 v48, $0x1;
	v61 =	vadd.s32 $0xC800, v59;
	[tilespmem:$0x2D0] =	vst v55  }
0x2c: {  	v63 =	vld [tilespmem:$0x150];
	v40 =	vadd.s32 $0x19000, v62;
	[tilespmem:$0x2F0] =	vst v61;
	v44 =	vshra.s32 v54, $0x1  }
0x2d: {  	v45 =	vld [tilespmem:$0x170];
	[tilespmem:$0x300] =	vst v40;
	v50 =	vshra.s32 v60, $0x1;
	v46 =	vadd.s32 $0x19000, v44  }
0x2e: {  	v48 =	vld [tilespmem:$0x180];
	v56 =	vshra.s32 v42, $0x1;
	v52 =	vadd.s32 $0x19000, v50;
	[tilespmem:$0x320] =	vst v46  }
0x2f: {  	v54 =	vld [tilespmem:$0x1A0];
	v41 =	vshra.s32 v51, $0x1;
	v58 =	vadd.s32 $0x19000, v56;
	[tilespmem:$0x340] =	vst v52  }
0x30: {  	v60 =	vld [tilespmem:$0x1C0];
	v47 =	vshra.s32 v57, $0x1;
	v43 =	vadd.s32 $0x19000, v41;
	[tilespmem:$0x360] =	vst v58  }
0x31: {  	v42 =	vld [tilespmem:$0x1E0];
	v53 =	vshra.s32 v63, $0x1;
	v49 =	vadd.s32 $0x19000, v47;
	[tilespmem:$0x310] =	vst v43  }
0x32: {  	v51 =	vld [tilespmem:$0x190];
	v59 =	vshra.s32 v45, $0x1;
	v55 =	vadd.s32 $0x19000, v53;
	[tilespmem:$0x330] =	vst v49  }
0x33: {  	v57 =	vld [tilespmem:$0x1B0];
	v62 =	vshra.s32 v48, $0x1;
	v61 =	vadd.s32 $0x19000, v59;
	[tilespmem:$0x350] =	vst v55  }
0x34: {  	v63 =	vld [tilespmem:$0x1D0];
	v40 =	vadd.s32 $0x25800, v62;
	[tilespmem:$0x370] =	vst v61;
	v44 =	vshra.s32 v54, $0x1  }
0x35: {  	v45 =	vld [tilespmem:$0x1F0];
	[tilespmem:$0x380] =	vst v40;
	v49 =	vshra.s32 v60, $0x1;
	v46 =	vadd.s32 $0x25800, v44  }
0x36: {  	v53 =	vshra.s32 v42, $0x1;
	v50 =	vadd.s32 $0x25800, v49;
	[tilespmem:$0x3A0] =	vst v46  }
0x37: {  	v41 =	vshra.s32 v51, $0x1;
	v54 =	vadd.s32 $0x25800, v53;
	[tilespmem:$0x3C0] =	vst v50  }
0x38: {  	v47 =	vshra.s32 v57, $0x1;
	v43 =	vadd.s32 $0x25800, v41;
	[tilespmem:$0x3E0] =	vst v54  }
0x39: {  	v51 =	vshra.s32 v63, $0x1;
	v48 =	vadd.s32 $0x25800, v47;
	[tilespmem:$0x390] =	vst v43  }
0x3a: {  	v55 =	vshra.s32 v45, $0x1;
	v52 =	vadd.s32 $0x25800, v51;
	[tilespmem:$0x3B0] =	vst v48  }
0x3b: {  	v56 =	vadd.s32 $0x25800, v55;
	[tilespmem:$0x3D0] =	vst v52  }
0x3c: {  	s26 =	simm.s32 $0x200;
	[tilespmem:$0x3F0] =	vst v56  }
0x3d: {  	[tilespmem:s10], [sflag:$0x1] =	stream.indirect.gather [hbm4b:s3+s8], $0x80, s26, s8, $0xb8;
	[tilespmem:$0x18400] =	vst v63  }
0x3e: {  	_ = 	snop  }
0x3f: {  	[tilespmem:s12], [sflag:$0x2] =	stream.indirect.gather [hbm4b:s3+s8], $0x80, s11, s8, $0xb8;
	[tilespmem:$0x18400] =	vst v63  }
0x40: {  	p0 =	seq.s32 s25, $0x0  }
0x41: {  	[tilespmem:s14], [sflag:$0x3] =	stream.indirect.gather [hbm4b:s3+s8], $0x80, s13, s8, $0xb8;
	[tilespmem:$0x18400] =	vst v63  }
0x42: {  	s0 =	simm.s32 @!p0 $0x5  }
0x43: {  	[tilespmem:s16], [sflag:$0x4] =	stream.indirect.gather [hbm4b:s3+s8], $0x80, s15, s8, $0xb8;
	[tilespmem:$0x18400] =	vst v63  }
0x44: {  	_ =	swait.ge @!p0 [sflag:s0], $0x8000  }
0x45: {  	[sflag:s0] =	ssyncset.done @!p0 $0x0  }
0x46: {  	[sflag:s0] =	ssyncadd.s32 @!p0 $0xFFFF8000  }
0x47: {  	_ =	swait.ge [sflag:s17], $0x4000  }
0x48: {  	[sflag:s17] =	ssyncset.done $0x0  }
0x49: {  	[sflag:s17] =	ssyncadd.s32 $0xFFFFC000  }
0x4a: {  	v57 =	vld [tilespmem:$0x0];
	_ =	sdelay $0x4  }
0x4b: {  	v32 =	vshll.u32 v57, $0x6  }
0x4c: {  	v58 =	vld [tilespmem:$0x10];
	v32 =	vand.u32 $0x40, v32  }
0x4d: {  	s6 =	simm.s32 $0x3;
	v38 =	vor.u32 v0, v32  }
0x4e: {  	s2 =	simm.s32 $0x1;
	v60 =	vor.u32 s6, v38  }
0x4f: {  	v59 =	vld [tilespmem:$0x20];
	v62 =	vor.u32 s2, v38  }
0x50: {  	v61 =	vld [tilespmem:$0x30]  }
0x51: {  	s23 =	simm.s32 $0x2;
	v39 =	vld [tilespmem:$0x40];
	v33 =	vshll.u32 v58, $0x6  }
0x52: {  	s24 =	simm.s32 $0x0;
	v41 =	vld [tilespmem:$0x50];
	v33 =	vand.u32 $0x40, v33;
	v40 =	vor.u32 s23, v38  }
0x53: {  	v36 =	vor.u32 v1, v33;
	v43 =	vor.u32 s24, v38;
	v63 =	vld.idx.msk [tilespmem:v60+s10+$0x0], $0xffff  }
0x54: {  	v44 =	vor.u32 s6, v36;
	v37 =	vld.idx.msk [tilespmem:v62+s10+$0x0], $0xffff  }
0x55: {  	v42 =	vld [tilespmem:$0x60];
	v45 =	vor.u32 s2, v36  }
0x56: {  	v46 =	vld [tilespmem:$0x70]  }
0x57: {  	s0 =	simm.s32 $0x10500;
	v32 =	vshll.u32 v59, $0x6;
	v40 =	vld.idx.msk [tilespmem:v40+s10+$0x0], $0xffff  }
0x58: {  	v47 =	vor.u32 s23, v36;
	v32 =	vand.u32 $0x40, v32;
	v43 =	vld.idx.msk [tilespmem:v43+s10+$0x0], $0xffff;
	[tilespmem:s0+$0x80] =	vst v63  }
0x59: {  	v48 =	vor.u32 s24, v36;
	v34 =	vor.u32 v2, v32;
	[tilespmem:s0+$0xFFFFFF80] =	vst v37;
	v51 =	vld.idx.msk [tilespmem:v44+s10+$0x0], $0xffff  }
0x5a: {  	v53 =	vor.u32 s6, v34;
	v52 =	vld.idx.msk [tilespmem:v45+s10+$0x0], $0xffff  }
0x5b: {  	v54 =	vor.u32 s2, v34  }
0x5c: {  	[tilespmem:s0+$0x0] =	vst v40  }
0x5d: {  	v35 =	vshll.u32 v61, $0x6;
	[tilespmem:s0+$0xFFFFFF00] =	vst v43;
	v40 =	vld.idx.msk [tilespmem:v47+s10+$0x0], $0xffff  }
0x5e: {  	v35 =	vand.u32 $0x40, v35;
	v55 =	vor.u32 s23, v34;
	v56 =	vld.idx.msk [tilespmem:v48+s10+$0x0], $0xffff;
	[tilespmem:s0+$0x90] =	vst v51  }
0x5f: {  	v32 =	vor.u32 v3, v35;
	v57 =	vor.u32 s24, v34;
	[tilespmem:s0+$0xFFFFFF90] =	vst v52;
	v58 =	vld.idx.msk [tilespmem:v53+s10+$0x0], $0xffff  }
0x60: {  	v60 =	vor.u32 s6, v32;
	v59 =	vld.idx.msk [tilespmem:v54+s10+$0x0], $0xffff  }
0x61: {  	v61 =	vor.u32 s2, v32  }
0x62: {  	s28 =	simm.s32 $0x5;
	[tilespmem:s0+$0x10] =	vst v40  }
0x63: {  	[tilespmem:s0+$0xFFFFFF10] =	vst v56;
	v40 =	vld.idx.msk [tilespmem:v55+s10+$0x0], $0xffff;
	v53 =	vor.u32 s28, v38  }
0x64: {  	v39 =	vshll.u32 v39, $0x6;
	v62 =	vor.u32 s23, v32;
	v47 =	vld.idx.msk [tilespmem:v57+s10+$0x0], $0xffff;
	[tilespmem:s0+$0xA0] =	vst v58  }
0x65: {  	s30 =	simm.s32 $0x6;
	v39 =	vand.u32 $0x40, v39;
	v52 =	vor.u32 s24, v32;
	[tilespmem:s0+$0xFFFFFFA0] =	vst v59;
	v54 =	vld.idx.msk [tilespmem:v60+s10+$0x0], $0xffff  }
0x66: {  	v33 =	vor.u32 v4, v39;
	v55 =	vld.idx.msk [tilespmem:v61+s10+$0x0], $0xffff;
	v61 =	vor.u32 s30, v38  }
0x67: {  	v56 =	vor.u32 s6, v33  }
0x68: {  	s1 =	simm.s32 $0x7;
	[tilespmem:s0+$0x20] =	vst v40;
	v58 =	vor.u32 s2, v33;
	v39 =	vld.idx.msk [tilespmem:v53+s10+$0x0], $0xffff  }
0x69: {  	s26 =	simm.s32 $0x4;
	v49 =	vor.u32 s1, v38;
	[tilespmem:s0+$0xFFFFFF20] =	vst v47;
	v57 =	vld.idx.msk [tilespmem:v62+s10+$0x0], $0xffff  }
0x6a: {  	v63 =	vor.u32 s26, v38;
	v48 =	vld.idx.msk [tilespmem:v52+s10+$0x0], $0xffff  }
0x6b: {  	s29 =	simm.s32 $0x8;
	v59 =	vor.u32 s23, v33;
	[tilespmem:s0+$0xB0] =	vst v54;
	v52 =	vld.idx.msk [tilespmem:v61+s10+$0x0], $0xffff  }
0x6c: {  	v41 =	vshll.u32 v41, $0x6;
	v51 =	vor.u32 s29, v38;
	[tilespmem:s0+$0xFFFFFFB0] =	vst v55;
	v60 =	vld.idx.msk [tilespmem:v56+s10+$0x0], $0xffff  }
0x6d: {  	v41 =	vand.u32 $0x40, v41;
	v50 =	vor.u32 s24, v33;
	v62 =	vld.idx.msk [tilespmem:v58+s10+$0x0], $0xffff  }
0x6e: {  	v35 =	vor.u32 v5, v41;
	v61 =	vor.u32 s28, v36;
	v58 =	vld.idx.msk [tilespmem:v49+s10+$0x0], $0xffff  }
0x6f: {  	s31 =	simm.s32 $0x10700;
	v45 =	vld.idx.msk [tilespmem:v63+s10+$0x0], $0xffff;
	v63 =	vor.u32 s6, v35;
	[tilespmem:s0+$0x30] =	vst v57  }
0x70: {  	[tilespmem:s31+$0xFFFFFF80] =	vst v39;
	v57 =	vor.u32 s2, v35;
	v56 =	vld.idx.msk [tilespmem:v59+s10+$0x0], $0xffff  }
0x71: {  	v40 =	vld.idx.msk [tilespmem:v51+s10+$0x0], $0xffff;
	[tilespmem:s0+$0xFFFFFF30] =	vst v48;
	v59 =	vor.u32 s23, v35  }
0x72: {  	v42 =	vshll.u32 v42, $0x6;
	v53 =	vor.u32 s1, v36;
	v50 =	vld.idx.msk [tilespmem:v50+s10+$0x0], $0xffff;
	[tilespmem:s0+$0xC0] =	vst v60  }
0x73: {  	v60 =	vand.u32 $0x40, v42;
	[tilespmem:s31+$0x80] =	vst v58;
	v58 =	vor.u32 s24, v35;
	v42 =	vld.idx.msk [tilespmem:v61+s10+$0x0], $0xffff  }
0x74: {  	[tilespmem:s0+$0xFFFFFFC0] =	vst v62;
	v62 =	vld.idx.msk [tilespmem:v63+s10+$0x0], $0xffff;
	v63 =	vor.u32 s30, v36  }
0x75: {  	[tilespmem:s0+$0x40] =	vst v56;
	v37 =	vor.u32 v6, v60;
	v47 =	vld.idx.msk [tilespmem:v57+s10+$0x0], $0xffff;
	v57 =	vor.u32 s26, v36  }
0x76: {  	[tilespmem:s31+$0xFFFFFF00] =	vst v45;
	v44 =	vld.idx.msk [tilespmem:v59+s10+$0x0], $0xffff;
	v56 =	vor.u32 s6, v37  }
0x77: {  	v61 =	vor.u32 s28, v34;
	[tilespmem:s0+$0xFFFFFF40] =	vst v50;
	v48 =	vld.idx.msk [tilespmem:v53+s10+$0x0], $0xffff  }
0x78: {  	[tilespmem:s31+$0x0] =	vst v52;
	v60 =	vor.u32 s1, v34;
	v50 =	vld.idx.msk [tilespmem:v58+s10+$0x0], $0xffff  }
0x79: {  	v59 =	vshll.u32 v46, $0x6;
	v52 =	vor.u32 s2, v37;
	[tilespmem:s31+$0xFFFFFF90] =	vst v42;
	v43 =	vld.idx.msk [tilespmem:v63+s10+$0x0], $0xffff  }
0x7a: {  	v39 =	vand.u32 $0x40, v59;
	v59 =	vor.u32 s23, v37;
	[tilespmem:s0+$0xD0] =	vst v62;
	v63 =	vld.idx.msk [tilespmem:v57+s10+$0x0], $0xffff  }
0x7b: {  	[tilespmem:s0+$0xFFFFFFD0] =	vst v47;
	v62 =	vld.idx.msk [tilespmem:v56+s10+$0x0], $0xffff;
	v56 =	vor.u32 s30, v34  }
0x7c: {  	v58 =	vor.u32 s26, v34;
	[tilespmem:s31+$0x90] =	vst v48;
	v41 =	vld.idx.msk [tilespmem:v61+s10+$0x0], $0xffff  }
0x7d: {  	v39 =	vor.u32 v7, v39;
	[tilespmem:s0+$0x50] =	vst v44;
	v42 =	vld.idx.msk [tilespmem:v60+s10+$0x0], $0xffff;
	v60 =	vor.u32 s24, v37  }
0x7e: {  	v57 =	vor.u32 s6, v39;
	s6 =	simm.s32 $0x9;
	v48 =	vld.idx.msk [tilespmem:v52+s10+$0x0], $0xffff;
	[tilespmem:s0+$0xFFFFFF50] =	vst v50  }
0x7f: {  	v54 =	vor.u32 s6, v38;
	v55 =	vld.idx.msk [tilespmem:v59+s10+$0x0], $0xffff;
	[tilespmem:s31+$0x10] =	vst v43  }
0x80: {  	v61 =	vor.u32 s1, v32;
	[tilespmem:s31+$0xFFFFFF10] =	vst v63;
	v51 =	vld.idx.msk [tilespmem:v56+s10+$0x0], $0xffff  }
0x81: {  	[tilespmem:s0+$0xE0] =	vst v62;
	v62 =	vor.u32 s28, v32;
	v49 =	vld.idx.msk [tilespmem:v58+s10+$0x0], $0xffff  }
0x82: {  	v63 =	vor.u32 s30, v32;
	[tilespmem:s31+$0xA0] =	vst v42;
	v42 =	vld.idx.msk [tilespmem:v60+s10+$0x0], $0xffff  }
0x83: {  	v56 =	vor.u32 s26, v32;
	v47 =	vld.idx.msk [tilespmem:v57+s10+$0x0], $0xffff  }
0x84: {  	[tilespmem:s31+$0xFFFFFFA0] =	vst v41;
	v41 =	vld.idx.msk [tilespmem:v54+s10+$0x0], $0xffff;
	v57 =	vor.u32 s2, v39  }
0x85: {  	v52 =	vor.u32 s23, v39;
	v46 =	vld.idx.msk [tilespmem:v61+s10+$0x0], $0xffff;
	[tilespmem:s31+$0x20] =	vst v51  }
0x86: {  	v44 =	vld.idx.msk [tilespmem:v62+s10+$0x0], $0xffff;
	[tilespmem:s31+$0xFFFFFF20] =	vst v49;
	v49 =	vor.u32 s1, v33  }
0x87: {  	v50 =	vor.u32 s28, v33;
	[tilespmem:s0+$0xFFFFFFE0] =	vst v48;
	v43 =	vld.idx.msk [tilespmem:v63+s10+$0x0], $0xffff  }
0x88: {  	v51 =	vor.u32 s30, v33;
	[tilespmem:s0+$0xF0] =	vst v47;
	v47 =	vld.idx.msk [tilespmem:v56+s10+$0x0], $0xffff  }
0x89: {  	v45 =	vor.u32 s24, v39;
	s23 =	simm.s32 $0xB;
	[tilespmem:s0+$0x60] =	vst v55;
	s2 =	simm.s32 $0xC;
	v48 =	vld.idx.msk [tilespmem:v57+s10+$0x0], $0xffff  }
.LBB2_3:
0x8a: {  	p0 =	slt.u32 s2, $0x3C;
	v53 =	vor.u32 s23, v38;
	[tilespmem:s31+$0xB0] =	vst v46;
	v46 =	vld.idx.msk [tilespmem:v52+s10+$0x0], $0xffff;
	s24 =	smov.u32 s29;
	s29 =	smov.u32 s2  }
0x8b: {  	v52 =	vor.u32 s26, v33;
	s9 =	sadd.s32 $0x2, s24;
	[tilespmem:s31+$0xFFFFFFB0] =	vst v44;
	v44 =	vld.idx.msk [tilespmem:v49+s10+$0x0], $0xffff  }
0x8c: {  	v49 =	vor.u32 s9, v38;
	v50 =	vld.idx.msk [tilespmem:v50+s10+$0x0], $0xffff;
	[tilespmem:s31+$0x30] =	vst v43  }
0x8d: {  	v43 =	vld.idx.msk [tilespmem:v51+s10+$0x0], $0xffff;
	v51 =	vor.u32 s1, v35;
	[tilespmem:s0+$0xFFFFFF60] =	vst v42  }
0x8e: {  	v42 =	vor.u32 s28, v35;
	[tilespmem:s31+$0xFFFFFF30] =	vst v47;
	v45 =	vld.idx.msk [tilespmem:v45+s10+$0x0], $0xffff  }
0x8f: {  	v47 =	vld.idx.msk [tilespmem:v53+s10+$0x0], $0xffff;
	v53 =	vor.u32 s30, v35;
	[tilespmem:s0+$0xFFFFFFF0] =	vst v48  }
0x90: {  	v48 =	vor.u32 s2, v38;
	v52 =	vld.idx.msk [tilespmem:v52+s10+$0x0], $0xffff;
	[tilespmem:s0+$0x70] =	vst v46  }
0x91: {  	v46 =	vld.idx.msk [tilespmem:v49+s10+$0x0], $0xffff;
	v49 =	vor.u32 s23, v36;
	[tilespmem:s31+$0xC0] =	vst v44  }
0x92: {  	v44 =	vor.u32 s6, v36;
	[tilespmem:s31+$0xFFFFFFC0] =	vst v50;
	v50 =	vld.idx.msk [tilespmem:v51+s10+$0x0], $0xffff  }
0x93: {  	v51 =	vor.u32 s9, v36;
	v42 =	vld.idx.msk [tilespmem:v42+s10+$0x0], $0xffff;
	[tilespmem:s31+$0x40] =	vst v43  }
0x94: {  	v43 =	vld.idx.msk [tilespmem:v53+s10+$0x0], $0xffff;
	v53 =	vor.u32 s1, v37;
	[tilespmem:s0+$0xFFFFFF70] =	vst v45;
	s0 =	smov.u32 s31;
	s31 =	sadd.s32 $0x200, s31  }
0x95: {  	v45 =	vld.idx.msk [tilespmem:v48+s10+$0x0], $0xffff;
	v48 =	vor.u32 s24, v36;
	[tilespmem:s31+$0x80] =	vst v47  }
0x96: {  	v47 =	vor.u32 s26, v35;
	[tilespmem:s31+$0xFFFFFF80] =	vst v41;
	v41 =	vld.idx.msk [tilespmem:v49+s10+$0x0], $0xffff  }
0x97: {  	v44 =	vld.idx.msk [tilespmem:v44+s10+$0x0], $0xffff;
	[tilespmem:s31+$0x0] =	vst v46;
	v46 =	vor.u32 s28, v37  }
0x98: {  	v49 =	vld.idx.msk [tilespmem:v51+s10+$0x0], $0xffff;
	v51 =	vor.u32 s23, v34;
	[tilespmem:s0+$0xD0] =	vst v50  }
0x99: {  	v50 =	vor.u32 s6, v34;
	[tilespmem:s31+$0xFFFFFF00] =	vst v40;
	v53 =	vld.idx.msk [tilespmem:v53+s10+$0x0], $0xffff  }
0x9a: {  	v54 =	vor.u32 s9, v34;
	v48 =	vld.idx.msk [tilespmem:v48+s10+$0x0], $0xffff;
	[tilespmem:s0+$0xFFFFFF40] =	vst v52  }
0x9b: {  	v40 =	vmov v45;
	v47 =	vld.idx.msk [tilespmem:v47+s10+$0x0], $0xffff;
	[tilespmem:s0+$0xFFFFFFD0] =	vst v42;
	v42 =	vor.u32 s1, v39;
	s1 =	smov.u32 s23  }
0x9c: {  	v45 =	vor.u32 s24, v34;
	[tilespmem:s31+$0x90] =	vst v41;
	v55 =	vld.idx.msk [tilespmem:v46+s10+$0x0], $0xffff  }
0x9d: {  	[tilespmem:s31+$0xFFFFFF90] =	vst v44;
	v41 =	vld.idx.msk [tilespmem:v51+s10+$0x0], $0xffff;
	v44 =	vor.u32 s30, v37  }
0x9e: {  	v46 =	vld.idx.msk [tilespmem:v50+s10+$0x0], $0xffff;
	[tilespmem:s31+$0x10] =	vst v49;
	v49 =	vor.u32 s26, v37  }
0x9f: {  	v51 =	vor.u32 s1, v32;
	v50 =	vld.idx.msk [tilespmem:v54+s10+$0x0], $0xffff;
	[tilespmem:s0+$0xE0] =	vst v53  }
0xa0: {  	[tilespmem:s31+$0xFFFFFF10] =	vst v48;
	v48 =	vor.u32 s6, v32;
	v53 =	vld.idx.msk [tilespmem:v42+s10+$0x0], $0xffff  }
0xa1: {  	s23 =	sadd.s32 $0x1, s2;
	v54 =	vor.u32 s9, v32;
	v45 =	vld.idx.msk [tilespmem:v45+s10+$0x0], $0xffff;
	[tilespmem:s0+$0x50] =	vst v43  }
0xa2: {  	v56 =	vor.u32 s23, v38;
	[tilespmem:s0+$0xFFFFFF50] =	vst v47;
	v57 =	vld.idx.msk [tilespmem:v44+s10+$0x0], $0xffff  }
0xa3: {  	v47 =	vor.u32 s24, v32;
	[tilespmem:s31+$0xA0] =	vst v41;
	v42 =	vld.idx.msk [tilespmem:v49+s10+$0x0], $0xffff  }
0xa4: {  	v58 =	vor.u32 s28, v39;
	s28 =	smov.u32 s6;
	s6 =	smov.u32 s23;
	[tilespmem:s31+$0xFFFFFFA0] =	vst v46;
	v46 =	vld.idx.msk [tilespmem:v51+s10+$0x0], $0xffff  }
.Ltmp0:
0xa5: {  	v52 =	vor.u32 s30, v39;
	s30 =	smov.u32 s9;
	v44 =	vld.idx.msk [tilespmem:v48+s10+$0x0], $0xffff;
	[tilespmem:s31+$0x20] =	vst v50;
	(pc) =	sbr.rel @p0 .LBB2_3-.Ltmp0, $4  }
0xa6: {  	v49 =	vor.u32 s1, v33;
	v43 =	vld.idx.msk [tilespmem:v54+s10+$0x0], $0xffff;
	[tilespmem:s0+$0xF0] =	vst v53  }
0xa7: {  	v50 =	vor.u32 s28, v33;
	v41 =	vld.idx.msk [tilespmem:v56+s10+$0x0], $0xffff;
	[tilespmem:s31+$0xFFFFFF20] =	vst v45  }
0xa8: {  	v51 =	vor.u32 s30, v33;
	v47 =	vld.idx.msk [tilespmem:v47+s10+$0x0], $0xffff;
	[tilespmem:s0+$0xFFFFFFE0] =	vst v55  }
0xa9: {  	s2 =	sadd.s32 $0x4, s2;
	s23 =	sadd.s32 $0x3, s29;
	v45 =	vor.u32 s26, v39;
	s26 =	smov.u32 s24;
	v48 =	vld.idx.msk [tilespmem:v58+s10+$0x0], $0xffff;
	[tilespmem:s0+$0x60] =	vst v57  }
0xaa: {  	_ =	sdelay $0x1  }
0xab: {  	[tilespmem:s31+$0xB0] =	vst v46  }
0xac: {  	[tilespmem:s31+$0xFFFFFFB0] =	vst v44  }
0xad: {  	v53 =	vor.u32 s23, v38;
	v55 =	vld.idx.msk [tilespmem:v52+s10+$0x0], $0xffff;
	s2 =	sadd.s32 $0x2, s29;
	[tilespmem:s0+$0xFFFFFF60] =	vst v42  }
0xae: {  	s24 =	sadd.s32 $0x200, s31;
	v56 =	vld.idx.msk [tilespmem:v49+s10+$0x0], $0xffff;
	v57 =	vor.u32 s2, v38;
	[tilespmem:s31+$0x30] =	vst v43  }
0xaf: {  	v63 =	vor.u32 s6, v36;
	v58 =	vld.idx.msk [tilespmem:v50+s10+$0x0], $0xffff;
	[tilespmem:s24+$0xFFFFFF00] =	vst v40  }
0xb0: {  	v54 =	vor.u32 s26, v33;
	v45 =	vld.idx.msk [tilespmem:v45+s10+$0x0], $0xffff;
	[tilespmem:s24+$0xFFFFFF80] =	vst v41  }
0xb1: {  	v60 =	vor.u32 s1, v35;
	v59 =	vld.idx.msk [tilespmem:v51+s10+$0x0], $0xffff;
	[tilespmem:s31+$0xFFFFFF30] =	vst v47  }
0xb2: {  	[tilespmem:s0+$0xFFFFFFF0] =	vst v48;
	v61 =	vld.idx.msk [tilespmem:v53+s10+$0x0], $0xffff;
	v53 =	vor.u32 s29, v36  }
0xb3: {  	v62 =	vor.u32 s23, v36;
	[tilespmem:s0+$0x70] =	vst v55;
	v38 =	vld.idx.msk [tilespmem:v57+s10+$0x0], $0xffff  }
0xb4: {  	v52 =	vor.u32 s2, v36;
	v44 =	vld.idx.msk [tilespmem:v63+s10+$0x0], $0xffff;
	[tilespmem:s31+$0xC0] =	vst v56  }
0xb5: {  	v42 =	vld.idx.msk [tilespmem:v54+s10+$0x0], $0xffff;
	[tilespmem:s31+$0xFFFFFFC0] =	vst v58  }
0xb6: {  	v55 =	vor.u32 s28, v35;
	[tilespmem:s0+$0xFFFFFF70] =	vst v45;
	v47 =	vld.idx.msk [tilespmem:v60+s10+$0x0], $0xffff  }
0xb7: {  	v58 =	vor.u32 s6, v34;
	[tilespmem:s24+$0x80] =	vst v61;
	v36 =	vld.idx.msk [tilespmem:v53+s10+$0x0], $0xffff  }
0xb8: {  	v60 =	vor.u32 s29, v34;
	v56 =	vld.idx.msk [tilespmem:v62+s10+$0x0], $0xffff;
	[tilespmem:s24+$0x0] =	vst v38  }
0xb9: {  	v57 =	vor.u32 s23, v34;
	[tilespmem:s31+$0x40] =	vst v59;
	v43 =	vld.idx.msk [tilespmem:v52+s10+$0x0], $0xffff  }
0xba: {  	v59 =	vor.u32 s2, v34;
	[tilespmem:s24+$0xFFFFFF90] =	vst v44  }
0xbb: {  	v63 =	vor.u32 s30, v35;
	v61 =	vld.idx.msk [tilespmem:v55+s10+$0x0], $0xffff;
	[tilespmem:s31+$0xFFFFFF40] =	vst v42  }
0xbc: {  	v62 =	vor.u32 s1, v37;
	v40 =	vld.idx.msk [tilespmem:v58+s10+$0x0], $0xffff;
	[tilespmem:s24+$0xFFFFFF10] =	vst v36  }
0xbd: {  	v50 =	vor.u32 s6, v32;
	[tilespmem:s24+$0x90] =	vst v56;
	v34 =	vld.idx.msk [tilespmem:v60+s10+$0x0], $0xffff  }
0xbe: {  	v53 =	vor.u32 s29, v32;
	v38 =	vld.idx.msk [tilespmem:v57+s10+$0x0], $0xffff;
	[tilespmem:s24+$0x10] =	vst v43  }
0xbf: {  	v48 =	vor.u32 s23, v32;
	[tilespmem:s31+$0xD0] =	vst v47;
	v49 =	vld.idx.msk [tilespmem:v59+s10+$0x0], $0xffff  }
0xc0: {  	v51 =	vor.u32 s2, v32;
	v41 =	vld.idx.msk [tilespmem:v63+s10+$0x0], $0xffff;
	[tilespmem:s31+$0xFFFFFFD0] =	vst v61  }
0xc1: {  	v54 =	vor.u32 s26, v35;
	v52 =	vld.idx.msk [tilespmem:v62+s10+$0x0], $0xffff;
	[tilespmem:s24+$0xFFFFFFA0] =	vst v40  }
0xc2: {  	v63 =	vor.u32 s30, v37;
	v36 =	vld.idx.msk [tilespmem:v50+s10+$0x0], $0xffff;
	[tilespmem:s24+$0xFFFFFF20] =	vst v34  }
0xc3: {  	v58 =	vor.u32 s6, v33;
	[tilespmem:s24+$0xA0] =	vst v38;
	v32 =	vld.idx.msk [tilespmem:v53+s10+$0x0], $0xffff  }
0xc4: {  	v61 =	vor.u32 s29, v33;
	v56 =	vld.idx.msk [tilespmem:v48+s10+$0x0], $0xffff;
	[tilespmem:s24+$0x20] =	vst v49  }
0xc5: {  	[tilespmem:s31+$0x50] =	vst v41;
	v57 =	vor.u32 s23, v33;
	v42 =	vld.idx.msk [tilespmem:v51+s10+$0x0], $0xffff  }
0xc6: {  	v60 =	vld.idx.msk [tilespmem:v54+s10+$0x0], $0xffff;
	v59 =	vor.u32 s2, v33;
	[tilespmem:s31+$0xE0] =	vst v52  }
0xc7: {  	v62 =	vor.u32 s28, v37;
	v40 =	vld.idx.msk [tilespmem:v63+s10+$0x0], $0xffff;
	[tilespmem:s24+$0xFFFFFFB0] =	vst v36  }
0xc8: {  	v55 =	vor.u32 s1, v39;
	v34 =	vld.idx.msk [tilespmem:v58+s10+$0x0], $0xffff;
	[tilespmem:s24+$0xFFFFFF30] =	vst v32  }
0xc9: {  	v51 =	vor.u32 s6, v35;
	[tilespmem:s24+$0xB0] =	vst v56;
	v33 =	vld.idx.msk [tilespmem:v61+s10+$0x0], $0xffff  }
0xca: {  	v53 =	vor.u32 s29, v35;
	v48 =	vld.idx.msk [tilespmem:v57+s10+$0x0], $0xffff;
	[tilespmem:s24+$0x30] =	vst v42  }
0xcb: {  	[tilespmem:s31+$0xFFFFFF50] =	vst v60;
	v49 =	vor.u32 s23, v35;
	v50 =	vld.idx.msk [tilespmem:v59+s10+$0x0], $0xffff  }
0xcc: {  	v52 =	vor.u32 s2, v35;
	v41 =	vld.idx.msk [tilespmem:v62+s10+$0x0], $0xffff;
	[tilespmem:s31+$0x60] =	vst v40  }
0xcd: {  	v54 =	vor.u32 s26, v37;
	v38 =	vld.idx.msk [tilespmem:v55+s10+$0x0], $0xffff;
	[tilespmem:s24+$0xFFFFFFC0] =	vst v34  }
0xce: {  	v55 =	vor.u32 s28, v39;
	v32 =	vld.idx.msk [tilespmem:v51+s10+$0x0], $0xffff;
	[tilespmem:s24+$0xFFFFFF40] =	vst v33  }
0xcf: {  	v58 =	vor.u32 s6, v37;
	[tilespmem:s24+$0xC0] =	vst v48;
	v33 =	vld.idx.msk [tilespmem:v53+s10+$0x0], $0xffff  }
0xd0: {  	v60 =	vor.u32 s29, v37;
	v56 =	vld.idx.msk [tilespmem:v49+s10+$0x0], $0xffff;
	[tilespmem:s24+$0x40] =	vst v50  }
0xd1: {  	[tilespmem:s31+$0xFFFFFFE0] =	vst v41;
	v57 =	vor.u32 s23, v37;
	v43 =	vld.idx.msk [tilespmem:v52+s10+$0x0], $0xffff  }
0xd2: {  	[tilespmem:s31+$0xF0] =	vst v38;
	v38 =	vld.idx.msk [tilespmem:v54+s10+$0x0], $0xffff;
	v59 =	vor.u32 s2, v37  }
0xd3: {  	v36 =	vld.idx.msk [tilespmem:v55+s10+$0x0], $0xffff;
	v61 =	vor.u32 s30, v39;
	[tilespmem:s24+$0xFFFFFFD0] =	vst v32  }
0xd4: {  	v62 =	vor.u32 s26, v39;
	v46 =	vld.idx.msk [tilespmem:v58+s10+$0x0], $0xffff;
	[tilespmem:s24+$0xFFFFFF50] =	vst v33  }
0xd5: {  	v48 =	vor.u32 s6, v39;
	[tilespmem:s24+$0xD0] =	vst v56;
	v37 =	vld.idx.msk [tilespmem:v60+s10+$0x0], $0xffff  }
0xd6: {  	v50 =	vor.u32 s29, v39;
	v63 =	vld.idx.msk [tilespmem:v57+s10+$0x0], $0xffff;
	[tilespmem:s24+$0x50] =	vst v43  }
0xd7: {  	v45 =	vor.u32 s23, v39;
	[tilespmem:s31+$0xFFFFFF60] =	vst v38;
	v47 =	vld.idx.msk [tilespmem:v59+s10+$0x0], $0xffff  }
0xd8: {  	[tilespmem:s31+$0xFFFFFFF0] =	vst v36;
	v40 =	vld.idx.msk [tilespmem:v61+s10+$0x0], $0xffff;
	v49 =	vor.u32 s2, v39  }
0xd9: {  	v34 =	vld.idx.msk [tilespmem:v62+s10+$0x0], $0xffff;
	[tilespmem:s24+$0xFFFFFFE0] =	vst v46  }
0xda: {  	v35 =	vld.idx.msk [tilespmem:v48+s10+$0x0], $0xffff;
	[tilespmem:s24+$0xFFFFFF60] =	vst v37  }
0xdb: {  	[tilespmem:s24+$0xE0] =	vst v63;
	v36 =	vld.idx.msk [tilespmem:v50+s10+$0x0], $0xffff  }
0xdc: {  	v32 =	vld.idx.msk [tilespmem:v45+s10+$0x0], $0xffff;
	[tilespmem:s24+$0x60] =	vst v47  }
0xdd: {  	[tilespmem:s31+$0x70] =	vst v40;
	v33 =	vld.idx.msk [tilespmem:v49+s10+$0x0], $0xffff  }
0xde: {  	[tilespmem:s31+$0xFFFFFF70] =	vst v34  }
0xdf: {  	[tilespmem:s24+$0xFFFFFFF0] =	vst v35  }
0xe0: {  	[tilespmem:s24+$0xFFFFFF70] =	vst v36  }
0xe1: {  	[tilespmem:s24+$0xF0] =	vst v32  }
0xe2: {  	[tilespmem:s24+$0x70] =	vst v33  }
0xe3: {  	_ =	swait.ge [sflag:s18], $0x4000  }
0xe4: {  	[sflag:s18] =	ssyncset.done $0x0  }
0xe5: {  	[sflag:s18] =	ssyncadd.s32 $0xFFFFC000  }
0xe6: {  	v51 =	vld [tilespmem:$0x80];
	_ =	sdelay $0x4  }
0xe7: {  	v32 =	vshll.u32 v51, $0x6  }
0xe8: {  	v52 =	vld [tilespmem:$0x90];
	v32 =	vand.u32 $0x40, v32  }
0xe9: {  	s2 =	simm.s32 $0x3;
	v38 =	vor.u32 v8, v32  }
0xea: {  	s9 =	simm.s32 $0x0;
	v54 =	vor.u32 s2, v38  }
0xeb: {  	v53 =	vld [tilespmem:$0xA0];
	v58 =	vor.u32 s9, v38  }
0xec: {  	v55 =	vld [tilespmem:$0xB0]  }
0xed: {  	s23 =	simm.s32 $0x1;
	v39 =	vld [tilespmem:$0xC0];
	v33 =	vshll.u32 v52, $0x6  }
0xee: {  	s24 =	simm.s32 $0x2;
	v41 =	vld [tilespmem:$0xD0];
	v33 =	vand.u32 $0x40, v33;
	v56 =	vor.u32 s23, v38  }
0xef: {  	v36 =	vor.u32 v9, v33;
	v57 =	vor.u32 s24, v38;
	v59 =	vld.idx.msk [tilespmem:v54+s10+$0x0], $0xffff  }
0xf0: {  	v60 =	vor.u32 s2, v36;
	v43 =	vld.idx.msk [tilespmem:v58+s10+$0x0], $0xffff  }
0xf1: {  	v42 =	vld [tilespmem:$0xE0];
	v63 =	vor.u32 s9, v36  }
0xf2: {  	v46 =	vld [tilespmem:$0xF0]  }
0xf3: {  	s0 =	simm.s32 $0x125F0;
	v32 =	vshll.u32 v53, $0x6;
	v37 =	vld.idx.msk [tilespmem:v56+s10+$0x0], $0xffff  }
0xf4: {  	v61 =	vor.u32 s23, v36;
	v32 =	vand.u32 $0x40, v32;
	v40 =	vld.idx.msk [tilespmem:v57+s10+$0x0], $0xffff;
	[tilespmem:s0+$0xFFFFFF90] =	vst v59  }
0xf5: {  	v62 =	vor.u32 s24, v36;
	v34 =	vor.u32 v10, v32;
	[tilespmem:s0+$0xFFFFFE10] =	vst v43;
	v49 =	vld.idx.msk [tilespmem:v60+s10+$0x0], $0xffff  }
0xf6: {  	v51 =	vor.u32 s2, v34;
	v54 =	vld.idx.msk [tilespmem:v63+s10+$0x0], $0xffff  }
0xf7: {  	v35 =	vshll.u32 v55, $0x6;
	v55 =	vor.u32 s9, v34  }
0xf8: {  	[tilespmem:s0+$0xFFFFFE90] =	vst v37  }
0xf9: {  	[tilespmem:s0+$0xFFFFFF10] =	vst v40;
	v50 =	vld.idx.msk [tilespmem:v61+s10+$0x0], $0xffff  }
0xfa: {  	v35 =	vand.u32 $0x40, v35;
	v52 =	vor.u32 s23, v34;
	v40 =	vld.idx.msk [tilespmem:v62+s10+$0x0], $0xffff;
	[tilespmem:s0+$0xFFFFFFA0] =	vst v49  }
0xfb: {  	v32 =	vor.u32 v11, v35;
	v53 =	vor.u32 s24, v34;
	[tilespmem:s0+$0xFFFFFE20] =	vst v54;
	v56 =	vld.idx.msk [tilespmem:v51+s10+$0x0], $0xffff  }
0xfc: {  	v58 =	vor.u32 s2, v32;
	v47 =	vld.idx.msk [tilespmem:v55+s10+$0x0], $0xffff  }
0xfd: {  	s26 =	simm.s32 $0x4;
	v62 =	vor.u32 s9, v32  }
0xfe: {  	s28 =	simm.s32 $0x5;
	v61 =	vor.u32 s26, v38;
	[tilespmem:s0+$0xFFFFFEA0] =	vst v50  }
0xff: {  	v63 =	vor.u32 s28, v38;
	[tilespmem:s0+$0xFFFFFF20] =	vst v40;
	v57 =	vld.idx.msk [tilespmem:v52+s10+$0x0], $0xffff  }
0x100: {  	v59 =	vor.u32 s23, v32;
	v40 =	vld.idx.msk [tilespmem:v53+s10+$0x0], $0xffff;
	[tilespmem:s0+$0xFFFFFFB0] =	vst v56  }
0x101: {  	s1 =	simm.s32 $0x7;
	v39 =	vshll.u32 v39, $0x6;
	v60 =	vor.u32 s24, v32;
	[tilespmem:s0+$0xFFFFFE30] =	vst v47;
	v52 =	vld.idx.msk [tilespmem:v58+s10+$0x0], $0xffff  }
0x102: {  	s30 =	simm.s32 $0x6;
	v39 =	vand.u32 $0x40, v39;
	v48 =	vld.idx.msk [tilespmem:v62+s10+$0x0], $0xffff;
	v58 =	vor.u32 s1, v38  }
0x103: {  	v33 =	vor.u32 v12, v39;
	v45 =	vld.idx.msk [tilespmem:v61+s10+$0x0], $0xffff;
	v61 =	vor.u32 s30, v38  }
0x104: {  	v54 =	vor.u32 s2, v33;
	v39 =	vld.idx.msk [tilespmem:v63+s10+$0x0], $0xffff;
	[tilespmem:s0+$0xFFFFFEB0] =	vst v57  }
0x105: {  	[tilespmem:s0+$0xFFFFFF30] =	vst v40;
	v53 =	vld.idx.msk [tilespmem:v59+s10+$0x0], $0xffff;
	v59 =	vor.u32 s9, v33  }
0x106: {  	v56 =	vor.u32 s23, v33;
	v55 =	vld.idx.msk [tilespmem:v60+s10+$0x0], $0xffff  }
0x107: {  	v57 =	vor.u32 s24, v33;
	[tilespmem:s0+$0xFFFFFE40] =	vst v48;
	v48 =	vld.idx.msk [tilespmem:v58+s10+$0x0], $0xffff  }
0x108: {  	s29 =	simm.s32 $0x8;
	[tilespmem:s0+$0xFFFFFFC0] =	vst v52;
	v52 =	vld.idx.msk [tilespmem:v61+s10+$0x0], $0xffff  }
0x109: {  	v41 =	vshll.u32 v41, $0x6;
	v58 =	vor.u32 s29, v38;
	v60 =	vld.idx.msk [tilespmem:v54+s10+$0x0], $0xffff  }
0x10a: {  	v41 =	vand.u32 $0x40, v41;
	[tilespmem:s0+$0xFFFFFEC0] =	vst v53;
	v50 =	vld.idx.msk [tilespmem:v59+s10+$0x0], $0xffff;
	v59 =	vor.u32 s1, v36  }
0x10b: {  	v35 =	vor.u32 v13, v41;
	[tilespmem:s0+$0xFFFFFF40] =	vst v55;
	v61 =	vor.u32 s28, v36;
	v62 =	vld.idx.msk [tilespmem:v56+s10+$0x0], $0xffff  }
0x10c: {  	s31 =	simm.s32 $0x127F0;
	v63 =	vor.u32 s2, v35;
	v44 =	vld.idx.msk [tilespmem:v57+s10+$0x0], $0xffff  }
0x10d: {  	[tilespmem:s31+$0xFFFFFE90] =	vst v39;
	v57 =	vor.u32 s24, v35  }
0x10e: {  	v56 =	vor.u32 s23, v35;
	v40 =	vld.idx.msk [tilespmem:v58+s10+$0x0], $0xffff;
	[tilespmem:s31+$0xFFFFFF90] =	vst v48  }
0x10f: {  	v42 =	vshll.u32 v42, $0x6;
	[tilespmem:s0+$0xFFFFFFD0] =	vst v60;
	v48 =	vld.idx.msk [tilespmem:v59+s10+$0x0], $0xffff  }
0x110: {  	v58 =	vor.u32 s9, v35;
	v60 =	vand.u32 $0x40, v42;
	[tilespmem:s0+$0xFFFFFED0] =	vst v62;
	v42 =	vld.idx.msk [tilespmem:v61+s10+$0x0], $0xffff  }
0x111: {  	[tilespmem:s0+$0xFFFFFF50] =	vst v44;
	v62 =	vld.idx.msk [tilespmem:v63+s10+$0x0], $0xffff;
	v63 =	vor.u32 s30, v36  }
0x112: {  	v37 =	vor.u32 v14, v60;
	v44 =	vld.idx.msk [tilespmem:v57+s10+$0x0], $0xffff;
	v57 =	vor.u32 s26, v36  }
0x113: {  	[tilespmem:s31+$0xFFFFFE10] =	vst v45;
	v47 =	vld.idx.msk [tilespmem:v56+s10+$0x0], $0xffff;
	v56 =	vor.u32 s2, v37  }
0x114: {  	[tilespmem:s0+$0xFFFFFE50] =	vst v50;
	v60 =	vor.u32 s1, v34  }
0x115: {  	[tilespmem:s31+$0xFFFFFF10] =	vst v52;
	v61 =	vor.u32 s28, v34;
	v50 =	vld.idx.msk [tilespmem:v58+s10+$0x0], $0xffff  }
0x116: {  	v59 =	vshll.u32 v46, $0x6;
	v52 =	vor.u32 s23, v37;
	[tilespmem:s31+$0xFFFFFFA0] =	vst v48;
	v43 =	vld.idx.msk [tilespmem:v63+s10+$0x0], $0xffff  }
0x117: {  	v39 =	vand.u32 $0x40, v59;
	v59 =	vor.u32 s24, v37;
	[tilespmem:s0+$0xFFFFFFE0] =	vst v62;
	v63 =	vld.idx.msk [tilespmem:v57+s10+$0x0], $0xffff  }
0x118: {  	[tilespmem:s31+$0xFFFFFEA0] =	vst v42;
	v62 =	vld.idx.msk [tilespmem:v56+s10+$0x0], $0xffff;
	v56 =	vor.u32 s30, v34  }
0x119: {  	v58 =	vor.u32 s26, v34;
	[tilespmem:s0+$0xFFFFFEE0] =	vst v47;
	v42 =	vld.idx.msk [tilespmem:v60+s10+$0x0], $0xffff  }
0x11a: {  	v39 =	vor.u32 v15, v39;
	v41 =	vld.idx.msk [tilespmem:v61+s10+$0x0], $0xffff;
	v60 =	vor.u32 s9, v37;
	[tilespmem:s0+$0xFFFFFF60] =	vst v44  }
0x11b: {  	s6 =	simm.s32 $0x9;
	v57 =	vor.u32 s2, v39;
	v48 =	vld.idx.msk [tilespmem:v52+s10+$0x0], $0xffff;
	[tilespmem:s0+$0xFFFFFE60] =	vst v50  }
0x11c: {  	v54 =	vor.u32 s6, v38;
	v55 =	vld.idx.msk [tilespmem:v59+s10+$0x0], $0xffff;
	[tilespmem:s31+$0xFFFFFF20] =	vst v43  }
0x11d: {  	v61 =	vor.u32 s1, v32;
	[tilespmem:s31+$0xFFFFFE20] =	vst v63;
	v51 =	vld.idx.msk [tilespmem:v56+s10+$0x0], $0xffff  }
0x11e: {  	[tilespmem:s0+$0xFFFFFFF0] =	vst v62;
	v62 =	vor.u32 s28, v32;
	v49 =	vld.idx.msk [tilespmem:v58+s10+$0x0], $0xffff  }
0x11f: {  	v63 =	vor.u32 s30, v32;
	[tilespmem:s31+$0xFFFFFFB0] =	vst v42;
	v42 =	vld.idx.msk [tilespmem:v60+s10+$0x0], $0xffff  }
0x120: {  	v56 =	vor.u32 s26, v32;
	v47 =	vld.idx.msk [tilespmem:v57+s10+$0x0], $0xffff  }
0x121: {  	[tilespmem:s31+$0xFFFFFEB0] =	vst v41;
	v41 =	vld.idx.msk [tilespmem:v54+s10+$0x0], $0xffff;
	v57 =	vor.u32 s23, v39  }
0x122: {  	v52 =	vor.u32 s24, v39;
	v46 =	vld.idx.msk [tilespmem:v61+s10+$0x0], $0xffff;
	[tilespmem:s31+$0xFFFFFF30] =	vst v51  }
0x123: {  	v44 =	vld.idx.msk [tilespmem:v62+s10+$0x0], $0xffff;
	[tilespmem:s31+$0xFFFFFE30] =	vst v49;
	v49 =	vor.u32 s1, v33  }
0x124: {  	v50 =	vor.u32 s28, v33;
	[tilespmem:s0+$0xFFFFFEF0] =	vst v48;
	v43 =	vld.idx.msk [tilespmem:v63+s10+$0x0], $0xffff  }
0x125: {  	v51 =	vor.u32 s30, v33;
	[tilespmem:s0+$0x0] =	vst v47;
	v47 =	vld.idx.msk [tilespmem:v56+s10+$0x0], $0xffff  }
0x126: {  	v45 =	vor.u32 s9, v39;
	s2 =	simm.s32 $0xC;
	[tilespmem:s0+$0xFFFFFF70] =	vst v55;
	s23 =	simm.s32 $0xB;
	v48 =	vld.idx.msk [tilespmem:v57+s10+$0x0], $0xffff  }
.LBB2_5:
0x127: {  	p0 =	slt.u32 s2, $0x3C;
	v53 =	vor.u32 s23, v38;
	[tilespmem:s31+$0xFFFFFFC0] =	vst v46;
	v46 =	vld.idx.msk [tilespmem:v52+s10+$0x0], $0xffff;
	s24 =	smov.u32 s29;
	s29 =	smov.u32 s2  }
0x128: {  	v52 =	vor.u32 s26, v33;
	s9 =	sadd.s32 $0x2, s24;
	[tilespmem:s31+$0xFFFFFEC0] =	vst v44;
	v44 =	vld.idx.msk [tilespmem:v49+s10+$0x0], $0xffff  }
0x129: {  	v49 =	vor.u32 s9, v38;
	v50 =	vld.idx.msk [tilespmem:v50+s10+$0x0], $0xffff;
	[tilespmem:s31+$0xFFFFFF40] =	vst v43  }
0x12a: {  	v43 =	vld.idx.msk [tilespmem:v51+s10+$0x0], $0xffff;
	v51 =	vor.u32 s1, v35;
	[tilespmem:s0+$0xFFFFFE70] =	vst v42  }
0x12b: {  	v42 =	vor.u32 s28, v35;
	[tilespmem:s31+$0xFFFFFE40] =	vst v47;
	v45 =	vld.idx.msk [tilespmem:v45+s10+$0x0], $0xffff  }
0x12c: {  	v47 =	vld.idx.msk [tilespmem:v53+s10+$0x0], $0xffff;
	v53 =	vor.u32 s30, v35;
	[tilespmem:s0+$0xFFFFFF00] =	vst v48  }
0x12d: {  	v48 =	vor.u32 s2, v38;
	v52 =	vld.idx.msk [tilespmem:v52+s10+$0x0], $0xffff;
	[tilespmem:s0+$0xFFFFFF80] =	vst v46  }
0x12e: {  	v46 =	vld.idx.msk [tilespmem:v49+s10+$0x0], $0xffff;
	v49 =	vor.u32 s23, v36;
	[tilespmem:s31+$0xFFFFFFD0] =	vst v44  }
0x12f: {  	v44 =	vor.u32 s6, v36;
	[tilespmem:s31+$0xFFFFFED0] =	vst v50;
	v50 =	vld.idx.msk [tilespmem:v51+s10+$0x0], $0xffff  }
0x130: {  	v51 =	vor.u32 s9, v36;
	v42 =	vld.idx.msk [tilespmem:v42+s10+$0x0], $0xffff;
	[tilespmem:s31+$0xFFFFFF50] =	vst v43  }
0x131: {  	v43 =	vld.idx.msk [tilespmem:v53+s10+$0x0], $0xffff;
	v53 =	vor.u32 s1, v37;
	[tilespmem:s0+$0xFFFFFE80] =	vst v45;
	s0 =	smov.u32 s31;
	s31 =	sadd.s32 $0x200, s31  }
0x132: {  	v45 =	vld.idx.msk [tilespmem:v48+s10+$0x0], $0xffff;
	v48 =	vor.u32 s24, v36;
	[tilespmem:s31+$0xFFFFFF90] =	vst v47  }
0x133: {  	v47 =	vor.u32 s26, v35;
	[tilespmem:s31+$0xFFFFFE90] =	vst v41;
	v41 =	vld.idx.msk [tilespmem:v49+s10+$0x0], $0xffff  }
0x134: {  	v44 =	vld.idx.msk [tilespmem:v44+s10+$0x0], $0xffff;
	[tilespmem:s31+$0xFFFFFF10] =	vst v46;
	v46 =	vor.u32 s28, v37  }
0x135: {  	v49 =	vld.idx.msk [tilespmem:v51+s10+$0x0], $0xffff;
	v51 =	vor.u32 s23, v34;
	[tilespmem:s0+$0xFFFFFFE0] =	vst v50  }
0x136: {  	v50 =	vor.u32 s6, v34;
	[tilespmem:s31+$0xFFFFFE10] =	vst v40;
	v53 =	vld.idx.msk [tilespmem:v53+s10+$0x0], $0xffff  }
0x137: {  	v54 =	vor.u32 s9, v34;
	v48 =	vld.idx.msk [tilespmem:v48+s10+$0x0], $0xffff;
	[tilespmem:s0+$0xFFFFFE50] =	vst v52  }
0x138: {  	v40 =	vmov v45;
	v47 =	vld.idx.msk [tilespmem:v47+s10+$0x0], $0xffff;
	[tilespmem:s0+$0xFFFFFEE0] =	vst v42;
	v42 =	vor.u32 s1, v39;
	s1 =	smov.u32 s23  }
0x139: {  	v45 =	vor.u32 s24, v34;
	[tilespmem:s31+$0xFFFFFFA0] =	vst v41;
	v55 =	vld.idx.msk [tilespmem:v46+s10+$0x0], $0xffff  }
0x13a: {  	[tilespmem:s31+$0xFFFFFEA0] =	vst v44;
	v41 =	vld.idx.msk [tilespmem:v51+s10+$0x0], $0xffff;
	v44 =	vor.u32 s30, v37  }
0x13b: {  	v46 =	vld.idx.msk [tilespmem:v50+s10+$0x0], $0xffff;
	[tilespmem:s31+$0xFFFFFF20] =	vst v49;
	v49 =	vor.u32 s26, v37  }
0x13c: {  	v51 =	vor.u32 s1, v32;
	v50 =	vld.idx.msk [tilespmem:v54+s10+$0x0], $0xffff;
	[tilespmem:s0+$0xFFFFFFF0] =	vst v53  }
0x13d: {  	[tilespmem:s31+$0xFFFFFE20] =	vst v48;
	v48 =	vor.u32 s6, v32;
	v53 =	vld.idx.msk [tilespmem:v42+s10+$0x0], $0xffff  }
0x13e: {  	s23 =	sadd.s32 $0x1, s2;
	v54 =	vor.u32 s9, v32;
	v45 =	vld.idx.msk [tilespmem:v45+s10+$0x0], $0xffff;
	[tilespmem:s0+$0xFFFFFF60] =	vst v43  }
0x13f: {  	v56 =	vor.u32 s23, v38;
	[tilespmem:s0+$0xFFFFFE60] =	vst v47;
	v57 =	vld.idx.msk [tilespmem:v44+s10+$0x0], $0xffff  }
0x140: {  	v47 =	vor.u32 s24, v32;
	[tilespmem:s31+$0xFFFFFFB0] =	vst v41;
	v42 =	vld.idx.msk [tilespmem:v49+s10+$0x0], $0xffff  }
0x141: {  	v58 =	vor.u32 s28, v39;
	s28 =	smov.u32 s6;
	s6 =	smov.u32 s23;
	[tilespmem:s31+$0xFFFFFEB0] =	vst v46;
	v46 =	vld.idx.msk [tilespmem:v51+s10+$0x0], $0xffff  }
.Ltmp1:
0x142: {  	v52 =	vor.u32 s30, v39;
	s30 =	smov.u32 s9;
	v44 =	vld.idx.msk [tilespmem:v48+s10+$0x0], $0xffff;
	[tilespmem:s31+$0xFFFFFF30] =	vst v50;
	(pc) =	sbr.rel @p0 .LBB2_5-.Ltmp1, $4  }
0x143: {  	v49 =	vor.u32 s1, v33;
	v43 =	vld.idx.msk [tilespmem:v54+s10+$0x0], $0xffff;
	[tilespmem:s0+$0x0] =	vst v53  }
0x144: {  	v50 =	vor.u32 s28, v33;
	v41 =	vld.idx.msk [tilespmem:v56+s10+$0x0], $0xffff;
	[tilespmem:s31+$0xFFFFFE30] =	vst v45  }
0x145: {  	v51 =	vor.u32 s30, v33;
	v47 =	vld.idx.msk [tilespmem:v47+s10+$0x0], $0xffff;
	[tilespmem:s0+$0xFFFFFEF0] =	vst v55  }
0x146: {  	s2 =	sadd.s32 $0x4, s2;
	s23 =	sadd.s32 $0x3, s29;
	v45 =	vor.u32 s26, v39;
	s26 =	smov.u32 s24;
	v48 =	vld.idx.msk [tilespmem:v58+s10+$0x0], $0xffff;
	[tilespmem:s0+$0xFFFFFF70] =	vst v57  }
0x147: {  	_ =	sdelay $0x1  }
0x148: {  	[tilespmem:s31+$0xFFFFFFC0] =	vst v46  }
0x149: {  	[tilespmem:s31+$0xFFFFFEC0] =	vst v44  }
0x14a: {  	v53 =	vor.u32 s23, v38;
	v55 =	vld.idx.msk [tilespmem:v52+s10+$0x0], $0xffff;
	s2 =	sadd.s32 $0x2, s29;
	[tilespmem:s0+$0xFFFFFE70] =	vst v42  }
0x14b: {  	s24 =	sadd.s32 $0x200, s31;
	v56 =	vld.idx.msk [tilespmem:v49+s10+$0x0], $0xffff;
	v57 =	vor.u32 s2, v38;
	[tilespmem:s31+$0xFFFFFF40] =	vst v43  }
0x14c: {  	v63 =	vor.u32 s6, v36;
	v58 =	vld.idx.msk [tilespmem:v50+s10+$0x0], $0xffff;
	[tilespmem:s24+$0xFFFFFE10] =	vst v40  }
0x14d: {  	v54 =	vor.u32 s26, v33;
	v45 =	vld.idx.msk [tilespmem:v45+s10+$0x0], $0xffff;
	[tilespmem:s24+$0xFFFFFE90] =	vst v41  }
0x14e: {  	v60 =	vor.u32 s1, v35;
	v59 =	vld.idx.msk [tilespmem:v51+s10+$0x0], $0xffff;
	[tilespmem:s31+$0xFFFFFE40] =	vst v47  }
0x14f: {  	[tilespmem:s0+$0xFFFFFF00] =	vst v48;
	v61 =	vld.idx.msk [tilespmem:v53+s10+$0x0], $0xffff;
	v53 =	vor.u32 s29, v36  }
0x150: {  	v62 =	vor.u32 s23, v36;
	[tilespmem:s0+$0xFFFFFF80] =	vst v55;
	v38 =	vld.idx.msk [tilespmem:v57+s10+$0x0], $0xffff  }
0x151: {  	v52 =	vor.u32 s2, v36;
	v44 =	vld.idx.msk [tilespmem:v63+s10+$0x0], $0xffff;
	[tilespmem:s31+$0xFFFFFFD0] =	vst v56  }
0x152: {  	v42 =	vld.idx.msk [tilespmem:v54+s10+$0x0], $0xffff;
	[tilespmem:s31+$0xFFFFFED0] =	vst v58  }
0x153: {  	v55 =	vor.u32 s28, v35;
	[tilespmem:s0+$0xFFFFFE80] =	vst v45;
	v47 =	vld.idx.msk [tilespmem:v60+s10+$0x0], $0xffff  }
0x154: {  	v58 =	vor.u32 s6, v34;
	[tilespmem:s24+$0xFFFFFF90] =	vst v61;
	v36 =	vld.idx.msk [tilespmem:v53+s10+$0x0], $0xffff  }
0x155: {  	v60 =	vor.u32 s29, v34;
	v56 =	vld.idx.msk [tilespmem:v62+s10+$0x0], $0xffff;
	[tilespmem:s24+$0xFFFFFF10] =	vst v38  }
0x156: {  	v57 =	vor.u32 s23, v34;
	[tilespmem:s31+$0xFFFFFF50] =	vst v59;
	v43 =	vld.idx.msk [tilespmem:v52+s10+$0x0], $0xffff  }
0x157: {  	v59 =	vor.u32 s2, v34;
	[tilespmem:s24+$0xFFFFFEA0] =	vst v44  }
0x158: {  	v63 =	vor.u32 s30, v35;
	v61 =	vld.idx.msk [tilespmem:v55+s10+$0x0], $0xffff;
	[tilespmem:s31+$0xFFFFFE50] =	vst v42  }
0x159: {  	v62 =	vor.u32 s1, v37;
	v40 =	vld.idx.msk [tilespmem:v58+s10+$0x0], $0xffff;
	[tilespmem:s24+$0xFFFFFE20] =	vst v36  }
0x15a: {  	v50 =	vor.u32 s6, v32;
	[tilespmem:s24+$0xFFFFFFA0] =	vst v56;
	v34 =	vld.idx.msk [tilespmem:v60+s10+$0x0], $0xffff  }
0x15b: {  	v53 =	vor.u32 s29, v32;
	v38 =	vld.idx.msk [tilespmem:v57+s10+$0x0], $0xffff;
	[tilespmem:s24+$0xFFFFFF20] =	vst v43  }
0x15c: {  	v48 =	vor.u32 s23, v32;
	[tilespmem:s31+$0xFFFFFFE0] =	vst v47;
	v49 =	vld.idx.msk [tilespmem:v59+s10+$0x0], $0xffff  }
0x15d: {  	v51 =	vor.u32 s2, v32;
	v41 =	vld.idx.msk [tilespmem:v63+s10+$0x0], $0xffff;
	[tilespmem:s31+$0xFFFFFEE0] =	vst v61  }
0x15e: {  	v54 =	vor.u32 s26, v35;
	v52 =	vld.idx.msk [tilespmem:v62+s10+$0x0], $0xffff;
	[tilespmem:s24+$0xFFFFFEB0] =	vst v40  }
0x15f: {  	v63 =	vor.u32 s30, v37;
	v36 =	vld.idx.msk [tilespmem:v50+s10+$0x0], $0xffff;
	[tilespmem:s24+$0xFFFFFE30] =	vst v34  }
0x160: {  	v58 =	vor.u32 s6, v33;
	[tilespmem:s24+$0xFFFFFFB0] =	vst v38;
	v32 =	vld.idx.msk [tilespmem:v53+s10+$0x0], $0xffff  }
0x161: {  	v61 =	vor.u32 s29, v33;
	v56 =	vld.idx.msk [tilespmem:v48+s10+$0x0], $0xffff;
	[tilespmem:s24+$0xFFFFFF30] =	vst v49  }
0x162: {  	[tilespmem:s31+$0xFFFFFF60] =	vst v41;
	v57 =	vor.u32 s23, v33;
	v42 =	vld.idx.msk [tilespmem:v51+s10+$0x0], $0xffff  }
0x163: {  	v60 =	vld.idx.msk [tilespmem:v54+s10+$0x0], $0xffff;
	v59 =	vor.u32 s2, v33;
	[tilespmem:s31+$0xFFFFFFF0] =	vst v52  }
0x164: {  	v62 =	vor.u32 s28, v37;
	v40 =	vld.idx.msk [tilespmem:v63+s10+$0x0], $0xffff;
	[tilespmem:s24+$0xFFFFFEC0] =	vst v36  }
0x165: {  	v55 =	vor.u32 s1, v39;
	v34 =	vld.idx.msk [tilespmem:v58+s10+$0x0], $0xffff;
	[tilespmem:s24+$0xFFFFFE40] =	vst v32  }
0x166: {  	v51 =	vor.u32 s6, v35;
	[tilespmem:s24+$0xFFFFFFC0] =	vst v56;
	v33 =	vld.idx.msk [tilespmem:v61+s10+$0x0], $0xffff  }
0x167: {  	v53 =	vor.u32 s29, v35;
	v48 =	vld.idx.msk [tilespmem:v57+s10+$0x0], $0xffff;
	[tilespmem:s24+$0xFFFFFF40] =	vst v42  }
0x168: {  	[tilespmem:s31+$0xFFFFFE60] =	vst v60;
	v49 =	vor.u32 s23, v35;
	v50 =	vld.idx.msk [tilespmem:v59+s10+$0x0], $0xffff  }
0x169: {  	v52 =	vor.u32 s2, v35;
	v41 =	vld.idx.msk [tilespmem:v62+s10+$0x0], $0xffff;
	[tilespmem:s31+$0xFFFFFF70] =	vst v40  }
0x16a: {  	v54 =	vor.u32 s26, v37;
	v38 =	vld.idx.msk [tilespmem:v55+s10+$0x0], $0xffff;
	[tilespmem:s24+$0xFFFFFED0] =	vst v34  }
0x16b: {  	v55 =	vor.u32 s28, v39;
	v32 =	vld.idx.msk [tilespmem:v51+s10+$0x0], $0xffff;
	[tilespmem:s24+$0xFFFFFE50] =	vst v33  }
0x16c: {  	v58 =	vor.u32 s6, v37;
	[tilespmem:s24+$0xFFFFFFD0] =	vst v48;
	v33 =	vld.idx.msk [tilespmem:v53+s10+$0x0], $0xffff  }
0x16d: {  	v60 =	vor.u32 s29, v37;
	v56 =	vld.idx.msk [tilespmem:v49+s10+$0x0], $0xffff;
	[tilespmem:s24+$0xFFFFFF50] =	vst v50  }
0x16e: {  	[tilespmem:s31+$0xFFFFFEF0] =	vst v41;
	v57 =	vor.u32 s23, v37;
	v43 =	vld.idx.msk [tilespmem:v52+s10+$0x0], $0xffff  }
0x16f: {  	[tilespmem:s31+$0x0] =	vst v38;
	v38 =	vld.idx.msk [tilespmem:v54+s10+$0x0], $0xffff;
	v59 =	vor.u32 s2, v37  }
0x170: {  	v36 =	vld.idx.msk [tilespmem:v55+s10+$0x0], $0xffff;
	v61 =	vor.u32 s30, v39;
	[tilespmem:s24+$0xFFFFFEE0] =	vst v32  }
0x171: {  	v62 =	vor.u32 s26, v39;
	v46 =	vld.idx.msk [tilespmem:v58+s10+$0x0], $0xffff;
	[tilespmem:s24+$0xFFFFFE60] =	vst v33  }
0x172: {  	v48 =	vor.u32 s6, v39;
	[tilespmem:s24+$0xFFFFFFE0] =	vst v56;
	v37 =	vld.idx.msk [tilespmem:v60+s10+$0x0], $0xffff  }
0x173: {  	v50 =	vor.u32 s29, v39;
	v63 =	vld.idx.msk [tilespmem:v57+s10+$0x0], $0xffff;
	[tilespmem:s24+$0xFFFFFF60] =	vst v43  }
0x174: {  	v45 =	vor.u32 s23, v39;
	[tilespmem:s31+$0xFFFFFE70] =	vst v38;
	v47 =	vld.idx.msk [tilespmem:v59+s10+$0x0], $0xffff  }
0x175: {  	[tilespmem:s31+$0xFFFFFF00] =	vst v36;
	v40 =	vld.idx.msk [tilespmem:v61+s10+$0x0], $0xffff;
	v49 =	vor.u32 s2, v39  }
0x176: {  	v34 =	vld.idx.msk [tilespmem:v62+s10+$0x0], $0xffff;
	[tilespmem:s24+$0xFFFFFEF0] =	vst v46  }
0x177: {  	v35 =	vld.idx.msk [tilespmem:v48+s10+$0x0], $0xffff;
	[tilespmem:s24+$0xFFFFFE70] =	vst v37  }
0x178: {  	[tilespmem:s24+$0xFFFFFFF0] =	vst v63;
	v36 =	vld.idx.msk [tilespmem:v50+s10+$0x0], $0xffff  }
0x179: {  	v32 =	vld.idx.msk [tilespmem:v45+s10+$0x0], $0xffff;
	[tilespmem:s24+$0xFFFFFF70] =	vst v47  }
0x17a: {  	[tilespmem:s31+$0xFFFFFF80] =	vst v40;
	v33 =	vld.idx.msk [tilespmem:v49+s10+$0x0], $0xffff  }
0x17b: {  	[tilespmem:s31+$0xFFFFFE80] =	vst v34  }
0x17c: {  	[tilespmem:s24+$0xFFFFFF00] =	vst v35  }
0x17d: {  	[tilespmem:s24+$0xFFFFFE80] =	vst v36  }
0x17e: {  	[tilespmem:s24+$0x0] =	vst v32  }
0x17f: {  	[tilespmem:s24+$0xFFFFFF80] =	vst v33  }
0x180: {  	_ =	swait.ge [sflag:s19], $0x4000  }
0x181: {  	[sflag:s19] =	ssyncset.done $0x0  }
0x182: {  	[sflag:s19] =	ssyncadd.s32 $0xFFFFC000  }
0x183: {  	v51 =	vld [tilespmem:$0x100];
	_ =	sdelay $0x4  }
0x184: {  	v32 =	vshll.u32 v51, $0x6  }
0x185: {  	v52 =	vld [tilespmem:$0x110];
	v32 =	vand.u32 $0x40, v32  }
0x186: {  	s2 =	simm.s32 $0x3;
	v38 =	vor.u32 v16, v32  }
0x187: {  	s9 =	simm.s32 $0x0;
	v54 =	vor.u32 s2, v38  }
0x188: {  	v53 =	vld [tilespmem:$0x120];
	v58 =	vor.u32 s9, v38  }
0x189: {  	v55 =	vld [tilespmem:$0x130]  }
0x18a: {  	s23 =	simm.s32 $0x1;
	v39 =	vld [tilespmem:$0x140];
	v33 =	vshll.u32 v52, $0x6  }
0x18b: {  	s24 =	simm.s32 $0x2;
	v41 =	vld [tilespmem:$0x150];
	v33 =	vand.u32 $0x40, v33;
	v56 =	vor.u32 s23, v38  }
0x18c: {  	v36 =	vor.u32 v17, v33;
	v57 =	vor.u32 s24, v38;
	v59 =	vld.idx.msk [tilespmem:v54+s10+$0x0], $0xffff  }
0x18d: {  	v60 =	vor.u32 s2, v36;
	v43 =	vld.idx.msk [tilespmem:v58+s10+$0x0], $0xffff  }
0x18e: {  	v42 =	vld [tilespmem:$0x160];
	v63 =	vor.u32 s9, v36  }
0x18f: {  	v46 =	vld [tilespmem:$0x170]  }
0x190: {  	s0 =	simm.s32 $0x145F0;
	v32 =	vshll.u32 v53, $0x6;
	v37 =	vld.idx.msk [tilespmem:v56+s10+$0x0], $0xffff  }
0x191: {  	v61 =	vor.u32 s23, v36;
	v32 =	vand.u32 $0x40, v32;
	v40 =	vld.idx.msk [tilespmem:v57+s10+$0x0], $0xffff;
	[tilespmem:s0+$0xFFFFFF90] =	vst v59  }
0x192: {  	v62 =	vor.u32 s24, v36;
	v34 =	vor.u32 v18, v32;
	[tilespmem:s0+$0xFFFFFE10] =	vst v43;
	v49 =	vld.idx.msk [tilespmem:v60+s10+$0x0], $0xffff  }
0x193: {  	v51 =	vor.u32 s2, v34;
	v54 =	vld.idx.msk [tilespmem:v63+s10+$0x0], $0xffff  }
0x194: {  	v35 =	vshll.u32 v55, $0x6;
	v55 =	vor.u32 s9, v34  }
0x195: {  	[tilespmem:s0+$0xFFFFFE90] =	vst v37  }
0x196: {  	[tilespmem:s0+$0xFFFFFF10] =	vst v40;
	v50 =	vld.idx.msk [tilespmem:v61+s10+$0x0], $0xffff  }
0x197: {  	v35 =	vand.u32 $0x40, v35;
	v52 =	vor.u32 s23, v34;
	v40 =	vld.idx.msk [tilespmem:v62+s10+$0x0], $0xffff;
	[tilespmem:s0+$0xFFFFFFA0] =	vst v49  }
0x198: {  	v32 =	vor.u32 v19, v35;
	v53 =	vor.u32 s24, v34;
	[tilespmem:s0+$0xFFFFFE20] =	vst v54;
	v56 =	vld.idx.msk [tilespmem:v51+s10+$0x0], $0xffff  }
0x199: {  	v58 =	vor.u32 s2, v32;
	v47 =	vld.idx.msk [tilespmem:v55+s10+$0x0], $0xffff  }
0x19a: {  	s26 =	simm.s32 $0x4;
	v62 =	vor.u32 s9, v32  }
0x19b: {  	s28 =	simm.s32 $0x5;
	v61 =	vor.u32 s26, v38;
	[tilespmem:s0+$0xFFFFFEA0] =	vst v50  }
0x19c: {  	v63 =	vor.u32 s28, v38;
	[tilespmem:s0+$0xFFFFFF20] =	vst v40;
	v57 =	vld.idx.msk [tilespmem:v52+s10+$0x0], $0xffff  }
0x19d: {  	v59 =	vor.u32 s23, v32;
	v40 =	vld.idx.msk [tilespmem:v53+s10+$0x0], $0xffff;
	[tilespmem:s0+$0xFFFFFFB0] =	vst v56  }
0x19e: {  	s1 =	simm.s32 $0x7;
	v39 =	vshll.u32 v39, $0x6;
	v60 =	vor.u32 s24, v32;
	[tilespmem:s0+$0xFFFFFE30] =	vst v47;
	v52 =	vld.idx.msk [tilespmem:v58+s10+$0x0], $0xffff  }
0x19f: {  	s30 =	simm.s32 $0x6;
	v39 =	vand.u32 $0x40, v39;
	v48 =	vld.idx.msk [tilespmem:v62+s10+$0x0], $0xffff;
	v58 =	vor.u32 s1, v38  }
0x1a0: {  	v33 =	vor.u32 v20, v39;
	v45 =	vld.idx.msk [tilespmem:v61+s10+$0x0], $0xffff;
	v61 =	vor.u32 s30, v38  }
0x1a1: {  	v54 =	vor.u32 s2, v33;
	v39 =	vld.idx.msk [tilespmem:v63+s10+$0x0], $0xffff;
	[tilespmem:s0+$0xFFFFFEB0] =	vst v57  }
0x1a2: {  	[tilespmem:s0+$0xFFFFFF30] =	vst v40;
	v53 =	vld.idx.msk [tilespmem:v59+s10+$0x0], $0xffff;
	v59 =	vor.u32 s9, v33  }
0x1a3: {  	v56 =	vor.u32 s23, v33;
	v55 =	vld.idx.msk [tilespmem:v60+s10+$0x0], $0xffff  }
0x1a4: {  	v57 =	vor.u32 s24, v33;
	[tilespmem:s0+$0xFFFFFE40] =	vst v48;
	v48 =	vld.idx.msk [tilespmem:v58+s10+$0x0], $0xffff  }
0x1a5: {  	s29 =	simm.s32 $0x8;
	[tilespmem:s0+$0xFFFFFFC0] =	vst v52;
	v52 =	vld.idx.msk [tilespmem:v61+s10+$0x0], $0xffff  }
0x1a6: {  	v41 =	vshll.u32 v41, $0x6;
	v58 =	vor.u32 s29, v38;
	v60 =	vld.idx.msk [tilespmem:v54+s10+$0x0], $0xffff  }
0x1a7: {  	v41 =	vand.u32 $0x40, v41;
	[tilespmem:s0+$0xFFFFFEC0] =	vst v53;
	v50 =	vld.idx.msk [tilespmem:v59+s10+$0x0], $0xffff;
	v59 =	vor.u32 s1, v36  }
0x1a8: {  	v35 =	vor.u32 v21, v41;
	[tilespmem:s0+$0xFFFFFF40] =	vst v55;
	v61 =	vor.u32 s28, v36;
	v62 =	vld.idx.msk [tilespmem:v56+s10+$0x0], $0xffff  }
0x1a9: {  	s31 =	simm.s32 $0x147F0;
	v63 =	vor.u32 s2, v35;
	v44 =	vld.idx.msk [tilespmem:v57+s10+$0x0], $0xffff  }
0x1aa: {  	[tilespmem:s31+$0xFFFFFE90] =	vst v39;
	v57 =	vor.u32 s24, v35  }
0x1ab: {  	v56 =	vor.u32 s23, v35;
	v40 =	vld.idx.msk [tilespmem:v58+s10+$0x0], $0xffff;
	[tilespmem:s31+$0xFFFFFF90] =	vst v48  }
0x1ac: {  	v42 =	vshll.u32 v42, $0x6;
	[tilespmem:s0+$0xFFFFFFD0] =	vst v60;
	v48 =	vld.idx.msk [tilespmem:v59+s10+$0x0], $0xffff  }
0x1ad: {  	v58 =	vor.u32 s9, v35;
	v60 =	vand.u32 $0x40, v42;
	[tilespmem:s0+$0xFFFFFED0] =	vst v62;
	v42 =	vld.idx.msk [tilespmem:v61+s10+$0x0], $0xffff  }
0x1ae: {  	[tilespmem:s0+$0xFFFFFF50] =	vst v44;
	v62 =	vld.idx.msk [tilespmem:v63+s10+$0x0], $0xffff;
	v63 =	vor.u32 s30, v36  }
0x1af: {  	v37 =	vor.u32 v22, v60;
	v44 =	vld.idx.msk [tilespmem:v57+s10+$0x0], $0xffff;
	v57 =	vor.u32 s26, v36  }
0x1b0: {  	[tilespmem:s31+$0xFFFFFE10] =	vst v45;
	v47 =	vld.idx.msk [tilespmem:v56+s10+$0x0], $0xffff;
	v56 =	vor.u32 s2, v37  }
0x1b1: {  	[tilespmem:s0+$0xFFFFFE50] =	vst v50;
	v60 =	vor.u32 s1, v34  }
0x1b2: {  	[tilespmem:s31+$0xFFFFFF10] =	vst v52;
	v61 =	vor.u32 s28, v34;
	v50 =	vld.idx.msk [tilespmem:v58+s10+$0x0], $0xffff  }
0x1b3: {  	v59 =	vshll.u32 v46, $0x6;
	v52 =	vor.u32 s23, v37;
	[tilespmem:s31+$0xFFFFFFA0] =	vst v48;
	v43 =	vld.idx.msk [tilespmem:v63+s10+$0x0], $0xffff  }
0x1b4: {  	v39 =	vand.u32 $0x40, v59;
	v59 =	vor.u32 s24, v37;
	[tilespmem:s0+$0xFFFFFFE0] =	vst v62;
	v63 =	vld.idx.msk [tilespmem:v57+s10+$0x0], $0xffff  }
0x1b5: {  	[tilespmem:s31+$0xFFFFFEA0] =	vst v42;
	v62 =	vld.idx.msk [tilespmem:v56+s10+$0x0], $0xffff;
	v56 =	vor.u32 s30, v34  }
0x1b6: {  	v58 =	vor.u32 s26, v34;
	[tilespmem:s0+$0xFFFFFEE0] =	vst v47;
	v42 =	vld.idx.msk [tilespmem:v60+s10+$0x0], $0xffff  }
0x1b7: {  	v39 =	vor.u32 v23, v39;
	v41 =	vld.idx.msk [tilespmem:v61+s10+$0x0], $0xffff;
	v60 =	vor.u32 s9, v37;
	[tilespmem:s0+$0xFFFFFF60] =	vst v44  }
0x1b8: {  	s6 =	simm.s32 $0x9;
	v57 =	vor.u32 s2, v39;
	v48 =	vld.idx.msk [tilespmem:v52+s10+$0x0], $0xffff;
	[tilespmem:s0+$0xFFFFFE60] =	vst v50  }
0x1b9: {  	v54 =	vor.u32 s6, v38;
	v55 =	vld.idx.msk [tilespmem:v59+s10+$0x0], $0xffff;
	[tilespmem:s31+$0xFFFFFF20] =	vst v43  }
0x1ba: {  	v61 =	vor.u32 s1, v32;
	[tilespmem:s31+$0xFFFFFE20] =	vst v63;
	v51 =	vld.idx.msk [tilespmem:v56+s10+$0x0], $0xffff  }
0x1bb: {  	[tilespmem:s0+$0xFFFFFFF0] =	vst v62;
	v62 =	vor.u32 s28, v32;
	v49 =	vld.idx.msk [tilespmem:v58+s10+$0x0], $0xffff  }
0x1bc: {  	v63 =	vor.u32 s30, v32;
	[tilespmem:s31+$0xFFFFFFB0] =	vst v42;
	v42 =	vld.idx.msk [tilespmem:v60+s10+$0x0], $0xffff  }
0x1bd: {  	v56 =	vor.u32 s26, v32;
	v47 =	vld.idx.msk [tilespmem:v57+s10+$0x0], $0xffff  }
0x1be: {  	[tilespmem:s31+$0xFFFFFEB0] =	vst v41;
	v41 =	vld.idx.msk [tilespmem:v54+s10+$0x0], $0xffff;
	v57 =	vor.u32 s23, v39  }
0x1bf: {  	v52 =	vor.u32 s24, v39;
	v46 =	vld.idx.msk [tilespmem:v61+s10+$0x0], $0xffff;
	[tilespmem:s31+$0xFFFFFF30] =	vst v51  }
0x1c0: {  	v44 =	vld.idx.msk [tilespmem:v62+s10+$0x0], $0xffff;
	[tilespmem:s31+$0xFFFFFE30] =	vst v49;
	v49 =	vor.u32 s1, v33  }
0x1c1: {  	v50 =	vor.u32 s28, v33;
	[tilespmem:s0+$0xFFFFFEF0] =	vst v48;
	v43 =	vld.idx.msk [tilespmem:v63+s10+$0x0], $0xffff  }
0x1c2: {  	v51 =	vor.u32 s30, v33;
	[tilespmem:s0+$0x0] =	vst v47;
	v47 =	vld.idx.msk [tilespmem:v56+s10+$0x0], $0xffff  }
0x1c3: {  	v45 =	vor.u32 s9, v39;
	s2 =	simm.s32 $0xC;
	[tilespmem:s0+$0xFFFFFF70] =	vst v55;
	s23 =	simm.s32 $0xB;
	v48 =	vld.idx.msk [tilespmem:v57+s10+$0x0], $0xffff  }
.LBB2_7:
0x1c4: {  	p0 =	slt.u32 s2, $0x3C;
	v53 =	vor.u32 s23, v38;
	[tilespmem:s31+$0xFFFFFFC0] =	vst v46;
	v46 =	vld.idx.msk [tilespmem:v52+s10+$0x0], $0xffff;
	s24 =	smov.u32 s29;
	s29 =	smov.u32 s2  }
0x1c5: {  	v52 =	vor.u32 s26, v33;
	s9 =	sadd.s32 $0x2, s24;
	[tilespmem:s31+$0xFFFFFEC0] =	vst v44;
	v44 =	vld.idx.msk [tilespmem:v49+s10+$0x0], $0xffff  }
0x1c6: {  	v49 =	vor.u32 s9, v38;
	v50 =	vld.idx.msk [tilespmem:v50+s10+$0x0], $0xffff;
	[tilespmem:s31+$0xFFFFFF40] =	vst v43  }
0x1c7: {  	v43 =	vld.idx.msk [tilespmem:v51+s10+$0x0], $0xffff;
	v51 =	vor.u32 s1, v35;
	[tilespmem:s0+$0xFFFFFE70] =	vst v42  }
0x1c8: {  	v42 =	vor.u32 s28, v35;
	[tilespmem:s31+$0xFFFFFE40] =	vst v47;
	v45 =	vld.idx.msk [tilespmem:v45+s10+$0x0], $0xffff  }
0x1c9: {  	v47 =	vld.idx.msk [tilespmem:v53+s10+$0x0], $0xffff;
	v53 =	vor.u32 s30, v35;
	[tilespmem:s0+$0xFFFFFF00] =	vst v48  }
0x1ca: {  	v48 =	vor.u32 s2, v38;
	v52 =	vld.idx.msk [tilespmem:v52+s10+$0x0], $0xffff;
	[tilespmem:s0+$0xFFFFFF80] =	vst v46  }
0x1cb: {  	v46 =	vld.idx.msk [tilespmem:v49+s10+$0x0], $0xffff;
	v49 =	vor.u32 s23, v36;
	[tilespmem:s31+$0xFFFFFFD0] =	vst v44  }
0x1cc: {  	v44 =	vor.u32 s6, v36;
	[tilespmem:s31+$0xFFFFFED0] =	vst v50;
	v50 =	vld.idx.msk [tilespmem:v51+s10+$0x0], $0xffff  }
0x1cd: {  	v51 =	vor.u32 s9, v36;
	v42 =	vld.idx.msk [tilespmem:v42+s10+$0x0], $0xffff;
	[tilespmem:s31+$0xFFFFFF50] =	vst v43  }
0x1ce: {  	v43 =	vld.idx.msk [tilespmem:v53+s10+$0x0], $0xffff;
	v53 =	vor.u32 s1, v37;
	[tilespmem:s0+$0xFFFFFE80] =	vst v45;
	s0 =	smov.u32 s31;
	s31 =	sadd.s32 $0x200, s31  }
0x1cf: {  	v45 =	vld.idx.msk [tilespmem:v48+s10+$0x0], $0xffff;
	v48 =	vor.u32 s24, v36;
	[tilespmem:s31+$0xFFFFFF90] =	vst v47  }
0x1d0: {  	v47 =	vor.u32 s26, v35;
	[tilespmem:s31+$0xFFFFFE90] =	vst v41;
	v41 =	vld.idx.msk [tilespmem:v49+s10+$0x0], $0xffff  }
0x1d1: {  	v44 =	vld.idx.msk [tilespmem:v44+s10+$0x0], $0xffff;
	[tilespmem:s31+$0xFFFFFF10] =	vst v46;
	v46 =	vor.u32 s28, v37  }
0x1d2: {  	v49 =	vld.idx.msk [tilespmem:v51+s10+$0x0], $0xffff;
	v51 =	vor.u32 s23, v34;
	[tilespmem:s0+$0xFFFFFFE0] =	vst v50  }
0x1d3: {  	v50 =	vor.u32 s6, v34;
	[tilespmem:s31+$0xFFFFFE10] =	vst v40;
	v53 =	vld.idx.msk [tilespmem:v53+s10+$0x0], $0xffff  }
0x1d4: {  	v54 =	vor.u32 s9, v34;
	v48 =	vld.idx.msk [tilespmem:v48+s10+$0x0], $0xffff;
	[tilespmem:s0+$0xFFFFFE50] =	vst v52  }
0x1d5: {  	v40 =	vmov v45;
	v47 =	vld.idx.msk [tilespmem:v47+s10+$0x0], $0xffff;
	[tilespmem:s0+$0xFFFFFEE0] =	vst v42;
	v42 =	vor.u32 s1, v39;
	s1 =	smov.u32 s23  }
0x1d6: {  	v45 =	vor.u32 s24, v34;
	[tilespmem:s31+$0xFFFFFFA0] =	vst v41;
	v55 =	vld.idx.msk [tilespmem:v46+s10+$0x0], $0xffff  }
0x1d7: {  	[tilespmem:s31+$0xFFFFFEA0] =	vst v44;
	v41 =	vld.idx.msk [tilespmem:v51+s10+$0x0], $0xffff;
	v44 =	vor.u32 s30, v37  }
0x1d8: {  	v46 =	vld.idx.msk [tilespmem:v50+s10+$0x0], $0xffff;
	[tilespmem:s31+$0xFFFFFF20] =	vst v49;
	v49 =	vor.u32 s26, v37  }
0x1d9: {  	v51 =	vor.u32 s1, v32;
	v50 =	vld.idx.msk [tilespmem:v54+s10+$0x0], $0xffff;
	[tilespmem:s0+$0xFFFFFFF0] =	vst v53  }
0x1da: {  	[tilespmem:s31+$0xFFFFFE20] =	vst v48;
	v48 =	vor.u32 s6, v32;
	v53 =	vld.idx.msk [tilespmem:v42+s10+$0x0], $0xffff  }
0x1db: {  	s23 =	sadd.s32 $0x1, s2;
	v54 =	vor.u32 s9, v32;
	v45 =	vld.idx.msk [tilespmem:v45+s10+$0x0], $0xffff;
	[tilespmem:s0+$0xFFFFFF60] =	vst v43  }
0x1dc: {  	v56 =	vor.u32 s23, v38;
	[tilespmem:s0+$0xFFFFFE60] =	vst v47;
	v57 =	vld.idx.msk [tilespmem:v44+s10+$0x0], $0xffff  }
0x1dd: {  	v47 =	vor.u32 s24, v32;
	[tilespmem:s31+$0xFFFFFFB0] =	vst v41;
	v42 =	vld.idx.msk [tilespmem:v49+s10+$0x0], $0xffff  }
0x1de: {  	v58 =	vor.u32 s28, v39;
	s28 =	smov.u32 s6;
	s6 =	smov.u32 s23;
	[tilespmem:s31+$0xFFFFFEB0] =	vst v46;
	v46 =	vld.idx.msk [tilespmem:v51+s10+$0x0], $0xffff  }
.Ltmp2:
0x1df: {  	v52 =	vor.u32 s30, v39;
	s30 =	smov.u32 s9;
	v44 =	vld.idx.msk [tilespmem:v48+s10+$0x0], $0xffff;
	[tilespmem:s31+$0xFFFFFF30] =	vst v50;
	(pc) =	sbr.rel @p0 .LBB2_7-.Ltmp2, $4  }
0x1e0: {  	v49 =	vor.u32 s1, v33;
	v43 =	vld.idx.msk [tilespmem:v54+s10+$0x0], $0xffff;
	[tilespmem:s0+$0x0] =	vst v53  }
0x1e1: {  	v50 =	vor.u32 s28, v33;
	v41 =	vld.idx.msk [tilespmem:v56+s10+$0x0], $0xffff;
	[tilespmem:s31+$0xFFFFFE30] =	vst v45  }
0x1e2: {  	v51 =	vor.u32 s30, v33;
	v47 =	vld.idx.msk [tilespmem:v47+s10+$0x0], $0xffff;
	[tilespmem:s0+$0xFFFFFEF0] =	vst v55  }
0x1e3: {  	s2 =	sadd.s32 $0x4, s2;
	s23 =	sadd.s32 $0x3, s29;
	v45 =	vor.u32 s26, v39;
	s26 =	smov.u32 s24;
	v48 =	vld.idx.msk [tilespmem:v58+s10+$0x0], $0xffff;
	[tilespmem:s0+$0xFFFFFF70] =	vst v57  }
0x1e4: {  	_ =	sdelay $0x1  }
0x1e5: {  	[tilespmem:s31+$0xFFFFFFC0] =	vst v46  }
0x1e6: {  	[tilespmem:s31+$0xFFFFFEC0] =	vst v44  }
0x1e7: {  	v53 =	vor.u32 s23, v38;
	v55 =	vld.idx.msk [tilespmem:v52+s10+$0x0], $0xffff;
	s2 =	sadd.s32 $0x2, s29;
	[tilespmem:s0+$0xFFFFFE70] =	vst v42  }
0x1e8: {  	s24 =	sadd.s32 $0x200, s31;
	v56 =	vld.idx.msk [tilespmem:v49+s10+$0x0], $0xffff;
	v57 =	vor.u32 s2, v38;
	[tilespmem:s31+$0xFFFFFF40] =	vst v43  }
0x1e9: {  	v63 =	vor.u32 s6, v36;
	v58 =	vld.idx.msk [tilespmem:v50+s10+$0x0], $0xffff;
	[tilespmem:s24+$0xFFFFFE10] =	vst v40  }
0x1ea: {  	v54 =	vor.u32 s26, v33;
	v45 =	vld.idx.msk [tilespmem:v45+s10+$0x0], $0xffff;
	[tilespmem:s24+$0xFFFFFE90] =	vst v41  }
0x1eb: {  	v60 =	vor.u32 s1, v35;
	v59 =	vld.idx.msk [tilespmem:v51+s10+$0x0], $0xffff;
	[tilespmem:s31+$0xFFFFFE40] =	vst v47  }
0x1ec: {  	[tilespmem:s0+$0xFFFFFF00] =	vst v48;
	v61 =	vld.idx.msk [tilespmem:v53+s10+$0x0], $0xffff;
	v53 =	vor.u32 s29, v36  }
0x1ed: {  	v62 =	vor.u32 s23, v36;
	[tilespmem:s0+$0xFFFFFF80] =	vst v55;
	v38 =	vld.idx.msk [tilespmem:v57+s10+$0x0], $0xffff  }
0x1ee: {  	v52 =	vor.u32 s2, v36;
	v44 =	vld.idx.msk [tilespmem:v63+s10+$0x0], $0xffff;
	[tilespmem:s31+$0xFFFFFFD0] =	vst v56  }
0x1ef: {  	v42 =	vld.idx.msk [tilespmem:v54+s10+$0x0], $0xffff;
	[tilespmem:s31+$0xFFFFFED0] =	vst v58  }
0x1f0: {  	v55 =	vor.u32 s28, v35;
	[tilespmem:s0+$0xFFFFFE80] =	vst v45;
	v47 =	vld.idx.msk [tilespmem:v60+s10+$0x0], $0xffff  }
0x1f1: {  	v58 =	vor.u32 s6, v34;
	[tilespmem:s24+$0xFFFFFF90] =	vst v61;
	v36 =	vld.idx.msk [tilespmem:v53+s10+$0x0], $0xffff  }
0x1f2: {  	v60 =	vor.u32 s29, v34;
	v56 =	vld.idx.msk [tilespmem:v62+s10+$0x0], $0xffff;
	[tilespmem:s24+$0xFFFFFF10] =	vst v38  }
0x1f3: {  	v57 =	vor.u32 s23, v34;
	[tilespmem:s31+$0xFFFFFF50] =	vst v59;
	v43 =	vld.idx.msk [tilespmem:v52+s10+$0x0], $0xffff  }
0x1f4: {  	v59 =	vor.u32 s2, v34;
	[tilespmem:s24+$0xFFFFFEA0] =	vst v44  }
0x1f5: {  	v63 =	vor.u32 s30, v35;
	v61 =	vld.idx.msk [tilespmem:v55+s10+$0x0], $0xffff;
	[tilespmem:s31+$0xFFFFFE50] =	vst v42  }
0x1f6: {  	v62 =	vor.u32 s1, v37;
	v40 =	vld.idx.msk [tilespmem:v58+s10+$0x0], $0xffff;
	[tilespmem:s24+$0xFFFFFE20] =	vst v36  }
0x1f7: {  	v50 =	vor.u32 s6, v32;
	[tilespmem:s24+$0xFFFFFFA0] =	vst v56;
	v34 =	vld.idx.msk [tilespmem:v60+s10+$0x0], $0xffff  }
0x1f8: {  	v53 =	vor.u32 s29, v32;
	v38 =	vld.idx.msk [tilespmem:v57+s10+$0x0], $0xffff;
	[tilespmem:s24+$0xFFFFFF20] =	vst v43  }
0x1f9: {  	v48 =	vor.u32 s23, v32;
	[tilespmem:s31+$0xFFFFFFE0] =	vst v47;
	v49 =	vld.idx.msk [tilespmem:v59+s10+$0x0], $0xffff  }
0x1fa: {  	v51 =	vor.u32 s2, v32;
	v41 =	vld.idx.msk [tilespmem:v63+s10+$0x0], $0xffff;
	[tilespmem:s31+$0xFFFFFEE0] =	vst v61  }
0x1fb: {  	v54 =	vor.u32 s26, v35;
	v52 =	vld.idx.msk [tilespmem:v62+s10+$0x0], $0xffff;
	[tilespmem:s24+$0xFFFFFEB0] =	vst v40  }
0x1fc: {  	v63 =	vor.u32 s30, v37;
	v36 =	vld.idx.msk [tilespmem:v50+s10+$0x0], $0xffff;
	[tilespmem:s24+$0xFFFFFE30] =	vst v34  }
0x1fd: {  	v58 =	vor.u32 s6, v33;
	[tilespmem:s24+$0xFFFFFFB0] =	vst v38;
	v32 =	vld.idx.msk [tilespmem:v53+s10+$0x0], $0xffff  }
0x1fe: {  	v61 =	vor.u32 s29, v33;
	v56 =	vld.idx.msk [tilespmem:v48+s10+$0x0], $0xffff;
	[tilespmem:s24+$0xFFFFFF30] =	vst v49  }
0x1ff: {  	[tilespmem:s31+$0xFFFFFF60] =	vst v41;
	v57 =	vor.u32 s23, v33;
	v42 =	vld.idx.msk [tilespmem:v51+s10+$0x0], $0xffff  }
0x200: {  	v60 =	vld.idx.msk [tilespmem:v54+s10+$0x0], $0xffff;
	v59 =	vor.u32 s2, v33;
	[tilespmem:s31+$0xFFFFFFF0] =	vst v52  }
0x201: {  	v62 =	vor.u32 s28, v37;
	v40 =	vld.idx.msk [tilespmem:v63+s10+$0x0], $0xffff;
	[tilespmem:s24+$0xFFFFFEC0] =	vst v36  }
0x202: {  	v55 =	vor.u32 s1, v39;
	v34 =	vld.idx.msk [tilespmem:v58+s10+$0x0], $0xffff;
	[tilespmem:s24+$0xFFFFFE40] =	vst v32  }
0x203: {  	v51 =	vor.u32 s6, v35;
	[tilespmem:s24+$0xFFFFFFC0] =	vst v56;
	v33 =	vld.idx.msk [tilespmem:v61+s10+$0x0], $0xffff  }
0x204: {  	v53 =	vor.u32 s29, v35;
	v48 =	vld.idx.msk [tilespmem:v57+s10+$0x0], $0xffff;
	[tilespmem:s24+$0xFFFFFF40] =	vst v42  }
0x205: {  	[tilespmem:s31+$0xFFFFFE60] =	vst v60;
	v49 =	vor.u32 s23, v35;
	v50 =	vld.idx.msk [tilespmem:v59+s10+$0x0], $0xffff  }
0x206: {  	v52 =	vor.u32 s2, v35;
	v41 =	vld.idx.msk [tilespmem:v62+s10+$0x0], $0xffff;
	[tilespmem:s31+$0xFFFFFF70] =	vst v40  }
0x207: {  	v54 =	vor.u32 s26, v37;
	v38 =	vld.idx.msk [tilespmem:v55+s10+$0x0], $0xffff;
	[tilespmem:s24+$0xFFFFFED0] =	vst v34  }
0x208: {  	v55 =	vor.u32 s28, v39;
	v32 =	vld.idx.msk [tilespmem:v51+s10+$0x0], $0xffff;
	[tilespmem:s24+$0xFFFFFE50] =	vst v33  }
0x209: {  	v58 =	vor.u32 s6, v37;
	[tilespmem:s24+$0xFFFFFFD0] =	vst v48;
	v33 =	vld.idx.msk [tilespmem:v53+s10+$0x0], $0xffff  }
0x20a: {  	v60 =	vor.u32 s29, v37;
	v56 =	vld.idx.msk [tilespmem:v49+s10+$0x0], $0xffff;
	[tilespmem:s24+$0xFFFFFF50] =	vst v50  }
0x20b: {  	[tilespmem:s31+$0xFFFFFEF0] =	vst v41;
	v57 =	vor.u32 s23, v37;
	v43 =	vld.idx.msk [tilespmem:v52+s10+$0x0], $0xffff  }
0x20c: {  	[tilespmem:s31+$0x0] =	vst v38;
	v38 =	vld.idx.msk [tilespmem:v54+s10+$0x0], $0xffff;
	v59 =	vor.u32 s2, v37  }
0x20d: {  	v36 =	vld.idx.msk [tilespmem:v55+s10+$0x0], $0xffff;
	v61 =	vor.u32 s30, v39;
	[tilespmem:s24+$0xFFFFFEE0] =	vst v32  }
0x20e: {  	v62 =	vor.u32 s26, v39;
	v46 =	vld.idx.msk [tilespmem:v58+s10+$0x0], $0xffff;
	[tilespmem:s24+$0xFFFFFE60] =	vst v33  }
0x20f: {  	v48 =	vor.u32 s6, v39;
	[tilespmem:s24+$0xFFFFFFE0] =	vst v56;
	v37 =	vld.idx.msk [tilespmem:v60+s10+$0x0], $0xffff  }
0x210: {  	v50 =	vor.u32 s29, v39;
	v63 =	vld.idx.msk [tilespmem:v57+s10+$0x0], $0xffff;
	[tilespmem:s24+$0xFFFFFF60] =	vst v43  }
0x211: {  	v45 =	vor.u32 s23, v39;
	[tilespmem:s31+$0xFFFFFE70] =	vst v38;
	v47 =	vld.idx.msk [tilespmem:v59+s10+$0x0], $0xffff  }
0x212: {  	[tilespmem:s31+$0xFFFFFF00] =	vst v36;
	v40 =	vld.idx.msk [tilespmem:v61+s10+$0x0], $0xffff;
	v49 =	vor.u32 s2, v39  }
0x213: {  	v34 =	vld.idx.msk [tilespmem:v62+s10+$0x0], $0xffff;
	[tilespmem:s24+$0xFFFFFEF0] =	vst v46  }
0x214: {  	v35 =	vld.idx.msk [tilespmem:v48+s10+$0x0], $0xffff;
	[tilespmem:s24+$0xFFFFFE70] =	vst v37  }
0x215: {  	[tilespmem:s24+$0xFFFFFFF0] =	vst v63;
	v36 =	vld.idx.msk [tilespmem:v50+s10+$0x0], $0xffff  }
0x216: {  	v32 =	vld.idx.msk [tilespmem:v45+s10+$0x0], $0xffff;
	[tilespmem:s24+$0xFFFFFF70] =	vst v47  }
0x217: {  	[tilespmem:s31+$0xFFFFFF80] =	vst v40;
	v33 =	vld.idx.msk [tilespmem:v49+s10+$0x0], $0xffff  }
0x218: {  	[tilespmem:s31+$0xFFFFFE80] =	vst v34  }
0x219: {  	[tilespmem:s24+$0xFFFFFF00] =	vst v35  }
0x21a: {  	[tilespmem:s24+$0xFFFFFE80] =	vst v36  }
0x21b: {  	[tilespmem:s24+$0x0] =	vst v32  }
0x21c: {  	[tilespmem:s24+$0xFFFFFF80] =	vst v33  }
0x21d: {  	_ =	swait.ge [sflag:s20], $0x4000  }
0x21e: {  	[sflag:s20] =	ssyncset.done $0x0  }
0x21f: {  	[sflag:s20] =	ssyncadd.s32 $0xFFFFC000  }
0x220: {  	v51 =	vld [tilespmem:$0x180];
	_ =	sdelay $0x4  }
0x221: {  	v32 =	vshll.u32 v51, $0x6  }
0x222: {  	v52 =	vld [tilespmem:$0x190];
	v32 =	vand.u32 $0x40, v32  }
0x223: {  	s2 =	simm.s32 $0x3;
	v38 =	vor.u32 v24, v32  }
0x224: {  	s9 =	simm.s32 $0x0;
	v54 =	vor.u32 s2, v38  }
0x225: {  	v53 =	vld [tilespmem:$0x1A0];
	v58 =	vor.u32 s9, v38  }
0x226: {  	v55 =	vld [tilespmem:$0x1B0]  }
0x227: {  	s23 =	simm.s32 $0x1;
	v39 =	vld [tilespmem:$0x1C0];
	v33 =	vshll.u32 v52, $0x6  }
0x228: {  	s24 =	simm.s32 $0x2;
	v41 =	vld [tilespmem:$0x1D0];
	v33 =	vand.u32 $0x40, v33;
	v56 =	vor.u32 s23, v38  }
0x229: {  	v36 =	vor.u32 v25, v33;
	v57 =	vor.u32 s24, v38;
	v59 =	vld.idx.msk [tilespmem:v54+s10+$0x0], $0xffff  }
0x22a: {  	v60 =	vor.u32 s2, v36;
	v43 =	vld.idx.msk [tilespmem:v58+s10+$0x0], $0xffff  }
0x22b: {  	v42 =	vld [tilespmem:$0x1E0];
	v63 =	vor.u32 s9, v36  }
0x22c: {  	v46 =	vld [tilespmem:$0x1F0]  }
0x22d: {  	s0 =	simm.s32 $0x165F0;
	v32 =	vshll.u32 v53, $0x6;
	v37 =	vld.idx.msk [tilespmem:v56+s10+$0x0], $0xffff  }
0x22e: {  	v61 =	vor.u32 s23, v36;
	v32 =	vand.u32 $0x40, v32;
	v40 =	vld.idx.msk [tilespmem:v57+s10+$0x0], $0xffff;
	[tilespmem:s0+$0xFFFFFF90] =	vst v59  }
0x22f: {  	v62 =	vor.u32 s24, v36;
	v34 =	vor.u32 v26, v32;
	[tilespmem:s0+$0xFFFFFE10] =	vst v43;
	v49 =	vld.idx.msk [tilespmem:v60+s10+$0x0], $0xffff  }
0x230: {  	v51 =	vor.u32 s2, v34;
	v54 =	vld.idx.msk [tilespmem:v63+s10+$0x0], $0xffff  }
0x231: {  	v35 =	vshll.u32 v55, $0x6;
	v55 =	vor.u32 s9, v34  }
0x232: {  	[tilespmem:s0+$0xFFFFFE90] =	vst v37  }
0x233: {  	[tilespmem:s0+$0xFFFFFF10] =	vst v40;
	v50 =	vld.idx.msk [tilespmem:v61+s10+$0x0], $0xffff  }
0x234: {  	v35 =	vand.u32 $0x40, v35;
	v52 =	vor.u32 s23, v34;
	v40 =	vld.idx.msk [tilespmem:v62+s10+$0x0], $0xffff;
	[tilespmem:s0+$0xFFFFFFA0] =	vst v49  }
0x235: {  	v32 =	vor.u32 v27, v35;
	v53 =	vor.u32 s24, v34;
	[tilespmem:s0+$0xFFFFFE20] =	vst v54;
	v56 =	vld.idx.msk [tilespmem:v51+s10+$0x0], $0xffff  }
0x236: {  	v58 =	vor.u32 s2, v32;
	v47 =	vld.idx.msk [tilespmem:v55+s10+$0x0], $0xffff  }
0x237: {  	s26 =	simm.s32 $0x4;
	v62 =	vor.u32 s9, v32  }
0x238: {  	s28 =	simm.s32 $0x5;
	v61 =	vor.u32 s26, v38;
	[tilespmem:s0+$0xFFFFFEA0] =	vst v50  }
0x239: {  	v63 =	vor.u32 s28, v38;
	[tilespmem:s0+$0xFFFFFF20] =	vst v40;
	v57 =	vld.idx.msk [tilespmem:v52+s10+$0x0], $0xffff  }
0x23a: {  	v59 =	vor.u32 s23, v32;
	v40 =	vld.idx.msk [tilespmem:v53+s10+$0x0], $0xffff;
	[tilespmem:s0+$0xFFFFFFB0] =	vst v56  }
0x23b: {  	s1 =	simm.s32 $0x7;
	v39 =	vshll.u32 v39, $0x6;
	v60 =	vor.u32 s24, v32;
	[tilespmem:s0+$0xFFFFFE30] =	vst v47;
	v52 =	vld.idx.msk [tilespmem:v58+s10+$0x0], $0xffff  }
0x23c: {  	s30 =	simm.s32 $0x6;
	v39 =	vand.u32 $0x40, v39;
	v48 =	vld.idx.msk [tilespmem:v62+s10+$0x0], $0xffff;
	v58 =	vor.u32 s1, v38  }
0x23d: {  	v33 =	vor.u32 v28, v39;
	v45 =	vld.idx.msk [tilespmem:v61+s10+$0x0], $0xffff;
	v61 =	vor.u32 s30, v38  }
0x23e: {  	v54 =	vor.u32 s2, v33;
	v39 =	vld.idx.msk [tilespmem:v63+s10+$0x0], $0xffff;
	[tilespmem:s0+$0xFFFFFEB0] =	vst v57  }
0x23f: {  	[tilespmem:s0+$0xFFFFFF30] =	vst v40;
	v53 =	vld.idx.msk [tilespmem:v59+s10+$0x0], $0xffff;
	v59 =	vor.u32 s9, v33  }
0x240: {  	v56 =	vor.u32 s23, v33;
	v55 =	vld.idx.msk [tilespmem:v60+s10+$0x0], $0xffff  }
0x241: {  	v57 =	vor.u32 s24, v33;
	[tilespmem:s0+$0xFFFFFE40] =	vst v48;
	v48 =	vld.idx.msk [tilespmem:v58+s10+$0x0], $0xffff  }
0x242: {  	s29 =	simm.s32 $0x8;
	[tilespmem:s0+$0xFFFFFFC0] =	vst v52;
	v52 =	vld.idx.msk [tilespmem:v61+s10+$0x0], $0xffff  }
0x243: {  	v41 =	vshll.u32 v41, $0x6;
	v58 =	vor.u32 s29, v38;
	v60 =	vld.idx.msk [tilespmem:v54+s10+$0x0], $0xffff  }
0x244: {  	v41 =	vand.u32 $0x40, v41;
	[tilespmem:s0+$0xFFFFFEC0] =	vst v53;
	v50 =	vld.idx.msk [tilespmem:v59+s10+$0x0], $0xffff;
	v59 =	vor.u32 s1, v36  }
0x245: {  	v35 =	vor.u32 v29, v41;
	[tilespmem:s0+$0xFFFFFF40] =	vst v55;
	v61 =	vor.u32 s28, v36;
	v62 =	vld.idx.msk [tilespmem:v56+s10+$0x0], $0xffff  }
0x246: {  	s31 =	simm.s32 $0x167F0;
	v63 =	vor.u32 s2, v35;
	v44 =	vld.idx.msk [tilespmem:v57+s10+$0x0], $0xffff  }
0x247: {  	[tilespmem:s31+$0xFFFFFE90] =	vst v39;
	v57 =	vor.u32 s24, v35  }
0x248: {  	v56 =	vor.u32 s23, v35;
	v40 =	vld.idx.msk [tilespmem:v58+s10+$0x0], $0xffff;
	[tilespmem:s31+$0xFFFFFF90] =	vst v48  }
0x249: {  	v42 =	vshll.u32 v42, $0x6;
	[tilespmem:s0+$0xFFFFFFD0] =	vst v60;
	v48 =	vld.idx.msk [tilespmem:v59+s10+$0x0], $0xffff  }
0x24a: {  	v58 =	vor.u32 s9, v35;
	v60 =	vand.u32 $0x40, v42;
	[tilespmem:s0+$0xFFFFFED0] =	vst v62;
	v42 =	vld.idx.msk [tilespmem:v61+s10+$0x0], $0xffff  }
0x24b: {  	[tilespmem:s0+$0xFFFFFF50] =	vst v44;
	v62 =	vld.idx.msk [tilespmem:v63+s10+$0x0], $0xffff;
	v63 =	vor.u32 s30, v36  }
0x24c: {  	v37 =	vor.u32 v30, v60;
	v44 =	vld.idx.msk [tilespmem:v57+s10+$0x0], $0xffff;
	v57 =	vor.u32 s26, v36  }
0x24d: {  	[tilespmem:s31+$0xFFFFFE10] =	vst v45;
	v47 =	vld.idx.msk [tilespmem:v56+s10+$0x0], $0xffff;
	v56 =	vor.u32 s2, v37  }
0x24e: {  	[tilespmem:s0+$0xFFFFFE50] =	vst v50;
	v60 =	vor.u32 s1, v34  }
0x24f: {  	[tilespmem:s31+$0xFFFFFF10] =	vst v52;
	v61 =	vor.u32 s28, v34;
	v50 =	vld.idx.msk [tilespmem:v58+s10+$0x0], $0xffff  }
0x250: {  	v59 =	vshll.u32 v46, $0x6;
	v52 =	vor.u32 s23, v37;
	[tilespmem:s31+$0xFFFFFFA0] =	vst v48;
	v43 =	vld.idx.msk [tilespmem:v63+s10+$0x0], $0xffff  }
0x251: {  	v39 =	vand.u32 $0x40, v59;
	v59 =	vor.u32 s24, v37;
	[tilespmem:s0+$0xFFFFFFE0] =	vst v62;
	v63 =	vld.idx.msk [tilespmem:v57+s10+$0x0], $0xffff  }
0x252: {  	[tilespmem:s31+$0xFFFFFEA0] =	vst v42;
	v62 =	vld.idx.msk [tilespmem:v56+s10+$0x0], $0xffff;
	v56 =	vor.u32 s30, v34  }
0x253: {  	v58 =	vor.u32 s26, v34;
	[tilespmem:s0+$0xFFFFFEE0] =	vst v47;
	v42 =	vld.idx.msk [tilespmem:v60+s10+$0x0], $0xffff  }
0x254: {  	v39 =	vor.u32 v31, v39;
	v41 =	vld.idx.msk [tilespmem:v61+s10+$0x0], $0xffff;
	v60 =	vor.u32 s9, v37;
	[tilespmem:s0+$0xFFFFFF60] =	vst v44  }
0x255: {  	s6 =	simm.s32 $0x9;
	v57 =	vor.u32 s2, v39;
	v48 =	vld.idx.msk [tilespmem:v52+s10+$0x0], $0xffff;
	[tilespmem:s0+$0xFFFFFE60] =	vst v50  }
0x256: {  	v54 =	vor.u32 s6, v38;
	v55 =	vld.idx.msk [tilespmem:v59+s10+$0x0], $0xffff;
	[tilespmem:s31+$0xFFFFFF20] =	vst v43  }
0x257: {  	v61 =	vor.u32 s1, v32;
	[tilespmem:s31+$0xFFFFFE20] =	vst v63;
	v51 =	vld.idx.msk [tilespmem:v56+s10+$0x0], $0xffff  }
0x258: {  	[tilespmem:s0+$0xFFFFFFF0] =	vst v62;
	v62 =	vor.u32 s28, v32;
	v49 =	vld.idx.msk [tilespmem:v58+s10+$0x0], $0xffff  }
0x259: {  	v63 =	vor.u32 s30, v32;
	[tilespmem:s31+$0xFFFFFFB0] =	vst v42;
	v42 =	vld.idx.msk [tilespmem:v60+s10+$0x0], $0xffff  }
0x25a: {  	v56 =	vor.u32 s26, v32;
	v47 =	vld.idx.msk [tilespmem:v57+s10+$0x0], $0xffff  }
0x25b: {  	[tilespmem:s31+$0xFFFFFEB0] =	vst v41;
	v41 =	vld.idx.msk [tilespmem:v54+s10+$0x0], $0xffff;
	v57 =	vor.u32 s23, v39  }
0x25c: {  	v52 =	vor.u32 s24, v39;
	v46 =	vld.idx.msk [tilespmem:v61+s10+$0x0], $0xffff;
	[tilespmem:s31+$0xFFFFFF30] =	vst v51  }
0x25d: {  	v44 =	vld.idx.msk [tilespmem:v62+s10+$0x0], $0xffff;
	[tilespmem:s31+$0xFFFFFE30] =	vst v49;
	v49 =	vor.u32 s1, v33  }
0x25e: {  	v50 =	vor.u32 s28, v33;
	[tilespmem:s0+$0xFFFFFEF0] =	vst v48;
	v43 =	vld.idx.msk [tilespmem:v63+s10+$0x0], $0xffff  }
0x25f: {  	v51 =	vor.u32 s30, v33;
	[tilespmem:s0+$0x0] =	vst v47;
	v47 =	vld.idx.msk [tilespmem:v56+s10+$0x0], $0xffff  }
0x260: {  	v45 =	vor.u32 s9, v39;
	s2 =	simm.s32 $0xC;
	[tilespmem:s0+$0xFFFFFF70] =	vst v55;
	s23 =	simm.s32 $0xB;
	v48 =	vld.idx.msk [tilespmem:v57+s10+$0x0], $0xffff  }
.LBB2_9:
0x261: {  	p0 =	slt.u32 s2, $0x3C;
	v53 =	vor.u32 s23, v38;
	[tilespmem:s31+$0xFFFFFFC0] =	vst v46;
	v46 =	vld.idx.msk [tilespmem:v52+s10+$0x0], $0xffff;
	s24 =	smov.u32 s29;
	s29 =	smov.u32 s2  }
0x262: {  	v52 =	vor.u32 s26, v33;
	s9 =	sadd.s32 $0x2, s24;
	[tilespmem:s31+$0xFFFFFEC0] =	vst v44;
	v44 =	vld.idx.msk [tilespmem:v49+s10+$0x0], $0xffff  }
0x263: {  	v49 =	vor.u32 s9, v38;
	v50 =	vld.idx.msk [tilespmem:v50+s10+$0x0], $0xffff;
	[tilespmem:s31+$0xFFFFFF40] =	vst v43  }
0x264: {  	v43 =	vld.idx.msk [tilespmem:v51+s10+$0x0], $0xffff;
	v51 =	vor.u32 s1, v35;
	[tilespmem:s0+$0xFFFFFE70] =	vst v42  }
0x265: {  	v42 =	vor.u32 s28, v35;
	[tilespmem:s31+$0xFFFFFE40] =	vst v47;
	v45 =	vld.idx.msk [tilespmem:v45+s10+$0x0], $0xffff  }
0x266: {  	v47 =	vld.idx.msk [tilespmem:v53+s10+$0x0], $0xffff;
	v53 =	vor.u32 s30, v35;
	[tilespmem:s0+$0xFFFFFF00] =	vst v48  }
0x267: {  	v48 =	vor.u32 s2, v38;
	v52 =	vld.idx.msk [tilespmem:v52+s10+$0x0], $0xffff;
	[tilespmem:s0+$0xFFFFFF80] =	vst v46  }
0x268: {  	v46 =	vld.idx.msk [tilespmem:v49+s10+$0x0], $0xffff;
	v49 =	vor.u32 s23, v36;
	[tilespmem:s31+$0xFFFFFFD0] =	vst v44  }
0x269: {  	v44 =	vor.u32 s6, v36;
	[tilespmem:s31+$0xFFFFFED0] =	vst v50;
	v50 =	vld.idx.msk [tilespmem:v51+s10+$0x0], $0xffff  }
0x26a: {  	v51 =	vor.u32 s9, v36;
	v42 =	vld.idx.msk [tilespmem:v42+s10+$0x0], $0xffff;
	[tilespmem:s31+$0xFFFFFF50] =	vst v43  }
0x26b: {  	v43 =	vld.idx.msk [tilespmem:v53+s10+$0x0], $0xffff;
	v53 =	vor.u32 s1, v37;
	[tilespmem:s0+$0xFFFFFE80] =	vst v45;
	s0 =	smov.u32 s31;
	s31 =	sadd.s32 $0x200, s31  }
0x26c: {  	v45 =	vld.idx.msk [tilespmem:v48+s10+$0x0], $0xffff;
	v48 =	vor.u32 s24, v36;
	[tilespmem:s31+$0xFFFFFF90] =	vst v47  }
0x26d: {  	v47 =	vor.u32 s26, v35;
	[tilespmem:s31+$0xFFFFFE90] =	vst v41;
	v41 =	vld.idx.msk [tilespmem:v49+s10+$0x0], $0xffff  }
0x26e: {  	v44 =	vld.idx.msk [tilespmem:v44+s10+$0x0], $0xffff;
	[tilespmem:s31+$0xFFFFFF10] =	vst v46;
	v46 =	vor.u32 s28, v37  }
0x26f: {  	v49 =	vld.idx.msk [tilespmem:v51+s10+$0x0], $0xffff;
	v51 =	vor.u32 s23, v34;
	[tilespmem:s0+$0xFFFFFFE0] =	vst v50  }
0x270: {  	v50 =	vor.u32 s6, v34;
	[tilespmem:s31+$0xFFFFFE10] =	vst v40;
	v53 =	vld.idx.msk [tilespmem:v53+s10+$0x0], $0xffff  }
0x271: {  	v54 =	vor.u32 s9, v34;
	v48 =	vld.idx.msk [tilespmem:v48+s10+$0x0], $0xffff;
	[tilespmem:s0+$0xFFFFFE50] =	vst v52  }
0x272: {  	v40 =	vmov v45;
	v47 =	vld.idx.msk [tilespmem:v47+s10+$0x0], $0xffff;
	[tilespmem:s0+$0xFFFFFEE0] =	vst v42;
	v42 =	vor.u32 s1, v39;
	s1 =	smov.u32 s23  }
0x273: {  	v45 =	vor.u32 s24, v34;
	[tilespmem:s31+$0xFFFFFFA0] =	vst v41;
	v55 =	vld.idx.msk [tilespmem:v46+s10+$0x0], $0xffff  }
0x274: {  	[tilespmem:s31+$0xFFFFFEA0] =	vst v44;
	v41 =	vld.idx.msk [tilespmem:v51+s10+$0x0], $0xffff;
	v44 =	vor.u32 s30, v37  }
0x275: {  	v46 =	vld.idx.msk [tilespmem:v50+s10+$0x0], $0xffff;
	[tilespmem:s31+$0xFFFFFF20] =	vst v49;
	v49 =	vor.u32 s26, v37  }
0x276: {  	v51 =	vor.u32 s1, v32;
	v50 =	vld.idx.msk [tilespmem:v54+s10+$0x0], $0xffff;
	[tilespmem:s0+$0xFFFFFFF0] =	vst v53  }
0x277: {  	[tilespmem:s31+$0xFFFFFE20] =	vst v48;
	v48 =	vor.u32 s6, v32;
	v53 =	vld.idx.msk [tilespmem:v42+s10+$0x0], $0xffff  }
0x278: {  	s23 =	sadd.s32 $0x1, s2;
	v54 =	vor.u32 s9, v32;
	v45 =	vld.idx.msk [tilespmem:v45+s10+$0x0], $0xffff;
	[tilespmem:s0+$0xFFFFFF60] =	vst v43  }
0x279: {  	v56 =	vor.u32 s23, v38;
	[tilespmem:s0+$0xFFFFFE60] =	vst v47;
	v57 =	vld.idx.msk [tilespmem:v44+s10+$0x0], $0xffff  }
0x27a: {  	v47 =	vor.u32 s24, v32;
	[tilespmem:s31+$0xFFFFFFB0] =	vst v41;
	v42 =	vld.idx.msk [tilespmem:v49+s10+$0x0], $0xffff  }
0x27b: {  	v58 =	vor.u32 s28, v39;
	s28 =	smov.u32 s6;
	s6 =	smov.u32 s23;
	[tilespmem:s31+$0xFFFFFEB0] =	vst v46;
	v46 =	vld.idx.msk [tilespmem:v51+s10+$0x0], $0xffff  }
.Ltmp3:
0x27c: {  	v52 =	vor.u32 s30, v39;
	s30 =	smov.u32 s9;
	v44 =	vld.idx.msk [tilespmem:v48+s10+$0x0], $0xffff;
	[tilespmem:s31+$0xFFFFFF30] =	vst v50;
	(pc) =	sbr.rel @p0 .LBB2_9-.Ltmp3, $4  }
0x27d: {  	v49 =	vor.u32 s1, v33;
	v43 =	vld.idx.msk [tilespmem:v54+s10+$0x0], $0xffff;
	[tilespmem:s0+$0x0] =	vst v53  }
0x27e: {  	v50 =	vor.u32 s28, v33;
	v41 =	vld.idx.msk [tilespmem:v56+s10+$0x0], $0xffff;
	[tilespmem:s31+$0xFFFFFE30] =	vst v45  }
0x27f: {  	v51 =	vor.u32 s30, v33;
	v47 =	vld.idx.msk [tilespmem:v47+s10+$0x0], $0xffff;
	[tilespmem:s0+$0xFFFFFEF0] =	vst v55  }
0x280: {  	s2 =	sadd.s32 $0x4, s2;
	s23 =	sadd.s32 $0x3, s29;
	v45 =	vor.u32 s26, v39;
	s26 =	smov.u32 s24;
	v48 =	vld.idx.msk [tilespmem:v58+s10+$0x0], $0xffff;
	[tilespmem:s0+$0xFFFFFF70] =	vst v57  }
0x281: {  	_ =	sdelay $0x1  }
0x282: {  	[tilespmem:s31+$0xFFFFFFC0] =	vst v46  }
0x283: {  	[tilespmem:s31+$0xFFFFFEC0] =	vst v44  }
0x284: {  	v53 =	vor.u32 s23, v38;
	v62 =	vld.idx.msk [tilespmem:v52+s10+$0x0], $0xffff;
	s2 =	sadd.s32 $0x2, s29;
	[tilespmem:s0+$0xFFFFFE70] =	vst v42  }
0x285: {  	s24 =	sadd.s32 $0x200, s31;
	v52 =	vor.u32 s2, v38;
	[tilespmem:s31+$0xFFFFFF40] =	vst v43  }
0x286: {  	v59 =	vor.u32 s6, v36;
	v63 =	vld.idx.msk [tilespmem:v49+s10+$0x0], $0xffff;
	[tilespmem:s24+$0xFFFFFE10] =	vst v40  }
0x287: {  	v61 =	vor.u32 s29, v36;
	v54 =	vld.idx.msk [tilespmem:v50+s10+$0x0], $0xffff;
	[tilespmem:s24+$0xFFFFFE90] =	vst v41  }
0x288: {  	v56 =	vor.u32 s1, v35;
	v55 =	vld.idx.msk [tilespmem:v51+s10+$0x0], $0xffff;
	[tilespmem:s31+$0xFFFFFE40] =	vst v47  }
0x289: {  	v57 =	vld.idx.msk [tilespmem:v53+s10+$0x0], $0xffff;
	[tilespmem:s0+$0xFFFFFF80] =	vst v62;
	v62 =	vor.u32 s26, v33  }
0x28a: {  	v58 =	vor.u32 s23, v36;
	[tilespmem:s0+$0xFFFFFF00] =	vst v48;
	v38 =	vld.idx.msk [tilespmem:v52+s10+$0x0], $0xffff  }
0x28b: {  	v60 =	vor.u32 s2, v36;
	v44 =	vld.idx.msk [tilespmem:v59+s10+$0x0], $0xffff;
	[tilespmem:s31+$0xFFFFFFD0] =	vst v63  }
0x28c: {  	v36 =	vld.idx.msk [tilespmem:v61+s10+$0x0], $0xffff;
	[tilespmem:s31+$0xFFFFFED0] =	vst v54;
	v63 =	vor.u32 s28, v35  }
0x28d: {  	v52 =	vor.u32 s6, v34;
	[tilespmem:s31+$0xFFFFFF50] =	vst v55;
	v47 =	vld.idx.msk [tilespmem:v56+s10+$0x0], $0xffff  }
0x28e: {  	v54 =	vor.u32 s29, v34;
	[tilespmem:s24+$0xFFFFFF90] =	vst v57;
	v42 =	vld.idx.msk [tilespmem:v62+s10+$0x0], $0xffff  }
0x28f: {  	v56 =	vor.u32 s1, v37;
	v50 =	vld.idx.msk [tilespmem:v58+s10+$0x0], $0xffff;
	[tilespmem:s24+$0xFFFFFF10] =	vst v38  }
0x290: {  	v51 =	vor.u32 s23, v34;
	[tilespmem:s24+$0xFFFFFEA0] =	vst v44;
	v43 =	vld.idx.msk [tilespmem:v60+s10+$0x0], $0xffff  }
0x291: {  	v53 =	vor.u32 s2, v34;
	[tilespmem:s24+$0xFFFFFE20] =	vst v36;
	v55 =	vld.idx.msk [tilespmem:v63+s10+$0x0], $0xffff  }
0x292: {  	v57 =	vor.u32 s30, v35;
	v40 =	vld.idx.msk [tilespmem:v52+s10+$0x0], $0xffff;
	[tilespmem:s31+$0xFFFFFFE0] =	vst v47  }
0x293: {  	v48 =	vor.u32 s26, v35;
	v34 =	vld.idx.msk [tilespmem:v54+s10+$0x0], $0xffff;
	[tilespmem:s31+$0xFFFFFE50] =	vst v42  }
0x294: {  	v60 =	vor.u32 s6, v32;
	v62 =	vld.idx.msk [tilespmem:v56+s10+$0x0], $0xffff;
	[tilespmem:s24+$0xFFFFFFA0] =	vst v50  }
0x295: {  	v63 =	vor.u32 s29, v32;
	v38 =	vld.idx.msk [tilespmem:v51+s10+$0x0], $0xffff;
	[tilespmem:s24+$0xFFFFFF20] =	vst v43  }
0x296: {  	v58 =	vor.u32 s23, v32;
	[tilespmem:s31+$0xFFFFFEE0] =	vst v55;
	v59 =	vld.idx.msk [tilespmem:v53+s10+$0x0], $0xffff  }
0x297: {  	v61 =	vor.u32 s2, v32;
	v41 =	vld.idx.msk [tilespmem:v57+s10+$0x0], $0xffff;
	[tilespmem:s24+$0xFFFFFEB0] =	vst v40  }
0x298: {  	v56 =	vor.u32 s28, v37;
	[tilespmem:s24+$0xFFFFFE30] =	vst v34;
	v54 =	vld.idx.msk [tilespmem:v48+s10+$0x0], $0xffff  }
0x299: {  	v49 =	vor.u32 s1, v39;
	v36 =	vld.idx.msk [tilespmem:v60+s10+$0x0], $0xffff;
	[tilespmem:s31+$0xFFFFFFF0] =	vst v62  }
0x29a: {  	v52 =	vor.u32 s6, v33;
	v32 =	vld.idx.msk [tilespmem:v63+s10+$0x0], $0xffff;
	[tilespmem:s24+$0xFFFFFFB0] =	vst v38  }
0x29b: {  	v55 =	vor.u32 s29, v33;
	v50 =	vld.idx.msk [tilespmem:v58+s10+$0x0], $0xffff;
	[tilespmem:s24+$0xFFFFFF30] =	vst v59  }
0x29c: {  	v51 =	vor.u32 s23, v33;
	[tilespmem:s31+$0xFFFFFF60] =	vst v41;
	v42 =	vld.idx.msk [tilespmem:v61+s10+$0x0], $0xffff  }
0x29d: {  	v53 =	vor.u32 s2, v33;
	v41 =	vld.idx.msk [tilespmem:v56+s10+$0x0], $0xffff;
	[tilespmem:s31+$0xFFFFFE60] =	vst v54  }
0x29e: {  	v57 =	vor.u32 s30, v37;
	v38 =	vld.idx.msk [tilespmem:v49+s10+$0x0], $0xffff;
	[tilespmem:s24+$0xFFFFFEC0] =	vst v36  }
0x29f: {  	v48 =	vor.u32 s26, v37;
	[tilespmem:s24+$0xFFFFFE40] =	vst v32;
	v34 =	vld.idx.msk [tilespmem:v52+s10+$0x0], $0xffff  }
0x2a0: {  	v33 =	vld.idx.msk [tilespmem:v55+s10+$0x0], $0xffff;
	v61 =	vor.u32 s6, v35;
	[tilespmem:s24+$0xFFFFFFC0] =	vst v50  }
0x2a1: {  	v63 =	vor.u32 s29, v35;
	v58 =	vld.idx.msk [tilespmem:v51+s10+$0x0], $0xffff;
	[tilespmem:s24+$0xFFFFFF40] =	vst v42  }
0x2a2: {  	v59 =	vor.u32 s23, v35;
	[tilespmem:s31+$0xFFFFFEF0] =	vst v41;
	v60 =	vld.idx.msk [tilespmem:v53+s10+$0x0], $0xffff  }
0x2a3: {  	v62 =	vor.u32 s2, v35;
	v40 =	vld.idx.msk [tilespmem:v57+s10+$0x0], $0xffff;
	[tilespmem:s31+$0x0] =	vst v38  }
0x2a4: {  	v49 =	vor.u32 s28, v39;
	v38 =	vld.idx.msk [tilespmem:v48+s10+$0x0], $0xffff;
	[tilespmem:s24+$0xFFFFFED0] =	vst v34  }
0x2a5: {  	v55 =	vor.u32 s30, v39;
	[tilespmem:s24+$0xFFFFFE50] =	vst v33;
	v32 =	vld.idx.msk [tilespmem:v61+s10+$0x0], $0xffff  }
0x2a6: {  	v52 =	vor.u32 s6, v37;
	v33 =	vld.idx.msk [tilespmem:v63+s10+$0x0], $0xffff;
	[tilespmem:s24+$0xFFFFFFD0] =	vst v58  }
0x2a7: {  	v54 =	vor.u32 s29, v37;
	v50 =	vld.idx.msk [tilespmem:v59+s10+$0x0], $0xffff;
	[tilespmem:s24+$0xFFFFFF50] =	vst v60  }
0x2a8: {  	[tilespmem:s31+$0xFFFFFF70] =	vst v40;
	v51 =	vor.u32 s23, v37;
	v43 =	vld.idx.msk [tilespmem:v62+s10+$0x0], $0xffff  }
0x2a9: {  	v36 =	vld.idx.msk [tilespmem:v49+s10+$0x0], $0xffff;
	v53 =	vor.u32 s2, v37;
	[tilespmem:s31+$0xFFFFFE70] =	vst v38  }
0x2aa: {  	v56 =	vor.u32 s26, v39;
	v40 =	vld.idx.msk [tilespmem:v55+s10+$0x0], $0xffff;
	[tilespmem:s24+$0xFFFFFEE0] =	vst v32  }
0x2ab: {  	[tilespmem:s24+$0xFFFFFE60] =	vst v33;
	v59 =	vld.idx.msk [tilespmem:v52+s10+$0x0], $0xffff  }
0x2ac: {  	v61 =	vor.u32 s6, v39;
	v37 =	vld.idx.msk [tilespmem:v54+s10+$0x0], $0xffff;
	[tilespmem:s24+$0xFFFFFFE0] =	vst v50  }
0x2ad: {  	v63 =	vor.u32 s29, v39;
	v57 =	vld.idx.msk [tilespmem:v51+s10+$0x0], $0xffff;
	[tilespmem:s24+$0xFFFFFF60] =	vst v43  }
0x2ae: {  	[tilespmem:s31+$0xFFFFFF00] =	vst v36;
	v58 =	vor.u32 s23, v39;
	v60 =	vld.idx.msk [tilespmem:v53+s10+$0x0], $0xffff  }
0x2af: {  	v34 =	vld.idx.msk [tilespmem:v56+s10+$0x0], $0xffff;
	[tilespmem:s31+$0xFFFFFF80] =	vst v40;
	v62 =	vor.u32 s2, v39  }
0x2b0: {  	v45 =	vld.idx.msk [tilespmem:v45+s10+$0x0], $0xffff;
	[tilespmem:s24+$0xFFFFFEF0] =	vst v59  }
0x2b1: {  	[tilespmem:s24+$0xFFFFFE70] =	vst v37;
	v35 =	vld.idx.msk [tilespmem:v61+s10+$0x0], $0xffff  }
0x2b2: {  	v36 =	vld.idx.msk [tilespmem:v63+s10+$0x0], $0xffff;
	[tilespmem:s24+$0xFFFFFFF0] =	vst v57  }
0x2b3: {  	v32 =	vld.idx.msk [tilespmem:v58+s10+$0x0], $0xffff;
	[tilespmem:s24+$0xFFFFFF70] =	vst v60  }
0x2b4: {  	[tilespmem:s31+$0xFFFFFE80] =	vst v34;
	s31 =	sshll.u32 s25, $0x11;
	s25 =	sadd.s32 $0x1, s25;
	v33 =	vld.idx.msk [tilespmem:v62+s10+$0x0], $0xffff  }
0x2b5: {  	[tilespmem:s0+$0xFFFFFE80] =	vst v45;
	p0 =	sne.s32 s25, $0xC8  }
.Ltmp4:
0x2b6: {  	[tilespmem:s24+$0xFFFFFF00] =	vst v35;
	(pc) =	sbr.rel @p0 .LBB2_2-.Ltmp4, $4  }
0x2b7: {  	[tilespmem:s24+$0xFFFFFE80] =	vst v36  }
0x2b8: {  	[tilespmem:s24+$0x0] =	vst v32  }
0x2b9: {  	s0 =	sadd.s32 s31, s5;
	[tilespmem:s24+$0xFFFFFF80] =	vst v33  }
0x2ba: {  	[hbm4b:s0+s10] =	stream.strided.scatter [tilespmem:s22], [sflag:$0x5], $0x8000, s21, s10, $0x38;
	[tilespmem:$0x18400] =	vst v63  }
0x2bb: {  	s1 =	simm.s32 $0x5  }
0x2bc: {  	_ =	swait.ge [sflag:s1], $0x8000  }
0x2bd: {  	s2 =	rddreg [dreg:$0x5]  }
0x2be: {  	s0 =	rddreg [dreg:$0x4];
	s2 =	sadd.s32 $0x1, s2  }
0x2bf: {  	p0 =	sne.s32 s2, s0  }
.Ltmp5:
0x2c0: {  	_ = 	snop;
	(pc) =	sbr.rel @p0 .LBB2_1-.Ltmp5, $3  }
0x2c1: {  	_ =	sdelay $0x1  }
0x2c2: {  	[sflag:s1] =	ssyncset.done $0x0  }
0x2c3: {  	[sflag:s1] =	ssyncadd.s32 $0xFFFF8000  }
0x2c4: {  	_ =	sfence.sel $0x180000  }
0x2c5: {  	[bflag:$0x0] =	sbarrier.arrive $0xFFFF  }
0x2c6: {  	_ =	strace $0x9000004A  }
0x2c7: {  	s0 =	stileid.u32;
	[bflag:$0x2] =	sbarrier.arrive $0xFFFF  }
0x2c8: {  	p0 =	sne.s32 s0, $0x0;
	s0 =	rddreg [dreg:$0x3]  }
0x2c9: {  	s0 =	sadd.s32 @!p0 $0x100000, s0  }
0x2ca: {  	[sflag:s0] =	ssyncadd.tile.s32 @!p0 $0x1;
	_ =	shalt  }
.Lfunc_end2:
_tile_overlayer_lowered:
.L_overlay_start_2:
0x2cb: {  	(tag) =	ssettag $0x2  }
0x2cc: {  	s0 =	rddreg [dreg:$0x0];
	s2 =	stileid.u32  }
0x2cd: {  	s1 =	rddreg [dreg:$0x1];
	p0 =	sne.s32 s2, $0x0  }
0x2ce: {  	s3 =	rddreg [dreg:$0x2];
	[bflag:$0x3] =	sbarrier.arrive $0xFFFF;
	s2 =	simm.s32 @!p0 $0x1C06  }
0x2cf: {  	[timem:s3], [sflag:s2] =	dma.local @!p0 [hbm:s0], s1  }
0x2d0: {  	s0 =	simm.s32 @!p0 $0x6  }
0x2d1: {  	_ =	swait.ge @!p0 [sflag:s0], s1  }
0x2d2: {  	s1 =	ssub.s32 @!p0 $0x0, s1;
	[sflag:s0] =	ssyncset.done @!p0 $0x0  }
0x2d3: {  	[sflag:s0] =	ssyncadd.s32 @!p0 s1  }
0x2d4: {  	[bflag:$0x3] =	sbarrier.arrive $0xFFFF  }
0x2d5: {  	_ =	shalt  }

</sc_bundles>
